<compile_context>
chip_gen: v7x
topology: tpu7x:2x2x1
jax: 0.10.2.dev20260603
libtpu: 0.0.44.dev20260713+nightly
codegen_flags: <defaults>
</compile_context>

<pallas_src>
import functools

import jax
import jax.numpy as jnp
from jax import lax
from jax.experimental import pallas as pl
from jax.experimental.pallas import tpu as pltpu
import jax.experimental.pallas.tpu_sc as plsc

_B = 4096
_NCAT = 26
_NNUM = 26
_NTEXT = 50
_D = 128
_P = _NCAT + _NNUM + _NTEXT
_W = 32
_NB = _B // _W
_NBUF = 4
_NADD = _NCAT * 6 + _NNUM * 6 + _NTEXT * 2


def _sc_body(cat_tbl, text_tbl, comb_add, param, x_t, adi, cgi, tgi,
             out,
             ad_v, cg_v, tg_v, x_v, param_v, add_sh, buf,
             sem_a, sem_b, sem_t, sem_c):
    cid = lax.axis_index("c")
    sid = lax.axis_index("s")
    w = sid * 2 + cid
    b0 = w * _NB

    @pl.when(sid == 0)
    def _():
        pltpu.sync_copy(comb_add, add_sh)
    plsc.subcore_barrier()

    pltpu.sync_copy(adi.at[w], ad_v)
    pltpu.sync_copy(cgi.at[w], cg_v)
    pltpu.sync_copy(tgi.at[w], tg_v)
    pltpu.sync_copy(x_t.at[w], x_v)
    pltpu.sync_copy(param, param_v)

    def slab(s):
        return buf.at[pl.ds(s * _P, _P)]

    def body(i, carry):
        @pl.when(i < _NB)
        def _():
            s = lax.rem(i, _NBUF)

            @pl.when(i >= _NBUF)
            def _():
                pltpu.make_async_copy(slab(s), out.at[b0 + i - _NBUF],
                                      sem_c.at[s]).wait()
            pltpu.async_copy(add_sh.at[ad_v.at[i]], slab(s), sem_a.at[s])

        @pl.when((i >= 1) & (i <= _NB))
        def _():
            c = i - 1
            s = lax.rem(c, _NBUF)
            pltpu.make_async_copy(add_sh.at[ad_v.at[c]], slab(s),
                                  sem_a.at[s]).wait()
            pltpu.async_copy(cat_tbl.at[cg_v.at[c]],
                             buf.at[pl.ds(s * _P, _NCAT)],
                             sem_b.at[s], add=True)
            pltpu.async_copy(text_tbl.at[tg_v.at[c]],
                             buf.at[pl.ds(s * _P + _NCAT + _NNUM, _NTEXT)],
                             sem_t.at[s], add=True)
            xv0 = x_v[c, pl.ds(0, 16)]
            xv1 = x_v[c, pl.ds(16, 16)]
            for j in range(_NNUM):
                xs = xv0[j] if j < 16 else xv1[j - 16]
                row = s * _P + _NCAT + j
                for t in range(8):
                    buf[row, pl.ds(t * 16, 16)] = (
                        buf[row, pl.ds(t * 16, 16)]
                        + xs * param_v[j, pl.ds(t * 16, 16)])

        @pl.when(i >= 2)
        def _():
            c = i - 2
            s = lax.rem(c, _NBUF)
            pltpu.make_async_copy(cat_tbl.at[cg_v.at[c]],
                                  buf.at[pl.ds(s * _P, _NCAT)],
                                  sem_b.at[s]).wait()
            pltpu.make_async_copy(text_tbl.at[tg_v.at[c]],
                                  buf.at[pl.ds(s * _P + _NCAT + _NNUM,
                                               _NTEXT)],
                                  sem_t.at[s]).wait()
            pltpu.async_copy(slab(s), out.at[b0 + c], sem_c.at[s])
        return carry

    lax.fori_loop(0, _NB + 2, body, 0)

    for k in range(_NBUF):
        c = _NB - _NBUF + k
        s = c % _NBUF
        pltpu.make_async_copy(slab(s), out.at[b0 + c], sem_c.at[s]).wait()


@functools.partial(
    pl.kernel,
    out_type=jax.ShapeDtypeStruct((_B, _P, _D), jnp.float32),
    mesh=plsc.VectorSubcoreMesh(core_axis_name="c", subcore_axis_name="s",
                                num_cores=2, num_subcores=16),
    scratch_types=[
        pltpu.VMEM((_NB, _P), jnp.int32),
        pltpu.VMEM((_NB, _NCAT), jnp.int32),
        pltpu.VMEM((_NB, _NTEXT), jnp.int32),
        pltpu.VMEM((_NB, 32), jnp.float32),
        pltpu.VMEM((_NNUM, _D), jnp.float32),
        pltpu.VMEM_SHARED((_NADD, _D), jnp.float32),
        pltpu.VMEM((_NBUF * _P, _D), jnp.float32),
        pltpu.SemaphoreType.DMA((_NBUF,)),
        pltpu.SemaphoreType.DMA((_NBUF,)),
        pltpu.SemaphoreType.DMA((_NBUF,)),
        pltpu.SemaphoreType.DMA((_NBUF,)),
    ],
    compiler_params=pltpu.CompilerParams(use_tc_tiling_on_sc=True),
)
def _sc_kernel(*args):
    _sc_body(*args)


def kernel(cat_input_ids, cat_null_ids, cat_token_type, num_input_ids,
           num_null_ids, num_token_type, text_input_ids, text_token_type,
           cat_table, cat_pos_emb, num_emb_param, num_pos_emb,
           text_table, tt_table, null_table, pe_table):
    i32 = jnp.int32
    cat_add = (cat_pos_emb[:, None, None, :] + tt_table[None, :, None, :]
               + null_table[None, None, :, :]).reshape(_NCAT * 6, _D)
    num_add = (num_pos_emb[:, None, None, :] + tt_table[None, :, None, :]
               + null_table[None, None, :, :]).reshape(_NNUM * 6, _D)
    text_add = (pe_table[:, None, :] + tt_table[None, :, :]).reshape(
        _NTEXT * 2, _D)
    comb_add = jnp.concatenate([cat_add, num_add, text_add], axis=0)

    jc = jnp.arange(_NCAT, dtype=i32)[None, :]
    jt = jnp.arange(_NTEXT, dtype=i32)[None, :]

    cai = jc * 6 + cat_token_type.astype(i32) * 3 + cat_null_ids.astype(i32)
    nai = (_NCAT * 6 + jc * 6 + num_token_type.astype(i32) * 3
           + num_null_ids.astype(i32))
    tai = (_NCAT * 6 + _NNUM * 6 + jt * 2 + text_token_type.astype(i32))
    adi = jnp.concatenate([cai, nai, tai], axis=1).reshape(_W, _NB, _P)

    cgi = cat_input_ids.astype(i32).reshape(_W, _NB, _NCAT)
    tgi = text_input_ids.astype(i32).reshape(_W, _NB, _NTEXT)
    x_t = jnp.pad(num_input_ids.astype(jnp.float32),
                  ((0, 0), (0, 32 - _NNUM))).reshape(_W, _NB, 32)

    return _sc_kernel(cat_table, text_table, comb_add, num_emb_param, x_t,
                      adi, cgi, tgi)

# --- scband reference (transcript-rebuilt; emitter-appended) ---
"""Pipeline reference for scband-mmtginput2-emb-81432579932394 (READ-ONLY COPY).

The authoritative reference and input builder live on the scoring server;
editing this copy changes nothing except your own understanding.
"""

import jax, jax.numpy as jnp
import numpy as np

B = 4096
NC = 26
NN = 26
NTEXT = 50
D = 128
CAT_V = 1000000
TEXT_V = 100000


def _pe_table():
    pos = np.arange(NTEXT, dtype=np.float32)[:, None]
    div = np.exp(np.arange(0, D, 2).astype(np.float32) * (-np.log(10000.0) / D))
    pe = np.zeros((NTEXT, D), dtype=np.float32)
    pe[:, 0::2] = np.sin(pos * div)
    pe[:, 1::2] = np.cos(pos * div)
    return jnp.asarray(pe)


def setup_inputs(seed: int = 0) -> dict:
    key = jax.random.key(seed)
    ks = [jax.random.fold_in(key, i) for i in range(16)]
    cat_input_ids = jax.random.randint(ks[0], (B, NC), 0, CAT_V)
    cat_null_ids = jax.random.randint(ks[1], (B, NC), 0, 3)
    cat_token_type = jax.random.randint(ks[2], (B, NC), 0, 2)
    num_input_ids = jax.random.normal(ks[3], (B, NN), dtype=jnp.float32)
    num_null_ids = jax.random.randint(ks[4], (B, NN), 0, 3)
    num_token_type = jax.random.randint(ks[5], (B, NN), 0, 2)
    text_input_ids = jax.random.randint(ks[6], (B, NTEXT), 0, TEXT_V)
    text_token_type = jax.random.randint(ks[7], (B, NTEXT), 0, 2)
    cat_table = jax.random.normal(ks[8], (CAT_V, D), dtype=jnp.float32) * 0.02
    text_table = jax.random.normal(ks[9], (TEXT_V, D), dtype=jnp.float32) * 0.02
    text_table = text_table.at[0].set(0.0)  # padding_idx=0
    num_emb_param = jax.random.normal(ks[10], (NN, D), dtype=jnp.float32)
    cat_pos_emb = jax.random.normal(ks[11], (NC, D), dtype=jnp.float32)
    num_pos_emb = jax.random.normal(ks[12], (NN, D), dtype=jnp.float32)
    tt_table = jax.random.normal(ks[13], (2, D), dtype=jnp.float32) * 0.02
    null_table = jax.random.normal(ks[14], (3, D), dtype=jnp.float32) * 0.02
    pe_table = _pe_table()
    return {
        "cat_input_ids": cat_input_ids,
        "cat_null_ids": cat_null_ids,
        "cat_token_type": cat_token_type,
        "num_input_ids": num_input_ids,
        "num_null_ids": num_null_ids,
        "num_token_type": num_token_type,
        "text_input_ids": text_input_ids,
        "text_token_type": text_token_type,
        "cat_table": cat_table,
        "cat_pos_emb": cat_pos_emb,
        "num_emb_param": num_emb_param,
        "num_pos_emb": num_pos_emb,
        "text_table": text_table,
        "tt_table": tt_table,
        "null_table": null_table,
        "pe_table": pe_table,
    }


def reference(cat_input_ids, cat_null_ids, cat_token_type, num_input_ids,
              num_null_ids, num_token_type, text_input_ids, text_token_type,
              cat_table, cat_pos_emb, num_emb_param, num_pos_emb,
              text_table, tt_table, null_table, pe_table):
    # categorical branch
    cat_emb = jnp.take(cat_table, cat_input_ids, axis=0)
    cat_emb = cat_emb + cat_pos_emb[None, :, :]
    cat_emb = cat_emb + jnp.take(tt_table, cat_token_type, axis=0)
    cat_emb = cat_emb + jnp.take(null_table, cat_null_ids, axis=0)
    # numeric branch (sep_numemb=True)
    num_emb = num_input_ids[:, :, None] * num_emb_param[None, :, :]
    num_emb = num_emb + num_pos_emb[None, :, :]
    num_emb = num_emb + jnp.take(tt_table, num_token_type, axis=0)
    num_emb = num_emb + jnp.take(null_table, num_null_ids, axis=0)
    # text branch
    text_emb = jnp.take(text_table, text_input_ids, axis=0)
    pe_index = jnp.arange(NTEXT)
    text_emb = text_emb + jnp.take(pe_table, pe_index, axis=0)[None, :, :]
    # dropout p=0.0 -> identity
    text_emb = text_emb + jnp.take(tt_table, text_token_type, axis=0)
    return jnp.concatenate([cat_emb, num_emb, text_emb], axis=1)

if __name__ == "__main__":
    import jax
    _d = setup_inputs()
    print(jax.jit(kernel)(*tuple(_d.values())))

</pallas_src>

<mosaic_0001>
#map = affine_map<(d0, d1) -> (0, 0)>
#map1 = affine_map<(d0, d1) -> (0, 0, 0)>
module attributes {stable_mosaic.version = 14 : i64} {
  func.func @_sc_kernel(%arg0: i32, %arg1: i32, %arg2: memref<1000000x128xf32, #tpu.memory_space<hbm>>, %arg3: memref<100000x128xf32, #tpu.memory_space<hbm>>, %arg4: memref<412x128xf32, #tpu.memory_space<hbm>>, %arg5: memref<26x128xf32, #tpu.memory_space<hbm>>, %arg6: memref<32x128x32xf32, #tpu.memory_space<hbm>>, %arg7: memref<32x128x102xi32, #tpu.memory_space<hbm>>, %arg8: memref<32x128x26xi32, #tpu.memory_space<hbm>>, %arg9: memref<32x128x50xi32, #tpu.memory_space<hbm>>, %arg10: memref<4096x102x128xf32, #tpu.memory_space<hbm>>, %arg11: memref<128x102xi32, #tpu.memory_space<vmem>>, %arg12: memref<128x26xi32, #tpu.memory_space<vmem>>, %arg13: memref<128x50xi32, #tpu.memory_space<vmem>>, %arg14: memref<128x32xf32, #tpu.memory_space<vmem>>, %arg15: memref<26x128xf32, #tpu.memory_space<vmem>>, %arg16: memref<412x128xf32, #tpu.memory_space<vmem_shared>>, %arg17: memref<408x128xf32, #tpu.memory_space<vmem>>, %arg18: memref<4x!tpu.dma_semaphore, #tpu.memory_space<semaphore_mem>>, %arg19: memref<4x!tpu.dma_semaphore, #tpu.memory_space<semaphore_mem>>, %arg20: memref<4x!tpu.dma_semaphore, #tpu.memory_space<semaphore_mem>>, %arg21: memref<4x!tpu.dma_semaphore, #tpu.memory_space<semaphore_mem>>) attributes {dimension_semantics = [#tpu.dimension_semantics<core_parallel>, #tpu.dimension_semantics<subcore_parallel>], iteration_bounds = array<i64: 2, 16>, scalar_prefetch = 0 : i64, scratch_operands = 11 : i64, tpu.core_type = #tpu.core_type<sc_vector_subcore>, window_params = [{transform_indices = #map}, {transform_indices = #map}, {transform_indices = #map}, {transform_indices = #map}, {transform_indices = #map1}, {transform_indices = #map1}, {transform_indices = #map1}, {transform_indices = #map1}, {transform_indices = #map1}]} {
    %mul3A = arith.constant 2 : i32
    %mul3A_0 = arith.muli %arg1, %mul3A : i32
    %add3A = arith.addi %mul3A_0, %arg0 : i32
    %mul3A_1 = arith.constant 128 : i32
    %mul3A_2 = arith.muli %add3A, %mul3A_1 : i32
    %eq3A = arith.constant 0 : i32
    %eq3A_3 = arith.cmpi eq, %arg1, %eq3A : i32
    %convert_element_type3A = arith.extui %eq3A_3 : i1 to i32
    %cond3A = arith.constant 0 : i32
    %cond3A_4 = arith.cmpi ne, %convert_element_type3A, %cond3A : i32
    scf.if %cond3A_4 {
      "tpu.region"() ({
        %run_scoped3A = tpu.sem_alloc : memref<!tpu.dma_semaphore, #tpu.memory_space<semaphore_mem>>
        tpu.enqueue_dma source(%arg4 : memref<412x128xf32, #tpu.memory_space<hbm>>) target(%arg16 : memref<412x128xf32, #tpu.memory_space<vmem_shared>>) target_semaphore(%run_scoped3A : memref<!tpu.dma_semaphore, #tpu.memory_space<semaphore_mem>>)
        tpu.wait_dma2 semaphore(%run_scoped3A : memref<!tpu.dma_semaphore, #tpu.memory_space<semaphore_mem>>) src(%arg4 : memref<412x128xf32, #tpu.memory_space<hbm>>) dst(%arg16 : memref<412x128xf32, #tpu.memory_space<vmem_shared>>)
        tpu.yield
      }) : () -> ()
    } else {
    }
    %barrier3A = arith.constant 0 : index
    tpu.barrier barrier_id(%barrier3A)
    "tpu.region"() ({
      %run_scoped3A = tpu.sem_alloc : memref<!tpu.dma_semaphore, #tpu.memory_space<semaphore_mem>>
      %dma_start3A = arith.constant 0 : i32
      %dma_start3A_85 = arith.constant 0 : i32
      %dma_start3A_86 = tpu.memref_slice %arg7[%add3A, %dma_start3A, %dma_start3A_85] : memref<32x128x102xi32, #tpu.memory_space<hbm>> -> memref<1x128x102xi32, #tpu.memory_space<hbm>>
      %dma_start3A_87 = tpu.memref_squeeze %dma_start3A_86 : memref<1x128x102xi32, #tpu.memory_space<hbm>> -> memref<128x102xi32, #tpu.memory_space<hbm>>
      %dma_start3A_88 = arith.constant 0 : i32
      %dma_start3A_89 = arith.constant 0 : i32
      %dma_start3A_90 = tpu.memref_slice %arg7[%add3A, %dma_start3A_88, %dma_start3A_89] : memref<32x128x102xi32, #tpu.memory_space<hbm>> -> memref<1x128x102xi32, #tpu.memory_space<hbm>>
      %dma_start3A_91 = tpu.memref_squeeze %dma_start3A_90 : memref<1x128x102xi32, #tpu.memory_space<hbm>> -> memref<128x102xi32, #tpu.memory_space<hbm>>
      tpu.enqueue_dma source(%dma_start3A_91 : memref<128x102xi32, #tpu.memory_space<hbm>>) target(%arg11 : memref<128x102xi32, #tpu.memory_space<vmem>>) target_semaphore(%run_scoped3A : memref<!tpu.dma_semaphore, #tpu.memory_space<semaphore_mem>>)
      %dma_wait3A_92 = arith.constant 0 : i32
      %dma_wait3A_93 = arith.constant 0 : i32
      %dma_wait3A_94 = tpu.memref_slice %arg7[%add3A, %dma_wait3A_92, %dma_wait3A_93] : memref<32x128x102xi32, #tpu.memory_space<hbm>> -> memref<1x128x102xi32, #tpu.memory_space<hbm>>
      %dma_wait3A_95 = tpu.memref_squeeze %dma_wait3A_94 : memref<1x128x102xi32, #tpu.memory_space<hbm>> -> memref<128x102xi32, #tpu.memory_space<hbm>>
      %dma_wait3A_96 = arith.constant 0 : i32
      %dma_wait3A_97 = arith.constant 0 : i32
      %dma_wait3A_98 = tpu.memref_slice %arg7[%add3A, %dma_wait3A_96, %dma_wait3A_97] : memref<32x128x102xi32, #tpu.memory_space<hbm>> -> memref<1x128x102xi32, #tpu.memory_space<hbm>>
      %dma_wait3A_99 = tpu.memref_squeeze %dma_wait3A_98 : memref<1x128x102xi32, #tpu.memory_space<hbm>> -> memref<128x102xi32, #tpu.memory_space<hbm>>
      tpu.wait_dma2 semaphore(%run_scoped3A : memref<!tpu.dma_semaphore, #tpu.memory_space<semaphore_mem>>) src(%dma_wait3A_99 : memref<128x102xi32, #tpu.memory_space<hbm>>) dst(%arg11 : memref<128x102xi32, #tpu.memory_space<vmem>>)
      tpu.yield
    }) : () -> ()
    "tpu.region"() ({
      %run_scoped3A = tpu.sem_alloc : memref<!tpu.dma_semaphore, #tpu.memory_space<semaphore_mem>>
      %dma_start3A = arith.constant 0 : i32
      %dma_start3A_85 = arith.constant 0 : i32
      %dma_start3A_86 = tpu.memref_slice %arg8[%add3A, %dma_start3A, %dma_start3A_85] : memref<32x128x26xi32, #tpu.memory_space<hbm>> -> memref<1x128x26xi32, #tpu.memory_space<hbm>>
      %dma_start3A_87 = tpu.memref_squeeze %dma_start3A_86 : memref<1x128x26xi32, #tpu.memory_space<hbm>> -> memref<128x26xi32, #tpu.memory_space<hbm>>
      %dma_start3A_88 = arith.constant 0 : i32
      %dma_start3A_89 = arith.constant 0 : i32
      %dma_start3A_90 = tpu.memref_slice %arg8[%add3A, %dma_start3A_88, %dma_start3A_89] : memref<32x128x26xi32, #tpu.memory_space<hbm>> -> memref<1x128x26xi32, #tpu.memory_space<hbm>>
      %dma_start3A_91 = tpu.memref_squeeze %dma_start3A_90 : memref<1x128x26xi32, #tpu.memory_space<hbm>> -> memref<128x26xi32, #tpu.memory_space<hbm>>
      tpu.enqueue_dma source(%dma_start3A_91 : memref<128x26xi32, #tpu.memory_space<hbm>>) target(%arg12 : memref<128x26xi32, #tpu.memory_space<vmem>>) target_semaphore(%run_scoped3A : memref<!tpu.dma_semaphore, #tpu.memory_space<semaphore_mem>>)
      %dma_wait3A_92 = arith.constant 0 : i32
      %dma_wait3A_93 = arith.constant 0 : i32
      %dma_wait3A_94 = tpu.memref_slice %arg8[%add3A, %dma_wait3A_92, %dma_wait3A_93] : memref<32x128x26xi32, #tpu.memory_space<hbm>> -> memref<1x128x26xi32, #tpu.memory_space<hbm>>
      %dma_wait3A_95 = tpu.memref_squeeze %dma_wait3A_94 : memref<1x128x26xi32, #tpu.memory_space<hbm>> -> memref<128x26xi32, #tpu.memory_space<hbm>>
      %dma_wait3A_96 = arith.constant 0 : i32
      %dma_wait3A_97 = arith.constant 0 : i32
      %dma_wait3A_98 = tpu.memref_slice %arg8[%add3A, %dma_wait3A_96, %dma_wait3A_97] : memref<32x128x26xi32, #tpu.memory_space<hbm>> -> memref<1x128x26xi32, #tpu.memory_space<hbm>>
      %dma_wait3A_99 = tpu.memref_squeeze %dma_wait3A_98 : memref<1x128x26xi32, #tpu.memory_space<hbm>> -> memref<128x26xi32, #tpu.memory_space<hbm>>
      tpu.wait_dma2 semaphore(%run_scoped3A : memref<!tpu.dma_semaphore, #tpu.memory_space<semaphore_mem>>) src(%dma_wait3A_99 : memref<128x26xi32, #tpu.memory_space<hbm>>) dst(%arg12 : memref<128x26xi32, #tpu.memory_space<vmem>>)
      tpu.yield
    }) : () -> ()
    "tpu.region"() ({
      %run_scoped3A = tpu.sem_alloc : memref<!tpu.dma_semaphore, #tpu.memory_space<semaphore_mem>>
      %dma_start3A = arith.constant 0 : i32
      %dma_start3A_85 = arith.constant 0 : i32
      %dma_start3A_86 = tpu.memref_slice %arg9[%add3A, %dma_start3A, %dma_start3A_85] : memref<32x128x50xi32, #tpu.memory_space<hbm>> -> memref<1x128x50xi32, #tpu.memory_space<hbm>>
      %dma_start3A_87 = tpu.memref_squeeze %dma_start3A_86 : memref<1x128x50xi32, #tpu.memory_space<hbm>> -> memref<128x50xi32, #tpu.memory_space<hbm>>
      %dma_start3A_88 = arith.constant 0 : i32
      %dma_start3A_89 = arith.constant 0 : i32
      %dma_start3A_90 = tpu.memref_slice %arg9[%add3A, %dma_start3A_88, %dma_start3A_89] : memref<32x128x50xi32, #tpu.memory_space<hbm>> -> memref<1x128x50xi32, #tpu.memory_space<hbm>>
      %dma_start3A_91 = tpu.memref_squeeze %dma_start3A_90 : memref<1x128x50xi32, #tpu.memory_space<hbm>> -> memref<128x50xi32, #tpu.memory_space<hbm>>
      tpu.enqueue_dma source(%dma_start3A_91 : memref<128x50xi32, #tpu.memory_space<hbm>>) target(%arg13 : memref<128x50xi32, #tpu.memory_space<vmem>>) target_semaphore(%run_scoped3A : memref<!tpu.dma_semaphore, #tpu.memory_space<semaphore_mem>>)
      %dma_wait3A_92 = arith.constant 0 : i32
      %dma_wait3A_93 = arith.constant 0 : i32
      %dma_wait3A_94 = tpu.memref_slice %arg9[%add3A, %dma_wait3A_92, %dma_wait3A_93] : memref<32x128x50xi32, #tpu.memory_space<hbm>> -> memref<1x128x50xi32, #tpu.memory_space<hbm>>
      %dma_wait3A_95 = tpu.memref_squeeze %dma_wait3A_94 : memref<1x128x50xi32, #tpu.memory_space<hbm>> -> memref<128x50xi32, #tpu.memory_space<hbm>>
      %dma_wait3A_96 = arith.constant 0 : i32
      %dma_wait3A_97 = arith.constant 0 : i32
      %dma_wait3A_98 = tpu.memref_slice %arg9[%add3A, %dma_wait3A_96, %dma_wait3A_97] : memref<32x128x50xi32, #tpu.memory_space<hbm>> -> memref<1x128x50xi32, #tpu.memory_space<hbm>>
      %dma_wait3A_99 = tpu.memref_squeeze %dma_wait3A_98 : memref<1x128x50xi32, #tpu.memory_space<hbm>> -> memref<128x50xi32, #tpu.memory_space<hbm>>
      tpu.wait_dma2 semaphore(%run_scoped3A : memref<!tpu.dma_semaphore, #tpu.memory_space<semaphore_mem>>) src(%dma_wait3A_99 : memref<128x50xi32, #tpu.memory_space<hbm>>) dst(%arg13 : memref<128x50xi32, #tpu.memory_space<vmem>>)
      tpu.yield
    }) : () -> ()
    "tpu.region"() ({
      %run_scoped3A = tpu.sem_alloc : memref<!tpu.dma_semaphore, #tpu.memory_space<semaphore_mem>>
      %dma_start3A = arith.constant 0 : i32
      %dma_start3A_85 = arith.constant 0 : i32
      %dma_start3A_86 = tpu.memref_slice %arg6[%add3A, %dma_start3A, %dma_start3A_85] : memref<32x128x32xf32, #tpu.memory_space<hbm>> -> memref<1x128x32xf32, #tpu.memory_space<hbm>>
      %dma_start3A_87 = tpu.memref_squeeze %dma_start3A_86 : memref<1x128x32xf32, #tpu.memory_space<hbm>> -> memref<128x32xf32, #tpu.memory_space<hbm>>
      %dma_start3A_88 = arith.constant 0 : i32
      %dma_start3A_89 = arith.constant 0 : i32
      %dma_start3A_90 = tpu.memref_slice %arg6[%add3A, %dma_start3A_88, %dma_start3A_89] : memref<32x128x32xf32, #tpu.memory_space<hbm>> -> memref<1x128x32xf32, #tpu.memory_space<hbm>>
      %dma_start3A_91 = tpu.memref_squeeze %dma_start3A_90 : memref<1x128x32xf32, #tpu.memory_space<hbm>> -> memref<128x32xf32, #tpu.memory_space<hbm>>
      tpu.enqueue_dma source(%dma_start3A_91 : memref<128x32xf32, #tpu.memory_space<hbm>>) target(%arg14 : memref<128x32xf32, #tpu.memory_space<vmem>>) target_semaphore(%run_scoped3A : memref<!tpu.dma_semaphore, #tpu.memory_space<semaphore_mem>>)
      %dma_wait3A_92 = arith.constant 0 : i32
      %dma_wait3A_93 = arith.constant 0 : i32
      %dma_wait3A_94 = tpu.memref_slice %arg6[%add3A, %dma_wait3A_92, %dma_wait3A_93] : memref<32x128x32xf32, #tpu.memory_space<hbm>> -> memref<1x128x32xf32, #tpu.memory_space<hbm>>
      %dma_wait3A_95 = tpu.memref_squeeze %dma_wait3A_94 : memref<1x128x32xf32, #tpu.memory_space<hbm>> -> memref<128x32xf32, #tpu.memory_space<hbm>>
      %dma_wait3A_96 = arith.constant 0 : i32
      %dma_wait3A_97 = arith.constant 0 : i32
      %dma_wait3A_98 = tpu.memref_slice %arg6[%add3A, %dma_wait3A_96, %dma_wait3A_97] : memref<32x128x32xf32, #tpu.memory_space<hbm>> -> memref<1x128x32xf32, #tpu.memory_space<hbm>>
      %dma_wait3A_99 = tpu.memref_squeeze %dma_wait3A_98 : memref<1x128x32xf32, #tpu.memory_space<hbm>> -> memref<128x32xf32, #tpu.memory_space<hbm>>
      tpu.wait_dma2 semaphore(%run_scoped3A : memref<!tpu.dma_semaphore, #tpu.memory_space<semaphore_mem>>) src(%dma_wait3A_99 : memref<128x32xf32, #tpu.memory_space<hbm>>) dst(%arg14 : memref<128x32xf32, #tpu.memory_space<vmem>>)
      tpu.yield
    }) : () -> ()
    "tpu.region"() ({
      %run_scoped3A = tpu.sem_alloc : memref<!tpu.dma_semaphore, #tpu.memory_space<semaphore_mem>>
      tpu.enqueue_dma source(%arg5 : memref<26x128xf32, #tpu.memory_space<hbm>>) target(%arg15 : memref<26x128xf32, #tpu.memory_space<vmem>>) target_semaphore(%run_scoped3A : memref<!tpu.dma_semaphore, #tpu.memory_space<semaphore_mem>>)
      tpu.wait_dma2 semaphore(%run_scoped3A : memref<!tpu.dma_semaphore, #tpu.memory_space<semaphore_mem>>) src(%arg5 : memref<26x128xf32, #tpu.memory_space<hbm>>) dst(%arg15 : memref<26x128xf32, #tpu.memory_space<vmem>>)
      tpu.yield
    }) : () -> ()
    %scan3A = arith.constant 0 : i32
    %scan3A_5 = arith.constant 0 : i32
    %scan3A_6 = arith.constant 130 : i32
    %scan3A_7 = arith.addi %scan3A_5, %scan3A_6 : i32
    %scan3A_8 = arith.constant 1 : i32
    scf.for %scan3A_85 = %scan3A_5 to %scan3A_7 step %scan3A_8  : i32 {
      %lt3A = arith.constant 128 : i32
      %lt3A_86 = arith.cmpi slt, %scan3A_85, %lt3A : i32
      %convert_element_type3A_87 = arith.extui %lt3A_86 : i1 to i32
      %cond3A_88 = arith.constant 0 : i32
      %cond3A_89 = arith.cmpi ne, %convert_element_type3A_87, %cond3A_88 : i32
      scf.if %cond3A_89 {
        %rem3A = arith.constant 4 : i32
        %rem3A_100 = arith.remsi %scan3A_85, %rem3A : i32
        %ge3A_101 = arith.constant 4 : i32
        %ge3A_102 = arith.cmpi sge, %scan3A_85, %ge3A_101 : i32
        %convert_element_type3A_103 = arith.extui %ge3A_102 : i1 to i32
        %cond3A_104 = arith.constant 0 : i32
        %cond3A_105 = arith.cmpi ne, %convert_element_type3A_103, %cond3A_104 : i32
        scf.if %cond3A_105 {
          %mul3A_117 = arith.constant 102 : i32
          %mul3A_118 = arith.muli %rem3A_100, %mul3A_117 : i32
          %add3A_119 = arith.addi %mul3A_2, %scan3A_85 : i32
          %sub3A = arith.constant 4 : i32
          %sub3A_120 = arith.subi %add3A_119, %sub3A : i32
          %dma_wait3A_121 = arith.constant 0 : i32
          %dma_wait3A_122 = tpu.memref_slice %arg17[%mul3A_118, %dma_wait3A_121] : memref<408x128xf32, #tpu.memory_space<vmem>> -> memref<102x128xf32, #tpu.memory_space<vmem>>
          %dma_wait3A_123 = arith.constant 0 : i32
          %dma_wait3A_124 = arith.constant 0 : i32
          %dma_wait3A_125 = tpu.memref_slice %arg10[%sub3A_120, %dma_wait3A_123, %dma_wait3A_124] : memref<4096x102x128xf32, #tpu.memory_space<hbm>> -> memref<1x102x128xf32, #tpu.memory_space<hbm>>
          %dma_wait3A_126 = tpu.memref_squeeze %dma_wait3A_125 : memref<1x102x128xf32, #tpu.memory_space<hbm>> -> memref<102x128xf32, #tpu.memory_space<hbm>>
          %dma_wait3A_127 = tpu.memref_slice %arg21[%rem3A_100] : memref<4x!tpu.dma_semaphore, #tpu.memory_space<semaphore_mem>> -> memref<1x!tpu.dma_semaphore, #tpu.memory_space<semaphore_mem>>
          %dma_wait3A_128 = tpu.memref_squeeze %dma_wait3A_127 : memref<1x!tpu.dma_semaphore, #tpu.memory_space<semaphore_mem>> -> memref<!tpu.dma_semaphore, #tpu.memory_space<semaphore_mem>>
          %dma_wait3A_129 = arith.constant 0 : i32
          %dma_wait3A_130 = arith.constant 0 : i32
          %dma_wait3A_131 = tpu.memref_slice %arg10[%sub3A_120, %dma_wait3A_129, %dma_wait3A_130] : memref<4096x102x128xf32, #tpu.memory_space<hbm>> -> memref<1x102x128xf32, #tpu.memory_space<hbm>>
          %dma_wait3A_132 = tpu.memref_squeeze %dma_wait3A_131 : memref<1x102x128xf32, #tpu.memory_space<hbm>> -> memref<102x128xf32, #tpu.memory_space<hbm>>
          %dma_wait3A_133 = arith.constant 0 : i32
          %dma_wait3A_134 = tpu.memref_slice %arg17[%mul3A_118, %dma_wait3A_133] : memref<408x128xf32, #tpu.memory_space<vmem>> -> memref<102x128xf32, #tpu.memory_space<vmem>>
          tpu.wait_dma2 semaphore(%dma_wait3A_128 : memref<!tpu.dma_semaphore, #tpu.memory_space<semaphore_mem>>) src(%dma_wait3A_134 : memref<102x128xf32, #tpu.memory_space<vmem>>) dst(%dma_wait3A_132 : memref<102x128xf32, #tpu.memory_space<hbm>>)
        } else {
        }
        %mul3A_106 = arith.constant 102 : i32
        %mul3A_107 = arith.muli %rem3A_100, %mul3A_106 : i32
        %dma_start3A = arith.constant 0 : i32
        %dma_start3A_108 = tpu.memref_slice %arg17[%mul3A_107, %dma_start3A] : memref<408x128xf32, #tpu.memory_space<vmem>> -> memref<102x128xf32, #tpu.memory_space<vmem>>
        %dma_start3A_109 = arith.constant 0 : i32
        %dma_start3A_110 = tpu.memref_slice %arg11[%scan3A_85, %dma_start3A_109] : memref<128x102xi32, #tpu.memory_space<vmem>> -> memref<1x102xi32, #tpu.memory_space<vmem>>
        %dma_start3A_111 = tpu.memref_squeeze %dma_start3A_110 : memref<1x102xi32, #tpu.memory_space<vmem>> -> memref<102xi32, #tpu.memory_space<vmem>>
        %dma_start3A_112 = arith.constant 0 : i32
        %dma_start3A_113 = arith.constant 0 : i32
        %dma_start3A_114 = tpu.memref_slice %arg16[%dma_start3A_112, %dma_start3A_113] : memref<412x128xf32, #tpu.memory_space<vmem_shared>> -> memref<412x128xf32, #tpu.memory_space<vmem_shared>>
        %dma_start3A_115 = tpu.memref_slice %arg18[%rem3A_100] : memref<4x!tpu.dma_semaphore, #tpu.memory_space<semaphore_mem>> -> memref<1x!tpu.dma_semaphore, #tpu.memory_space<semaphore_mem>>
        %dma_start3A_116 = tpu.memref_squeeze %dma_start3A_115 : memref<1x!tpu.dma_semaphore, #tpu.memory_space<semaphore_mem>> -> memref<!tpu.dma_semaphore, #tpu.memory_space<semaphore_mem>>
        tpu.enqueue_indirect_dma source(%dma_start3A_114 : memref<412x128xf32, #tpu.memory_space<vmem_shared>>) target(%dma_start3A_108 : memref<102x128xf32, #tpu.memory_space<vmem>>) offsets(%dma_start3A_111 : memref<102xi32, #tpu.memory_space<vmem>>) semaphore(%dma_start3A_116 : memref<!tpu.dma_semaphore, #tpu.memory_space<semaphore_mem>>)
      } else {
      }
      %ge3A = arith.constant 1 : i32
      %ge3A_90 = arith.cmpi sge, %scan3A_85, %ge3A : i32
      %le3A = arith.constant 128 : i32
      %le3A_91 = arith.cmpi sle, %scan3A_85, %le3A : i32
      %and3A = arith.andi %ge3A_90, %le3A_91 : i1
      %convert_element_type3A_92 = arith.extui %and3A : i1 to i32
      %cond3A_93 = arith.constant 0 : i32
      %cond3A_94 = arith.cmpi ne, %convert_element_type3A_92, %cond3A_93 : i32
      scf.if %cond3A_94 {
        %sub3A = arith.constant 1 : i32
        %sub3A_100 = arith.subi %scan3A_85, %sub3A : i32
        %rem3A = arith.constant 4 : i32
        %rem3A_101 = arith.remsi %sub3A_100, %rem3A : i32
        %mul3A_102 = arith.constant 102 : i32
        %mul3A_103 = arith.muli %rem3A_101, %mul3A_102 : i32
        %dma_wait3A_104 = arith.constant 0 : i32
        %dma_wait3A_105 = tpu.memref_slice %arg17[%mul3A_103, %dma_wait3A_104] : memref<408x128xf32, #tpu.memory_space<vmem>> -> memref<102x128xf32, #tpu.memory_space<vmem>>
        %dma_wait3A_106 = arith.constant 0 : i32
        %dma_wait3A_107 = tpu.memref_slice %arg11[%sub3A_100, %dma_wait3A_106] : memref<128x102xi32, #tpu.memory_space<vmem>> -> memref<1x102xi32, #tpu.memory_space<vmem>>
        %dma_wait3A_108 = tpu.memref_squeeze %dma_wait3A_107 : memref<1x102xi32, #tpu.memory_space<vmem>> -> memref<102xi32, #tpu.memory_space<vmem>>
        %dma_wait3A_109 = arith.constant 0 : i32
        %dma_wait3A_110 = arith.constant 0 : i32
        %dma_wait3A_111 = tpu.memref_slice %arg16[%dma_wait3A_109, %dma_wait3A_110] : memref<412x128xf32, #tpu.memory_space<vmem_shared>> -> memref<412x128xf32, #tpu.memory_space<vmem_shared>>
        %dma_wait3A_112 = tpu.memref_slice %arg18[%rem3A_101] : memref<4x!tpu.dma_semaphore, #tpu.memory_space<semaphore_mem>> -> memref<1x!tpu.dma_semaphore, #tpu.memory_space<semaphore_mem>>
        %dma_wait3A_113 = tpu.memref_squeeze %dma_wait3A_112 : memref<1x!tpu.dma_semaphore, #tpu.memory_space<semaphore_mem>> -> memref<!tpu.dma_semaphore, #tpu.memory_space<semaphore_mem>>
        tpu.wait_indirect_dma semaphore(%dma_wait3A_113 : memref<!tpu.dma_semaphore, #tpu.memory_space<semaphore_mem>>) src(%dma_wait3A_111 : memref<412x128xf32, #tpu.memory_space<vmem_shared>>) dst(%dma_wait3A_105 : memref<102x128xf32, #tpu.memory_space<vmem>>)
        %mul3A_114 = arith.constant 102 : i32
        %mul3A_115 = arith.muli %rem3A_101, %mul3A_114 : i32
        %dma_start3A = arith.constant 0 : i32
        %dma_start3A_116 = tpu.memref_slice %arg17[%mul3A_115, %dma_start3A] : memref<408x128xf32, #tpu.memory_space<vmem>> -> memref<26x128xf32, #tpu.memory_space<vmem>>
        %dma_start3A_117 = arith.constant 0 : i32
        %dma_start3A_118 = tpu.memref_slice %arg12[%sub3A_100, %dma_start3A_117] : memref<128x26xi32, #tpu.memory_space<vmem>> -> memref<1x26xi32, #tpu.memory_space<vmem>>
        %dma_start3A_119 = tpu.memref_squeeze %dma_start3A_118 : memref<1x26xi32, #tpu.memory_space<vmem>> -> memref<26xi32, #tpu.memory_space<vmem>>
        %dma_start3A_120 = arith.constant 0 : i32
        %dma_start3A_121 = arith.constant 0 : i32
        %dma_start3A_122 = tpu.memref_slice %arg2[%dma_start3A_120, %dma_start3A_121] : memref<1000000x128xf32, #tpu.memory_space<hbm>> -> memref<1000000x128xf32, #tpu.memory_space<hbm>>
        %dma_start3A_123 = tpu.memref_slice %arg19[%rem3A_101] : memref<4x!tpu.dma_semaphore, #tpu.memory_space<semaphore_mem>> -> memref<1x!tpu.dma_semaphore, #tpu.memory_space<semaphore_mem>>
        %dma_start3A_124 = tpu.memref_squeeze %dma_start3A_123 : memref<1x!tpu.dma_semaphore, #tpu.memory_space<semaphore_mem>> -> memref<!tpu.dma_semaphore, #tpu.memory_space<semaphore_mem>>
        tpu.enqueue_indirect_dma source(%dma_start3A_122 : memref<1000000x128xf32, #tpu.memory_space<hbm>>) target(%dma_start3A_116 : memref<26x128xf32, #tpu.memory_space<vmem>>) offsets(%dma_start3A_119 : memref<26xi32, #tpu.memory_space<vmem>>) semaphore(%dma_start3A_124 : memref<!tpu.dma_semaphore, #tpu.memory_space<semaphore_mem>>) {add = true}
        %mul3A_125 = arith.constant 102 : i32
        %mul3A_126 = arith.muli %rem3A_101, %mul3A_125 : i32
        %add3A_127 = arith.constant 26 : i32
        %add3A_128 = arith.addi %mul3A_126, %add3A_127 : i32
        %add3A_129 = arith.constant 26 : i32
        %add3A_130 = arith.addi %add3A_128, %add3A_129 : i32
        %dma_start3A_131 = arith.constant 0 : i32
        %dma_start3A_132 = tpu.memref_slice %arg17[%add3A_130, %dma_start3A_131] : memref<408x128xf32, #tpu.memory_space<vmem>> -> memref<50x128xf32, #tpu.memory_space<vmem>>
        %dma_start3A_133 = arith.constant 0 : i32
        %dma_start3A_134 = tpu.memref_slice %arg13[%sub3A_100, %dma_start3A_133] : memref<128x50xi32, #tpu.memory_space<vmem>> -> memref<1x50xi32, #tpu.memory_space<vmem>>
        %dma_start3A_135 = tpu.memref_squeeze %dma_start3A_134 : memref<1x50xi32, #tpu.memory_space<vmem>> -> memref<50xi32, #tpu.memory_space<vmem>>
        %dma_start3A_136 = arith.constant 0 : i32
        %dma_start3A_137 = arith.constant 0 : i32
        %dma_start3A_138 = tpu.memref_slice %arg3[%dma_start3A_136, %dma_start3A_137] : memref<100000x128xf32, #tpu.memory_space<hbm>> -> memref<100000x128xf32, #tpu.memory_space<hbm>>
        %dma_start3A_139 = tpu.memref_slice %arg20[%rem3A_101] : memref<4x!tpu.dma_semaphore, #tpu.memory_space<semaphore_mem>> -> memref<1x!tpu.dma_semaphore, #tpu.memory_space<semaphore_mem>>
        %dma_start3A_140 = tpu.memref_squeeze %dma_start3A_139 : memref<1x!tpu.dma_semaphore, #tpu.memory_space<semaphore_mem>> -> memref<!tpu.dma_semaphore, #tpu.memory_space<semaphore_mem>>
        tpu.enqueue_indirect_dma source(%dma_start3A_138 : memref<100000x128xf32, #tpu.memory_space<hbm>>) target(%dma_start3A_132 : memref<50x128xf32, #tpu.memory_space<vmem>>) offsets(%dma_start3A_135 : memref<50xi32, #tpu.memory_space<vmem>>) semaphore(%dma_start3A_140 : memref<!tpu.dma_semaphore, #tpu.memory_space<semaphore_mem>>) {add = true}
        %get3A = arith.index_cast %sub3A_100 : i32 to index
        %get3A_141 = arith.constant 0 : index
        %get3A_142 = tpu.vector_load %arg14[%get3A, %get3A_141] {strides = array<i32>} : memref<128x32xf32, #tpu.memory_space<vmem>>, vector<1x16xf32>,
        %get3A_143 = vector.shape_cast %get3A_142 : vector<1x16xf32> to vector<16xf32>
        %get3A_144 = arith.index_cast %sub3A_100 : i32 to index
        %get3A_145 = arith.constant 16 : index
        %get3A_146 = tpu.vector_load %arg14[%get3A_144, %get3A_145] {strides = array<i32>} : memref<128x32xf32, #tpu.memory_space<vmem>>, vector<1x16xf32>,
        %get3A_147 = vector.shape_cast %get3A_146 : vector<1x16xf32> to vector<16xf32>
        %slice3A = vector.extract_strided_slice %get3A_143 {offsets = [0], sizes = [1], strides = [1]} : vector<16xf32> to vector<1xf32>
        %squeeze3A = vector.extract %slice3A[0] : f32 from vector<1xf32>
        %mul3A_148 = arith.constant 102 : i32
        %mul3A_149 = arith.muli %rem3A_101, %mul3A_148 : i32
        %add3A_150 = arith.constant 26 : i32
        %add3A_151 = arith.addi %mul3A_149, %add3A_150 : i32
        %add3A_152 = arith.constant 0 : i32
        %add3A_153 = arith.addi %add3A_151, %add3A_152 : i32
        %get3A_154 = arith.index_cast %add3A_153 : i32 to index
        %get3A_155 = arith.constant 0 : index
        %get3A_156 = tpu.vector_load %arg17[%get3A_154, %get3A_155] {strides = array<i32>} : memref<408x128xf32, #tpu.memory_space<vmem>>, vector<1x16xf32>,
        %get3A_157 = vector.shape_cast %get3A_156 : vector<1x16xf32> to vector<16xf32>
        %get3A_158 = arith.constant 0 : i32
        %get3A_159 = arith.index_cast %get3A_158 : i32 to index
        %get3A_160 = arith.constant 0 : index
        %get3A_161 = tpu.vector_load %arg15[%get3A_159, %get3A_160] {strides = array<i32>} : memref<26x128xf32, #tpu.memory_space<vmem>>, vector<1x16xf32>,
        %get3A_162 = vector.shape_cast %get3A_161 : vector<1x16xf32> to vector<16xf32>
        %mul3A_163 = vector.broadcast %squeeze3A : f32 to vector<16xf32>
        %mul3A_164 = arith.mulf %mul3A_163, %get3A_162 : vector<16xf32>
        %add3A_165 = arith.addf %get3A_157, %mul3A_164 : vector<16xf32>
        %swap3A = arith.index_cast %add3A_153 : i32 to index
        %swap3A_166 = arith.constant 0 : index
        %swap3A_167 = tpu.vector_load %arg17[%swap3A, %swap3A_166] {strides = array<i32>} : memref<408x128xf32, #tpu.memory_space<vmem>>, vector<1x16xf32>,
        %swap3A_168 = vector.shape_cast %swap3A_167 : vector<1x16xf32> to vector<16xf32>
        %swap3A_169 = vector.shape_cast %add3A_165 : vector<16xf32> to vector<1x16xf32>
        tpu.vector_store %arg17[%swap3A, %swap3A_166], %swap3A_169 {strides = array<i32>} : memref<408x128xf32, #tpu.memory_space<vmem>>, vector<1x16xf32>,
        %get3A_170 = arith.index_cast %add3A_153 : i32 to index
        %get3A_171 = arith.constant 16 : index
        %get3A_172 = tpu.vector_load %arg17[%get3A_170, %get3A_171] {strides = array<i32>} : memref<408x128xf32, #tpu.memory_space<vmem>>, vector<1x16xf32>,
        %get3A_173 = vector.shape_cast %get3A_172 : vector<1x16xf32> to vector<16xf32>
        %get3A_174 = arith.constant 0 : i32
        %get3A_175 = arith.index_cast %get3A_174 : i32 to index
        %get3A_176 = arith.constant 16 : index
        %get3A_177 = tpu.vector_load %arg15[%get3A_175, %get3A_176] {strides = array<i32>} : memref<26x128xf32, #tpu.memory_space<vmem>>, vector<1x16xf32>,
        %get3A_178 = vector.shape_cast %get3A_177 : vector<1x16xf32> to vector<16xf32>
        %mul3A_179 = vector.broadcast %squeeze3A : f32 to vector<16xf32>
        %mul3A_180 = arith.mulf %mul3A_179, %get3A_178 : vector<16xf32>
        %add3A_181 = arith.addf %get3A_173, %mul3A_180 : vector<16xf32>
        %swap3A_182 = arith.index_cast %add3A_153 : i32 to index
        %swap3A_183 = arith.constant 16 : index
        %swap3A_184 = tpu.vector_load %arg17[%swap3A_182, %swap3A_183] {strides = array<i32>} : memref<408x128xf32, #tpu.memory_space<vmem>>, vector<1x16xf32>,
        %swap3A_185 = vector.shape_cast %swap3A_184 : vector<1x16xf32> to vector<16xf32>
        %swap3A_186 = vector.shape_cast %add3A_181 : vector<16xf32> to vector<1x16xf32>
        tpu.vector_store %arg17[%swap3A_182, %swap3A_183], %swap3A_186 {strides = array<i32>} : memref<408x128xf32, #tpu.memory_space<vmem>>, vector<1x16xf32>,
        %get3A_187 = arith.index_cast %add3A_153 : i32 to index
        %get3A_188 = arith.constant 32 : index
        %get3A_189 = tpu.vector_load %arg17[%get3A_187, %get3A_188] {strides = array<i32>} : memref<408x128xf32, #tpu.memory_space<vmem>>, vector<1x16xf32>,
        %get3A_190 = vector.shape_cast %get3A_189 : vector<1x16xf32> to vector<16xf32>
        %get3A_191 = arith.constant 0 : i32
        %get3A_192 = arith.index_cast %get3A_191 : i32 to index
        %get3A_193 = arith.constant 32 : index
        %get3A_194 = tpu.vector_load %arg15[%get3A_192, %get3A_193] {strides = array<i32>} : memref<26x128xf32, #tpu.memory_space<vmem>>, vector<1x16xf32>,
        %get3A_195 = vector.shape_cast %get3A_194 : vector<1x16xf32> to vector<16xf32>
        %mul3A_196 = vector.broadcast %squeeze3A : f32 to vector<16xf32>
        %mul3A_197 = arith.mulf %mul3A_196, %get3A_195 : vector<16xf32>
        %add3A_198 = arith.addf %get3A_190, %mul3A_197 : vector<16xf32>
        %swap3A_199 = arith.index_cast %add3A_153 : i32 to index
        %swap3A_200 = arith.constant 32 : index
        %swap3A_201 = tpu.vector_load %arg17[%swap3A_199, %swap3A_200] {strides = array<i32>} : memref<408x128xf32, #tpu.memory_space<vmem>>, vector<1x16xf32>,
        %swap3A_202 = vector.shape_cast %swap3A_201 : vector<1x16xf32> to vector<16xf32>
        %swap3A_203 = vector.shape_cast %add3A_198 : vector<16xf32> to vector<1x16xf32>
        tpu.vector_store %arg17[%swap3A_199, %swap3A_200], %swap3A_203 {strides = array<i32>} : memref<408x128xf32, #tpu.memory_space<vmem>>, vector<1x16xf32>,
        %get3A_204 = arith.index_cast %add3A_153 : i32 to index
        %get3A_205 = arith.constant 48 : index
        %get3A_206 = tpu.vector_load %arg17[%get3A_204, %get3A_205] {strides = array<i32>} : memref<408x128xf32, #tpu.memory_space<vmem>>, vector<1x16xf32>,
        %get3A_207 = vector.shape_cast %get3A_206 : vector<1x16xf32> to vector<16xf32>
        %get3A_208 = arith.constant 0 : i32
        %get3A_209 = arith.index_cast %get3A_208 : i32 to index
        %get3A_210 = arith.constant 48 : index
        %get3A_211 = tpu.vector_load %arg15[%get3A_209, %get3A_210] {strides = array<i32>} : memref<26x128xf32, #tpu.memory_space<vmem>>, vector<1x16xf32>,
        %get3A_212 = vector.shape_cast %get3A_211 : vector<1x16xf32> to vector<16xf32>
        %mul3A_213 = vector.broadcast %squeeze3A : f32 to vector<16xf32>
        %mul3A_214 = arith.mulf %mul3A_213, %get3A_212 : vector<16xf32>
        %add3A_215 = arith.addf %get3A_207, %mul3A_214 : vector<16xf32>
        %swap3A_216 = arith.index_cast %add3A_153 : i32 to index
        %swap3A_217 = arith.constant 48 : index
        %swap3A_218 = tpu.vector_load %arg17[%swap3A_216, %swap3A_217] {strides = array<i32>} : memref<408x128xf32, #tpu.memory_space<vmem>>, vector<1x16xf32>,
        %swap3A_219 = vector.shape_cast %swap3A_218 : vector<1x16xf32> to vector<16xf32>
        %swap3A_220 = vector.shape_cast %add3A_215 : vector<16xf32> to vector<1x16xf32>
        tpu.vector_store %arg17[%swap3A_216, %swap3A_217], %swap3A_220 {strides = array<i32>} : memref<408x128xf32, #tpu.memory_space<vmem>>, vector<1x16xf32>,
        %get3A_221 = arith.index_cast %add3A_153 : i32 to index
        %get3A_222 = arith.constant 64 : index
        %get3A_223 = tpu.vector_load %arg17[%get3A_221, %get3A_222] {strides = array<i32>} : memref<408x128xf32, #tpu.memory_space<vmem>>, vector<1x16xf32>,
        %get3A_224 = vector.shape_cast %get3A_223 : vector<1x16xf32> to vector<16xf32>
        %get3A_225 = arith.constant 0 : i32
        %get3A_226 = arith.index_cast %get3A_225 : i32 to index
        %get3A_227 = arith.constant 64 : index
        %get3A_228 = tpu.vector_load %arg15[%get3A_226, %get3A_227] {strides = array<i32>} : memref<26x128xf32, #tpu.memory_space<vmem>>, vector<1x16xf32>,
        %get3A_229 = vector.shape_cast %get3A_228 : vector<1x16xf32> to vector<16xf32>
        %mul3A_230 = vector.broadcast %squeeze3A : f32 to vector<16xf32>
        %mul3A_231 = arith.mulf %mul3A_230, %get3A_229 : vector<16xf32>
        %add3A_232 = arith.addf %get3A_224, %mul3A_231 : vector<16xf32>
        %swap3A_233 = arith.index_cast %add3A_153 : i32 to index
        %swap3A_234 = arith.constant 64 : index
        %swap3A_235 = tpu.vector_load %arg17[%swap3A_233, %swap3A_234] {strides = array<i32>} : memref<408x128xf32, #tpu.memory_space<vmem>>, vector<1x16xf32>,
        %swap3A_236 = vector.shape_cast %swap3A_235 : vector<1x16xf32> to vector<16xf32>
        %swap3A_237 = vector.shape_cast %add3A_232 : vector<16xf32> to vector<1x16xf32>
        tpu.vector_store %arg17[%swap3A_233, %swap3A_234], %swap3A_237 {strides = array<i32>} : memref<408x128xf32, #tpu.memory_space<vmem>>, vector<1x16xf32>,
        %get3A_238 = arith.index_cast %add3A_153 : i32 to index
        %get3A_239 = arith.constant 80 : index
        %get3A_240 = tpu.vector_load %arg17[%get3A_238, %get3A_239] {strides = array<i32>} : memref<408x128xf32, #tpu.memory_space<vmem>>, vector<1x16xf32>,
        %get3A_241 = vector.shape_cast %get3A_240 : vector<1x16xf32> to vector<16xf32>
        %get3A_242 = arith.constant 0 : i32
        %get3A_243 = arith.index_cast %get3A_242 : i32 to index
        %get3A_244 = arith.constant 80 : index
        %get3A_245 = tpu.vector_load %arg15[%get3A_243, %get3A_244] {strides = array<i32>} : memref<26x128xf32, #tpu.memory_space<vmem>>, vector<1x16xf32>,
        %get3A_246 = vector.shape_cast %get3A_245 : vector<1x16xf32> to vector<16xf32>
        %mul3A_247 = vector.broadcast %squeeze3A : f32 to vector<16xf32>
        %mul3A_248 = arith.mulf %mul3A_247, %get3A_246 : vector<16xf32>
        %add3A_249 = arith.addf %get3A_241, %mul3A_248 : vector<16xf32>
        %swap3A_250 = arith.index_cast %add3A_153 : i32 to index
        %swap3A_251 = arith.constant 80 : index
        %swap3A_252 = tpu.vector_load %arg17[%swap3A_250, %swap3A_251] {strides = array<i32>} : memref<408x128xf32, #tpu.memory_space<vmem>>, vector<1x16xf32>,
        %swap3A_253 = vector.shape_cast %swap3A_252 : vector<1x16xf32> to vector<16xf32>
        %swap3A_254 = vector.shape_cast %add3A_249 : vector<16xf32> to vector<1x16xf32>
        tpu.vector_store %arg17[%swap3A_250, %swap3A_251], %swap3A_254 {strides = array<i32>} : memref<408x128xf32, #tpu.memory_space<vmem>>, vector<1x16xf32>,
        %get3A_255 = arith.index_cast %add3A_153 : i32 to index
        %get3A_256 = arith.constant 96 : index
        %get3A_257 = tpu.vector_load %arg17[%get3A_255, %get3A_256] {strides = array<i32>} : memref<408x128xf32, #tpu.memory_space<vmem>>, vector<1x16xf32>,
        %get3A_258 = vector.shape_cast %get3A_257 : vector<1x16xf32> to vector<16xf32>
        %get3A_259 = arith.constant 0 : i32
        %get3A_260 = arith.index_cast %get3A_259 : i32 to index
        %get3A_261 = arith.constant 96 : index
        %get3A_262 = tpu.vector_load %arg15[%get3A_260, %get3A_261] {strides = array<i32>} : memref<26x128xf32, #tpu.memory_space<vmem>>, vector<1x16xf32>,
        %get3A_263 = vector.shape_cast %get3A_262 : vector<1x16xf32> to vector<16xf32>
        %mul3A_264 = vector.broadcast %squeeze3A : f32 to vector<16xf32>
        %mul3A_265 = arith.mulf %mul3A_264, %get3A_263 : vector<16xf32>
        %add3A_266 = arith.addf %get3A_258, %mul3A_265 : vector<16xf32>
        %swap3A_267 = arith.index_cast %add3A_153 : i32 to index
        %swap3A_268 = arith.constant 96 : index
        %swap3A_269 = tpu.vector_load %arg17[%swap3A_267, %swap3A_268] {strides = array<i32>} : memref<408x128xf32, #tpu.memory_space<vmem>>, vector<1x16xf32>,
        %swap3A_270 = vector.shape_cast %swap3A_269 : vector<1x16xf32> to vector<16xf32>
        %swap3A_271 = vector.shape_cast %add3A_266 : vector<16xf32> to vector<1x16xf32>
        tpu.vector_store %arg17[%swap3A_267, %swap3A_268], %swap3A_271 {strides = array<i32>} : memref<408x128xf32, #tpu.memory_space<vmem>>, vector<1x16xf32>,
        %get3A_272 = arith.index_cast %add3A_153 : i32 to index
        %get3A_273 = arith.constant 112 : index
        %get3A_274 = tpu.vector_load %arg17[%get3A_272, %get3A_273] {strides = array<i32>} : memref<408x128xf32, #tpu.memory_space<vmem>>, vector<1x16xf32>,
        %get3A_275 = vector.shape_cast %get3A_274 : vector<1x16xf32> to vector<16xf32>
        %get3A_276 = arith.constant 0 : i32
        %get3A_277 = arith.index_cast %get3A_276 : i32 to index
        %get3A_278 = arith.constant 112 : index
        %get3A_279 = tpu.vector_load %arg15[%get3A_277, %get3A_278] {strides = array<i32>} : memref<26x128xf32, #tpu.memory_space<vmem>>, vector<1x16xf32>,
        %get3A_280 = vector.shape_cast %get3A_279 : vector<1x16xf32> to vector<16xf32>
        %mul3A_281 = vector.broadcast %squeeze3A : f32 to vector<16xf32>
        %mul3A_282 = arith.mulf %mul3A_281, %get3A_280 : vector<16xf32>
        %add3A_283 = arith.addf %get3A_275, %mul3A_282 : vector<16xf32>
        %swap3A_284 = arith.index_cast %add3A_153 : i32 to index
        %swap3A_285 = arith.constant 112 : index
        %swap3A_286 = tpu.vector_load %arg17[%swap3A_284, %swap3A_285] {strides = array<i32>} : memref<408x128xf32, #tpu.memory_space<vmem>>, vector<1x16xf32>,
        %swap3A_287 = vector.shape_cast %swap3A_286 : vector<1x16xf32> to vector<16xf32>
        %swap3A_288 = vector.shape_cast %add3A_283 : vector<16xf32> to vector<1x16xf32>
        tpu.vector_store %arg17[%swap3A_284, %swap3A_285], %swap3A_288 {strides = array<i32>} : memref<408x128xf32, #tpu.memory_space<vmem>>, vector<1x16xf32>,
        %slice3A_289 = vector.extract_strided_slice %get3A_143 {offsets = [1], sizes = [1], strides = [1]} : vector<16xf32> to vector<1xf32>
        %squeeze3A_290 = vector.extract %slice3A_289[0] : f32 from vector<1xf32>
        %mul3A_291 = arith.constant 102 : i32
        %mul3A_292 = arith.muli %rem3A_101, %mul3A_291 : i32
        %add3A_293 = arith.constant 26 : i32
        %add3A_294 = arith.addi %mul3A_292, %add3A_293 : i32
        %add3A_295 = arith.constant 1 : i32
        %add3A_296 = arith.addi %add3A_294, %add3A_295 : i32
        %get3A_297 = arith.index_cast %add3A_296 : i32 to index
        %get3A_298 = arith.constant 0 : index
        %get3A_299 = tpu.vector_load %arg17[%get3A_297, %get3A_298] {strides = array<i32>} : memref<408x128xf32, #tpu.memory_space<vmem>>, vector<1x16xf32>,
        %get3A_300 = vector.shape_cast %get3A_299 : vector<1x16xf32> to vector<16xf32>
        %get3A_301 = arith.constant 1 : i32
        %get3A_302 = arith.index_cast %get3A_301 : i32 to index
        %get3A_303 = arith.constant 0 : index
        %get3A_304 = tpu.vector_load %arg15[%get3A_302, %get3A_303] {strides = array<i32>} : memref<26x128xf32, #tpu.memory_space<vmem>>, vector<1x16xf32>,
        %get3A_305 = vector.shape_cast %get3A_304 : vector<1x16xf32> to vector<16xf32>
        %mul3A_306 = vector.broadcast %squeeze3A_290 : f32 to vector<16xf32>
        %mul3A_307 = arith.mulf %mul3A_306, %get3A_305 : vector<16xf32>
        %add3A_308 = arith.addf %get3A_300, %mul3A_307 : vector<16xf32>
        %swap3A_309 = arith.index_cast %add3A_296 : i32 to index
        %swap3A_310 = arith.constant 0 : index
        %swap3A_311 = tpu.vector_load %arg17[%swap3A_309, %swap3A_310] {strides = array<i32>} : memref<408x128xf32, #tpu.memory_space<vmem>>, vector<1x16xf32>,
        %swap3A_312 = vector.shape_cast %swap3A_311 : vector<1x16xf32> to vector<16xf32>
        %swap3A_313 = vector.shape_cast %add3A_308 : vector<16xf32> to vector<1x16xf32>
        tpu.vector_store %arg17[%swap3A_309, %swap3A_310], %swap3A_313 {strides = array<i32>} : memref<408x128xf32, #tpu.memory_space<vmem>>, vector<1x16xf32>,
        %get3A_314 = arith.index_cast %add3A_296 : i32 to index
        %get3A_315 = arith.constant 16 : index
        %get3A_316 = tpu.vector_load %arg17[%get3A_314, %get3A_315] {strides = array<i32>} : memref<408x128xf32, #tpu.memory_space<vmem>>, vector<1x16xf32>,
        %get3A_317 = vector.shape_cast %get3A_316 : vector<1x16xf32> to vector<16xf32>
        %get3A_318 = arith.constant 1 : i32
        %get3A_319 = arith.index_cast %get3A_318 : i32 to index
        %get3A_320 = arith.constant 16 : index
        %get3A_321 = tpu.vector_load %arg15[%get3A_319, %get3A_320] {strides = array<i32>} : memref<26x128xf32, #tpu.memory_space<vmem>>, vector<1x16xf32>,
        %get3A_322 = vector.shape_cast %get3A_321 : vector<1x16xf32> to vector<16xf32>
        %mul3A_323 = vector.broadcast %squeeze3A_290 : f32 to vector<16xf32>
        %mul3A_324 = arith.mulf %mul3A_323, %get3A_322 : vector<16xf32>
        %add3A_325 = arith.addf %get3A_317, %mul3A_324 : vector<16xf32>
        %swap3A_326 = arith.index_cast %add3A_296 : i32 to index
        %swap3A_327 = arith.constant 16 : index
        %swap3A_328 = tpu.vector_load %arg17[%swap3A_326, %swap3A_327] {strides = array<i32>} : memref<408x128xf32, #tpu.memory_space<vmem>>, vector<1x16xf32>,
        %swap3A_329 = vector.shape_cast %swap3A_328 : vector<1x16xf32> to vector<16xf32>
        %swap3A_330 = vector.shape_cast %add3A_325 : vector<16xf32> to vector<1x16xf32>
        tpu.vector_store %arg17[%swap3A_326, %swap3A_327], %swap3A_330 {strides = array<i32>} : memref<408x128xf32, #tpu.memory_space<vmem>>, vector<1x16xf32>,
        %get3A_331 = arith.index_cast %add3A_296 : i32 to index
        %get3A_332 = arith.constant 32 : index
        %get3A_333 = tpu.vector_load %arg17[%get3A_331, %get3A_332] {strides = array<i32>} : memref<408x128xf32, #tpu.memory_space<vmem>>, vector<1x16xf32>,
        %get3A_334 = vector.shape_cast %get3A_333 : vector<1x16xf32> to vector<16xf32>
        %get3A_335 = arith.constant 1 : i32
        %get3A_336 = arith.index_cast %get3A_335 : i32 to index
        %get3A_337 = arith.constant 32 : index
        %get3A_338 = tpu.vector_load %arg15[%get3A_336, %get3A_337] {strides = array<i32>} : memref<26x128xf32, #tpu.memory_space<vmem>>, vector<1x16xf32>,
        %get3A_339 = vector.shape_cast %get3A_338 : vector<1x16xf32> to vector<16xf32>
        %mul3A_340 = vector.broadcast %squeeze3A_290 : f32 to vector<16xf32>
        %mul3A_341 = arith.mulf %mul3A_340, %get3A_339 : vector<16xf32>
        %add3A_342 = arith.addf %get3A_334, %mul3A_341 : vector<16xf32>
        %swap3A_343 = arith.index_cast %add3A_296 : i32 to index
        %swap3A_344 = arith.constant 32 : index
        %swap3A_345 = tpu.vector_load %arg17[%swap3A_343, %swap3A_344] {strides = array<i32>} : memref<408x128xf32, #tpu.memory_space<vmem>>, vector<1x16xf32>,
        %swap3A_346 = vector.shape_cast %swap3A_345 : vector<1x16xf32> to vector<16xf32>
        %swap3A_347 = vector.shape_cast %add3A_342 : vector<16xf32> to vector<1x16xf32>
        tpu.vector_store %arg17[%swap3A_343, %swap3A_344], %swap3A_347 {strides = array<i32>} : memref<408x128xf32, #tpu.memory_space<vmem>>, vector<1x16xf32>,
        %get3A_348 = arith.index_cast %add3A_296 : i32 to index
        %get3A_349 = arith.constant 48 : index
        %get3A_350 = tpu.vector_load %arg17[%get3A_348, %get3A_349] {strides = array<i32>} : memref<408x128xf32, #tpu.memory_space<vmem>>, vector<1x16xf32>,
        %get3A_351 = vector.shape_cast %get3A_350 : vector<1x16xf32> to vector<16xf32>
        %get3A_352 = arith.constant 1 : i32
        %get3A_353 = arith.index_cast %get3A_352 : i32 to index
        %get3A_354 = arith.constant 48 : index
        %get3A_355 = tpu.vector_load %arg15[%get3A_353, %get3A_354] {strides = array<i32>} : memref<26x128xf32, #tpu.memory_space<vmem>>, vector<1x16xf32>,
        %get3A_356 = vector.shape_cast %get3A_355 : vector<1x16xf32> to vector<16xf32>
        %mul3A_357 = vector.broadcast %squeeze3A_290 : f32 to vector<16xf32>
        %mul3A_358 = arith.mulf %mul3A_357, %get3A_356 : vector<16xf32>
        %add3A_359 = arith.addf %get3A_351, %mul3A_358 : vector<16xf32>
        %swap3A_360 = arith.index_cast %add3A_296 : i32 to index
        %swap3A_361 = arith.constant 48 : index
        %swap3A_362 = tpu.vector_load %arg17[%swap3A_360, %swap3A_361] {strides = array<i32>} : memref<408x128xf32, #tpu.memory_space<vmem>>, vector<1x16xf32>,
        %swap3A_363 = vector.shape_cast %swap3A_362 : vector<1x16xf32> to vector<16xf32>
        %swap3A_364 = vector.shape_cast %add3A_359 : vector<16xf32> to vector<1x16xf32>
        tpu.vector_store %arg17[%swap3A_360, %swap3A_361], %swap3A_364 {strides = array<i32>} : memref<408x128xf32, #tpu.memory_space<vmem>>, vector<1x16xf32>,
        %get3A_365 = arith.index_cast %add3A_296 : i32 to index
        %get3A_366 = arith.constant 64 : index
        %get3A_367 = tpu.vector_load %arg17[%get3A_365, %get3A_366] {strides = array<i32>} : memref<408x128xf32, #tpu.memory_space<vmem>>, vector<1x16xf32>,
        %get3A_368 = vector.shape_cast %get3A_367 : vector<1x16xf32> to vector<16xf32>
        %get3A_369 = arith.constant 1 : i32
        %get3A_370 = arith.index_cast %get3A_369 : i32 to index
        %get3A_371 = arith.constant 64 : index
        %get3A_372 = tpu.vector_load %arg15[%get3A_370, %get3A_371] {strides = array<i32>} : memref<26x128xf32, #tpu.memory_space<vmem>>, vector<1x16xf32>,
        %get3A_373 = vector.shape_cast %get3A_372 : vector<1x16xf32> to vector<16xf32>
        %mul3A_374 = vector.broadcast %squeeze3A_290 : f32 to vector<16xf32>
        %mul3A_375 = arith.mulf %mul3A_374, %get3A_373 : vector<16xf32>
        %add3A_376 = arith.addf %get3A_368, %mul3A_375 : vector<16xf32>
        %swap3A_377 = arith.index_cast %add3A_296 : i32 to index
        %swap3A_378 = arith.constant 64 : index
        %swap3A_379 = tpu.vector_load %arg17[%swap3A_377, %swap3A_378] {strides = array<i32>} : memref<408x128xf32, #tpu.memory_space<vmem>>, vector<1x16xf32>,
        %swap3A_380 = vector.shape_cast %swap3A_379 : vector<1x16xf32> to vector<16xf32>
        %swap3A_381 = vector.shape_cast %add3A_376 : vector<16xf32> to vector<1x16xf32>
        tpu.vector_store %arg17[%swap3A_377, %swap3A_378], %swap3A_381 {strides = array<i32>} : memref<408x128xf32, #tpu.memory_space<vmem>>, vector<1x16xf32>,
        %get3A_382 = arith.index_cast %add3A_296 : i32 to index
        %get3A_383 = arith.constant 80 : index
        %get3A_384 = tpu.vector_load %arg17[%get3A_382, %get3A_383] {strides = array<i32>} : memref<408x128xf32, #tpu.memory_space<vmem>>, vector<1x16xf32>,
        %get3A_385 = vector.shape_cast %get3A_384 : vector<1x16xf32> to vector<16xf32>
        %get3A_386 = arith.constant 1 : i32
        %get3A_387 = arith.index_cast %get3A_386 : i32 to index
        %get3A_388 = arith.constant 80 : index
        %get3A_389 = tpu.vector_load %arg15[%get3A_387, %get3A_388] {strides = array<i32>} : memref<26x128xf32, #tpu.memory_space<vmem>>, vector<1x16xf32>,
        %get3A_390 = vector.shape_cast %get3A_389 : vector<1x16xf32> to vector<16xf32>
        %mul3A_391 = vector.broadcast %squeeze3A_290 : f32 to vector<16xf32>
        %mul3A_392 = arith.mulf %mul3A_391, %get3A_390 : vector<16xf32>
        %add3A_393 = arith.addf %get3A_385, %mul3A_392 : vector<16xf32>
        %swap3A_394 = arith.index_cast %add3A_296 : i32 to index
        %swap3A_395 = arith.constant 80 : index
        %swap3A_396 = tpu.vector_load %arg17[%swap3A_394, %swap3A_395] {strides = array<i32>} : memref<408x128xf32, #tpu.memory_space<vmem>>, vector<1x16xf32>,
        %swap3A_397 = vector.shape_cast %swap3A_396 : vector<1x16xf32> to vector<16xf32>
        %swap3A_398 = vector.shape_cast %add3A_393 : vector<16xf32> to vector<1x16xf32>
        tpu.vector_store %arg17[%swap3A_394, %swap3A_395], %swap3A_398 {strides = array<i32>} : memref<408x128xf32, #tpu.memory_space<vmem>>, vector<1x16xf32>,
        %get3A_399 = arith.index_cast %add3A_296 : i32 to index
        %get3A_400 = arith.constant 96 : index
        %get3A_401 = tpu.vector_load %arg17[%get3A_399, %get3A_400] {strides = array<i32>} : memref<408x128xf32, #tpu.memory_space<vmem>>, vector<1x16xf32>,
        %get3A_402 = vector.shape_cast %get3A_401 : vector<1x16xf32> to vector<16xf32>
        %get3A_403 = arith.constant 1 : i32
        %get3A_404 = arith.index_cast %get3A_403 : i32 to index
        %get3A_405 = arith.constant 96 : index
        %get3A_406 = tpu.vector_load %arg15[%get3A_404, %get3A_405] {strides = array<i32>} : memref<26x128xf32, #tpu.memory_space<vmem>>, vector<1x16xf32>,
        %get3A_407 = vector.shape_cast %get3A_406 : vector<1x16xf32> to vector<16xf32>
        %mul3A_408 = vector.broadcast %squeeze3A_290 : f32 to vector<16xf32>
        %mul3A_409 = arith.mulf %mul3A_408, %get3A_407 : vector<16xf32>
        %add3A_410 = arith.addf %get3A_402, %mul3A_409 : vector<16xf32>
        %swap3A_411 = arith.index_cast %add3A_296 : i32 to index
        %swap3A_412 = arith.constant 96 : index
        %swap3A_413 = tpu.vector_load %arg17[%swap3A_411, %swap3A_412] {strides = array<i32>} : memref<408x128xf32, #tpu.memory_space<vmem>>, vector<1x16xf32>,
        %swap3A_414 = vector.shape_cast %swap3A_413 : vector<1x16xf32> to vector<16xf32>
        %swap3A_415 = vector.shape_cast %add3A_410 : vector<16xf32> to vector<1x16xf32>
        tpu.vector_store %arg17[%swap3A_411, %swap3A_412], %swap3A_415 {strides = array<i32>} : memref<408x128xf32, #tpu.memory_space<vmem>>, vector<1x16xf32>,
        %get3A_416 = arith.index_cast %add3A_296 : i32 to index
        %get3A_417 = arith.constant 112 : index
        %get3A_418 = tpu.vector_load %arg17[%get3A_416, %get3A_417] {strides = array<i32>} : memref<408x128xf32, #tpu.memory_space<vmem>>, vector<1x16xf32>,
        %get3A_419 = vector.shape_cast %get3A_418 : vector<1x16xf32> to vector<16xf32>
        %get3A_420 = arith.constant 1 : i32
        %get3A_421 = arith.index_cast %get3A_420 : i32 to index
        %get3A_422 = arith.constant 112 : index
        %get3A_423 = tpu.vector_load %arg15[%get3A_421, %get3A_422] {strides = array<i32>} : memref<26x128xf32, #tpu.memory_space<vmem>>, vector<1x16xf32>,
        %get3A_424 = vector.shape_cast %get3A_423 : vector<1x16xf32> to vector<16xf32>
        %mul3A_425 = vector.broadcast %squeeze3A_290 : f32 to vector<16xf32>
        %mul3A_426 = arith.mulf %mul3A_425, %get3A_424 : vector<16xf32>
        %add3A_427 = arith.addf %get3A_419, %mul3A_426 : vector<16xf32>
        %swap3A_428 = arith.index_cast %add3A_296 : i32 to index
        %swap3A_429 = arith.constant 112 : index
        %swap3A_430 = tpu.vector_load %arg17[%swap3A_428, %swap3A_429] {strides = array<i32>} : memref<408x128xf32, #tpu.memory_space<vmem>>, vector<1x16xf32>,
        %swap3A_431 = vector.shape_cast %swap3A_430 : vector<1x16xf32> to vector<16xf32>
        %swap3A_432 = vector.shape_cast %add3A_427 : vector<16xf32> to vector<1x16xf32>
        tpu.vector_store %arg17[%swap3A_428, %swap3A_429], %swap3A_432 {strides = array<i32>} : memref<408x128xf32, #tpu.memory_space<vmem>>, vector<1x16xf32>,
        %slice3A_433 = vector.extract_strided_slice %get3A_143 {offsets = [2], sizes = [1], strides = [1]} : vector<16xf32> to vector<1xf32>
        %squeeze3A_434 = vector.extract %slice3A_433[0] : f32 from vector<1xf32>
        %mul3A_435 = arith.constant 102 : i32
        %mul3A_436 = arith.muli %rem3A_101, %mul3A_435 : i32
        %add3A_437 = arith.constant 26 : i32
        %add3A_438 = arith.addi %mul3A_436, %add3A_437 : i32
        %add3A_439 = arith.constant 2 : i32
        %add3A_440 = arith.addi %add3A_438, %add3A_439 : i32
        %get3A_441 = arith.index_cast %add3A_440 : i32 to index
        %get3A_442 = arith.constant 0 : index
        %get3A_443 = tpu.vector_load %arg17[%get3A_441, %get3A_442] {strides = array<i32>} : memref<408x128xf32, #tpu.memory_space<vmem>>, vector<1x16xf32>,
        %get3A_444 = vector.shape_cast %get3A_443 : vector<1x16xf32> to vector<16xf32>
        %get3A_445 = arith.constant 2 : i32
        %get3A_446 = arith.index_cast %get3A_445 : i32 to index
        %get3A_447 = arith.constant 0 : index
        %get3A_448 = tpu.vector_load %arg15[%get3A_446, %get3A_447] {strides = array<i32>} : memref<26x128xf32, #tpu.memory_space<vmem>>, vector<1x16xf32>,
        %get3A_449 = vector.shape_cast %get3A_448 : vector<1x16xf32> to vector<16xf32>
        %mul3A_450 = vector.broadcast %squeeze3A_434 : f32 to vector<16xf32>
        %mul3A_451 = arith.mulf %mul3A_450, %get3A_449 : vector<16xf32>
        %add3A_452 = arith.addf %get3A_444, %mul3A_451 : vector<16xf32>
        %swap3A_453 = arith.index_cast %add3A_440 : i32 to index
        %swap3A_454 = arith.constant 0 : index
        %swap3A_455 = tpu.vector_load %arg17[%swap3A_453, %swap3A_454] {strides = array<i32>} : memref<408x128xf32, #tpu.memory_space<vmem>>, vector<1x16xf32>,
        %swap3A_456 = vector.shape_cast %swap3A_455 : vector<1x16xf32> to vector<16xf32>
        %swap3A_457 = vector.shape_cast %add3A_452 : vector<16xf32> to vector<1x16xf32>
        tpu.vector_store %arg17[%swap3A_453, %swap3A_454], %swap3A_457 {strides = array<i32>} : memref<408x128xf32, #tpu.memory_space<vmem>>, vector<1x16xf32>,
        %get3A_458 = arith.index_cast %add3A_440 : i32 to index
        %get3A_459 = arith.constant 16 : index
        %get3A_460 = tpu.vector_load %arg17[%get3A_458, %get3A_459] {strides = array<i32>} : memref<408x128xf32, #tpu.memory_space<vmem>>, vector<1x16xf32>,
        %get3A_461 = vector.shape_cast %get3A_460 : vector<1x16xf32> to vector<16xf32>
        %get3A_462 = arith.constant 2 : i32
        %get3A_463 = arith.index_cast %get3A_462 : i32 to index
        %get3A_464 = arith.constant 16 : index
        %get3A_465 = tpu.vector_load %arg15[%get3A_463, %get3A_464] {strides = array<i32>} : memref<26x128xf32, #tpu.memory_space<vmem>>, vector<1x16xf32>,
        %get3A_466 = vector.shape_cast %get3A_465 : vector<1x16xf32> to vector<16xf32>
        %mul3A_467 = vector.broadcast %squeeze3A_434 : f32 to vector<16xf32>
        %mul3A_468 = arith.mulf %mul3A_467, %get3A_466 : vector<16xf32>
        %add3A_469 = arith.addf %get3A_461, %mul3A_468 : vector<16xf32>
        %swap3A_470 = arith.index_cast %add3A_440 : i32 to index
        %swap3A_471 = arith.constant 16 : index
        %swap3A_472 = tpu.vector_load %arg17[%swap3A_470, %swap3A_471] {strides = array<i32>} : memref<408x128xf32, #tpu.memory_space<vmem>>, vector<1x16xf32>,
        %swap3A_473 = vector.shape_cast %swap3A_472 : vector<1x16xf32> to vector<16xf32>
        %swap3A_474 = vector.shape_cast %add3A_469 : vector<16xf32> to vector<1x16xf32>
        tpu.vector_store %arg17[%swap3A_470, %swap3A_471], %swap3A_474 {strides = array<i32>} : memref<408x128xf32, #tpu.memory_space<vmem>>, vector<1x16xf32>,
        %get3A_475 = arith.index_cast %add3A_440 : i32 to index
        %get3A_476 = arith.constant 32 : index
        %get3A_477 = tpu.vector_load %arg17[%get3A_475, %get3A_476] {strides = array<i32>} : memref<408x128xf32, #tpu.memory_space<vmem>>, vector<1x16xf32>,
        %get3A_478 = vector.shape_cast %get3A_477 : vector<1x16xf32> to vector<16xf32>
        %get3A_479 = arith.constant 2 : i32
        %get3A_480 = arith.index_cast %get3A_479 : i32 to index
        %get3A_481 = arith.constant 32 : index
        %get3A_482 = tpu.vector_load %arg15[%get3A_480, %get3A_481] {strides = array<i32>} : memref<26x128xf32, #tpu.memory_space<vmem>>, vector<1x16xf32>,
        %get3A_483 = vector.shape_cast %get3A_482 : vector<1x16xf32> to vector<16xf32>
        %mul3A_484 = vector.broadcast %squeeze3A_434 : f32 to vector<16xf32>
        %mul3A_485 = arith.mulf %mul3A_484, %get3A_483 : vector<16xf32>
        %add3A_486 = arith.addf %get3A_478, %mul3A_485 : vector<16xf32>
        %swap3A_487 = arith.index_cast %add3A_440 : i32 to index
        %swap3A_488 = arith.constant 32 : index
        %swap3A_489 = tpu.vector_load %arg17[%swap3A_487, %swap3A_488] {strides = array<i32>} : memref<408x128xf32, #tpu.memory_space<vmem>>, vector<1x16xf32>,
        %swap3A_490 = vector.shape_cast %swap3A_489 : vector<1x16xf32> to vector<16xf32>
        %swap3A_491 = vector.shape_cast %add3A_486 : vector<16xf32> to vector<1x16xf32>
        tpu.vector_store %arg17[%swap3A_487, %swap3A_488], %swap3A_491 {strides = array<i32>} : memref<408x128xf32, #tpu.memory_space<vmem>>, vector<1x16xf32>,
        %get3A_492 = arith.index_cast %add3A_440 : i32 to index
        %get3A_493 = arith.constant 48 : index
        %get3A_494 = tpu.vector_load %arg17[%get3A_492, %get3A_493] {strides = array<i32>} : memref<408x128xf32, #tpu.memory_space<vmem>>, vector<1x16xf32>,
        %get3A_495 = vector.shape_cast %get3A_494 : vector<1x16xf32> to vector<16xf32>
        %get3A_496 = arith.constant 2 : i32
        %get3A_497 = arith.index_cast %get3A_496 : i32 to index
        %get3A_498 = arith.constant 48 : index
        %get3A_499 = tpu.vector_load %arg15[%get3A_497, %get3A_498] {strides = array<i32>} : memref<26x128xf32, #tpu.memory_space<vmem>>, vector<1x16xf32>,
        %get3A_500 = vector.shape_cast %get3A_499 : vector<1x16xf32> to vector<16xf32>
        %mul3A_501 = vector.broadcast %squeeze3A_434 : f32 to vector<16xf32>
        %mul3A_502 = arith.mulf %mul3A_501, %get3A_500 : vector<16xf32>
        %add3A_503 = arith.addf %get3A_495, %mul3A_502 : vector<16xf32>
        %swap3A_504 = arith.index_cast %add3A_440 : i32 to index
        %swap3A_505 = arith.constant 48 : index
        %swap3A_506 = tpu.vector_load %arg17[%swap3A_504, %swap3A_505] {strides = array<i32>} : memref<408x128xf32, #tpu.memory_space<vmem>>, vector<1x16xf32>,
        %swap3A_507 = vector.shape_cast %swap3A_506 : vector<1x16xf32> to vector<16xf32>
        %swap3A_508 = vector.shape_cast %add3A_503 : vector<16xf32> to vector<1x16xf32>
        tpu.vector_store %arg17[%swap3A_504, %swap3A_505], %swap3A_508 {strides = array<i32>} : memref<408x128xf32, #tpu.memory_space<vmem>>, vector<1x16xf32>,
        %get3A_509 = arith.index_cast %add3A_440 : i32 to index
        %get3A_510 = arith.constant 64 : index
        %get3A_511 = tpu.vector_load %arg17[%get3A_509, %get3A_510] {strides = array<i32>} : memref<408x128xf32, #tpu.memory_space<vmem>>, vector<1x16xf32>,
        %get3A_512 = vector.shape_cast %get3A_511 : vector<1x16xf32> to vector<16xf32>
        %get3A_513 = arith.constant 2 : i32
        %get3A_514 = arith.index_cast %get3A_513 : i32 to index
        %get3A_515 = arith.constant 64 : index
        %get3A_516 = tpu.vector_load %arg15[%get3A_514, %get3A_515] {strides = array<i32>} : memref<26x128xf32, #tpu.memory_space<vmem>>, vector<1x16xf32>,
        %get3A_517 = vector.shape_cast %get3A_516 : vector<1x16xf32> to vector<16xf32>
        %mul3A_518 = vector.broadcast %squeeze3A_434 : f32 to vector<16xf32>
        %mul3A_519 = arith.mulf %mul3A_518, %get3A_517 : vector<16xf32>
        %add3A_520 = arith.addf %get3A_512, %mul3A_519 : vector<16xf32>
        %swap3A_521 = arith.index_cast %add3A_440 : i32 to index
        %swap3A_522 = arith.constant 64 : index
        %swap3A_523 = tpu.vector_load %arg17[%swap3A_521, %swap3A_522] {strides = array<i32>} : memref<408x128xf32, #tpu.memory_space<vmem>>, vector<1x16xf32>,
        %swap3A_524 = vector.shape_cast %swap3A_523 : vector<1x16xf32> to vector<16xf32>
        %swap3A_525 = vector.shape_cast %add3A_520 : vector<16xf32> to vector<1x16xf32>
        tpu.vector_store %arg17[%swap3A_521, %swap3A_522], %swap3A_525 {strides = array<i32>} : memref<408x128xf32, #tpu.memory_space<vmem>>, vector<1x16xf32>,
        %get3A_526 = arith.index_cast %add3A_440 : i32 to index
        %get3A_527 = arith.constant 80 : index
        %get3A_528 = tpu.vector_load %arg17[%get3A_526, %get3A_527] {strides = array<i32>} : memref<408x128xf32, #tpu.memory_space<vmem>>, vector<1x16xf32>,
        %get3A_529 = vector.shape_cast %get3A_528 : vector<1x16xf32> to vector<16xf32>
        %get3A_530 = arith.constant 2 : i32
        %get3A_531 = arith.index_cast %get3A_530 : i32 to index
        %get3A_532 = arith.constant 80 : index
        %get3A_533 = tpu.vector_load %arg15[%get3A_531, %get3A_532] {strides = array<i32>} : memref<26x128xf32, #tpu.memory_space<vmem>>, vector<1x16xf32>,
        %get3A_534 = vector.shape_cast %get3A_533 : vector<1x16xf32> to vector<16xf32>
        %mul3A_535 = vector.broadcast %squeeze3A_434 : f32 to vector<16xf32>
        %mul3A_536 = arith.mulf %mul3A_535, %get3A_534 : vector<16xf32>
        %add3A_537 = arith.addf %get3A_529, %mul3A_536 : vector<16xf32>
        %swap3A_538 = arith.index_cast %add3A_440 : i32 to index
        %swap3A_539 = arith.constant 80 : index
        %swap3A_540 = tpu.vector_load %arg17[%swap3A_538, %swap3A_539] {strides = array<i32>} : memref<408x128xf32, #tpu.memory_space<vmem>>, vector<1x16xf32>,
        %swap3A_541 = vector.shape_cast %swap3A_540 : vector<1x16xf32> to vector<16xf32>
        %swap3A_542 = vector.shape_cast %add3A_537 : vector<16xf32> to vector<1x16xf32>
        tpu.vector_store %arg17[%swap3A_538, %swap3A_539], %swap3A_542 {strides = array<i32>} : memref<408x128xf32, #tpu.memory_space<vmem>>, vector<1x16xf32>,
        %get3A_543 = arith.index_cast %add3A_440 : i32 to index
        %get3A_544 = arith.constant 96 : index
        %get3A_545 = tpu.vector_load %arg17[%get3A_543, %get3A_544] {strides = array<i32>} : memref<408x128xf32, #tpu.memory_space<vmem>>, vector<1x16xf32>,
        %get3A_546 = vector.shape_cast %get3A_545 : vector<1x16xf32> to vector<16xf32>
        %get3A_547 = arith.constant 2 : i32
        %get3A_548 = arith.index_cast %get3A_547 : i32 to index
        %get3A_549 = arith.constant 96 : index
        %get3A_550 = tpu.vector_load %arg15[%get3A_548, %get3A_549] {strides = array<i32>} : memref<26x128xf32, #tpu.memory_space<vmem>>, vector<1x16xf32>,
        %get3A_551 = vector.shape_cast %get3A_550 : vector<1x16xf32> to vector<16xf32>
        %mul3A_552 = vector.broadcast %squeeze3A_434 : f32 to vector<16xf32>
        %mul3A_553 = arith.mulf %mul3A_552, %get3A_551 : vector<16xf32>
        %add3A_554 = arith.addf %get3A_546, %mul3A_553 : vector<16xf32>
        %swap3A_555 = arith.index_cast %add3A_440 : i32 to index
        %swap3A_556 = arith.constant 96 : index
        %swap3A_557 = tpu.vector_load %arg17[%swap3A_555, %swap3A_556] {strides = array<i32>} : memref<408x128xf32, #tpu.memory_space<vmem>>, vector<1x16xf32>,
        %swap3A_558 = vector.shape_cast %swap3A_557 : vector<1x16xf32> to vector<16xf32>
        %swap3A_559 = vector.shape_cast %add3A_554 : vector<16xf32> to vector<1x16xf32>
        tpu.vector_store %arg17[%swap3A_555, %swap3A_556], %swap3A_559 {strides = array<i32>} : memref<408x128xf32, #tpu.memory_space<vmem>>, vector<1x16xf32>,
        %get3A_560 = arith.index_cast %add3A_440 : i32 to index
        %get3A_561 = arith.constant 112 : index
        %get3A_562 = tpu.vector_load %arg17[%get3A_560, %get3A_561] {strides = array<i32>} : memref<408x128xf32, #tpu.memory_space<vmem>>, vector<1x16xf32>,
        %get3A_563 = vector.shape_cast %get3A_562 : vector<1x16xf32> to vector<16xf32>
        %get3A_564 = arith.constant 2 : i32
        %get3A_565 = arith.index_cast %get3A_564 : i32 to index
        %get3A_566 = arith.constant 112 : index
        %get3A_567 = tpu.vector_load %arg15[%get3A_565, %get3A_566] {strides = array<i32>} : memref<26x128xf32, #tpu.memory_space<vmem>>, vector<1x16xf32>,
        %get3A_568 = vector.shape_cast %get3A_567 : vector<1x16xf32> to vector<16xf32>
        %mul3A_569 = vector.broadcast %squeeze3A_434 : f32 to vector<16xf32>
        %mul3A_570 = arith.mulf %mul3A_569, %get3A_568 : vector<16xf32>
        %add3A_571 = arith.addf %get3A_563, %mul3A_570 : vector<16xf32>
        %swap3A_572 = arith.index_cast %add3A_440 : i32 to index
        %swap3A_573 = arith.constant 112 : index
        %swap3A_574 = tpu.vector_load %arg17[%swap3A_572, %swap3A_573] {strides = array<i32>} : memref<408x128xf32, #tpu.memory_space<vmem>>, vector<1x16xf32>,
        %swap3A_575 = vector.shape_cast %swap3A_574 : vector<1x16xf32> to vector<16xf32>
        %swap3A_576 = vector.shape_cast %add3A_571 : vector<16xf32> to vector<1x16xf32>
        tpu.vector_store %arg17[%swap3A_572, %swap3A_573], %swap3A_576 {strides = array<i32>} : memref<408x128xf32, #tpu.memory_space<vmem>>, vector<1x16xf32>,
        %slice3A_577 = vector.extract_strided_slice %get3A_143 {offsets = [3], sizes = [1], strides = [1]} : vector<16xf32> to vector<1xf32>
        %squeeze3A_578 = vector.extract %slice3A_577[0] : f32 from vector<1xf32>
        %mul3A_579 = arith.constant 102 : i32
        %mul3A_580 = arith.muli %rem3A_101, %mul3A_579 : i32
        %add3A_581 = arith.constant 26 : i32
        %add3A_582 = arith.addi %mul3A_580, %add3A_581 : i32
        %add3A_583 = arith.constant 3 : i32
        %add3A_584 = arith.addi %add3A_582, %add3A_583 : i32
        %get3A_585 = arith.index_cast %add3A_584 : i32 to index
        %get3A_586 = arith.constant 0 : index
        %get3A_587 = tpu.vector_load %arg17[%get3A_585, %get3A_586] {strides = array<i32>} : memref<408x128xf32, #tpu.memory_space<vmem>>, vector<1x16xf32>,
        %get3A_588 = vector.shape_cast %get3A_587 : vector<1x16xf32> to vector<16xf32>
        %get3A_589 = arith.constant 3 : i32
        %get3A_590 = arith.index_cast %get3A_589 : i32 to index
        %get3A_591 = arith.constant 0 : index
        %get3A_592 = tpu.vector_load %arg15[%get3A_590, %get3A_591] {strides = array<i32>} : memref<26x128xf32, #tpu.memory_space<vmem>>, vector<1x16xf32>,
        %get3A_593 = vector.shape_cast %get3A_592 : vector<1x16xf32> to vector<16xf32>
        %mul3A_594 = vector.broadcast %squeeze3A_578 : f32 to vector<16xf32>
        %mul3A_595 = arith.mulf %mul3A_594, %get3A_593 : vector<16xf32>
        %add3A_596 = arith.addf %get3A_588, %mul3A_595 : vector<16xf32>
        %swap3A_597 = arith.index_cast %add3A_584 : i32 to index
        %swap3A_598 = arith.constant 0 : index
        %swap3A_599 = tpu.vector_load %arg17[%swap3A_597, %swap3A_598] {strides = array<i32>} : memref<408x128xf32, #tpu.memory_space<vmem>>, vector<1x16xf32>,
        %swap3A_600 = vector.shape_cast %swap3A_599 : vector<1x16xf32> to vector<16xf32>
        %swap3A_601 = vector.shape_cast %add3A_596 : vector<16xf32> to vector<1x16xf32>
        tpu.vector_store %arg17[%swap3A_597, %swap3A_598], %swap3A_601 {strides = array<i32>} : memref<408x128xf32, #tpu.memory_space<vmem>>, vector<1x16xf32>,
        %get3A_602 = arith.index_cast %add3A_584 : i32 to index
        %get3A_603 = arith.constant 16 : index
        %get3A_604 = tpu.vector_load %arg17[%get3A_602, %get3A_603] {strides = array<i32>} : memref<408x128xf32, #tpu.memory_space<vmem>>, vector<1x16xf32>,
        %get3A_605 = vector.shape_cast %get3A_604 : vector<1x16xf32> to vector<16xf32>
        %get3A_606 = arith.constant 3 : i32
        %get3A_607 = arith.index_cast %get3A_606 : i32 to index
        %get3A_608 = arith.constant 16 : index
        %get3A_609 = tpu.vector_load %arg15[%get3A_607, %get3A_608] {strides = array<i32>} : memref<26x128xf32, #tpu.memory_space<vmem>>, vector<1x16xf32>,
        %get3A_610 = vector.shape_cast %get3A_609 : vector<1x16xf32> to vector<16xf32>
        %mul3A_611 = vector.broadcast %squeeze3A_578 : f32 to vector<16xf32>
        %mul3A_612 = arith.mulf %mul3A_611, %get3A_610 : vector<16xf32>
        %add3A_613 = arith.addf %get3A_605, %mul3A_612 : vector<16xf32>
        %swap3A_614 = arith.index_cast %add3A_584 : i32 to index
        %swap3A_615 = arith.constant 16 : index
        %swap3A_616 = tpu.vector_load %arg17[%swap3A_614, %swap3A_615] {strides = array<i32>} : memref<408x128xf32, #tpu.memory_space<vmem>>, vector<1x16xf32>,
        %swap3A_617 = vector.shape_cast %swap3A_616 : vector<1x16xf32> to vector<16xf32>
        %swap3A_618 = vector.shape_cast %add3A_613 : vector<16xf32> to vector<1x16xf32>
        tpu.vector_store %arg17[%swap3A_614, %swap3A_615], %swap3A_618 {strides = array<i32>} : memref<408x128xf32, #tpu.memory_space<vmem>>, vector<1x16xf32>,
        %get3A_619 = arith.index_cast %add3A_584 : i32 to index
        %get3A_620 = arith.constant 32 : index
        %get3A_621 = tpu.vector_load %arg17[%get3A_619, %get3A_620] {strides = array<i32>} : memref<408x128xf32, #tpu.memory_space<vmem>>, vector<1x16xf32>,
        %get3A_622 = vector.shape_cast %get3A_621 : vector<1x16xf32> to vector<16xf32>
        %get3A_623 = arith.constant 3 : i32
        %get3A_624 = arith.index_cast %get3A_623 : i32 to index
        %get3A_625 = arith.constant 32 : index
        %get3A_626 = tpu.vector_load %arg15[%get3A_624, %get3A_625] {strides = array<i32>} : memref<26x128xf32, #tpu.memory_space<vmem>>, vector<1x16xf32>,
        %get3A_627 = vector.shape_cast %get3A_626 : vector<1x16xf32> to vector<16xf32>
        %mul3A_628 = vector.broadcast %squeeze3A_578 : f32 to vector<16xf32>
        %mul3A_629 = arith.mulf %mul3A_628, %get3A_627 : vector<16xf32>
        %add3A_630 = arith.addf %get3A_622, %mul3A_629 : vector<16xf32>
        %swap3A_631 = arith.index_cast %add3A_584 : i32 to index
        %swap3A_632 = arith.constant 32 : index
        %swap3A_633 = tpu.vector_load %arg17[%swap3A_631, %swap3A_632] {strides = array<i32>} : memref<408x128xf32, #tpu.memory_space<vmem>>, vector<1x16xf32>,
        %swap3A_634 = vector.shape_cast %swap3A_633 : vector<1x16xf32> to vector<16xf32>
        %swap3A_635 = vector.shape_cast %add3A_630 : vector<16xf32> to vector<1x16xf32>
        tpu.vector_store %arg17[%swap3A_631, %swap3A_632], %swap3A_635 {strides = array<i32>} : memref<408x128xf32, #tpu.memory_space<vmem>>, vector<1x16xf32>,
        %get3A_636 = arith.index_cast %add3A_584 : i32 to index
        %get3A_637 = arith.constant 48 : index
        %get3A_638 = tpu.vector_load %arg17[%get3A_636, %get3A_637] {strides = array<i32>} : memref<408x128xf32, #tpu.memory_space<vmem>>, vector<1x16xf32>,
        %get3A_639 = vector.shape_cast %get3A_638 : vector<1x16xf32> to vector<16xf32>
        %get3A_640 = arith.constant 3 : i32
        %get3A_641 = arith.index_cast %get3A_640 : i32 to index
        %get3A_642 = arith.constant 48 : index
        %get3A_643 = tpu.vector_load %arg15[%get3A_641, %get3A_642] {strides = array<i32>} : memref<26x128xf32, #tpu.memory_space<vmem>>, vector<1x16xf32>,
        %get3A_644 = vector.shape_cast %get3A_643 : vector<1x16xf32> to vector<16xf32>
        %mul3A_645 = vector.broadcast %squeeze3A_578 : f32 to vector<16xf32>
        %mul3A_646 = arith.mulf %mul3A_645, %get3A_644 : vector<16xf32>
        %add3A_647 = arith.addf %get3A_639, %mul3A_646 : vector<16xf32>
        %swap3A_648 = arith.index_cast %add3A_584 : i32 to index
        %swap3A_649 = arith.constant 48 : index
        %swap3A_650 = tpu.vector_load %arg17[%swap3A_648, %swap3A_649] {strides = array<i32>} : memref<408x128xf32, #tpu.memory_space<vmem>>, vector<1x16xf32>,
        %swap3A_651 = vector.shape_cast %swap3A_650 : vector<1x16xf32> to vector<16xf32>
        %swap3A_652 = vector.shape_cast %add3A_647 : vector<16xf32> to vector<1x16xf32>
        tpu.vector_store %arg17[%swap3A_648, %swap3A_649], %swap3A_652 {strides = array<i32>} : memref<408x128xf32, #tpu.memory_space<vmem>>, vector<1x16xf32>,
        %get3A_653 = arith.index_cast %add3A_584 : i32 to index
        %get3A_654 = arith.constant 64 : index
        %get3A_655 = tpu.vector_load %arg17[%get3A_653, %get3A_654] {strides = array<i32>} : memref<408x128xf32, #tpu.memory_space<vmem>>, vector<1x16xf32>,
        %get3A_656 = vector.shape_cast %get3A_655 : vector<1x16xf32> to vector<16xf32>
        %get3A_657 = arith.constant 3 : i32
        %get3A_658 = arith.index_cast %get3A_657 : i32 to index
        %get3A_659 = arith.constant 64 : index
        %get3A_660 = tpu.vector_load %arg15[%get3A_658, %get3A_659] {strides = array<i32>} : memref<26x128xf32, #tpu.memory_space<vmem>>, vector<1x16xf32>,
        %get3A_661 = vector.shape_cast %get3A_660 : vector<1x16xf32> to vector<16xf32>
        %mul3A_662 = vector.broadcast %squeeze3A_578 : f32 to vector<16xf32>
        %mul3A_663 = arith.mulf %mul3A_662, %get3A_661 : vector<16xf32>
        %add3A_664 = arith.addf %get3A_656, %mul3A_663 : vector<16xf32>
        %swap3A_665 = arith.index_cast %add3A_584 : i32 to index
        %swap3A_666 = arith.constant 64 : index
        %swap3A_667 = tpu.vector_load %arg17[%swap3A_665, %swap3A_666] {strides = array<i32>} : memref<408x128xf32, #tpu.memory_space<vmem>>, vector<1x16xf32>,
        %swap3A_668 = vector.shape_cast %swap3A_667 : vector<1x16xf32> to vector<16xf32>
        %swap3A_669 = vector.shape_cast %add3A_664 : vector<16xf32> to vector<1x16xf32>
        tpu.vector_store %arg17[%swap3A_665, %swap3A_666], %swap3A_669 {strides = array<i32>} : memref<408x128xf32, #tpu.memory_space<vmem>>, vector<1x16xf32>,
        %get3A_670 = arith.index_cast %add3A_584 : i32 to index
        %get3A_671 = arith.constant 80 : index
        %get3A_672 = tpu.vector_load %arg17[%get3A_670, %get3A_671] {strides = array<i32>} : memref<408x128xf32, #tpu.memory_space<vmem>>, vector<1x16xf32>,
        %get3A_673 = vector.shape_cast %get3A_672 : vector<1x16xf32> to vector<16xf32>
        %get3A_674 = arith.constant 3 : i32
        %get3A_675 = arith.index_cast %get3A_674 : i32 to index
        %get3A_676 = arith.constant 80 : index
        %get3A_677 = tpu.vector_load %arg15[%get3A_675, %get3A_676] {strides = array<i32>} : memref<26x128xf32, #tpu.memory_space<vmem>>, vector<1x16xf32>,
        %get3A_678 = vector.shape_cast %get3A_677 : vector<1x16xf32> to vector<16xf32>
        %mul3A_679 = vector.broadcast %squeeze3A_578 : f32 to vector<16xf32>
        %mul3A_680 = arith.mulf %mul3A_679, %get3A_678 : vector<16xf32>
        %add3A_681 = arith.addf %get3A_673, %mul3A_680 : vector<16xf32>
        %swap3A_682 = arith.index_cast %add3A_584 : i32 to index
        %swap3A_683 = arith.constant 80 : index
        %swap3A_684 = tpu.vector_load %arg17[%swap3A_682, %swap3A_683] {strides = array<i32>} : memref<408x128xf32, #tpu.memory_space<vmem>>, vector<1x16xf32>,
        %swap3A_685 = vector.shape_cast %swap3A_684 : vector<1x16xf32> to vector<16xf32>
        %swap3A_686 = vector.shape_cast %add3A_681 : vector<16xf32> to vector<1x16xf32>
        tpu.vector_store %arg17[%swap3A_682, %swap3A_683], %swap3A_686 {strides = array<i32>} : memref<408x128xf32, #tpu.memory_space<vmem>>, vector<1x16xf32>,
        %get3A_687 = arith.index_cast %add3A_584 : i32 to index
        %get3A_688 = arith.constant 96 : index
        %get3A_689 = tpu.vector_load %arg17[%get3A_687, %get3A_688] {strides = array<i32>} : memref<408x128xf32, #tpu.memory_space<vmem>>, vector<1x16xf32>,
        %get3A_690 = vector.shape_cast %get3A_689 : vector<1x16xf32> to vector<16xf32>
        %get3A_691 = arith.constant 3 : i32
        %get3A_692 = arith.index_cast %get3A_691 : i32 to index
        %get3A_693 = arith.constant 96 : index
        %get3A_694 = tpu.vector_load %arg15[%get3A_692, %get3A_693] {strides = array<i32>} : memref<26x128xf32, #tpu.memory_space<vmem>>, vector<1x16xf32>,
        %get3A_695 = vector.shape_cast %get3A_694 : vector<1x16xf32> to vector<16xf32>
        %mul3A_696 = vector.broadcast %squeeze3A_578 : f32 to vector<16xf32>
        %mul3A_697 = arith.mulf %mul3A_696, %get3A_695 : vector<16xf32>
        %add3A_698 = arith.addf %get3A_690, %mul3A_697 : vector<16xf32>
        %swap3A_699 = arith.index_cast %add3A_584 : i32 to index
        %swap3A_700 = arith.constant 96 : index
        %swap3A_701 = tpu.vector_load %arg17[%swap3A_699, %swap3A_700] {strides = array<i32>} : memref<408x128xf32, #tpu.memory_space<vmem>>, vector<1x16xf32>,
        %swap3A_702 = vector.shape_cast %swap3A_701 : vector<1x16xf32> to vector<16xf32>
        %swap3A_703 = vector.shape_cast %add3A_698 : vector<16xf32> to vector<1x16xf32>
        tpu.vector_store %arg17[%swap3A_699, %swap3A_700], %swap3A_703 {strides = array<i32>} : memref<408x128xf32, #tpu.memory_space<vmem>>, vector<1x16xf32>,
        %get3A_704 = arith.index_cast %add3A_584 : i32 to index
        %get3A_705 = arith.constant 112 : index
        %get3A_706 = tpu.vector_load %arg17[%get3A_704, %get3A_705] {strides = array<i32>} : memref<408x128xf32, #tpu.memory_space<vmem>>, vector<1x16xf32>,
        %get3A_707 = vector.shape_cast %get3A_706 : vector<1x16xf32> to vector<16xf32>
        %get3A_708 = arith.constant 3 : i32
        %get3A_709 = arith.index_cast %get3A_708 : i32 to index
        %get3A_710 = arith.constant 112 : index
        %get3A_711 = tpu.vector_load %arg15[%get3A_709, %get3A_710] {strides = array<i32>} : memref<26x128xf32, #tpu.memory_space<vmem>>, vector<1x16xf32>,
        %get3A_712 = vector.shape_cast %get3A_711 : vector<1x16xf32> to vector<16xf32>
        %mul3A_713 = vector.broadcast %squeeze3A_578 : f32 to vector<16xf32>
        %mul3A_714 = arith.mulf %mul3A_713, %get3A_712 : vector<16xf32>
        %add3A_715 = arith.addf %get3A_707, %mul3A_714 : vector<16xf32>
        %swap3A_716 = arith.index_cast %add3A_584 : i32 to index
        %swap3A_717 = arith.constant 112 : index
        %swap3A_718 = tpu.vector_load %arg17[%swap3A_716, %swap3A_717] {strides = array<i32>} : memref<408x128xf32, #tpu.memory_space<vmem>>, vector<1x16xf32>,
        %swap3A_719 = vector.shape_cast %swap3A_718 : vector<1x16xf32> to vector<16xf32>
        %swap3A_720 = vector.shape_cast %add3A_715 : vector<16xf32> to vector<1x16xf32>
        tpu.vector_store %arg17[%swap3A_716, %swap3A_717], %swap3A_720 {strides = array<i32>} : memref<408x128xf32, #tpu.memory_space<vmem>>, vector<1x16xf32>,
        %slice3A_721 = vector.extract_strided_slice %get3A_143 {offsets = [4], sizes = [1], strides = [1]} : vector<16xf32> to vector<1xf32>
        %squeeze3A_722 = vector.extract %slice3A_721[0] : f32 from vector<1xf32>
        %mul3A_723 = arith.constant 102 : i32
        %mul3A_724 = arith.muli %rem3A_101, %mul3A_723 : i32
        %add3A_725 = arith.constant 26 : i32
        %add3A_726 = arith.addi %mul3A_724, %add3A_725 : i32
        %add3A_727 = arith.constant 4 : i32
        %add3A_728 = arith.addi %add3A_726, %add3A_727 : i32
        %get3A_729 = arith.index_cast %add3A_728 : i32 to index
        %get3A_730 = arith.constant 0 : index
        %get3A_731 = tpu.vector_load %arg17[%get3A_729, %get3A_730] {strides = array<i32>} : memref<408x128xf32, #tpu.memory_space<vmem>>, vector<1x16xf32>,
        %get3A_732 = vector.shape_cast %get3A_731 : vector<1x16xf32> to vector<16xf32>
        %get3A_733 = arith.constant 4 : i32
        %get3A_734 = arith.index_cast %get3A_733 : i32 to index
        %get3A_735 = arith.constant 0 : index
        %get3A_736 = tpu.vector_load %arg15[%get3A_734, %get3A_735] {strides = array<i32>} : memref<26x128xf32, #tpu.memory_space<vmem>>, vector<1x16xf32>,
        %get3A_737 = vector.shape_cast %get3A_736 : vector<1x16xf32> to vector<16xf32>
        %mul3A_738 = vector.broadcast %squeeze3A_722 : f32 to vector<16xf32>
        %mul3A_739 = arith.mulf %mul3A_738, %get3A_737 : vector<16xf32>
        %add3A_740 = arith.addf %get3A_732, %mul3A_739 : vector<16xf32>
        %swap3A_741 = arith.index_cast %add3A_728 : i32 to index
        %swap3A_742 = arith.constant 0 : index
        %swap3A_743 = tpu.vector_load %arg17[%swap3A_741, %swap3A_742] {strides = array<i32>} : memref<408x128xf32, #tpu.memory_space<vmem>>, vector<1x16xf32>,
        %swap3A_744 = vector.shape_cast %swap3A_743 : vector<1x16xf32> to vector<16xf32>
        %swap3A_745 = vector.shape_cast %add3A_740 : vector<16xf32> to vector<1x16xf32>
        tpu.vector_store %arg17[%swap3A_741, %swap3A_742], %swap3A_745 {strides = array<i32>} : memref<408x128xf32, #tpu.memory_space<vmem>>, vector<1x16xf32>,
        %get3A_746 = arith.index_cast %add3A_728 : i32 to index
        %get3A_747 = arith.constant 16 : index
        %get3A_748 = tpu.vector_load %arg17[%get3A_746, %get3A_747] {strides = array<i32>} : memref<408x128xf32, #tpu.memory_space<vmem>>, vector<1x16xf32>,
        %get3A_749 = vector.shape_cast %get3A_748 : vector<1x16xf32> to vector<16xf32>
        %get3A_750 = arith.constant 4 : i32
        %get3A_751 = arith.index_cast %get3A_750 : i32 to index
        %get3A_752 = arith.constant 16 : index
        %get3A_753 = tpu.vector_load %arg15[%get3A_751, %get3A_752] {strides = array<i32>} : memref<26x128xf32, #tpu.memory_space<vmem>>, vector<1x16xf32>,
        %get3A_754 = vector.shape_cast %get3A_753 : vector<1x16xf32> to vector<16xf32>
        %mul3A_755 = vector.broadcast %squeeze3A_722 : f32 to vector<16xf32>
        %mul3A_756 = arith.mulf %mul3A_755, %get3A_754 : vector<16xf32>
        %add3A_757 = arith.addf %get3A_749, %mul3A_756 : vector<16xf32>
        %swap3A_758 = arith.index_cast %add3A_728 : i32 to index
        %swap3A_759 = arith.constant 16 : index
        %swap3A_760 = tpu.vector_load %arg17[%swap3A_758, %swap3A_759] {strides = array<i32>} : memref<408x128xf32, #tpu.memory_space<vmem>>, vector<1x16xf32>,
        %swap3A_761 = vector.shape_cast %swap3A_760 : vector<1x16xf32> to vector<16xf32>
        %swap3A_762 = vector.shape_cast %add3A_757 : vector<16xf32> to vector<1x16xf32>
        tpu.vector_store %arg17[%swap3A_758, %swap3A_759], %swap3A_762 {strides = array<i32>} : memref<408x128xf32, #tpu.memory_space<vmem>>, vector<1x16xf32>,
        %get3A_763 = arith.index_cast %add3A_728 : i32 to index
        %get3A_764 = arith.constant 32 : index
        %get3A_765 = tpu.vector_load %arg17[%get3A_763, %get3A_764] {strides = array<i32>} : memref<408x128xf32, #tpu.memory_space<vmem>>, vector<1x16xf32>,
        %get3A_766 = vector.shape_cast %get3A_765 : vector<1x16xf32> to vector<16xf32>
        %get3A_767 = arith.constant 4 : i32
        %get3A_768 = arith.index_cast %get3A_767 : i32 to index
        %get3A_769 = arith.constant 32 : index
        %get3A_770 = tpu.vector_load %arg15[%get3A_768, %get3A_769] {strides = array<i32>} : memref<26x128xf32, #tpu.memory_space<vmem>>, vector<1x16xf32>,
        %get3A_771 = vector.shape_cast %get3A_770 : vector<1x16xf32> to vector<16xf32>
        %mul3A_772 = vector.broadcast %squeeze3A_722 : f32 to vector<16xf32>
        %mul3A_773 = arith.mulf %mul3A_772, %get3A_771 : vector<16xf32>
        %add3A_774 = arith.addf %get3A_766, %mul3A_773 : vector<16xf32>
        %swap3A_775 = arith.index_cast %add3A_728 : i32 to index
        %swap3A_776 = arith.constant 32 : index
        %swap3A_777 = tpu.vector_load %arg17[%swap3A_775, %swap3A_776] {strides = array<i32>} : memref<408x128xf32, #tpu.memory_space<vmem>>, vector<1x16xf32>,
        %swap3A_778 = vector.shape_cast %swap3A_777 : vector<1x16xf32> to vector<16xf32>
        %swap3A_779 = vector.shape_cast %add3A_774 : vector<16xf32> to vector<1x16xf32>
        tpu.vector_store %arg17[%swap3A_775, %swap3A_776], %swap3A_779 {strides = array<i32>} : memref<408x128xf32, #tpu.memory_space<vmem>>, vector<1x16xf32>,
        %get3A_780 = arith.index_cast %add3A_728 : i32 to index
        %get3A_781 = arith.constant 48 : index
        %get3A_782 = tpu.vector_load %arg17[%get3A_780, %get3A_781] {strides = array<i32>} : memref<408x128xf32, #tpu.memory_space<vmem>>, vector<1x16xf32>,
        %get3A_783 = vector.shape_cast %get3A_782 : vector<1x16xf32> to vector<16xf32>
        %get3A_784 = arith.constant 4 : i32
        %get3A_785 = arith.index_cast %get3A_784 : i32 to index
        %get3A_786 = arith.constant 48 : index
        %get3A_787 = tpu.vector_load %arg15[%get3A_785, %get3A_786] {strides = array<i32>} : memref<26x128xf32, #tpu.memory_space<vmem>>, vector<1x16xf32>,
        %get3A_788 = vector.shape_cast %get3A_787 : vector<1x16xf32> to vector<16xf32>
        %mul3A_789 = vector.broadcast %squeeze3A_722 : f32 to vector<16xf32>
        %mul3A_790 = arith.mulf %mul3A_789, %get3A_788 : vector<16xf32>
        %add3A_791 = arith.addf %get3A_783, %mul3A_790 : vector<16xf32>
        %swap3A_792 = arith.index_cast %add3A_728 : i32 to index
        %swap3A_793 = arith.constant 48 : index
        %swap3A_794 = tpu.vector_load %arg17[%swap3A_792, %swap3A_793] {strides = array<i32>} : memref<408x128xf32, #tpu.memory_space<vmem>>, vector<1x16xf32>,
        %swap3A_795 = vector.shape_cast %swap3A_794 : vector<1x16xf32> to vector<16xf32>
        %swap3A_796 = vector.shape_cast %add3A_791 : vector<16xf32> to vector<1x16xf32>
        tpu.vector_store %arg17[%swap3A_792, %swap3A_793], %swap3A_796 {strides = array<i32>} : memref<408x128xf32, #tpu.memory_space<vmem>>, vector<1x16xf32>,
        %get3A_797 = arith.index_cast %add3A_728 : i32 to index
        %get3A_798 = arith.constant 64 : index
        %get3A_799 = tpu.vector_load %arg17[%get3A_797, %get3A_798] {strides = array<i32>} : memref<408x128xf32, #tpu.memory_space<vmem>>, vector<1x16xf32>,
        %get3A_800 = vector.shape_cast %get3A_799 : vector<1x16xf32> to vector<16xf32>
        %get3A_801 = arith.constant 4 : i32
        %get3A_802 = arith.index_cast %get3A_801 : i32 to index
        %get3A_803 = arith.constant 64 : index
        %get3A_804 = tpu.vector_load %arg15[%get3A_802, %get3A_803] {strides = array<i32>} : memref<26x128xf32, #tpu.memory_space<vmem>>, vector<1x16xf32>,
        %get3A_805 = vector.shape_cast %get3A_804 : vector<1x16xf32> to vector<16xf32>
        %mul3A_806 = vector.broadcast %squeeze3A_722 : f32 to vector<16xf32>
        %mul3A_807 = arith.mulf %mul3A_806, %get3A_805 : vector<16xf32>
        %add3A_808 = arith.addf %get3A_800, %mul3A_807 : vector<16xf32>
        %swap3A_809 = arith.index_cast %add3A_728 : i32 to index
        %swap3A_810 = arith.constant 64 : index
        %swap3A_811 = tpu.vector_load %arg17[%swap3A_809, %swap3A_810] {strides = array<i32>} : memref<408x128xf32, #tpu.memory_space<vmem>>, vector<1x16xf32>,
        %swap3A_812 = vector.shape_cast %swap3A_811 : vector<1x16xf32> to vector<16xf32>
        %swap3A_813 = vector.shape_cast %add3A_808 : vector<16xf32> to vector<1x16xf32>
        tpu.vector_store %arg17[%swap3A_809, %swap3A_810], %swap3A_813 {strides = array<i32>} : memref<408x128xf32, #tpu.memory_space<vmem>>, vector<1x16xf32>,
        %get3A_814 = arith.index_cast %add3A_728 : i32 to index
        %get3A_815 = arith.constant 80 : index
        %get3A_816 = tpu.vector_load %arg17[%get3A_814, %get3A_815] {strides = array<i32>} : memref<408x128xf32, #tpu.memory_space<vmem>>, vector<1x16xf32>,
        %get3A_817 = vector.shape_cast %get3A_816 : vector<1x16xf32> to vector<16xf32>
        %get3A_818 = arith.constant 4 : i32
        %get3A_819 = arith.index_cast %get3A_818 : i32 to index
        %get3A_820 = arith.constant 80 : index
        %get3A_821 = tpu.vector_load %arg15[%get3A_819, %get3A_820] {strides = array<i32>} : memref<26x128xf32, #tpu.memory_space<vmem>>, vector<1x16xf32>,
        %get3A_822 = vector.shape_cast %get3A_821 : vector<1x16xf32> to vector<16xf32>
        %mul3A_823 = vector.broadcast %squeeze3A_722 : f32 to vector<16xf32>
        %mul3A_824 = arith.mulf %mul3A_823, %get3A_822 : vector<16xf32>
        %add3A_825 = arith.addf %get3A_817, %mul3A_824 : vector<16xf32>
        %swap3A_826 = arith.index_cast %add3A_728 : i32 to index
        %swap3A_827 = arith.constant 80 : index
        %swap3A_828 = tpu.vector_load %arg17[%swap3A_826, %swap3A_827] {strides = array<i32>} : memref<408x128xf32, #tpu.memory_space<vmem>>, vector<1x16xf32>,
        %swap3A_829 = vector.shape_cast %swap3A_828 : vector<1x16xf32> to vector<16xf32>
        %swap3A_830 = vector.shape_cast %add3A_825 : vector<16xf32> to vector<1x16xf32>
        tpu.vector_store %arg17[%swap3A_826, %swap3A_827], %swap3A_830 {strides = array<i32>} : memref<408x128xf32, #tpu.memory_space<vmem>>, vector<1x16xf32>,
        %get3A_831 = arith.index_cast %add3A_728 : i32 to index
        %get3A_832 = arith.constant 96 : index
        %get3A_833 = tpu.vector_load %arg17[%get3A_831, %get3A_832] {strides = array<i32>} : memref<408x128xf32, #tpu.memory_space<vmem>>, vector<1x16xf32>,
        %get3A_834 = vector.shape_cast %get3A_833 : vector<1x16xf32> to vector<16xf32>
        %get3A_835 = arith.constant 4 : i32
        %get3A_836 = arith.index_cast %get3A_835 : i32 to index
        %get3A_837 = arith.constant 96 : index
        %get3A_838 = tpu.vector_load %arg15[%get3A_836, %get3A_837] {strides = array<i32>} : memref<26x128xf32, #tpu.memory_space<vmem>>, vector<1x16xf32>,
        %get3A_839 = vector.shape_cast %get3A_838 : vector<1x16xf32> to vector<16xf32>
        %mul3A_840 = vector.broadcast %squeeze3A_722 : f32 to vector<16xf32>
        %mul3A_841 = arith.mulf %mul3A_840, %get3A_839 : vector<16xf32>
        %add3A_842 = arith.addf %get3A_834, %mul3A_841 : vector<16xf32>
        %swap3A_843 = arith.index_cast %add3A_728 : i32 to index
        %swap3A_844 = arith.constant 96 : index
        %swap3A_845 = tpu.vector_load %arg17[%swap3A_843, %swap3A_844] {strides = array<i32>} : memref<408x128xf32, #tpu.memory_space<vmem>>, vector<1x16xf32>,
        %swap3A_846 = vector.shape_cast %swap3A_845 : vector<1x16xf32> to vector<16xf32>
        %swap3A_847 = vector.shape_cast %add3A_842 : vector<16xf32> to vector<1x16xf32>
        tpu.vector_store %arg17[%swap3A_843, %swap3A_844], %swap3A_847 {strides = array<i32>} : memref<408x128xf32, #tpu.memory_space<vmem>>, vector<1x16xf32>,
        %get3A_848 = arith.index_cast %add3A_728 : i32 to index
        %get3A_849 = arith.constant 112 : index
        %get3A_850 = tpu.vector_load %arg17[%get3A_848, %get3A_849] {strides = array<i32>} : memref<408x128xf32, #tpu.memory_space<vmem>>, vector<1x16xf32>,
        %get3A_851 = vector.shape_cast %get3A_850 : vector<1x16xf32> to vector<16xf32>
        %get3A_852 = arith.constant 4 : i32
        %get3A_853 = arith.index_cast %get3A_852 : i32 to index
        %get3A_854 = arith.constant 112 : index
        %get3A_855 = tpu.vector_load %arg15[%get3A_853, %get3A_854] {strides = array<i32>} : memref<26x128xf32, #tpu.memory_space<vmem>>, vector<1x16xf32>,
        %get3A_856 = vector.shape_cast %get3A_855 : vector<1x16xf32> to vector<16xf32>
        %mul3A_857 = vector.broadcast %squeeze3A_722 : f32 to vector<16xf32>
        %mul3A_858 = arith.mulf %mul3A_857, %get3A_856 : vector<16xf32>
        %add3A_859 = arith.addf %get3A_851, %mul3A_858 : vector<16xf32>
        %swap3A_860 = arith.index_cast %add3A_728 : i32 to index
        %swap3A_861 = arith.constant 112 : index
        %swap3A_862 = tpu.vector_load %arg17[%swap3A_860, %swap3A_861] {strides = array<i32>} : memref<408x128xf32, #tpu.memory_space<vmem>>, vector<1x16xf32>,
        %swap3A_863 = vector.shape_cast %swap3A_862 : vector<1x16xf32> to vector<16xf32>
        %swap3A_864 = vector.shape_cast %add3A_859 : vector<16xf32> to vector<1x16xf32>
        tpu.vector_store %arg17[%swap3A_860, %swap3A_861], %swap3A_864 {strides = array<i32>} : memref<408x128xf32, #tpu.memory_space<vmem>>, vector<1x16xf32>,
        %slice3A_865 = vector.extract_strided_slice %get3A_143 {offsets = [5], sizes = [1], strides = [1]} : vector<16xf32> to vector<1xf32>
        %squeeze3A_866 = vector.extract %slice3A_865[0] : f32 from vector<1xf32>
        %mul3A_867 = arith.constant 102 : i32
        %mul3A_868 = arith.muli %rem3A_101, %mul3A_867 : i32
        %add3A_869 = arith.constant 26 : i32
        %add3A_870 = arith.addi %mul3A_868, %add3A_869 : i32
        %add3A_871 = arith.constant 5 : i32
        %add3A_872 = arith.addi %add3A_870, %add3A_871 : i32
        %get3A_873 = arith.index_cast %add3A_872 : i32 to index
        %get3A_874 = arith.constant 0 : index
        %get3A_875 = tpu.vector_load %arg17[%get3A_873, %get3A_874] {strides = array<i32>} : memref<408x128xf32, #tpu.memory_space<vmem>>, vector<1x16xf32>,
        %get3A_876 = vector.shape_cast %get3A_875 : vector<1x16xf32> to vector<16xf32>
        %get3A_877 = arith.constant 5 : i32
        %get3A_878 = arith.index_cast %get3A_877 : i32 to index
        %get3A_879 = arith.constant 0 : index
        %get3A_880 = tpu.vector_load %arg15[%get3A_878, %get3A_879] {strides = array<i32>} : memref<26x128xf32, #tpu.memory_space<vmem>>, vector<1x16xf32>,
        %get3A_881 = vector.shape_cast %get3A_880 : vector<1x16xf32> to vector<16xf32>
        %mul3A_882 = vector.broadcast %squeeze3A_866 : f32 to vector<16xf32>
        %mul3A_883 = arith.mulf %mul3A_882, %get3A_881 : vector<16xf32>
        %add3A_884 = arith.addf %get3A_876, %mul3A_883 : vector<16xf32>
        %swap3A_885 = arith.index_cast %add3A_872 : i32 to index
        %swap3A_886 = arith.constant 0 : index
        %swap3A_887 = tpu.vector_load %arg17[%swap3A_885, %swap3A_886] {strides = array<i32>} : memref<408x128xf32, #tpu.memory_space<vmem>>, vector<1x16xf32>,
        %swap3A_888 = vector.shape_cast %swap3A_887 : vector<1x16xf32> to vector<16xf32>
        %swap3A_889 = vector.shape_cast %add3A_884 : vector<16xf32> to vector<1x16xf32>
        tpu.vector_store %arg17[%swap3A_885, %swap3A_886], %swap3A_889 {strides = array<i32>} : memref<408x128xf32, #tpu.memory_space<vmem>>, vector<1x16xf32>,
        %get3A_890 = arith.index_cast %add3A_872 : i32 to index
        %get3A_891 = arith.constant 16 : index
        %get3A_892 = tpu.vector_load %arg17[%get3A_890, %get3A_891] {strides = array<i32>} : memref<408x128xf32, #tpu.memory_space<vmem>>, vector<1x16xf32>,
        %get3A_893 = vector.shape_cast %get3A_892 : vector<1x16xf32> to vector<16xf32>
        %get3A_894 = arith.constant 5 : i32
        %get3A_895 = arith.index_cast %get3A_894 : i32 to index
        %get3A_896 = arith.constant 16 : index
        %get3A_897 = tpu.vector_load %arg15[%get3A_895, %get3A_896] {strides = array<i32>} : memref<26x128xf32, #tpu.memory_space<vmem>>, vector<1x16xf32>,
        %get3A_898 = vector.shape_cast %get3A_897 : vector<1x16xf32> to vector<16xf32>
        %mul3A_899 = vector.broadcast %squeeze3A_866 : f32 to vector<16xf32>
        %mul3A_900 = arith.mulf %mul3A_899, %get3A_898 : vector<16xf32>
        %add3A_901 = arith.addf %get3A_893, %mul3A_900 : vector<16xf32>
        %swap3A_902 = arith.index_cast %add3A_872 : i32 to index
        %swap3A_903 = arith.constant 16 : index
        %swap3A_904 = tpu.vector_load %arg17[%swap3A_902, %swap3A_903] {strides = array<i32>} : memref<408x128xf32, #tpu.memory_space<vmem>>, vector<1x16xf32>,
        %swap3A_905 = vector.shape_cast %swap3A_904 : vector<1x16xf32> to vector<16xf32>
        %swap3A_906 = vector.shape_cast %add3A_901 : vector<16xf32> to vector<1x16xf32>
        tpu.vector_store %arg17[%swap3A_902, %swap3A_903], %swap3A_906 {strides = array<i32>} : memref<408x128xf32, #tpu.memory_space<vmem>>, vector<1x16xf32>,
        %get3A_907 = arith.index_cast %add3A_872 : i32 to index
        %get3A_908 = arith.constant 32 : index
        %get3A_909 = tpu.vector_load %arg17[%get3A_907, %get3A_908] {strides = array<i32>} : memref<408x128xf32, #tpu.memory_space<vmem>>, vector<1x16xf32>,
        %get3A_910 = vector.shape_cast %get3A_909 : vector<1x16xf32> to vector<16xf32>
        %get3A_911 = arith.constant 5 : i32
        %get3A_912 = arith.index_cast %get3A_911 : i32 to index
        %get3A_913 = arith.constant 32 : index
        %get3A_914 = tpu.vector_load %arg15[%get3A_912, %get3A_913] {strides = array<i32>} : memref<26x128xf32, #tpu.memory_space<vmem>>, vector<1x16xf32>,
        %get3A_915 = vector.shape_cast %get3A_914 : vector<1x16xf32> to vector<16xf32>
        %mul3A_916 = vector.broadcast %squeeze3A_866 : f32 to vector<16xf32>
        %mul3A_917 = arith.mulf %mul3A_916, %get3A_915 : vector<16xf32>
        %add3A_918 = arith.addf %get3A_910, %mul3A_917 : vector<16xf32>
        %swap3A_919 = arith.index_cast %add3A_872 : i32 to index
        %swap3A_920 = arith.constant 32 : index
        %swap3A_921 = tpu.vector_load %arg17[%swap3A_919, %swap3A_920] {strides = array<i32>} : memref<408x128xf32, #tpu.memory_space<vmem>>, vector<1x16xf32>,
        %swap3A_922 = vector.shape_cast %swap3A_921 : vector<1x16xf32> to vector<16xf32>
        %swap3A_923 = vector.shape_cast %add3A_918 : vector<16xf32> to vector<1x16xf32>
        tpu.vector_store %arg17[%swap3A_919, %swap3A_920], %swap3A_923 {strides = array<i32>} : memref<408x128xf32, #tpu.memory_space<vmem>>, vector<1x16xf32>,
        %get3A_924 = arith.index_cast %add3A_872 : i32 to index
        %get3A_925 = arith.constant 48 : index
        %get3A_926 = tpu.vector_load %arg17[%get3A_924, %get3A_925] {strides = array<i32>} : memref<408x128xf32, #tpu.memory_space<vmem>>, vector<1x16xf32>,
        %get3A_927 = vector.shape_cast %get3A_926 : vector<1x16xf32> to vector<16xf32>
        %get3A_928 = arith.constant 5 : i32
        %get3A_929 = arith.index_cast %get3A_928 : i32 to index
        %get3A_930 = arith.constant 48 : index
        %get3A_931 = tpu.vector_load %arg15[%get3A_929, %get3A_930] {strides = array<i32>} : memref<26x128xf32, #tpu.memory_space<vmem>>, vector<1x16xf32>,
        %get3A_932 = vector.shape_cast %get3A_931 : vector<1x16xf32> to vector<16xf32>
        %mul3A_933 = vector.broadcast %squeeze3A_866 : f32 to vector<16xf32>
        %mul3A_934 = arith.mulf %mul3A_933, %get3A_932 : vector<16xf32>
        %add3A_935 = arith.addf %get3A_927, %mul3A_934 : vector<16xf32>
        %swap3A_936 = arith.index_cast %add3A_872 : i32 to index
        %swap3A_937 = arith.constant 48 : index
        %swap3A_938 = tpu.vector_load %arg17[%swap3A_936, %swap3A_937] {strides = array<i32>} : memref<408x128xf32, #tpu.memory_space<vmem>>, vector<1x16xf32>,
        %swap3A_939 = vector.shape_cast %swap3A_938 : vector<1x16xf32> to vector<16xf32>
        %swap3A_940 = vector.shape_cast %add3A_935 : vector<16xf32> to vector<1x16xf32>
        tpu.vector_store %arg17[%swap3A_936, %swap3A_937], %swap3A_940 {strides = array<i32>} : memref<408x128xf32, #tpu.memory_space<vmem>>, vector<1x16xf32>,
        %get3A_941 = arith.index_cast %add3A_872 : i32 to index
        %get3A_942 = arith.constant 64 : index
        %get3A_943 = tpu.vector_load %arg17[%get3A_941, %get3A_942] {strides = array<i32>} : memref<408x128xf32, #tpu.memory_space<vmem>>, vector<1x16xf32>,
        %get3A_944 = vector.shape_cast %get3A_943 : vector<1x16xf32> to vector<16xf32>
        %get3A_945 = arith.constant 5 : i32
        %get3A_946 = arith.index_cast %get3A_945 : i32 to index
        %get3A_947 = arith.constant 64 : index
        %get3A_948 = tpu.vector_load %arg15[%get3A_946, %get3A_947] {strides = array<i32>} : memref<26x128xf32, #tpu.memory_space<vmem>>, vector<1x16xf32>,
        %get3A_949 = vector.shape_cast %get3A_948 : vector<1x16xf32> to vector<16xf32>
        %mul3A_950 = vector.broadcast %squeeze3A_866 : f32 to vector<16xf32>
        %mul3A_951 = arith.mulf %mul3A_950, %get3A_949 : vector<16xf32>
        %add3A_952 = arith.addf %get3A_944, %mul3A_951 : vector<16xf32>
        %swap3A_953 = arith.index_cast %add3A_872 : i32 to index
        %swap3A_954 = arith.constant 64 : index
        %swap3A_955 = tpu.vector_load %arg17[%swap3A_953, %swap3A_954] {strides = array<i32>} : memref<408x128xf32, #tpu.memory_space<vmem>>, vector<1x16xf32>,
        %swap3A_956 = vector.shape_cast %swap3A_955 : vector<1x16xf32> to vector<16xf32>
        %swap3A_957 = vector.shape_cast %add3A_952 : vector<16xf32> to vector<1x16xf32>
        tpu.vector_store %arg17[%swap3A_953, %swap3A_954], %swap3A_957 {strides = array<i32>} : memref<408x128xf32, #tpu.memory_space<vmem>>, vector<1x16xf32>,
        %get3A_958 = arith.index_cast %add3A_872 : i32 to index
        %get3A_959 = arith.constant 80 : index
        %get3A_960 = tpu.vector_load %arg17[%get3A_958, %get3A_959] {strides = array<i32>} : memref<408x128xf32, #tpu.memory_space<vmem>>, vector<1x16xf32>,
        %get3A_961 = vector.shape_cast %get3A_960 : vector<1x16xf32> to vector<16xf32>
        %get3A_962 = arith.constant 5 : i32
        %get3A_963 = arith.index_cast %get3A_962 : i32 to index
        %get3A_964 = arith.constant 80 : index
        %get3A_965 = tpu.vector_load %arg15[%get3A_963, %get3A_964] {strides = array<i32>} : memref<26x128xf32, #tpu.memory_space<vmem>>, vector<1x16xf32>,
        %get3A_966 = vector.shape_cast %get3A_965 : vector<1x16xf32> to vector<16xf32>
        %mul3A_967 = vector.broadcast %squeeze3A_866 : f32 to vector<16xf32>
        %mul3A_968 = arith.mulf %mul3A_967, %get3A_966 : vector<16xf32>
        %add3A_969 = arith.addf %get3A_961, %mul3A_968 : vector<16xf32>
        %swap3A_970 = arith.index_cast %add3A_872 : i32 to index
        %swap3A_971 = arith.constant 80 : index
        %swap3A_972 = tpu.vector_load %arg17[%swap3A_970, %swap3A_971] {strides = array<i32>} : memref<408x128xf32, #tpu.memory_space<vmem>>, vector<1x16xf32>,
        %swap3A_973 = vector.shape_cast %swap3A_972 : vector<1x16xf32> to vector<16xf32>
        %swap3A_974 = vector.shape_cast %add3A_969 : vector<16xf32> to vector<1x16xf32>
        tpu.vector_store %arg17[%swap3A_970, %swap3A_971], %swap3A_974 {strides = array<i32>} : memref<408x128xf32, #tpu.memory_space<vmem>>, vector<1x16xf32>,
        %get3A_975 = arith.index_cast %add3A_872 : i32 to index
        %get3A_976 = arith.constant 96 : index
        %get3A_977 = tpu.vector_load %arg17[%get3A_975, %get3A_976] {strides = array<i32>} : memref<408x128xf32, #tpu.memory_space<vmem>>, vector<1x16xf32>,
        %get3A_978 = vector.shape_cast %get3A_977 : vector<1x16xf32> to vector<16xf32>
        %get3A_979 = arith.constant 5 : i32
        %get3A_980 = arith.index_cast %get3A_979 : i32 to index
        %get3A_981 = arith.constant 96 : index
        %get3A_982 = tpu.vector_load %arg15[%get3A_980, %get3A_981] {strides = array<i32>} : memref<26x128xf32, #tpu.memory_space<vmem>>, vector<1x16xf32>,
        %get3A_983 = vector.shape_cast %get3A_982 : vector<1x16xf32> to vector<16xf32>
        %mul3A_984 = vector.broadcast %squeeze3A_866 : f32 to vector<16xf32>
        %mul3A_985 = arith.mulf %mul3A_984, %get3A_983 : vector<16xf32>
        %add3A_986 = arith.addf %get3A_978, %mul3A_985 : vector<16xf32>
        %swap3A_987 = arith.index_cast %add3A_872 : i32 to index
        %swap3A_988 = arith.constant 96 : index
        %swap3A_989 = tpu.vector_load %arg17[%swap3A_987, %swap3A_988] {strides = array<i32>} : memref<408x128xf32, #tpu.memory_space<vmem>>, vector<1x16xf32>,
        %swap3A_990 = vector.shape_cast %swap3A_989 : vector<1x16xf32> to vector<16xf32>
        %swap3A_991 = vector.shape_cast %add3A_986 : vector<16xf32> to vector<1x16xf32>
        tpu.vector_store %arg17[%swap3A_987, %swap3A_988], %swap3A_991 {strides = array<i32>} : memref<408x128xf32, #tpu.memory_space<vmem>>, vector<1x16xf32>,
        %get3A_992 = arith.index_cast %add3A_872 : i32 to index
        %get3A_993 = arith.constant 112 : index
        %get3A_994 = tpu.vector_load %arg17[%get3A_992, %get3A_993] {strides = array<i32>} : memref<408x128xf32, #tpu.memory_space<vmem>>, vector<1x16xf32>,
        %get3A_995 = vector.shape_cast %get3A_994 : vector<1x16xf32> to vector<16xf32>
        %get3A_996 = arith.constant 5 : i32
        %get3A_997 = arith.index_cast %get3A_996 : i32 to index
        %get3A_998 = arith.constant 112 : index
        %get3A_999 = tpu.vector_load %arg15[%get3A_997, %get3A_998] {strides = array<i32>} : memref<26x128xf32, #tpu.memory_space<vmem>>, vector<1x16xf32>,
        %get3A_1000 = vector.shape_cast %get3A_999 : vector<1x16xf32> to vector<16xf32>
        %mul3A_1001 = vector.broadcast %squeeze3A_866 : f32 to vector<16xf32>
        %mul3A_1002 = arith.mulf %mul3A_1001, %get3A_1000 : vector<16xf32>
        %add3A_1003 = arith.addf %get3A_995, %mul3A_1002 : vector<16xf32>
        %swap3A_1004 = arith.index_cast %add3A_872 : i32 to index
        %swap3A_1005 = arith.constant 112 : index
        %swap3A_1006 = tpu.vector_load %arg17[%swap3A_1004, %swap3A_1005] {strides = array<i32>} : memref<408x128xf32, #tpu.memory_space<vmem>>, vector<1x16xf32>,
        %swap3A_1007 = vector.shape_cast %swap3A_1006 : vector<1x16xf32> to vector<16xf32>
        %swap3A_1008 = vector.shape_cast %add3A_1003 : vector<16xf32> to vector<1x16xf32>
        tpu.vector_store %arg17[%swap3A_1004, %swap3A_1005], %swap3A_1008 {strides = array<i32>} : memref<408x128xf32, #tpu.memory_space<vmem>>, vector<1x16xf32>,
        %slice3A_1009 = vector.extract_strided_slice %get3A_143 {offsets = [6], sizes = [1], strides = [1]} : vector<16xf32> to vector<1xf32>
        %squeeze3A_1010 = vector.extract %slice3A_1009[0] : f32 from vector<1xf32>
        %mul3A_1011 = arith.constant 102 : i32
        %mul3A_1012 = arith.muli %rem3A_101, %mul3A_1011 : i32
        %add3A_1013 = arith.constant 26 : i32
        %add3A_1014 = arith.addi %mul3A_1012, %add3A_1013 : i32
        %add3A_1015 = arith.constant 6 : i32
        %add3A_1016 = arith.addi %add3A_1014, %add3A_1015 : i32
        %get3A_1017 = arith.index_cast %add3A_1016 : i32 to index
        %get3A_1018 = arith.constant 0 : index
        %get3A_1019 = tpu.vector_load %arg17[%get3A_1017, %get3A_1018] {strides = array<i32>} : memref<408x128xf32, #tpu.memory_space<vmem>>, vector<1x16xf32>,
        %get3A_1020 = vector.shape_cast %get3A_1019 : vector<1x16xf32> to vector<16xf32>
        %get3A_1021 = arith.constant 6 : i32
        %get3A_1022 = arith.index_cast %get3A_1021 : i32 to index
        %get3A_1023 = arith.constant 0 : index
        %get3A_1024 = tpu.vector_load %arg15[%get3A_1022, %get3A_1023] {strides = array<i32>} : memref<26x128xf32, #tpu.memory_space<vmem>>, vector<1x16xf32>,
        %get3A_1025 = vector.shape_cast %get3A_1024 : vector<1x16xf32> to vector<16xf32>
        %mul3A_1026 = vector.broadcast %squeeze3A_1010 : f32 to vector<16xf32>
        %mul3A_1027 = arith.mulf %mul3A_1026, %get3A_1025 : vector<16xf32>
        %add3A_1028 = arith.addf %get3A_1020, %mul3A_1027 : vector<16xf32>
        %swap3A_1029 = arith.index_cast %add3A_1016 : i32 to index
        %swap3A_1030 = arith.constant 0 : index
        %swap3A_1031 = tpu.vector_load %arg17[%swap3A_1029, %swap3A_1030] {strides = array<i32>} : memref<408x128xf32, #tpu.memory_space<vmem>>, vector<1x16xf32>,
        %swap3A_1032 = vector.shape_cast %swap3A_1031 : vector<1x16xf32> to vector<16xf32>
        %swap3A_1033 = vector.shape_cast %add3A_1028 : vector<16xf32> to vector<1x16xf32>
        tpu.vector_store %arg17[%swap3A_1029, %swap3A_1030], %swap3A_1033 {strides = array<i32>} : memref<408x128xf32, #tpu.memory_space<vmem>>, vector<1x16xf32>,
        %get3A_1034 = arith.index_cast %add3A_1016 : i32 to index
        %get3A_1035 = arith.constant 16 : index
        %get3A_1036 = tpu.vector_load %arg17[%get3A_1034, %get3A_1035] {strides = array<i32>} : memref<408x128xf32, #tpu.memory_space<vmem>>, vector<1x16xf32>,
        %get3A_1037 = vector.shape_cast %get3A_1036 : vector<1x16xf32> to vector<16xf32>
        %get3A_1038 = arith.constant 6 : i32
        %get3A_1039 = arith.index_cast %get3A_1038 : i32 to index
        %get3A_1040 = arith.constant 16 : index
        %get3A_1041 = tpu.vector_load %arg15[%get3A_1039, %get3A_1040] {strides = array<i32>} : memref<26x128xf32, #tpu.memory_space<vmem>>, vector<1x16xf32>,
        %get3A_1042 = vector.shape_cast %get3A_1041 : vector<1x16xf32> to vector<16xf32>
        %mul3A_1043 = vector.broadcast %squeeze3A_1010 : f32 to vector<16xf32>
        %mul3A_1044 = arith.mulf %mul3A_1043, %get3A_1042 : vector<16xf32>
        %add3A_1045 = arith.addf %get3A_1037, %mul3A_1044 : vector<16xf32>
        %swap3A_1046 = arith.index_cast %add3A_1016 : i32 to index
        %swap3A_1047 = arith.constant 16 : index
        %swap3A_1048 = tpu.vector_load %arg17[%swap3A_1046, %swap3A_1047] {strides = array<i32>} : memref<408x128xf32, #tpu.memory_space<vmem>>, vector<1x16xf32>,
        %swap3A_1049 = vector.shape_cast %swap3A_1048 : vector<1x16xf32> to vector<16xf32>
        %swap3A_1050 = vector.shape_cast %add3A_1045 : vector<16xf32> to vector<1x16xf32>
        tpu.vector_store %arg17[%swap3A_1046, %swap3A_1047], %swap3A_1050 {strides = array<i32>} : memref<408x128xf32, #tpu.memory_space<vmem>>, vector<1x16xf32>,
        %get3A_1051 = arith.index_cast %add3A_1016 : i32 to index
        %get3A_1052 = arith.constant 32 : index
        %get3A_1053 = tpu.vector_load %arg17[%get3A_1051, %get3A_1052] {strides = array<i32>} : memref<408x128xf32, #tpu.memory_space<vmem>>, vector<1x16xf32>,
        %get3A_1054 = vector.shape_cast %get3A_1053 : vector<1x16xf32> to vector<16xf32>
        %get3A_1055 = arith.constant 6 : i32
        %get3A_1056 = arith.index_cast %get3A_1055 : i32 to index
        %get3A_1057 = arith.constant 32 : index
        %get3A_1058 = tpu.vector_load %arg15[%get3A_1056, %get3A_1057] {strides = array<i32>} : memref<26x128xf32, #tpu.memory_space<vmem>>, vector<1x16xf32>,
        %get3A_1059 = vector.shape_cast %get3A_1058 : vector<1x16xf32> to vector<16xf32>
        %mul3A_1060 = vector.broadcast %squeeze3A_1010 : f32 to vector<16xf32>
        %mul3A_1061 = arith.mulf %mul3A_1060, %get3A_1059 : vector<16xf32>
        %add3A_1062 = arith.addf %get3A_1054, %mul3A_1061 : vector<16xf32>
        %swap3A_1063 = arith.index_cast %add3A_1016 : i32 to index
        %swap3A_1064 = arith.constant 32 : index
        %swap3A_1065 = tpu.vector_load %arg17[%swap3A_1063, %swap3A_1064] {strides = array<i32>} : memref<408x128xf32, #tpu.memory_space<vmem>>, vector<1x16xf32>,
        %swap3A_1066 = vector.shape_cast %swap3A_1065 : vector<1x16xf32> to vector<16xf32>
        %swap3A_1067 = vector.shape_cast %add3A_1062 : vector<16xf32> to vector<1x16xf32>
        tpu.vector_store %arg17[%swap3A_1063, %swap3A_1064], %swap3A_1067 {strides = array<i32>} : memref<408x128xf32, #tpu.memory_space<vmem>>, vector<1x16xf32>,
        %get3A_1068 = arith.index_cast %add3A_1016 : i32 to index
        %get3A_1069 = arith.constant 48 : index
        %get3A_1070 = tpu.vector_load %arg17[%get3A_1068, %get3A_1069] {strides = array<i32>} : memref<408x128xf32, #tpu.memory_space<vmem>>, vector<1x16xf32>,
        %get3A_1071 = vector.shape_cast %get3A_1070 : vector<1x16xf32> to vector<16xf32>
        %get3A_1072 = arith.constant 6 : i32
        %get3A_1073 = arith.index_cast %get3A_1072 : i32 to index
        %get3A_1074 = arith.constant 48 : index
        %get3A_1075 = tpu.vector_load %arg15[%get3A_1073, %get3A_1074] {strides = array<i32>} : memref<26x128xf32, #tpu.memory_space<vmem>>, vector<1x16xf32>,
        %get3A_1076 = vector.shape_cast %get3A_1075 : vector<1x16xf32> to vector<16xf32>
        %mul3A_1077 = vector.broadcast %squeeze3A_1010 : f32 to vector<16xf32>
        %mul3A_1078 = arith.mulf %mul3A_1077, %get3A_1076 : vector<16xf32>
        %add3A_1079 = arith.addf %get3A_1071, %mul3A_1078 : vector<16xf32>
        %swap3A_1080 = arith.index_cast %add3A_1016 : i32 to index
        %swap3A_1081 = arith.constant 48 : index
        %swap3A_1082 = tpu.vector_load %arg17[%swap3A_1080, %swap3A_1081] {strides = array<i32>} : memref<408x128xf32, #tpu.memory_space<vmem>>, vector<1x16xf32>,
        %swap3A_1083 = vector.shape_cast %swap3A_1082 : vector<1x16xf32> to vector<16xf32>
        %swap3A_1084 = vector.shape_cast %add3A_1079 : vector<16xf32> to vector<1x16xf32>
        tpu.vector_store %arg17[%swap3A_1080, %swap3A_1081], %swap3A_1084 {strides = array<i32>} : memref<408x128xf32, #tpu.memory_space<vmem>>, vector<1x16xf32>,
        %get3A_1085 = arith.index_cast %add3A_1016 : i32 to index
        %get3A_1086 = arith.constant 64 : index
        %get3A_1087 = tpu.vector_load %arg17[%get3A_1085, %get3A_1086] {strides = array<i32>} : memref<408x128xf32, #tpu.memory_space<vmem>>, vector<1x16xf32>,
        %get3A_1088 = vector.shape_cast %get3A_1087 : vector<1x16xf32> to vector<16xf32>
        %get3A_1089 = arith.constant 6 : i32
        %get3A_1090 = arith.index_cast %get3A_1089 : i32 to index
        %get3A_1091 = arith.constant 64 : index
        %get3A_1092 = tpu.vector_load %arg15[%get3A_1090, %get3A_1091] {strides = array<i32>} : memref<26x128xf32, #tpu.memory_space<vmem>>, vector<1x16xf32>,
        %get3A_1093 = vector.shape_cast %get3A_1092 : vector<1x16xf32> to vector<16xf32>
        %mul3A_1094 = vector.broadcast %squeeze3A_1010 : f32 to vector<16xf32>
        %mul3A_1095 = arith.mulf %mul3A_1094, %get3A_1093 : vector<16xf32>
        %add3A_1096 = arith.addf %get3A_1088, %mul3A_1095 : vector<16xf32>
        %swap3A_1097 = arith.index_cast %add3A_1016 : i32 to index
        %swap3A_1098 = arith.constant 64 : index
        %swap3A_1099 = tpu.vector_load %arg17[%swap3A_1097, %swap3A_1098] {strides = array<i32>} : memref<408x128xf32, #tpu.memory_space<vmem>>, vector<1x16xf32>,
        %swap3A_1100 = vector.shape_cast %swap3A_1099 : vector<1x16xf32> to vector<16xf32>
        %swap3A_1101 = vector.shape_cast %add3A_1096 : vector<16xf32> to vector<1x16xf32>
        tpu.vector_store %arg17[%swap3A_1097, %swap3A_1098], %swap3A_1101 {strides = array<i32>} : memref<408x128xf32, #tpu.memory_space<vmem>>, vector<1x16xf32>,
        %get3A_1102 = arith.index_cast %add3A_1016 : i32 to index
        %get3A_1103 = arith.constant 80 : index
        %get3A_1104 = tpu.vector_load %arg17[%get3A_1102, %get3A_1103] {strides = array<i32>} : memref<408x128xf32, #tpu.memory_space<vmem>>, vector<1x16xf32>,
        %get3A_1105 = vector.shape_cast %get3A_1104 : vector<1x16xf32> to vector<16xf32>
        %get3A_1106 = arith.constant 6 : i32
        %get3A_1107 = arith.index_cast %get3A_1106 : i32 to index
        %get3A_1108 = arith.constant 80 : index
        %get3A_1109 = tpu.vector_load %arg15[%get3A_1107, %get3A_1108] {strides = array<i32>} : memref<26x128xf32, #tpu.memory_space<vmem>>, vector<1x16xf32>,
        %get3A_1110 = vector.shape_cast %get3A_1109 : vector<1x16xf32> to vector<16xf32>
        %mul3A_1111 = vector.broadcast %squeeze3A_1010 : f32 to vector<16xf32>
        %mul3A_1112 = arith.mulf %mul3A_1111, %get3A_1110 : vector<16xf32>
        %add3A_1113 = arith.addf %get3A_1105, %mul3A_1112 : vector<16xf32>
        %swap3A_1114 = arith.index_cast %add3A_1016 : i32 to index
        %swap3A_1115 = arith.constant 80 : index
        %swap3A_1116 = tpu.vector_load %arg17[%swap3A_1114, %swap3A_1115] {strides = array<i32>} : memref<408x128xf32, #tpu.memory_space<vmem>>, vector<1x16xf32>,
        %swap3A_1117 = vector.shape_cast %swap3A_1116 : vector<1x16xf32> to vector<16xf32>
        %swap3A_1118 = vector.shape_cast %add3A_1113 : vector<16xf32> to vector<1x16xf32>
        tpu.vector_store %arg17[%swap3A_1114, %swap3A_1115], %swap3A_1118 {strides = array<i32>} : memref<408x128xf32, #tpu.memory_space<vmem>>, vector<1x16xf32>,
        %get3A_1119 = arith.index_cast %add3A_1016 : i32 to index
        %get3A_1120 = arith.constant 96 : index
        %get3A_1121 = tpu.vector_load %arg17[%get3A_1119, %get3A_1120] {strides = array<i32>} : memref<408x128xf32, #tpu.memory_space<vmem>>, vector<1x16xf32>,
        %get3A_1122 = vector.shape_cast %get3A_1121 : vector<1x16xf32> to vector<16xf32>
        %get3A_1123 = arith.constant 6 : i32
        %get3A_1124 = arith.index_cast %get3A_1123 : i32 to index
        %get3A_1125 = arith.constant 96 : index
        %get3A_1126 = tpu.vector_load %arg15[%get3A_1124, %get3A_1125] {strides = array<i32>} : memref<26x128xf32, #tpu.memory_space<vmem>>, vector<1x16xf32>,
        %get3A_1127 = vector.shape_cast %get3A_1126 : vector<1x16xf32> to vector<16xf32>
        %mul3A_1128 = vector.broadcast %squeeze3A_1010 : f32 to vector<16xf32>
        %mul3A_1129 = arith.mulf %mul3A_1128, %get3A_1127 : vector<16xf32>
        %add3A_1130 = arith.addf %get3A_1122, %mul3A_1129 : vector<16xf32>
        %swap3A_1131 = arith.index_cast %add3A_1016 : i32 to index
        %swap3A_1132 = arith.constant 96 : index
        %swap3A_1133 = tpu.vector_load %arg17[%swap3A_1131, %swap3A_1132] {strides = array<i32>} : memref<408x128xf32, #tpu.memory_space<vmem>>, vector<1x16xf32>,
        %swap3A_1134 = vector.shape_cast %swap3A_1133 : vector<1x16xf32> to vector<16xf32>
        %swap3A_1135 = vector.shape_cast %add3A_1130 : vector<16xf32> to vector<1x16xf32>
        tpu.vector_store %arg17[%swap3A_1131, %swap3A_1132], %swap3A_1135 {strides = array<i32>} : memref<408x128xf32, #tpu.memory_space<vmem>>, vector<1x16xf32>,
        %get3A_1136 = arith.index_cast %add3A_1016 : i32 to index
        %get3A_1137 = arith.constant 112 : index
        %get3A_1138 = tpu.vector_load %arg17[%get3A_1136, %get3A_1137] {strides = array<i32>} : memref<408x128xf32, #tpu.memory_space<vmem>>, vector<1x16xf32>,
        %get3A_1139 = vector.shape_cast %get3A_1138 : vector<1x16xf32> to vector<16xf32>
        %get3A_1140 = arith.constant 6 : i32
        %get3A_1141 = arith.index_cast %get3A_1140 : i32 to index
        %get3A_1142 = arith.constant 112 : index
        %get3A_1143 = tpu.vector_load %arg15[%get3A_1141, %get3A_1142] {strides = array<i32>} : memref<26x128xf32, #tpu.memory_space<vmem>>, vector<1x16xf32>,
        %get3A_1144 = vector.shape_cast %get3A_1143 : vector<1x16xf32> to vector<16xf32>
        %mul3A_1145 = vector.broadcast %squeeze3A_1010 : f32 to vector<16xf32>
        %mul3A_1146 = arith.mulf %mul3A_1145, %get3A_1144 : vector<16xf32>
        %add3A_1147 = arith.addf %get3A_1139, %mul3A_1146 : vector<16xf32>
        %swap3A_1148 = arith.index_cast %add3A_1016 : i32 to index
        %swap3A_1149 = arith.constant 112 : index
        %swap3A_1150 = tpu.vector_load %arg17[%swap3A_1148, %swap3A_1149] {strides = array<i32>} : memref<408x128xf32, #tpu.memory_space<vmem>>, vector<1x16xf32>,
        %swap3A_1151 = vector.shape_cast %swap3A_1150 : vector<1x16xf32> to vector<16xf32>
        %swap3A_1152 = vector.shape_cast %add3A_1147 : vector<16xf32> to vector<1x16xf32>
        tpu.vector_store %arg17[%swap3A_1148, %swap3A_1149], %swap3A_1152 {strides = array<i32>} : memref<408x128xf32, #tpu.memory_space<vmem>>, vector<1x16xf32>,
        %slice3A_1153 = vector.extract_strided_slice %get3A_143 {offsets = [7], sizes = [1], strides = [1]} : vector<16xf32> to vector<1xf32>
        %squeeze3A_1154 = vector.extract %slice3A_1153[0] : f32 from vector<1xf32>
        %mul3A_1155 = arith.constant 102 : i32
        %mul3A_1156 = arith.muli %rem3A_101, %mul3A_1155 : i32
        %add3A_1157 = arith.constant 26 : i32
        %add3A_1158 = arith.addi %mul3A_1156, %add3A_1157 : i32
        %add3A_1159 = arith.constant 7 : i32
        %add3A_1160 = arith.addi %add3A_1158, %add3A_1159 : i32
        %get3A_1161 = arith.index_cast %add3A_1160 : i32 to index
        %get3A_1162 = arith.constant 0 : index
        %get3A_1163 = tpu.vector_load %arg17[%get3A_1161, %get3A_1162] {strides = array<i32>} : memref<408x128xf32, #tpu.memory_space<vmem>>, vector<1x16xf32>,
        %get3A_1164 = vector.shape_cast %get3A_1163 : vector<1x16xf32> to vector<16xf32>
        %get3A_1165 = arith.constant 7 : i32
        %get3A_1166 = arith.index_cast %get3A_1165 : i32 to index
        %get3A_1167 = arith.constant 0 : index
        %get3A_1168 = tpu.vector_load %arg15[%get3A_1166, %get3A_1167] {strides = array<i32>} : memref<26x128xf32, #tpu.memory_space<vmem>>, vector<1x16xf32>,
        %get3A_1169 = vector.shape_cast %get3A_1168 : vector<1x16xf32> to vector<16xf32>
        %mul3A_1170 = vector.broadcast %squeeze3A_1154 : f32 to vector<16xf32>
        %mul3A_1171 = arith.mulf %mul3A_1170, %get3A_1169 : vector<16xf32>
        %add3A_1172 = arith.addf %get3A_1164, %mul3A_1171 : vector<16xf32>
        %swap3A_1173 = arith.index_cast %add3A_1160 : i32 to index
        %swap3A_1174 = arith.constant 0 : index
        %swap3A_1175 = tpu.vector_load %arg17[%swap3A_1173, %swap3A_1174] {strides = array<i32>} : memref<408x128xf32, #tpu.memory_space<vmem>>, vector<1x16xf32>,
        %swap3A_1176 = vector.shape_cast %swap3A_1175 : vector<1x16xf32> to vector<16xf32>
        %swap3A_1177 = vector.shape_cast %add3A_1172 : vector<16xf32> to vector<1x16xf32>
        tpu.vector_store %arg17[%swap3A_1173, %swap3A_1174], %swap3A_1177 {strides = array<i32>} : memref<408x128xf32, #tpu.memory_space<vmem>>, vector<1x16xf32>,
        %get3A_1178 = arith.index_cast %add3A_1160 : i32 to index
        %get3A_1179 = arith.constant 16 : index
        %get3A_1180 = tpu.vector_load %arg17[%get3A_1178, %get3A_1179] {strides = array<i32>} : memref<408x128xf32, #tpu.memory_space<vmem>>, vector<1x16xf32>,
        %get3A_1181 = vector.shape_cast %get3A_1180 : vector<1x16xf32> to vector<16xf32>
        %get3A_1182 = arith.constant 7 : i32
        %get3A_1183 = arith.index_cast %get3A_1182 : i32 to index
        %get3A_1184 = arith.constant 16 : index
        %get3A_1185 = tpu.vector_load %arg15[%get3A_1183, %get3A_1184] {strides = array<i32>} : memref<26x128xf32, #tpu.memory_space<vmem>>, vector<1x16xf32>,
        %get3A_1186 = vector.shape_cast %get3A_1185 : vector<1x16xf32> to vector<16xf32>
        %mul3A_1187 = vector.broadcast %squeeze3A_1154 : f32 to vector<16xf32>
        %mul3A_1188 = arith.mulf %mul3A_1187, %get3A_1186 : vector<16xf32>
        %add3A_1189 = arith.addf %get3A_1181, %mul3A_1188 : vector<16xf32>
        %swap3A_1190 = arith.index_cast %add3A_1160 : i32 to index
        %swap3A_1191 = arith.constant 16 : index
        %swap3A_1192 = tpu.vector_load %arg17[%swap3A_1190, %swap3A_1191] {strides = array<i32>} : memref<408x128xf32, #tpu.memory_space<vmem>>, vector<1x16xf32>,
        %swap3A_1193 = vector.shape_cast %swap3A_1192 : vector<1x16xf32> to vector<16xf32>
        %swap3A_1194 = vector.shape_cast %add3A_1189 : vector<16xf32> to vector<1x16xf32>
        tpu.vector_store %arg17[%swap3A_1190, %swap3A_1191], %swap3A_1194 {strides = array<i32>} : memref<408x128xf32, #tpu.memory_space<vmem>>, vector<1x16xf32>,
        %get3A_1195 = arith.index_cast %add3A_1160 : i32 to index
        %get3A_1196 = arith.constant 32 : index
        %get3A_1197 = tpu.vector_load %arg17[%get3A_1195, %get3A_1196] {strides = array<i32>} : memref<408x128xf32, #tpu.memory_space<vmem>>, vector<1x16xf32>,
        %get3A_1198 = vector.shape_cast %get3A_1197 : vector<1x16xf32> to vector<16xf32>
        %get3A_1199 = arith.constant 7 : i32
        %get3A_1200 = arith.index_cast %get3A_1199 : i32 to index
        %get3A_1201 = arith.constant 32 : index
        %get3A_1202 = tpu.vector_load %arg15[%get3A_1200, %get3A_1201] {strides = array<i32>} : memref<26x128xf32, #tpu.memory_space<vmem>>, vector<1x16xf32>,
        %get3A_1203 = vector.shape_cast %get3A_1202 : vector<1x16xf32> to vector<16xf32>
        %mul3A_1204 = vector.broadcast %squeeze3A_1154 : f32 to vector<16xf32>
        %mul3A_1205 = arith.mulf %mul3A_1204, %get3A_1203 : vector<16xf32>
        %add3A_1206 = arith.addf %get3A_1198, %mul3A_1205 : vector<16xf32>
        %swap3A_1207 = arith.index_cast %add3A_1160 : i32 to index
        %swap3A_1208 = arith.constant 32 : index
        %swap3A_1209 = tpu.vector_load %arg17[%swap3A_1207, %swap3A_1208] {strides = array<i32>} : memref<408x128xf32, #tpu.memory_space<vmem>>, vector<1x16xf32>,
        %swap3A_1210 = vector.shape_cast %swap3A_1209 : vector<1x16xf32> to vector<16xf32>
        %swap3A_1211 = vector.shape_cast %add3A_1206 : vector<16xf32> to vector<1x16xf32>
        tpu.vector_store %arg17[%swap3A_1207, %swap3A_1208], %swap3A_1211 {strides = array<i32>} : memref<408x128xf32, #tpu.memory_space<vmem>>, vector<1x16xf32>,
        %get3A_1212 = arith.index_cast %add3A_1160 : i32 to index
        %get3A_1213 = arith.constant 48 : index
        %get3A_1214 = tpu.vector_load %arg17[%get3A_1212, %get3A_1213] {strides = array<i32>} : memref<408x128xf32, #tpu.memory_space<vmem>>, vector<1x16xf32>,
        %get3A_1215 = vector.shape_cast %get3A_1214 : vector<1x16xf32> to vector<16xf32>
        %get3A_1216 = arith.constant 7 : i32
        %get3A_1217 = arith.index_cast %get3A_1216 : i32 to index
        %get3A_1218 = arith.constant 48 : index
        %get3A_1219 = tpu.vector_load %arg15[%get3A_1217, %get3A_1218] {strides = array<i32>} : memref<26x128xf32, #tpu.memory_space<vmem>>, vector<1x16xf32>,
        %get3A_1220 = vector.shape_cast %get3A_1219 : vector<1x16xf32> to vector<16xf32>
        %mul3A_1221 = vector.broadcast %squeeze3A_1154 : f32 to vector<16xf32>
        %mul3A_1222 = arith.mulf %mul3A_1221, %get3A_1220 : vector<16xf32>
        %add3A_1223 = arith.addf %get3A_1215, %mul3A_1222 : vector<16xf32>
        %swap3A_1224 = arith.index_cast %add3A_1160 : i32 to index
        %swap3A_1225 = arith.constant 48 : index
        %swap3A_1226 = tpu.vector_load %arg17[%swap3A_1224, %swap3A_1225] {strides = array<i32>} : memref<408x128xf32, #tpu.memory_space<vmem>>, vector<1x16xf32>,
        %swap3A_1227 = vector.shape_cast %swap3A_1226 : vector<1x16xf32> to vector<16xf32>
        %swap3A_1228 = vector.shape_cast %add3A_1223 : vector<16xf32> to vector<1x16xf32>
        tpu.vector_store %arg17[%swap3A_1224, %swap3A_1225], %swap3A_1228 {strides = array<i32>} : memref<408x128xf32, #tpu.memory_space<vmem>>, vector<1x16xf32>,
        %get3A_1229 = arith.index_cast %add3A_1160 : i32 to index
        %get3A_1230 = arith.constant 64 : index
        %get3A_1231 = tpu.vector_load %arg17[%get3A_1229, %get3A_1230] {strides = array<i32>} : memref<408x128xf32, #tpu.memory_space<vmem>>, vector<1x16xf32>,
        %get3A_1232 = vector.shape_cast %get3A_1231 : vector<1x16xf32> to vector<16xf32>
        %get3A_1233 = arith.constant 7 : i32
        %get3A_1234 = arith.index_cast %get3A_1233 : i32 to index
        %get3A_1235 = arith.constant 64 : index
        %get3A_1236 = tpu.vector_load %arg15[%get3A_1234, %get3A_1235] {strides = array<i32>} : memref<26x128xf32, #tpu.memory_space<vmem>>, vector<1x16xf32>,
        %get3A_1237 = vector.shape_cast %get3A_1236 : vector<1x16xf32> to vector<16xf32>
        %mul3A_1238 = vector.broadcast %squeeze3A_1154 : f32 to vector<16xf32>
        %mul3A_1239 = arith.mulf %mul3A_1238, %get3A_1237 : vector<16xf32>
        %add3A_1240 = arith.addf %get3A_1232, %mul3A_1239 : vector<16xf32>
        %swap3A_1241 = arith.index_cast %add3A_1160 : i32 to index
        %swap3A_1242 = arith.constant 64 : index
        %swap3A_1243 = tpu.vector_load %arg17[%swap3A_1241, %swap3A_1242] {strides = array<i32>} : memref<408x128xf32, #tpu.memory_space<vmem>>, vector<1x16xf32>,
        %swap3A_1244 = vector.shape_cast %swap3A_1243 : vector<1x16xf32> to vector<16xf32>
        %swap3A_1245 = vector.shape_cast %add3A_1240 : vector<16xf32> to vector<1x16xf32>
        tpu.vector_store %arg17[%swap3A_1241, %swap3A_1242], %swap3A_1245 {strides = array<i32>} : memref<408x128xf32, #tpu.memory_space<vmem>>, vector<1x16xf32>,
        %get3A_1246 = arith.index_cast %add3A_1160 : i32 to index
        %get3A_1247 = arith.constant 80 : index
        %get3A_1248 = tpu.vector_load %arg17[%get3A_1246, %get3A_1247] {strides = array<i32>} : memref<408x128xf32, #tpu.memory_space<vmem>>, vector<1x16xf32>,
        %get3A_1249 = vector.shape_cast %get3A_1248 : vector<1x16xf32> to vector<16xf32>
        %get3A_1250 = arith.constant 7 : i32
        %get3A_1251 = arith.index_cast %get3A_1250 : i32 to index
        %get3A_1252 = arith.constant 80 : index
        %get3A_1253 = tpu.vector_load %arg15[%get3A_1251, %get3A_1252] {strides = array<i32>} : memref<26x128xf32, #tpu.memory_space<vmem>>, vector<1x16xf32>,
        %get3A_1254 = vector.shape_cast %get3A_1253 : vector<1x16xf32> to vector<16xf32>
        %mul3A_1255 = vector.broadcast %squeeze3A_1154 : f32 to vector<16xf32>
        %mul3A_1256 = arith.mulf %mul3A_1255, %get3A_1254 : vector<16xf32>
        %add3A_1257 = arith.addf %get3A_1249, %mul3A_1256 : vector<16xf32>
        %swap3A_1258 = arith.index_cast %add3A_1160 : i32 to index
        %swap3A_1259 = arith.constant 80 : index
        %swap3A_1260 = tpu.vector_load %arg17[%swap3A_1258, %swap3A_1259] {strides = array<i32>} : memref<408x128xf32, #tpu.memory_space<vmem>>, vector<1x16xf32>,
        %swap3A_1261 = vector.shape_cast %swap3A_1260 : vector<1x16xf32> to vector<16xf32>
        %swap3A_1262 = vector.shape_cast %add3A_1257 : vector<16xf32> to vector<1x16xf32>
        tpu.vector_store %arg17[%swap3A_1258, %swap3A_1259], %swap3A_1262 {strides = array<i32>} : memref<408x128xf32, #tpu.memory_space<vmem>>, vector<1x16xf32>,
        %get3A_1263 = arith.index_cast %add3A_1160 : i32 to index
        %get3A_1264 = arith.constant 96 : index
        %get3A_1265 = tpu.vector_load %arg17[%get3A_1263, %get3A_1264] {strides = array<i32>} : memref<408x128xf32, #tpu.memory_space<vmem>>, vector<1x16xf32>,
        %get3A_1266 = vector.shape_cast %get3A_1265 : vector<1x16xf32> to vector<16xf32>
        %get3A_1267 = arith.constant 7 : i32
        %get3A_1268 = arith.index_cast %get3A_1267 : i32 to index
        %get3A_1269 = arith.constant 96 : index
        %get3A_1270 = tpu.vector_load %arg15[%get3A_1268, %get3A_1269] {strides = array<i32>} : memref<26x128xf32, #tpu.memory_space<vmem>>, vector<1x16xf32>,
        %get3A_1271 = vector.shape_cast %get3A_1270 : vector<1x16xf32> to vector<16xf32>
        %mul3A_1272 = vector.broadcast %squeeze3A_1154 : f32 to vector<16xf32>
        %mul3A_1273 = arith.mulf %mul3A_1272, %get3A_1271 : vector<16xf32>
        %add3A_1274 = arith.addf %get3A_1266, %mul3A_1273 : vector<16xf32>
        %swap3A_1275 = arith.index_cast %add3A_1160 : i32 to index
        %swap3A_1276 = arith.constant 96 : index
        %swap3A_1277 = tpu.vector_load %arg17[%swap3A_1275, %swap3A_1276] {strides = array<i32>} : memref<408x128xf32, #tpu.memory_space<vmem>>, vector<1x16xf32>,
        %swap3A_1278 = vector.shape_cast %swap3A_1277 : vector<1x16xf32> to vector<16xf32>
        %swap3A_1279 = vector.shape_cast %add3A_1274 : vector<16xf32> to vector<1x16xf32>
        tpu.vector_store %arg17[%swap3A_1275, %swap3A_1276], %swap3A_1279 {strides = array<i32>} : memref<408x128xf32, #tpu.memory_space<vmem>>, vector<1x16xf32>,
        %get3A_1280 = arith.index_cast %add3A_1160 : i32 to index
        %get3A_1281 = arith.constant 112 : index
        %get3A_1282 = tpu.vector_load %arg17[%get3A_1280, %get3A_1281] {strides = array<i32>} : memref<408x128xf32, #tpu.memory_space<vmem>>, vector<1x16xf32>,
        %get3A_1283 = vector.shape_cast %get3A_1282 : vector<1x16xf32> to vector<16xf32>
        %get3A_1284 = arith.constant 7 : i32
        %get3A_1285 = arith.index_cast %get3A_1284 : i32 to index
        %get3A_1286 = arith.constant 112 : index
        %get3A_1287 = tpu.vector_load %arg15[%get3A_1285, %get3A_1286] {strides = array<i32>} : memref<26x128xf32, #tpu.memory_space<vmem>>, vector<1x16xf32>,
        %get3A_1288 = vector.shape_cast %get3A_1287 : vector<1x16xf32> to vector<16xf32>
        %mul3A_1289 = vector.broadcast %squeeze3A_1154 : f32 to vector<16xf32>
        %mul3A_1290 = arith.mulf %mul3A_1289, %get3A_1288 : vector<16xf32>
        %add3A_1291 = arith.addf %get3A_1283, %mul3A_1290 : vector<16xf32>
        %swap3A_1292 = arith.index_cast %add3A_1160 : i32 to index
        %swap3A_1293 = arith.constant 112 : index
        %swap3A_1294 = tpu.vector_load %arg17[%swap3A_1292, %swap3A_1293] {strides = array<i32>} : memref<408x128xf32, #tpu.memory_space<vmem>>, vector<1x16xf32>,
        %swap3A_1295 = vector.shape_cast %swap3A_1294 : vector<1x16xf32> to vector<16xf32>
        %swap3A_1296 = vector.shape_cast %add3A_1291 : vector<16xf32> to vector<1x16xf32>
        tpu.vector_store %arg17[%swap3A_1292, %swap3A_1293], %swap3A_1296 {strides = array<i32>} : memref<408x128xf32, #tpu.memory_space<vmem>>, vector<1x16xf32>,
        %slice3A_1297 = vector.extract_strided_slice %get3A_143 {offsets = [8], sizes = [1], strides = [1]} : vector<16xf32> to vector<1xf32>
        %squeeze3A_1298 = vector.extract %slice3A_1297[0] : f32 from vector<1xf32>
        %mul3A_1299 = arith.constant 102 : i32
        %mul3A_1300 = arith.muli %rem3A_101, %mul3A_1299 : i32
        %add3A_1301 = arith.constant 26 : i32
        %add3A_1302 = arith.addi %mul3A_1300, %add3A_1301 : i32
        %add3A_1303 = arith.constant 8 : i32
        %add3A_1304 = arith.addi %add3A_1302, %add3A_1303 : i32
        %get3A_1305 = arith.index_cast %add3A_1304 : i32 to index
        %get3A_1306 = arith.constant 0 : index
        %get3A_1307 = tpu.vector_load %arg17[%get3A_1305, %get3A_1306] {strides = array<i32>} : memref<408x128xf32, #tpu.memory_space<vmem>>, vector<1x16xf32>,
        %get3A_1308 = vector.shape_cast %get3A_1307 : vector<1x16xf32> to vector<16xf32>
        %get3A_1309 = arith.constant 8 : i32
        %get3A_1310 = arith.index_cast %get3A_1309 : i32 to index
        %get3A_1311 = arith.constant 0 : index
        %get3A_1312 = tpu.vector_load %arg15[%get3A_1310, %get3A_1311] {strides = array<i32>} : memref<26x128xf32, #tpu.memory_space<vmem>>, vector<1x16xf32>,
        %get3A_1313 = vector.shape_cast %get3A_1312 : vector<1x16xf32> to vector<16xf32>
        %mul3A_1314 = vector.broadcast %squeeze3A_1298 : f32 to vector<16xf32>
        %mul3A_1315 = arith.mulf %mul3A_1314, %get3A_1313 : vector<16xf32>
        %add3A_1316 = arith.addf %get3A_1308, %mul3A_1315 : vector<16xf32>
        %swap3A_1317 = arith.index_cast %add3A_1304 : i32 to index
        %swap3A_1318 = arith.constant 0 : index
        %swap3A_1319 = tpu.vector_load %arg17[%swap3A_1317, %swap3A_1318] {strides = array<i32>} : memref<408x128xf32, #tpu.memory_space<vmem>>, vector<1x16xf32>,
        %swap3A_1320 = vector.shape_cast %swap3A_1319 : vector<1x16xf32> to vector<16xf32>
        %swap3A_1321 = vector.shape_cast %add3A_1316 : vector<16xf32> to vector<1x16xf32>
        tpu.vector_store %arg17[%swap3A_1317, %swap3A_1318], %swap3A_1321 {strides = array<i32>} : memref<408x128xf32, #tpu.memory_space<vmem>>, vector<1x16xf32>,
        %get3A_1322 = arith.index_cast %add3A_1304 : i32 to index
        %get3A_1323 = arith.constant 16 : index
        %get3A_1324 = tpu.vector_load %arg17[%get3A_1322, %get3A_1323] {strides = array<i32>} : memref<408x128xf32, #tpu.memory_space<vmem>>, vector<1x16xf32>,
        %get3A_1325 = vector.shape_cast %get3A_1324 : vector<1x16xf32> to vector<16xf32>
        %get3A_1326 = arith.constant 8 : i32
        %get3A_1327 = arith.index_cast %get3A_1326 : i32 to index
        %get3A_1328 = arith.constant 16 : index
        %get3A_1329 = tpu.vector_load %arg15[%get3A_1327, %get3A_1328] {strides = array<i32>} : memref<26x128xf32, #tpu.memory_space<vmem>>, vector<1x16xf32>,
        %get3A_1330 = vector.shape_cast %get3A_1329 : vector<1x16xf32> to vector<16xf32>
        %mul3A_1331 = vector.broadcast %squeeze3A_1298 : f32 to vector<16xf32>
        %mul3A_1332 = arith.mulf %mul3A_1331, %get3A_1330 : vector<16xf32>
        %add3A_1333 = arith.addf %get3A_1325, %mul3A_1332 : vector<16xf32>
        %swap3A_1334 = arith.index_cast %add3A_1304 : i32 to index
        %swap3A_1335 = arith.constant 16 : index
        %swap3A_1336 = tpu.vector_load %arg17[%swap3A_1334, %swap3A_1335] {strides = array<i32>} : memref<408x128xf32, #tpu.memory_space<vmem>>, vector<1x16xf32>,
        %swap3A_1337 = vector.shape_cast %swap3A_1336 : vector<1x16xf32> to vector<16xf32>
        %swap3A_1338 = vector.shape_cast %add3A_1333 : vector<16xf32> to vector<1x16xf32>
        tpu.vector_store %arg17[%swap3A_1334, %swap3A_1335], %swap3A_1338 {strides = array<i32>} : memref<408x128xf32, #tpu.memory_space<vmem>>, vector<1x16xf32>,
        %get3A_1339 = arith.index_cast %add3A_1304 : i32 to index
        %get3A_1340 = arith.constant 32 : index
        %get3A_1341 = tpu.vector_load %arg17[%get3A_1339, %get3A_1340] {strides = array<i32>} : memref<408x128xf32, #tpu.memory_space<vmem>>, vector<1x16xf32>,
        %get3A_1342 = vector.shape_cast %get3A_1341 : vector<1x16xf32> to vector<16xf32>
        %get3A_1343 = arith.constant 8 : i32
        %get3A_1344 = arith.index_cast %get3A_1343 : i32 to index
        %get3A_1345 = arith.constant 32 : index
        %get3A_1346 = tpu.vector_load %arg15[%get3A_1344, %get3A_1345] {strides = array<i32>} : memref<26x128xf32, #tpu.memory_space<vmem>>, vector<1x16xf32>,
        %get3A_1347 = vector.shape_cast %get3A_1346 : vector<1x16xf32> to vector<16xf32>
        %mul3A_1348 = vector.broadcast %squeeze3A_1298 : f32 to vector<16xf32>
        %mul3A_1349 = arith.mulf %mul3A_1348, %get3A_1347 : vector<16xf32>
        %add3A_1350 = arith.addf %get3A_1342, %mul3A_1349 : vector<16xf32>
        %swap3A_1351 = arith.index_cast %add3A_1304 : i32 to index
        %swap3A_1352 = arith.constant 32 : index
        %swap3A_1353 = tpu.vector_load %arg17[%swap3A_1351, %swap3A_1352] {strides = array<i32>} : memref<408x128xf32, #tpu.memory_space<vmem>>, vector<1x16xf32>,
        %swap3A_1354 = vector.shape_cast %swap3A_1353 : vector<1x16xf32> to vector<16xf32>
        %swap3A_1355 = vector.shape_cast %add3A_1350 : vector<16xf32> to vector<1x16xf32>
        tpu.vector_store %arg17[%swap3A_1351, %swap3A_1352], %swap3A_1355 {strides = array<i32>} : memref<408x128xf32, #tpu.memory_space<vmem>>, vector<1x16xf32>,
        %get3A_1356 = arith.index_cast %add3A_1304 : i32 to index
        %get3A_1357 = arith.constant 48 : index
        %get3A_1358 = tpu.vector_load %arg17[%get3A_1356, %get3A_1357] {strides = array<i32>} : memref<408x128xf32, #tpu.memory_space<vmem>>, vector<1x16xf32>,
        %get3A_1359 = vector.shape_cast %get3A_1358 : vector<1x16xf32> to vector<16xf32>
        %get3A_1360 = arith.constant 8 : i32
        %get3A_1361 = arith.index_cast %get3A_1360 : i32 to index
        %get3A_1362 = arith.constant 48 : index
        %get3A_1363 = tpu.vector_load %arg15[%get3A_1361, %get3A_1362] {strides = array<i32>} : memref<26x128xf32, #tpu.memory_space<vmem>>, vector<1x16xf32>,
        %get3A_1364 = vector.shape_cast %get3A_1363 : vector<1x16xf32> to vector<16xf32>
        %mul3A_1365 = vector.broadcast %squeeze3A_1298 : f32 to vector<16xf32>
        %mul3A_1366 = arith.mulf %mul3A_1365, %get3A_1364 : vector<16xf32>
        %add3A_1367 = arith.addf %get3A_1359, %mul3A_1366 : vector<16xf32>
        %swap3A_1368 = arith.index_cast %add3A_1304 : i32 to index
        %swap3A_1369 = arith.constant 48 : index
        %swap3A_1370 = tpu.vector_load %arg17[%swap3A_1368, %swap3A_1369] {strides = array<i32>} : memref<408x128xf32, #tpu.memory_space<vmem>>, vector<1x16xf32>,
        %swap3A_1371 = vector.shape_cast %swap3A_1370 : vector<1x16xf32> to vector<16xf32>
        %swap3A_1372 = vector.shape_cast %add3A_1367 : vector<16xf32> to vector<1x16xf32>
        tpu.vector_store %arg17[%swap3A_1368, %swap3A_1369], %swap3A_1372 {strides = array<i32>} : memref<408x128xf32, #tpu.memory_space<vmem>>, vector<1x16xf32>,
        %get3A_1373 = arith.index_cast %add3A_1304 : i32 to index
        %get3A_1374 = arith.constant 64 : index
        %get3A_1375 = tpu.vector_load %arg17[%get3A_1373, %get3A_1374] {strides = array<i32>} : memref<408x128xf32, #tpu.memory_space<vmem>>, vector<1x16xf32>,
        %get3A_1376 = vector.shape_cast %get3A_1375 : vector<1x16xf32> to vector<16xf32>
        %get3A_1377 = arith.constant 8 : i32
        %get3A_1378 = arith.index_cast %get3A_1377 : i32 to index
        %get3A_1379 = arith.constant 64 : index
        %get3A_1380 = tpu.vector_load %arg15[%get3A_1378, %get3A_1379] {strides = array<i32>} : memref<26x128xf32, #tpu.memory_space<vmem>>, vector<1x16xf32>,
        %get3A_1381 = vector.shape_cast %get3A_1380 : vector<1x16xf32> to vector<16xf32>
        %mul3A_1382 = vector.broadcast %squeeze3A_1298 : f32 to vector<16xf32>
        %mul3A_1383 = arith.mulf %mul3A_1382, %get3A_1381 : vector<16xf32>
        %add3A_1384 = arith.addf %get3A_1376, %mul3A_1383 : vector<16xf32>
        %swap3A_1385 = arith.index_cast %add3A_1304 : i32 to index
        %swap3A_1386 = arith.constant 64 : index
        %swap3A_1387 = tpu.vector_load %arg17[%swap3A_1385, %swap3A_1386] {strides = array<i32>} : memref<408x128xf32, #tpu.memory_space<vmem>>, vector<1x16xf32>,
        %swap3A_1388 = vector.shape_cast %swap3A_1387 : vector<1x16xf32> to vector<16xf32>
        %swap3A_1389 = vector.shape_cast %add3A_1384 : vector<16xf32> to vector<1x16xf32>
        tpu.vector_store %arg17[%swap3A_1385, %swap3A_1386], %swap3A_1389 {strides = array<i32>} : memref<408x128xf32, #tpu.memory_space<vmem>>, vector<1x16xf32>,
        %get3A_1390 = arith.index_cast %add3A_1304 : i32 to index
        %get3A_1391 = arith.constant 80 : index
        %get3A_1392 = tpu.vector_load %arg17[%get3A_1390, %get3A_1391] {strides = array<i32>} : memref<408x128xf32, #tpu.memory_space<vmem>>, vector<1x16xf32>,
        %get3A_1393 = vector.shape_cast %get3A_1392 : vector<1x16xf32> to vector<16xf32>
        %get3A_1394 = arith.constant 8 : i32
        %get3A_1395 = arith.index_cast %get3A_1394 : i32 to index
        %get3A_1396 = arith.constant 80 : index
        %get3A_1397 = tpu.vector_load %arg15[%get3A_1395, %get3A_1396] {strides = array<i32>} : memref<26x128xf32, #tpu.memory_space<vmem>>, vector<1x16xf32>,
        %get3A_1398 = vector.shape_cast %get3A_1397 : vector<1x16xf32> to vector<16xf32>
        %mul3A_1399 = vector.broadcast %squeeze3A_1298 : f32 to vector<16xf32>
        %mul3A_1400 = arith.mulf %mul3A_1399, %get3A_1398 : vector<16xf32>
        %add3A_1401 = arith.addf %get3A_1393, %mul3A_1400 : vector<16xf32>
        %swap3A_1402 = arith.index_cast %add3A_1304 : i32 to index
        %swap3A_1403 = arith.constant 80 : index
        %swap3A_1404 = tpu.vector_load %arg17[%swap3A_1402, %swap3A_1403] {strides = array<i32>} : memref<408x128xf32, #tpu.memory_space<vmem>>, vector<1x16xf32>,
        %swap3A_1405 = vector.shape_cast %swap3A_1404 : vector<1x16xf32> to vector<16xf32>
        %swap3A_1406 = vector.shape_cast %add3A_1401 : vector<16xf32> to vector<1x16xf32>
        tpu.vector_store %arg17[%swap3A_1402, %swap3A_1403], %swap3A_1406 {strides = array<i32>} : memref<408x128xf32, #tpu.memory_space<vmem>>, vector<1x16xf32>,
        %get3A_1407 = arith.index_cast %add3A_1304 : i32 to index
        %get3A_1408 = arith.constant 96 : index
        %get3A_1409 = tpu.vector_load %arg17[%get3A_1407, %get3A_1408] {strides = array<i32>} : memref<408x128xf32, #tpu.memory_space<vmem>>, vector<1x16xf32>,
        %get3A_1410 = vector.shape_cast %get3A_1409 : vector<1x16xf32> to vector<16xf32>
        %get3A_1411 = arith.constant 8 : i32
        %get3A_1412 = arith.index_cast %get3A_1411 : i32 to index
        %get3A_1413 = arith.constant 96 : index
        %get3A_1414 = tpu.vector_load %arg15[%get3A_1412, %get3A_1413] {strides = array<i32>} : memref<26x128xf32, #tpu.memory_space<vmem>>, vector<1x16xf32>,
        %get3A_1415 = vector.shape_cast %get3A_1414 : vector<1x16xf32> to vector<16xf32>
        %mul3A_1416 = vector.broadcast %squeeze3A_1298 : f32 to vector<16xf32>
        %mul3A_1417 = arith.mulf %mul3A_1416, %get3A_1415 : vector<16xf32>
        %add3A_1418 = arith.addf %get3A_1410, %mul3A_1417 : vector<16xf32>
        %swap3A_1419 = arith.index_cast %add3A_1304 : i32 to index
        %swap3A_1420 = arith.constant 96 : index
        %swap3A_1421 = tpu.vector_load %arg17[%swap3A_1419, %swap3A_1420] {strides = array<i32>} : memref<408x128xf32, #tpu.memory_space<vmem>>, vector<1x16xf32>,
        %swap3A_1422 = vector.shape_cast %swap3A_1421 : vector<1x16xf32> to vector<16xf32>
        %swap3A_1423 = vector.shape_cast %add3A_1418 : vector<16xf32> to vector<1x16xf32>
        tpu.vector_store %arg17[%swap3A_1419, %swap3A_1420], %swap3A_1423 {strides = array<i32>} : memref<408x128xf32, #tpu.memory_space<vmem>>, vector<1x16xf32>,
        %get3A_1424 = arith.index_cast %add3A_1304 : i32 to index
        %get3A_1425 = arith.constant 112 : index
        %get3A_1426 = tpu.vector_load %arg17[%get3A_1424, %get3A_1425] {strides = array<i32>} : memref<408x128xf32, #tpu.memory_space<vmem>>, vector<1x16xf32>,
        %get3A_1427 = vector.shape_cast %get3A_1426 : vector<1x16xf32> to vector<16xf32>
        %get3A_1428 = arith.constant 8 : i32
        %get3A_1429 = arith.index_cast %get3A_1428 : i32 to index
        %get3A_1430 = arith.constant 112 : index
        %get3A_1431 = tpu.vector_load %arg15[%get3A_1429, %get3A_1430] {strides = array<i32>} : memref<26x128xf32, #tpu.memory_space<vmem>>, vector<1x16xf32>,
        %get3A_1432 = vector.shape_cast %get3A_1431 : vector<1x16xf32> to vector<16xf32>
        %mul3A_1433 = vector.broadcast %squeeze3A_1298 : f32 to vector<16xf32>
        %mul3A_1434 = arith.mulf %mul3A_1433, %get3A_1432 : vector<16xf32>
        %add3A_1435 = arith.addf %get3A_1427, %mul3A_1434 : vector<16xf32>
        %swap3A_1436 = arith.index_cast %add3A_1304 : i32 to index
        %swap3A_1437 = arith.constant 112 : index
        %swap3A_1438 = tpu.vector_load %arg17[%swap3A_1436, %swap3A_1437] {strides = array<i32>} : memref<408x128xf32, #tpu.memory_space<vmem>>, vector<1x16xf32>,
        %swap3A_1439 = vector.shape_cast %swap3A_1438 : vector<1x16xf32> to vector<16xf32>
        %swap3A_1440 = vector.shape_cast %add3A_1435 : vector<16xf32> to vector<1x16xf32>
        tpu.vector_store %arg17[%swap3A_1436, %swap3A_1437], %swap3A_1440 {strides = array<i32>} : memref<408x128xf32, #tpu.memory_space<vmem>>, vector<1x16xf32>,
        %slice3A_1441 = vector.extract_strided_slice %get3A_143 {offsets = [9], sizes = [1], strides = [1]} : vector<16xf32> to vector<1xf32>
        %squeeze3A_1442 = vector.extract %slice3A_1441[0] : f32 from vector<1xf32>
        %mul3A_1443 = arith.constant 102 : i32
        %mul3A_1444 = arith.muli %rem3A_101, %mul3A_1443 : i32
        %add3A_1445 = arith.constant 26 : i32
        %add3A_1446 = arith.addi %mul3A_1444, %add3A_1445 : i32
        %add3A_1447 = arith.constant 9 : i32
        %add3A_1448 = arith.addi %add3A_1446, %add3A_1447 : i32
        %get3A_1449 = arith.index_cast %add3A_1448 : i32 to index
        %get3A_1450 = arith.constant 0 : index
        %get3A_1451 = tpu.vector_load %arg17[%get3A_1449, %get3A_1450] {strides = array<i32>} : memref<408x128xf32, #tpu.memory_space<vmem>>, vector<1x16xf32>,
        %get3A_1452 = vector.shape_cast %get3A_1451 : vector<1x16xf32> to vector<16xf32>
        %get3A_1453 = arith.constant 9 : i32
        %get3A_1454 = arith.index_cast %get3A_1453 : i32 to index
        %get3A_1455 = arith.constant 0 : index
        %get3A_1456 = tpu.vector_load %arg15[%get3A_1454, %get3A_1455] {strides = array<i32>} : memref<26x128xf32, #tpu.memory_space<vmem>>, vector<1x16xf32>,
        %get3A_1457 = vector.shape_cast %get3A_1456 : vector<1x16xf32> to vector<16xf32>
        %mul3A_1458 = vector.broadcast %squeeze3A_1442 : f32 to vector<16xf32>
        %mul3A_1459 = arith.mulf %mul3A_1458, %get3A_1457 : vector<16xf32>
        %add3A_1460 = arith.addf %get3A_1452, %mul3A_1459 : vector<16xf32>
        %swap3A_1461 = arith.index_cast %add3A_1448 : i32 to index
        %swap3A_1462 = arith.constant 0 : index
        %swap3A_1463 = tpu.vector_load %arg17[%swap3A_1461, %swap3A_1462] {strides = array<i32>} : memref<408x128xf32, #tpu.memory_space<vmem>>, vector<1x16xf32>,
        %swap3A_1464 = vector.shape_cast %swap3A_1463 : vector<1x16xf32> to vector<16xf32>
        %swap3A_1465 = vector.shape_cast %add3A_1460 : vector<16xf32> to vector<1x16xf32>
        tpu.vector_store %arg17[%swap3A_1461, %swap3A_1462], %swap3A_1465 {strides = array<i32>} : memref<408x128xf32, #tpu.memory_space<vmem>>, vector<1x16xf32>,
        %get3A_1466 = arith.index_cast %add3A_1448 : i32 to index
        %get3A_1467 = arith.constant 16 : index
        %get3A_1468 = tpu.vector_load %arg17[%get3A_1466, %get3A_1467] {strides = array<i32>} : memref<408x128xf32, #tpu.memory_space<vmem>>, vector<1x16xf32>,
        %get3A_1469 = vector.shape_cast %get3A_1468 : vector<1x16xf32> to vector<16xf32>
        %get3A_1470 = arith.constant 9 : i32
        %get3A_1471 = arith.index_cast %get3A_1470 : i32 to index
        %get3A_1472 = arith.constant 16 : index
        %get3A_1473 = tpu.vector_load %arg15[%get3A_1471, %get3A_1472] {strides = array<i32>} : memref<26x128xf32, #tpu.memory_space<vmem>>, vector<1x16xf32>,
        %get3A_1474 = vector.shape_cast %get3A_1473 : vector<1x16xf32> to vector<16xf32>
        %mul3A_1475 = vector.broadcast %squeeze3A_1442 : f32 to vector<16xf32>
        %mul3A_1476 = arith.mulf %mul3A_1475, %get3A_1474 : vector<16xf32>
        %add3A_1477 = arith.addf %get3A_1469, %mul3A_1476 : vector<16xf32>
        %swap3A_1478 = arith.index_cast %add3A_1448 : i32 to index
        %swap3A_1479 = arith.constant 16 : index
        %swap3A_1480 = tpu.vector_load %arg17[%swap3A_1478, %swap3A_1479] {strides = array<i32>} : memref<408x128xf32, #tpu.memory_space<vmem>>, vector<1x16xf32>,
        %swap3A_1481 = vector.shape_cast %swap3A_1480 : vector<1x16xf32> to vector<16xf32>
        %swap3A_1482 = vector.shape_cast %add3A_1477 : vector<16xf32> to vector<1x16xf32>
        tpu.vector_store %arg17[%swap3A_1478, %swap3A_1479], %swap3A_1482 {strides = array<i32>} : memref<408x128xf32, #tpu.memory_space<vmem>>, vector<1x16xf32>,
        %get3A_1483 = arith.index_cast %add3A_1448 : i32 to index
        %get3A_1484 = arith.constant 32 : index
        %get3A_1485 = tpu.vector_load %arg17[%get3A_1483, %get3A_1484] {strides = array<i32>} : memref<408x128xf32, #tpu.memory_space<vmem>>, vector<1x16xf32>,
        %get3A_1486 = vector.shape_cast %get3A_1485 : vector<1x16xf32> to vector<16xf32>
        %get3A_1487 = arith.constant 9 : i32
        %get3A_1488 = arith.index_cast %get3A_1487 : i32 to index
        %get3A_1489 = arith.constant 32 : index
        %get3A_1490 = tpu.vector_load %arg15[%get3A_1488, %get3A_1489] {strides = array<i32>} : memref<26x128xf32, #tpu.memory_space<vmem>>, vector<1x16xf32>,
        %get3A_1491 = vector.shape_cast %get3A_1490 : vector<1x16xf32> to vector<16xf32>
        %mul3A_1492 = vector.broadcast %squeeze3A_1442 : f32 to vector<16xf32>
        %mul3A_1493 = arith.mulf %mul3A_1492, %get3A_1491 : vector<16xf32>
        %add3A_1494 = arith.addf %get3A_1486, %mul3A_1493 : vector<16xf32>
        %swap3A_1495 = arith.index_cast %add3A_1448 : i32 to index
        %swap3A_1496 = arith.constant 32 : index
        %swap3A_1497 = tpu.vector_load %arg17[%swap3A_1495, %swap3A_1496] {strides = array<i32>} : memref<408x128xf32, #tpu.memory_space<vmem>>, vector<1x16xf32>,
        %swap3A_1498 = vector.shape_cast %swap3A_1497 : vector<1x16xf32> to vector<16xf32>
        %swap3A_1499 = vector.shape_cast %add3A_1494 : vector<16xf32> to vector<1x16xf32>
        tpu.vector_store %arg17[%swap3A_1495, %swap3A_1496], %swap3A_1499 {strides = array<i32>} : memref<408x128xf32, #tpu.memory_space<vmem>>, vector<1x16xf32>,
        %get3A_1500 = arith.index_cast %add3A_1448 : i32 to index
        %get3A_1501 = arith.constant 48 : index
        %get3A_1502 = tpu.vector_load %arg17[%get3A_1500, %get3A_1501] {strides = array<i32>} : memref<408x128xf32, #tpu.memory_space<vmem>>, vector<1x16xf32>,
        %get3A_1503 = vector.shape_cast %get3A_1502 : vector<1x16xf32> to vector<16xf32>
        %get3A_1504 = arith.constant 9 : i32
        %get3A_1505 = arith.index_cast %get3A_1504 : i32 to index
        %get3A_1506 = arith.constant 48 : index
        %get3A_1507 = tpu.vector_load %arg15[%get3A_1505, %get3A_1506] {strides = array<i32>} : memref<26x128xf32, #tpu.memory_space<vmem>>, vector<1x16xf32>,
        %get3A_1508 = vector.shape_cast %get3A_1507 : vector<1x16xf32> to vector<16xf32>
        %mul3A_1509 = vector.broadcast %squeeze3A_1442 : f32 to vector<16xf32>
        %mul3A_1510 = arith.mulf %mul3A_1509, %get3A_1508 : vector<16xf32>
        %add3A_1511 = arith.addf %get3A_1503, %mul3A_1510 : vector<16xf32>
        %swap3A_1512 = arith.index_cast %add3A_1448 : i32 to index
        %swap3A_1513 = arith.constant 48 : index
        %swap3A_1514 = tpu.vector_load %arg17[%swap3A_1512, %swap3A_1513] {strides = array<i32>} : memref<408x128xf32, #tpu.memory_space<vmem>>, vector<1x16xf32>,
        %swap3A_1515 = vector.shape_cast %swap3A_1514 : vector<1x16xf32> to vector<16xf32>
        %swap3A_1516 = vector.shape_cast %add3A_1511 : vector<16xf32> to vector<1x16xf32>
        tpu.vector_store %arg17[%swap3A_1512, %swap3A_1513], %swap3A_1516 {strides = array<i32>} : memref<408x128xf32, #tpu.memory_space<vmem>>, vector<1x16xf32>,
        %get3A_1517 = arith.index_cast %add3A_1448 : i32 to index
        %get3A_1518 = arith.constant 64 : index
        %get3A_1519 = tpu.vector_load %arg17[%get3A_1517, %get3A_1518] {strides = array<i32>} : memref<408x128xf32, #tpu.memory_space<vmem>>, vector<1x16xf32>,
        %get3A_1520 = vector.shape_cast %get3A_1519 : vector<1x16xf32> to vector<16xf32>
        %get3A_1521 = arith.constant 9 : i32
        %get3A_1522 = arith.index_cast %get3A_1521 : i32 to index
        %get3A_1523 = arith.constant 64 : index
        %get3A_1524 = tpu.vector_load %arg15[%get3A_1522, %get3A_1523] {strides = array<i32>} : memref<26x128xf32, #tpu.memory_space<vmem>>, vector<1x16xf32>,
        %get3A_1525 = vector.shape_cast %get3A_1524 : vector<1x16xf32> to vector<16xf32>
        %mul3A_1526 = vector.broadcast %squeeze3A_1442 : f32 to vector<16xf32>
        %mul3A_1527 = arith.mulf %mul3A_1526, %get3A_1525 : vector<16xf32>
        %add3A_1528 = arith.addf %get3A_1520, %mul3A_1527 : vector<16xf32>
        %swap3A_1529 = arith.index_cast %add3A_1448 : i32 to index
        %swap3A_1530 = arith.constant 64 : index
        %swap3A_1531 = tpu.vector_load %arg17[%swap3A_1529, %swap3A_1530] {strides = array<i32>} : memref<408x128xf32, #tpu.memory_space<vmem>>, vector<1x16xf32>,
        %swap3A_1532 = vector.shape_cast %swap3A_1531 : vector<1x16xf32> to vector<16xf32>
        %swap3A_1533 = vector.shape_cast %add3A_1528 : vector<16xf32> to vector<1x16xf32>
        tpu.vector_store %arg17[%swap3A_1529, %swap3A_1530], %swap3A_1533 {strides = array<i32>} : memref<408x128xf32, #tpu.memory_space<vmem>>, vector<1x16xf32>,
        %get3A_1534 = arith.index_cast %add3A_1448 : i32 to index
        %get3A_1535 = arith.constant 80 : index
        %get3A_1536 = tpu.vector_load %arg17[%get3A_1534, %get3A_1535] {strides = array<i32>} : memref<408x128xf32, #tpu.memory_space<vmem>>, vector<1x16xf32>,
        %get3A_1537 = vector.shape_cast %get3A_1536 : vector<1x16xf32> to vector<16xf32>
        %get3A_1538 = arith.constant 9 : i32
        %get3A_1539 = arith.index_cast %get3A_1538 : i32 to index
        %get3A_1540 = arith.constant 80 : index
        %get3A_1541 = tpu.vector_load %arg15[%get3A_1539, %get3A_1540] {strides = array<i32>} : memref<26x128xf32, #tpu.memory_space<vmem>>, vector<1x16xf32>,
        %get3A_1542 = vector.shape_cast %get3A_1541 : vector<1x16xf32> to vector<16xf32>
        %mul3A_1543 = vector.broadcast %squeeze3A_1442 : f32 to vector<16xf32>
        %mul3A_1544 = arith.mulf %mul3A_1543, %get3A_1542 : vector<16xf32>
        %add3A_1545 = arith.addf %get3A_1537, %mul3A_1544 : vector<16xf32>
        %swap3A_1546 = arith.index_cast %add3A_1448 : i32 to index
        %swap3A_1547 = arith.constant 80 : index
        %swap3A_1548 = tpu.vector_load %arg17[%swap3A_1546, %swap3A_1547] {strides = array<i32>} : memref<408x128xf32, #tpu.memory_space<vmem>>, vector<1x16xf32>,
        %swap3A_1549 = vector.shape_cast %swap3A_1548 : vector<1x16xf32> to vector<16xf32>
        %swap3A_1550 = vector.shape_cast %add3A_1545 : vector<16xf32> to vector<1x16xf32>
        tpu.vector_store %arg17[%swap3A_1546, %swap3A_1547], %swap3A_1550 {strides = array<i32>} : memref<408x128xf32, #tpu.memory_space<vmem>>, vector<1x16xf32>,
        %get3A_1551 = arith.index_cast %add3A_1448 : i32 to index
        %get3A_1552 = arith.constant 96 : index
        %get3A_1553 = tpu.vector_load %arg17[%get3A_1551, %get3A_1552] {strides = array<i32>} : memref<408x128xf32, #tpu.memory_space<vmem>>, vector<1x16xf32>,
        %get3A_1554 = vector.shape_cast %get3A_1553 : vector<1x16xf32> to vector<16xf32>
        %get3A_1555 = arith.constant 9 : i32
        %get3A_1556 = arith.index_cast %get3A_1555 : i32 to index
        %get3A_1557 = arith.constant 96 : index
        %get3A_1558 = tpu.vector_load %arg15[%get3A_1556, %get3A_1557] {strides = array<i32>} : memref<26x128xf32, #tpu.memory_space<vmem>>, vector<1x16xf32>,
        %get3A_1559 = vector.shape_cast %get3A_1558 : vector<1x16xf32> to vector<16xf32>
        %mul3A_1560 = vector.broadcast %squeeze3A_1442 : f32 to vector<16xf32>
        %mul3A_1561 = arith.mulf %mul3A_1560, %get3A_1559 : vector<16xf32>
        %add3A_1562 = arith.addf %get3A_1554, %mul3A_1561 : vector<16xf32>
        %swap3A_1563 = arith.index_cast %add3A_1448 : i32 to index
        %swap3A_1564 = arith.constant 96 : index
        %swap3A_1565 = tpu.vector_load %arg17[%swap3A_1563, %swap3A_1564] {strides = array<i32>} : memref<408x128xf32, #tpu.memory_space<vmem>>, vector<1x16xf32>,
        %swap3A_1566 = vector.shape_cast %swap3A_1565 : vector<1x16xf32> to vector<16xf32>
        %swap3A_1567 = vector.shape_cast %add3A_1562 : vector<16xf32> to vector<1x16xf32>
        tpu.vector_store %arg17[%swap3A_1563, %swap3A_1564], %swap3A_1567 {strides = array<i32>} : memref<408x128xf32, #tpu.memory_space<vmem>>, vector<1x16xf32>,
        %get3A_1568 = arith.index_cast %add3A_1448 : i32 to index
        %get3A_1569 = arith.constant 112 : index
        %get3A_1570 = tpu.vector_load %arg17[%get3A_1568, %get3A_1569] {strides = array<i32>} : memref<408x128xf32, #tpu.memory_space<vmem>>, vector<1x16xf32>,
        %get3A_1571 = vector.shape_cast %get3A_1570 : vector<1x16xf32> to vector<16xf32>
        %get3A_1572 = arith.constant 9 : i32
        %get3A_1573 = arith.index_cast %get3A_1572 : i32 to index
        %get3A_1574 = arith.constant 112 : index
        %get3A_1575 = tpu.vector_load %arg15[%get3A_1573, %get3A_1574] {strides = array<i32>} : memref<26x128xf32, #tpu.memory_space<vmem>>, vector<1x16xf32>,
        %get3A_1576 = vector.shape_cast %get3A_1575 : vector<1x16xf32> to vector<16xf32>
        %mul3A_1577 = vector.broadcast %squeeze3A_1442 : f32 to vector<16xf32>
        %mul3A_1578 = arith.mulf %mul3A_1577, %get3A_1576 : vector<16xf32>
        %add3A_1579 = arith.addf %get3A_1571, %mul3A_1578 : vector<16xf32>
        %swap3A_1580 = arith.index_cast %add3A_1448 : i32 to index
        %swap3A_1581 = arith.constant 112 : index
        %swap3A_1582 = tpu.vector_load %arg17[%swap3A_1580, %swap3A_1581] {strides = array<i32>} : memref<408x128xf32, #tpu.memory_space<vmem>>, vector<1x16xf32>,
        %swap3A_1583 = vector.shape_cast %swap3A_1582 : vector<1x16xf32> to vector<16xf32>
        %swap3A_1584 = vector.shape_cast %add3A_1579 : vector<16xf32> to vector<1x16xf32>
        tpu.vector_store %arg17[%swap3A_1580, %swap3A_1581], %swap3A_1584 {strides = array<i32>} : memref<408x128xf32, #tpu.memory_space<vmem>>, vector<1x16xf32>,
        %slice3A_1585 = vector.extract_strided_slice %get3A_143 {offsets = [10], sizes = [1], strides = [1]} : vector<16xf32> to vector<1xf32>
        %squeeze3A_1586 = vector.extract %slice3A_1585[0] : f32 from vector<1xf32>
        %mul3A_1587 = arith.constant 102 : i32
        %mul3A_1588 = arith.muli %rem3A_101, %mul3A_1587 : i32
        %add3A_1589 = arith.constant 26 : i32
        %add3A_1590 = arith.addi %mul3A_1588, %add3A_1589 : i32
        %add3A_1591 = arith.constant 10 : i32
        %add3A_1592 = arith.addi %add3A_1590, %add3A_1591 : i32
        %get3A_1593 = arith.index_cast %add3A_1592 : i32 to index
        %get3A_1594 = arith.constant 0 : index
        %get3A_1595 = tpu.vector_load %arg17[%get3A_1593, %get3A_1594] {strides = array<i32>} : memref<408x128xf32, #tpu.memory_space<vmem>>, vector<1x16xf32>,
        %get3A_1596 = vector.shape_cast %get3A_1595 : vector<1x16xf32> to vector<16xf32>
        %get3A_1597 = arith.constant 10 : i32
        %get3A_1598 = arith.index_cast %get3A_1597 : i32 to index
        %get3A_1599 = arith.constant 0 : index
        %get3A_1600 = tpu.vector_load %arg15[%get3A_1598, %get3A_1599] {strides = array<i32>} : memref<26x128xf32, #tpu.memory_space<vmem>>, vector<1x16xf32>,
        %get3A_1601 = vector.shape_cast %get3A_1600 : vector<1x16xf32> to vector<16xf32>
        %mul3A_1602 = vector.broadcast %squeeze3A_1586 : f32 to vector<16xf32>
        %mul3A_1603 = arith.mulf %mul3A_1602, %get3A_1601 : vector<16xf32>
        %add3A_1604 = arith.addf %get3A_1596, %mul3A_1603 : vector<16xf32>
        %swap3A_1605 = arith.index_cast %add3A_1592 : i32 to index
        %swap3A_1606 = arith.constant 0 : index
        %swap3A_1607 = tpu.vector_load %arg17[%swap3A_1605, %swap3A_1606] {strides = array<i32>} : memref<408x128xf32, #tpu.memory_space<vmem>>, vector<1x16xf32>,
        %swap3A_1608 = vector.shape_cast %swap3A_1607 : vector<1x16xf32> to vector<16xf32>
        %swap3A_1609 = vector.shape_cast %add3A_1604 : vector<16xf32> to vector<1x16xf32>
        tpu.vector_store %arg17[%swap3A_1605, %swap3A_1606], %swap3A_1609 {strides = array<i32>} : memref<408x128xf32, #tpu.memory_space<vmem>>, vector<1x16xf32>,
        %get3A_1610 = arith.index_cast %add3A_1592 : i32 to index
        %get3A_1611 = arith.constant 16 : index
        %get3A_1612 = tpu.vector_load %arg17[%get3A_1610, %get3A_1611] {strides = array<i32>} : memref<408x128xf32, #tpu.memory_space<vmem>>, vector<1x16xf32>,
        %get3A_1613 = vector.shape_cast %get3A_1612 : vector<1x16xf32> to vector<16xf32>
        %get3A_1614 = arith.constant 10 : i32
        %get3A_1615 = arith.index_cast %get3A_1614 : i32 to index
        %get3A_1616 = arith.constant 16 : index
        %get3A_1617 = tpu.vector_load %arg15[%get3A_1615, %get3A_1616] {strides = array<i32>} : memref<26x128xf32, #tpu.memory_space<vmem>>, vector<1x16xf32>,
        %get3A_1618 = vector.shape_cast %get3A_1617 : vector<1x16xf32> to vector<16xf32>
        %mul3A_1619 = vector.broadcast %squeeze3A_1586 : f32 to vector<16xf32>
        %mul3A_1620 = arith.mulf %mul3A_1619, %get3A_1618 : vector<16xf32>
        %add3A_1621 = arith.addf %get3A_1613, %mul3A_1620 : vector<16xf32>
        %swap3A_1622 = arith.index_cast %add3A_1592 : i32 to index
        %swap3A_1623 = arith.constant 16 : index
        %swap3A_1624 = tpu.vector_load %arg17[%swap3A_1622, %swap3A_1623] {strides = array<i32>} : memref<408x128xf32, #tpu.memory_space<vmem>>, vector<1x16xf32>,
        %swap3A_1625 = vector.shape_cast %swap3A_1624 : vector<1x16xf32> to vector<16xf32>
        %swap3A_1626 = vector.shape_cast %add3A_1621 : vector<16xf32> to vector<1x16xf32>
        tpu.vector_store %arg17[%swap3A_1622, %swap3A_1623], %swap3A_1626 {strides = array<i32>} : memref<408x128xf32, #tpu.memory_space<vmem>>, vector<1x16xf32>,
        %get3A_1627 = arith.index_cast %add3A_1592 : i32 to index
        %get3A_1628 = arith.constant 32 : index
        %get3A_1629 = tpu.vector_load %arg17[%get3A_1627, %get3A_1628] {strides = array<i32>} : memref<408x128xf32, #tpu.memory_space<vmem>>, vector<1x16xf32>,
        %get3A_1630 = vector.shape_cast %get3A_1629 : vector<1x16xf32> to vector<16xf32>
        %get3A_1631 = arith.constant 10 : i32
        %get3A_1632 = arith.index_cast %get3A_1631 : i32 to index
        %get3A_1633 = arith.constant 32 : index
        %get3A_1634 = tpu.vector_load %arg15[%get3A_1632, %get3A_1633] {strides = array<i32>} : memref<26x128xf32, #tpu.memory_space<vmem>>, vector<1x16xf32>,
        %get3A_1635 = vector.shape_cast %get3A_1634 : vector<1x16xf32> to vector<16xf32>
        %mul3A_1636 = vector.broadcast %squeeze3A_1586 : f32 to vector<16xf32>
        %mul3A_1637 = arith.mulf %mul3A_1636, %get3A_1635 : vector<16xf32>
        %add3A_1638 = arith.addf %get3A_1630, %mul3A_1637 : vector<16xf32>
        %swap3A_1639 = arith.index_cast %add3A_1592 : i32 to index
        %swap3A_1640 = arith.constant 32 : index
        %swap3A_1641 = tpu.vector_load %arg17[%swap3A_1639, %swap3A_1640] {strides = array<i32>} : memref<408x128xf32, #tpu.memory_space<vmem>>, vector<1x16xf32>,
        %swap3A_1642 = vector.shape_cast %swap3A_1641 : vector<1x16xf32> to vector<16xf32>
        %swap3A_1643 = vector.shape_cast %add3A_1638 : vector<16xf32> to vector<1x16xf32>
        tpu.vector_store %arg17[%swap3A_1639, %swap3A_1640], %swap3A_1643 {strides = array<i32>} : memref<408x128xf32, #tpu.memory_space<vmem>>, vector<1x16xf32>,
        %get3A_1644 = arith.index_cast %add3A_1592 : i32 to index
        %get3A_1645 = arith.constant 48 : index
        %get3A_1646 = tpu.vector_load %arg17[%get3A_1644, %get3A_1645] {strides = array<i32>} : memref<408x128xf32, #tpu.memory_space<vmem>>, vector<1x16xf32>,
        %get3A_1647 = vector.shape_cast %get3A_1646 : vector<1x16xf32> to vector<16xf32>
        %get3A_1648 = arith.constant 10 : i32
        %get3A_1649 = arith.index_cast %get3A_1648 : i32 to index
        %get3A_1650 = arith.constant 48 : index
        %get3A_1651 = tpu.vector_load %arg15[%get3A_1649, %get3A_1650] {strides = array<i32>} : memref<26x128xf32, #tpu.memory_space<vmem>>, vector<1x16xf32>,
        %get3A_1652 = vector.shape_cast %get3A_1651 : vector<1x16xf32> to vector<16xf32>
        %mul3A_1653 = vector.broadcast %squeeze3A_1586 : f32 to vector<16xf32>
        %mul3A_1654 = arith.mulf %mul3A_1653, %get3A_1652 : vector<16xf32>
        %add3A_1655 = arith.addf %get3A_1647, %mul3A_1654 : vector<16xf32>
        %swap3A_1656 = arith.index_cast %add3A_1592 : i32 to index
        %swap3A_1657 = arith.constant 48 : index
        %swap3A_1658 = tpu.vector_load %arg17[%swap3A_1656, %swap3A_1657] {strides = array<i32>} : memref<408x128xf32, #tpu.memory_space<vmem>>, vector<1x16xf32>,
        %swap3A_1659 = vector.shape_cast %swap3A_1658 : vector<1x16xf32> to vector<16xf32>
        %swap3A_1660 = vector.shape_cast %add3A_1655 : vector<16xf32> to vector<1x16xf32>
        tpu.vector_store %arg17[%swap3A_1656, %swap3A_1657], %swap3A_1660 {strides = array<i32>} : memref<408x128xf32, #tpu.memory_space<vmem>>, vector<1x16xf32>,
        %get3A_1661 = arith.index_cast %add3A_1592 : i32 to index
        %get3A_1662 = arith.constant 64 : index
        %get3A_1663 = tpu.vector_load %arg17[%get3A_1661, %get3A_1662] {strides = array<i32>} : memref<408x128xf32, #tpu.memory_space<vmem>>, vector<1x16xf32>,
        %get3A_1664 = vector.shape_cast %get3A_1663 : vector<1x16xf32> to vector<16xf32>
        %get3A_1665 = arith.constant 10 : i32
        %get3A_1666 = arith.index_cast %get3A_1665 : i32 to index
        %get3A_1667 = arith.constant 64 : index
        %get3A_1668 = tpu.vector_load %arg15[%get3A_1666, %get3A_1667] {strides = array<i32>} : memref<26x128xf32, #tpu.memory_space<vmem>>, vector<1x16xf32>,
        %get3A_1669 = vector.shape_cast %get3A_1668 : vector<1x16xf32> to vector<16xf32>
        %mul3A_1670 = vector.broadcast %squeeze3A_1586 : f32 to vector<16xf32>
        %mul3A_1671 = arith.mulf %mul3A_1670, %get3A_1669 : vector<16xf32>
        %add3A_1672 = arith.addf %get3A_1664, %mul3A_1671 : vector<16xf32>
        %swap3A_1673 = arith.index_cast %add3A_1592 : i32 to index
        %swap3A_1674 = arith.constant 64 : index
        %swap3A_1675 = tpu.vector_load %arg17[%swap3A_1673, %swap3A_1674] {strides = array<i32>} : memref<408x128xf32, #tpu.memory_space<vmem>>, vector<1x16xf32>,
        %swap3A_1676 = vector.shape_cast %swap3A_1675 : vector<1x16xf32> to vector<16xf32>
        %swap3A_1677 = vector.shape_cast %add3A_1672 : vector<16xf32> to vector<1x16xf32>
        tpu.vector_store %arg17[%swap3A_1673, %swap3A_1674], %swap3A_1677 {strides = array<i32>} : memref<408x128xf32, #tpu.memory_space<vmem>>, vector<1x16xf32>,
        %get3A_1678 = arith.index_cast %add3A_1592 : i32 to index
        %get3A_1679 = arith.constant 80 : index
        %get3A_1680 = tpu.vector_load %arg17[%get3A_1678, %get3A_1679] {strides = array<i32>} : memref<408x128xf32, #tpu.memory_space<vmem>>, vector<1x16xf32>,
        %get3A_1681 = vector.shape_cast %get3A_1680 : vector<1x16xf32> to vector<16xf32>
        %get3A_1682 = arith.constant 10 : i32
        %get3A_1683 = arith.index_cast %get3A_1682 : i32 to index
        %get3A_1684 = arith.constant 80 : index
        %get3A_1685 = tpu.vector_load %arg15[%get3A_1683, %get3A_1684] {strides = array<i32>} : memref<26x128xf32, #tpu.memory_space<vmem>>, vector<1x16xf32>,
        %get3A_1686 = vector.shape_cast %get3A_1685 : vector<1x16xf32> to vector<16xf32>
        %mul3A_1687 = vector.broadcast %squeeze3A_1586 : f32 to vector<16xf32>
        %mul3A_1688 = arith.mulf %mul3A_1687, %get3A_1686 : vector<16xf32>
        %add3A_1689 = arith.addf %get3A_1681, %mul3A_1688 : vector<16xf32>
        %swap3A_1690 = arith.index_cast %add3A_1592 : i32 to index
        %swap3A_1691 = arith.constant 80 : index
        %swap3A_1692 = tpu.vector_load %arg17[%swap3A_1690, %swap3A_1691] {strides = array<i32>} : memref<408x128xf32, #tpu.memory_space<vmem>>, vector<1x16xf32>,
        %swap3A_1693 = vector.shape_cast %swap3A_1692 : vector<1x16xf32> to vector<16xf32>
        %swap3A_1694 = vector.shape_cast %add3A_1689 : vector<16xf32> to vector<1x16xf32>
        tpu.vector_store %arg17[%swap3A_1690, %swap3A_1691], %swap3A_1694 {strides = array<i32>} : memref<408x128xf32, #tpu.memory_space<vmem>>, vector<1x16xf32>,
        %get3A_1695 = arith.index_cast %add3A_1592 : i32 to index
        %get3A_1696 = arith.constant 96 : index
        %get3A_1697 = tpu.vector_load %arg17[%get3A_1695, %get3A_1696] {strides = array<i32>} : memref<408x128xf32, #tpu.memory_space<vmem>>, vector<1x16xf32>,
        %get3A_1698 = vector.shape_cast %get3A_1697 : vector<1x16xf32> to vector<16xf32>
        %get3A_1699 = arith.constant 10 : i32
        %get3A_1700 = arith.index_cast %get3A_1699 : i32 to index
        %get3A_1701 = arith.constant 96 : index
        %get3A_1702 = tpu.vector_load %arg15[%get3A_1700, %get3A_1701] {strides = array<i32>} : memref<26x128xf32, #tpu.memory_space<vmem>>, vector<1x16xf32>,
        %get3A_1703 = vector.shape_cast %get3A_1702 : vector<1x16xf32> to vector<16xf32>
        %mul3A_1704 = vector.broadcast %squeeze3A_1586 : f32 to vector<16xf32>
        %mul3A_1705 = arith.mulf %mul3A_1704, %get3A_1703 : vector<16xf32>
        %add3A_1706 = arith.addf %get3A_1698, %mul3A_1705 : vector<16xf32>
        %swap3A_1707 = arith.index_cast %add3A_1592 : i32 to index
        %swap3A_1708 = arith.constant 96 : index
        %swap3A_1709 = tpu.vector_load %arg17[%swap3A_1707, %swap3A_1708] {strides = array<i32>} : memref<408x128xf32, #tpu.memory_space<vmem>>, vector<1x16xf32>,
        %swap3A_1710 = vector.shape_cast %swap3A_1709 : vector<1x16xf32> to vector<16xf32>
        %swap3A_1711 = vector.shape_cast %add3A_1706 : vector<16xf32> to vector<1x16xf32>
        tpu.vector_store %arg17[%swap3A_1707, %swap3A_1708], %swap3A_1711 {strides = array<i32>} : memref<408x128xf32, #tpu.memory_space<vmem>>, vector<1x16xf32>,
        %get3A_1712 = arith.index_cast %add3A_1592 : i32 to index
        %get3A_1713 = arith.constant 112 : index
        %get3A_1714 = tpu.vector_load %arg17[%get3A_1712, %get3A_1713] {strides = array<i32>} : memref<408x128xf32, #tpu.memory_space<vmem>>, vector<1x16xf32>,
        %get3A_1715 = vector.shape_cast %get3A_1714 : vector<1x16xf32> to vector<16xf32>
        %get3A_1716 = arith.constant 10 : i32
        %get3A_1717 = arith.index_cast %get3A_1716 : i32 to index
        %get3A_1718 = arith.constant 112 : index
        %get3A_1719 = tpu.vector_load %arg15[%get3A_1717, %get3A_1718] {strides = array<i32>} : memref<26x128xf32, #tpu.memory_space<vmem>>, vector<1x16xf32>,
        %get3A_1720 = vector.shape_cast %get3A_1719 : vector<1x16xf32> to vector<16xf32>
        %mul3A_1721 = vector.broadcast %squeeze3A_1586 : f32 to vector<16xf32>
        %mul3A_1722 = arith.mulf %mul3A_1721, %get3A_1720 : vector<16xf32>
        %add3A_1723 = arith.addf %get3A_1715, %mul3A_1722 : vector<16xf32>
        %swap3A_1724 = arith.index_cast %add3A_1592 : i32 to index
        %swap3A_1725 = arith.constant 112 : index
        %swap3A_1726 = tpu.vector_load %arg17[%swap3A_1724, %swap3A_1725] {strides = array<i32>} : memref<408x128xf32, #tpu.memory_space<vmem>>, vector<1x16xf32>,
        %swap3A_1727 = vector.shape_cast %swap3A_1726 : vector<1x16xf32> to vector<16xf32>
        %swap3A_1728 = vector.shape_cast %add3A_1723 : vector<16xf32> to vector<1x16xf32>
        tpu.vector_store %arg17[%swap3A_1724, %swap3A_1725], %swap3A_1728 {strides = array<i32>} : memref<408x128xf32, #tpu.memory_space<vmem>>, vector<1x16xf32>,
        %slice3A_1729 = vector.extract_strided_slice %get3A_143 {offsets = [11], sizes = [1], strides = [1]} : vector<16xf32> to vector<1xf32>
        %squeeze3A_1730 = vector.extract %slice3A_1729[0] : f32 from vector<1xf32>
        %mul3A_1731 = arith.constant 102 : i32
        %mul3A_1732 = arith.muli %rem3A_101, %mul3A_1731 : i32
        %add3A_1733 = arith.constant 26 : i32
        %add3A_1734 = arith.addi %mul3A_1732, %add3A_1733 : i32
        %add3A_1735 = arith.constant 11 : i32
        %add3A_1736 = arith.addi %add3A_1734, %add3A_1735 : i32
        %get3A_1737 = arith.index_cast %add3A_1736 : i32 to index
        %get3A_1738 = arith.constant 0 : index
        %get3A_1739 = tpu.vector_load %arg17[%get3A_1737, %get3A_1738] {strides = array<i32>} : memref<408x128xf32, #tpu.memory_space<vmem>>, vector<1x16xf32>,
        %get3A_1740 = vector.shape_cast %get3A_1739 : vector<1x16xf32> to vector<16xf32>
        %get3A_1741 = arith.constant 11 : i32
        %get3A_1742 = arith.index_cast %get3A_1741 : i32 to index
        %get3A_1743 = arith.constant 0 : index
        %get3A_1744 = tpu.vector_load %arg15[%get3A_1742, %get3A_1743] {strides = array<i32>} : memref<26x128xf32, #tpu.memory_space<vmem>>, vector<1x16xf32>,
        %get3A_1745 = vector.shape_cast %get3A_1744 : vector<1x16xf32> to vector<16xf32>
        %mul3A_1746 = vector.broadcast %squeeze3A_1730 : f32 to vector<16xf32>
        %mul3A_1747 = arith.mulf %mul3A_1746, %get3A_1745 : vector<16xf32>
        %add3A_1748 = arith.addf %get3A_1740, %mul3A_1747 : vector<16xf32>
        %swap3A_1749 = arith.index_cast %add3A_1736 : i32 to index
        %swap3A_1750 = arith.constant 0 : index
        %swap3A_1751 = tpu.vector_load %arg17[%swap3A_1749, %swap3A_1750] {strides = array<i32>} : memref<408x128xf32, #tpu.memory_space<vmem>>, vector<1x16xf32>,
        %swap3A_1752 = vector.shape_cast %swap3A_1751 : vector<1x16xf32> to vector<16xf32>
        %swap3A_1753 = vector.shape_cast %add3A_1748 : vector<16xf32> to vector<1x16xf32>
        tpu.vector_store %arg17[%swap3A_1749, %swap3A_1750], %swap3A_1753 {strides = array<i32>} : memref<408x128xf32, #tpu.memory_space<vmem>>, vector<1x16xf32>,
        %get3A_1754 = arith.index_cast %add3A_1736 : i32 to index
        %get3A_1755 = arith.constant 16 : index
        %get3A_1756 = tpu.vector_load %arg17[%get3A_1754, %get3A_1755] {strides = array<i32>} : memref<408x128xf32, #tpu.memory_space<vmem>>, vector<1x16xf32>,
        %get3A_1757 = vector.shape_cast %get3A_1756 : vector<1x16xf32> to vector<16xf32>
        %get3A_1758 = arith.constant 11 : i32
        %get3A_1759 = arith.index_cast %get3A_1758 : i32 to index
        %get3A_1760 = arith.constant 16 : index
        %get3A_1761 = tpu.vector_load %arg15[%get3A_1759, %get3A_1760] {strides = array<i32>} : memref<26x128xf32, #tpu.memory_space<vmem>>, vector<1x16xf32>,
        %get3A_1762 = vector.shape_cast %get3A_1761 : vector<1x16xf32> to vector<16xf32>
        %mul3A_1763 = vector.broadcast %squeeze3A_1730 : f32 to vector<16xf32>
        %mul3A_1764 = arith.mulf %mul3A_1763, %get3A_1762 : vector<16xf32>
        %add3A_1765 = arith.addf %get3A_1757, %mul3A_1764 : vector<16xf32>
        %swap3A_1766 = arith.index_cast %add3A_1736 : i32 to index
        %swap3A_1767 = arith.constant 16 : index
        %swap3A_1768 = tpu.vector_load %arg17[%swap3A_1766, %swap3A_1767] {strides = array<i32>} : memref<408x128xf32, #tpu.memory_space<vmem>>, vector<1x16xf32>,
        %swap3A_1769 = vector.shape_cast %swap3A_1768 : vector<1x16xf32> to vector<16xf32>
        %swap3A_1770 = vector.shape_cast %add3A_1765 : vector<16xf32> to vector<1x16xf32>
        tpu.vector_store %arg17[%swap3A_1766, %swap3A_1767], %swap3A_1770 {strides = array<i32>} : memref<408x128xf32, #tpu.memory_space<vmem>>, vector<1x16xf32>,
        %get3A_1771 = arith.index_cast %add3A_1736 : i32 to index
        %get3A_1772 = arith.constant 32 : index
        %get3A_1773 = tpu.vector_load %arg17[%get3A_1771, %get3A_1772] {strides = array<i32>} : memref<408x128xf32, #tpu.memory_space<vmem>>, vector<1x16xf32>,
        %get3A_1774 = vector.shape_cast %get3A_1773 : vector<1x16xf32> to vector<16xf32>
        %get3A_1775 = arith.constant 11 : i32
        %get3A_1776 = arith.index_cast %get3A_1775 : i32 to index
        %get3A_1777 = arith.constant 32 : index
        %get3A_1778 = tpu.vector_load %arg15[%get3A_1776, %get3A_1777] {strides = array<i32>} : memref<26x128xf32, #tpu.memory_space<vmem>>, vector<1x16xf32>,
        %get3A_1779 = vector.shape_cast %get3A_1778 : vector<1x16xf32> to vector<16xf32>
        %mul3A_1780 = vector.broadcast %squeeze3A_1730 : f32 to vector<16xf32>
        %mul3A_1781 = arith.mulf %mul3A_1780, %get3A_1779 : vector<16xf32>
        %add3A_1782 = arith.addf %get3A_1774, %mul3A_1781 : vector<16xf32>
        %swap3A_1783 = arith.index_cast %add3A_1736 : i32 to index
        %swap3A_1784 = arith.constant 32 : index
        %swap3A_1785 = tpu.vector_load %arg17[%swap3A_1783, %swap3A_1784] {strides = array<i32>} : memref<408x128xf32, #tpu.memory_space<vmem>>, vector<1x16xf32>,
        %swap3A_1786 = vector.shape_cast %swap3A_1785 : vector<1x16xf32> to vector<16xf32>
        %swap3A_1787 = vector.shape_cast %add3A_1782 : vector<16xf32> to vector<1x16xf32>
        tpu.vector_store %arg17[%swap3A_1783, %swap3A_1784], %swap3A_1787 {strides = array<i32>} : memref<408x128xf32, #tpu.memory_space<vmem>>, vector<1x16xf32>,
        %get3A_1788 = arith.index_cast %add3A_1736 : i32 to index
        %get3A_1789 = arith.constant 48 : index
        %get3A_1790 = tpu.vector_load %arg17[%get3A_1788, %get3A_1789] {strides = array<i32>} : memref<408x128xf32, #tpu.memory_space<vmem>>, vector<1x16xf32>,
        %get3A_1791 = vector.shape_cast %get3A_1790 : vector<1x16xf32> to vector<16xf32>
        %get3A_1792 = arith.constant 11 : i32
        %get3A_1793 = arith.index_cast %get3A_1792 : i32 to index
        %get3A_1794 = arith.constant 48 : index
        %get3A_1795 = tpu.vector_load %arg15[%get3A_1793, %get3A_1794] {strides = array<i32>} : memref<26x128xf32, #tpu.memory_space<vmem>>, vector<1x16xf32>,
        %get3A_1796 = vector.shape_cast %get3A_1795 : vector<1x16xf32> to vector<16xf32>
        %mul3A_1797 = vector.broadcast %squeeze3A_1730 : f32 to vector<16xf32>
        %mul3A_1798 = arith.mulf %mul3A_1797, %get3A_1796 : vector<16xf32>
        %add3A_1799 = arith.addf %get3A_1791, %mul3A_1798 : vector<16xf32>
        %swap3A_1800 = arith.index_cast %add3A_1736 : i32 to index
        %swap3A_1801 = arith.constant 48 : index
        %swap3A_1802 = tpu.vector_load %arg17[%swap3A_1800, %swap3A_1801] {strides = array<i32>} : memref<408x128xf32, #tpu.memory_space<vmem>>, vector<1x16xf32>,
        %swap3A_1803 = vector.shape_cast %swap3A_1802 : vector<1x16xf32> to vector<16xf32>
        %swap3A_1804 = vector.shape_cast %add3A_1799 : vector<16xf32> to vector<1x16xf32>
        tpu.vector_store %arg17[%swap3A_1800, %swap3A_1801], %swap3A_1804 {strides = array<i32>} : memref<408x128xf32, #tpu.memory_space<vmem>>, vector<1x16xf32>,
        %get3A_1805 = arith.index_cast %add3A_1736 : i32 to index
        %get3A_1806 = arith.constant 64 : index
        %get3A_1807 = tpu.vector_load %arg17[%get3A_1805, %get3A_1806] {strides = array<i32>} : memref<408x128xf32, #tpu.memory_space<vmem>>, vector<1x16xf32>,
        %get3A_1808 = vector.shape_cast %get3A_1807 : vector<1x16xf32> to vector<16xf32>
        %get3A_1809 = arith.constant 11 : i32
        %get3A_1810 = arith.index_cast %get3A_1809 : i32 to index
        %get3A_1811 = arith.constant 64 : index
        %get3A_1812 = tpu.vector_load %arg15[%get3A_1810, %get3A_1811] {strides = array<i32>} : memref<26x128xf32, #tpu.memory_space<vmem>>, vector<1x16xf32>,
        %get3A_1813 = vector.shape_cast %get3A_1812 : vector<1x16xf32> to vector<16xf32>
        %mul3A_1814 = vector.broadcast %squeeze3A_1730 : f32 to vector<16xf32>
        %mul3A_1815 = arith.mulf %mul3A_1814, %get3A_1813 : vector<16xf32>
        %add3A_1816 = arith.addf %get3A_1808, %mul3A_1815 : vector<16xf32>
        %swap3A_1817 = arith.index_cast %add3A_1736 : i32 to index
        %swap3A_1818 = arith.constant 64 : index
        %swap3A_1819 = tpu.vector_load %arg17[%swap3A_1817, %swap3A_1818] {strides = array<i32>} : memref<408x128xf32, #tpu.memory_space<vmem>>, vector<1x16xf32>,
        %swap3A_1820 = vector.shape_cast %swap3A_1819 : vector<1x16xf32> to vector<16xf32>
        %swap3A_1821 = vector.shape_cast %add3A_1816 : vector<16xf32> to vector<1x16xf32>
        tpu.vector_store %arg17[%swap3A_1817, %swap3A_1818], %swap3A_1821 {strides = array<i32>} : memref<408x128xf32, #tpu.memory_space<vmem>>, vector<1x16xf32>,
        %get3A_1822 = arith.index_cast %add3A_1736 : i32 to index
        %get3A_1823 = arith.constant 80 : index
        %get3A_1824 = tpu.vector_load %arg17[%get3A_1822, %get3A_1823] {strides = array<i32>} : memref<408x128xf32, #tpu.memory_space<vmem>>, vector<1x16xf32>,
        %get3A_1825 = vector.shape_cast %get3A_1824 : vector<1x16xf32> to vector<16xf32>
        %get3A_1826 = arith.constant 11 : i32
        %get3A_1827 = arith.index_cast %get3A_1826 : i32 to index
        %get3A_1828 = arith.constant 80 : index
        %get3A_1829 = tpu.vector_load %arg15[%get3A_1827, %get3A_1828] {strides = array<i32>} : memref<26x128xf32, #tpu.memory_space<vmem>>, vector<1x16xf32>,
        %get3A_1830 = vector.shape_cast %get3A_1829 : vector<1x16xf32> to vector<16xf32>
        %mul3A_1831 = vector.broadcast %squeeze3A_1730 : f32 to vector<16xf32>
        %mul3A_1832 = arith.mulf %mul3A_1831, %get3A_1830 : vector<16xf32>
        %add3A_1833 = arith.addf %get3A_1825, %mul3A_1832 : vector<16xf32>
        %swap3A_1834 = arith.index_cast %add3A_1736 : i32 to index
        %swap3A_1835 = arith.constant 80 : index
        %swap3A_1836 = tpu.vector_load %arg17[%swap3A_1834, %swap3A_1835] {strides = array<i32>} : memref<408x128xf32, #tpu.memory_space<vmem>>, vector<1x16xf32>,
        %swap3A_1837 = vector.shape_cast %swap3A_1836 : vector<1x16xf32> to vector<16xf32>
        %swap3A_1838 = vector.shape_cast %add3A_1833 : vector<16xf32> to vector<1x16xf32>
        tpu.vector_store %arg17[%swap3A_1834, %swap3A_1835], %swap3A_1838 {strides = array<i32>} : memref<408x128xf32, #tpu.memory_space<vmem>>, vector<1x16xf32>,
        %get3A_1839 = arith.index_cast %add3A_1736 : i32 to index
        %get3A_1840 = arith.constant 96 : index
        %get3A_1841 = tpu.vector_load %arg17[%get3A_1839, %get3A_1840] {strides = array<i32>} : memref<408x128xf32, #tpu.memory_space<vmem>>, vector<1x16xf32>,
        %get3A_1842 = vector.shape_cast %get3A_1841 : vector<1x16xf32> to vector<16xf32>
        %get3A_1843 = arith.constant 11 : i32
        %get3A_1844 = arith.index_cast %get3A_1843 : i32 to index
        %get3A_1845 = arith.constant 96 : index
        %get3A_1846 = tpu.vector_load %arg15[%get3A_1844, %get3A_1845] {strides = array<i32>} : memref<26x128xf32, #tpu.memory_space<vmem>>, vector<1x16xf32>,
        %get3A_1847 = vector.shape_cast %get3A_1846 : vector<1x16xf32> to vector<16xf32>
        %mul3A_1848 = vector.broadcast %squeeze3A_1730 : f32 to vector<16xf32>
        %mul3A_1849 = arith.mulf %mul3A_1848, %get3A_1847 : vector<16xf32>
        %add3A_1850 = arith.addf %get3A_1842, %mul3A_1849 : vector<16xf32>
        %swap3A_1851 = arith.index_cast %add3A_1736 : i32 to index
        %swap3A_1852 = arith.constant 96 : index
        %swap3A_1853 = tpu.vector_load %arg17[%swap3A_1851, %swap3A_1852] {strides = array<i32>} : memref<408x128xf32, #tpu.memory_space<vmem>>, vector<1x16xf32>,
        %swap3A_1854 = vector.shape_cast %swap3A_1853 : vector<1x16xf32> to vector<16xf32>
        %swap3A_1855 = vector.shape_cast %add3A_1850 : vector<16xf32> to vector<1x16xf32>
        tpu.vector_store %arg17[%swap3A_1851, %swap3A_1852], %swap3A_1855 {strides = array<i32>} : memref<408x128xf32, #tpu.memory_space<vmem>>, vector<1x16xf32>,
        %get3A_1856 = arith.index_cast %add3A_1736 : i32 to index
        %get3A_1857 = arith.constant 112 : index
        %get3A_1858 = tpu.vector_load %arg17[%get3A_1856, %get3A_1857] {strides = array<i32>} : memref<408x128xf32, #tpu.memory_space<vmem>>, vector<1x16xf32>,
        %get3A_1859 = vector.shape_cast %get3A_1858 : vector<1x16xf32> to vector<16xf32>
        %get3A_1860 = arith.constant 11 : i32
        %get3A_1861 = arith.index_cast %get3A_1860 : i32 to index
        %get3A_1862 = arith.constant 112 : index
        %get3A_1863 = tpu.vector_load %arg15[%get3A_1861, %get3A_1862] {strides = array<i32>} : memref<26x128xf32, #tpu.memory_space<vmem>>, vector<1x16xf32>,
        %get3A_1864 = vector.shape_cast %get3A_1863 : vector<1x16xf32> to vector<16xf32>
        %mul3A_1865 = vector.broadcast %squeeze3A_1730 : f32 to vector<16xf32>
        %mul3A_1866 = arith.mulf %mul3A_1865, %get3A_1864 : vector<16xf32>
        %add3A_1867 = arith.addf %get3A_1859, %mul3A_1866 : vector<16xf32>
        %swap3A_1868 = arith.index_cast %add3A_1736 : i32 to index
        %swap3A_1869 = arith.constant 112 : index
        %swap3A_1870 = tpu.vector_load %arg17[%swap3A_1868, %swap3A_1869] {strides = array<i32>} : memref<408x128xf32, #tpu.memory_space<vmem>>, vector<1x16xf32>,
        %swap3A_1871 = vector.shape_cast %swap3A_1870 : vector<1x16xf32> to vector<16xf32>
        %swap3A_1872 = vector.shape_cast %add3A_1867 : vector<16xf32> to vector<1x16xf32>
        tpu.vector_store %arg17[%swap3A_1868, %swap3A_1869], %swap3A_1872 {strides = array<i32>} : memref<408x128xf32, #tpu.memory_space<vmem>>, vector<1x16xf32>,
        %slice3A_1873 = vector.extract_strided_slice %get3A_143 {offsets = [12], sizes = [1], strides = [1]} : vector<16xf32> to vector<1xf32>
        %squeeze3A_1874 = vector.extract %slice3A_1873[0] : f32 from vector<1xf32>
        %mul3A_1875 = arith.constant 102 : i32
        %mul3A_1876 = arith.muli %rem3A_101, %mul3A_1875 : i32
        %add3A_1877 = arith.constant 26 : i32
        %add3A_1878 = arith.addi %mul3A_1876, %add3A_1877 : i32
        %add3A_1879 = arith.constant 12 : i32
        %add3A_1880 = arith.addi %add3A_1878, %add3A_1879 : i32
        %get3A_1881 = arith.index_cast %add3A_1880 : i32 to index
        %get3A_1882 = arith.constant 0 : index
        %get3A_1883 = tpu.vector_load %arg17[%get3A_1881, %get3A_1882] {strides = array<i32>} : memref<408x128xf32, #tpu.memory_space<vmem>>, vector<1x16xf32>,
        %get3A_1884 = vector.shape_cast %get3A_1883 : vector<1x16xf32> to vector<16xf32>
        %get3A_1885 = arith.constant 12 : i32
        %get3A_1886 = arith.index_cast %get3A_1885 : i32 to index
        %get3A_1887 = arith.constant 0 : index
        %get3A_1888 = tpu.vector_load %arg15[%get3A_1886, %get3A_1887] {strides = array<i32>} : memref<26x128xf32, #tpu.memory_space<vmem>>, vector<1x16xf32>,
        %get3A_1889 = vector.shape_cast %get3A_1888 : vector<1x16xf32> to vector<16xf32>
        %mul3A_1890 = vector.broadcast %squeeze3A_1874 : f32 to vector<16xf32>
        %mul3A_1891 = arith.mulf %mul3A_1890, %get3A_1889 : vector<16xf32>
        %add3A_1892 = arith.addf %get3A_1884, %mul3A_1891 : vector<16xf32>
        %swap3A_1893 = arith.index_cast %add3A_1880 : i32 to index
        %swap3A_1894 = arith.constant 0 : index
        %swap3A_1895 = tpu.vector_load %arg17[%swap3A_1893, %swap3A_1894] {strides = array<i32>} : memref<408x128xf32, #tpu.memory_space<vmem>>, vector<1x16xf32>,
        %swap3A_1896 = vector.shape_cast %swap3A_1895 : vector<1x16xf32> to vector<16xf32>
        %swap3A_1897 = vector.shape_cast %add3A_1892 : vector<16xf32> to vector<1x16xf32>
        tpu.vector_store %arg17[%swap3A_1893, %swap3A_1894], %swap3A_1897 {strides = array<i32>} : memref<408x128xf32, #tpu.memory_space<vmem>>, vector<1x16xf32>,
        %get3A_1898 = arith.index_cast %add3A_1880 : i32 to index
        %get3A_1899 = arith.constant 16 : index
        %get3A_1900 = tpu.vector_load %arg17[%get3A_1898, %get3A_1899] {strides = array<i32>} : memref<408x128xf32, #tpu.memory_space<vmem>>, vector<1x16xf32>,
        %get3A_1901 = vector.shape_cast %get3A_1900 : vector<1x16xf32> to vector<16xf32>
        %get3A_1902 = arith.constant 12 : i32
        %get3A_1903 = arith.index_cast %get3A_1902 : i32 to index
        %get3A_1904 = arith.constant 16 : index
        %get3A_1905 = tpu.vector_load %arg15[%get3A_1903, %get3A_1904] {strides = array<i32>} : memref<26x128xf32, #tpu.memory_space<vmem>>, vector<1x16xf32>,
        %get3A_1906 = vector.shape_cast %get3A_1905 : vector<1x16xf32> to vector<16xf32>
        %mul3A_1907 = vector.broadcast %squeeze3A_1874 : f32 to vector<16xf32>
        %mul3A_1908 = arith.mulf %mul3A_1907, %get3A_1906 : vector<16xf32>
        %add3A_1909 = arith.addf %get3A_1901, %mul3A_1908 : vector<16xf32>
        %swap3A_1910 = arith.index_cast %add3A_1880 : i32 to index
        %swap3A_1911 = arith.constant 16 : index
        %swap3A_1912 = tpu.vector_load %arg17[%swap3A_1910, %swap3A_1911] {strides = array<i32>} : memref<408x128xf32, #tpu.memory_space<vmem>>, vector<1x16xf32>,
        %swap3A_1913 = vector.shape_cast %swap3A_1912 : vector<1x16xf32> to vector<16xf32>
        %swap3A_1914 = vector.shape_cast %add3A_1909 : vector<16xf32> to vector<1x16xf32>
        tpu.vector_store %arg17[%swap3A_1910, %swap3A_1911], %swap3A_1914 {strides = array<i32>} : memref<408x128xf32, #tpu.memory_space<vmem>>, vector<1x16xf32>,
        %get3A_1915 = arith.index_cast %add3A_1880 : i32 to index
        %get3A_1916 = arith.constant 32 : index
        %get3A_1917 = tpu.vector_load %arg17[%get3A_1915, %get3A_1916] {strides = array<i32>} : memref<408x128xf32, #tpu.memory_space<vmem>>, vector<1x16xf32>,
        %get3A_1918 = vector.shape_cast %get3A_1917 : vector<1x16xf32> to vector<16xf32>
        %get3A_1919 = arith.constant 12 : i32
        %get3A_1920 = arith.index_cast %get3A_1919 : i32 to index
        %get3A_1921 = arith.constant 32 : index
        %get3A_1922 = tpu.vector_load %arg15[%get3A_1920, %get3A_1921] {strides = array<i32>} : memref<26x128xf32, #tpu.memory_space<vmem>>, vector<1x16xf32>,
        %get3A_1923 = vector.shape_cast %get3A_1922 : vector<1x16xf32> to vector<16xf32>
        %mul3A_1924 = vector.broadcast %squeeze3A_1874 : f32 to vector<16xf32>
        %mul3A_1925 = arith.mulf %mul3A_1924, %get3A_1923 : vector<16xf32>
        %add3A_1926 = arith.addf %get3A_1918, %mul3A_1925 : vector<16xf32>
        %swap3A_1927 = arith.index_cast %add3A_1880 : i32 to index
        %swap3A_1928 = arith.constant 32 : index
        %swap3A_1929 = tpu.vector_load %arg17[%swap3A_1927, %swap3A_1928] {strides = array<i32>} : memref<408x128xf32, #tpu.memory_space<vmem>>, vector<1x16xf32>,
        %swap3A_1930 = vector.shape_cast %swap3A_1929 : vector<1x16xf32> to vector<16xf32>
        %swap3A_1931 = vector.shape_cast %add3A_1926 : vector<16xf32> to vector<1x16xf32>
        tpu.vector_store %arg17[%swap3A_1927, %swap3A_1928], %swap3A_1931 {strides = array<i32>} : memref<408x128xf32, #tpu.memory_space<vmem>>, vector<1x16xf32>,
        %get3A_1932 = arith.index_cast %add3A_1880 : i32 to index
        %get3A_1933 = arith.constant 48 : index
        %get3A_1934 = tpu.vector_load %arg17[%get3A_1932, %get3A_1933] {strides = array<i32>} : memref<408x128xf32, #tpu.memory_space<vmem>>, vector<1x16xf32>,
        %get3A_1935 = vector.shape_cast %get3A_1934 : vector<1x16xf32> to vector<16xf32>
        %get3A_1936 = arith.constant 12 : i32
        %get3A_1937 = arith.index_cast %get3A_1936 : i32 to index
        %get3A_1938 = arith.constant 48 : index
        %get3A_1939 = tpu.vector_load %arg15[%get3A_1937, %get3A_1938] {strides = array<i32>} : memref<26x128xf32, #tpu.memory_space<vmem>>, vector<1x16xf32>,
        %get3A_1940 = vector.shape_cast %get3A_1939 : vector<1x16xf32> to vector<16xf32>
        %mul3A_1941 = vector.broadcast %squeeze3A_1874 : f32 to vector<16xf32>
        %mul3A_1942 = arith.mulf %mul3A_1941, %get3A_1940 : vector<16xf32>
        %add3A_1943 = arith.addf %get3A_1935, %mul3A_1942 : vector<16xf32>
        %swap3A_1944 = arith.index_cast %add3A_1880 : i32 to index
        %swap3A_1945 = arith.constant 48 : index
        %swap3A_1946 = tpu.vector_load %arg17[%swap3A_1944, %swap3A_1945] {strides = array<i32>} : memref<408x128xf32, #tpu.memory_space<vmem>>, vector<1x16xf32>,
        %swap3A_1947 = vector.shape_cast %swap3A_1946 : vector<1x16xf32> to vector<16xf32>
        %swap3A_1948 = vector.shape_cast %add3A_1943 : vector<16xf32> to vector<1x16xf32>
        tpu.vector_store %arg17[%swap3A_1944, %swap3A_1945], %swap3A_1948 {strides = array<i32>} : memref<408x128xf32, #tpu.memory_space<vmem>>, vector<1x16xf32>,
        %get3A_1949 = arith.index_cast %add3A_1880 : i32 to index
        %get3A_1950 = arith.constant 64 : index
        %get3A_1951 = tpu.vector_load %arg17[%get3A_1949, %get3A_1950] {strides = array<i32>} : memref<408x128xf32, #tpu.memory_space<vmem>>, vector<1x16xf32>,
        %get3A_1952 = vector.shape_cast %get3A_1951 : vector<1x16xf32> to vector<16xf32>
        %get3A_1953 = arith.constant 12 : i32
        %get3A_1954 = arith.index_cast %get3A_1953 : i32 to index
        %get3A_1955 = arith.constant 64 : index
        %get3A_1956 = tpu.vector_load %arg15[%get3A_1954, %get3A_1955] {strides = array<i32>} : memref<26x128xf32, #tpu.memory_space<vmem>>, vector<1x16xf32>,
        %get3A_1957 = vector.shape_cast %get3A_1956 : vector<1x16xf32> to vector<16xf32>
        %mul3A_1958 = vector.broadcast %squeeze3A_1874 : f32 to vector<16xf32>
        %mul3A_1959 = arith.mulf %mul3A_1958, %get3A_1957 : vector<16xf32>
        %add3A_1960 = arith.addf %get3A_1952, %mul3A_1959 : vector<16xf32>
        %swap3A_1961 = arith.index_cast %add3A_1880 : i32 to index
        %swap3A_1962 = arith.constant 64 : index
        %swap3A_1963 = tpu.vector_load %arg17[%swap3A_1961, %swap3A_1962] {strides = array<i32>} : memref<408x128xf32, #tpu.memory_space<vmem>>, vector<1x16xf32>,
        %swap3A_1964 = vector.shape_cast %swap3A_1963 : vector<1x16xf32> to vector<16xf32>
        %swap3A_1965 = vector.shape_cast %add3A_1960 : vector<16xf32> to vector<1x16xf32>
        tpu.vector_store %arg17[%swap3A_1961, %swap3A_1962], %swap3A_1965 {strides = array<i32>} : memref<408x128xf32, #tpu.memory_space<vmem>>, vector<1x16xf32>,
        %get3A_1966 = arith.index_cast %add3A_1880 : i32 to index
        %get3A_1967 = arith.constant 80 : index
        %get3A_1968 = tpu.vector_load %arg17[%get3A_1966, %get3A_1967] {strides = array<i32>} : memref<408x128xf32, #tpu.memory_space<vmem>>, vector<1x16xf32>,
        %get3A_1969 = vector.shape_cast %get3A_1968 : vector<1x16xf32> to vector<16xf32>
        %get3A_1970 = arith.constant 12 : i32
        %get3A_1971 = arith.index_cast %get3A_1970 : i32 to index
        %get3A_1972 = arith.constant 80 : index
        %get3A_1973 = tpu.vector_load %arg15[%get3A_1971, %get3A_1972] {strides = array<i32>} : memref<26x128xf32, #tpu.memory_space<vmem>>, vector<1x16xf32>,
        %get3A_1974 = vector.shape_cast %get3A_1973 : vector<1x16xf32> to vector<16xf32>
        %mul3A_1975 = vector.broadcast %squeeze3A_1874 : f32 to vector<16xf32>
        %mul3A_1976 = arith.mulf %mul3A_1975, %get3A_1974 : vector<16xf32>
        %add3A_1977 = arith.addf %get3A_1969, %mul3A_1976 : vector<16xf32>
        %swap3A_1978 = arith.index_cast %add3A_1880 : i32 to index
        %swap3A_1979 = arith.constant 80 : index
        %swap3A_1980 = tpu.vector_load %arg17[%swap3A_1978, %swap3A_1979] {strides = array<i32>} : memref<408x128xf32, #tpu.memory_space<vmem>>, vector<1x16xf32>,
        %swap3A_1981 = vector.shape_cast %swap3A_1980 : vector<1x16xf32> to vector<16xf32>
        %swap3A_1982 = vector.shape_cast %add3A_1977 : vector<16xf32> to vector<1x16xf32>
        tpu.vector_store %arg17[%swap3A_1978, %swap3A_1979], %swap3A_1982 {strides = array<i32>} : memref<408x128xf32, #tpu.memory_space<vmem>>, vector<1x16xf32>,
        %get3A_1983 = arith.index_cast %add3A_1880 : i32 to index
        %get3A_1984 = arith.constant 96 : index
        %get3A_1985 = tpu.vector_load %arg17[%get3A_1983, %get3A_1984] {strides = array<i32>} : memref<408x128xf32, #tpu.memory_space<vmem>>, vector<1x16xf32>,
        %get3A_1986 = vector.shape_cast %get3A_1985 : vector<1x16xf32> to vector<16xf32>
        %get3A_1987 = arith.constant 12 : i32
        %get3A_1988 = arith.index_cast %get3A_1987 : i32 to index
        %get3A_1989 = arith.constant 96 : index
        %get3A_1990 = tpu.vector_load %arg15[%get3A_1988, %get3A_1989] {strides = array<i32>} : memref<26x128xf32, #tpu.memory_space<vmem>>, vector<1x16xf32>,
        %get3A_1991 = vector.shape_cast %get3A_1990 : vector<1x16xf32> to vector<16xf32>
        %mul3A_1992 = vector.broadcast %squeeze3A_1874 : f32 to vector<16xf32>
        %mul3A_1993 = arith.mulf %mul3A_1992, %get3A_1991 : vector<16xf32>
        %add3A_1994 = arith.addf %get3A_1986, %mul3A_1993 : vector<16xf32>
        %swap3A_1995 = arith.index_cast %add3A_1880 : i32 to index
        %swap3A_1996 = arith.constant 96 : index
        %swap3A_1997 = tpu.vector_load %arg17[%swap3A_1995, %swap3A_1996] {strides = array<i32>} : memref<408x128xf32, #tpu.memory_space<vmem>>, vector<1x16xf32>,
        %swap3A_1998 = vector.shape_cast %swap3A_1997 : vector<1x16xf32> to vector<16xf32>
        %swap3A_1999 = vector.shape_cast %add3A_1994 : vector<16xf32> to vector<1x16xf32>
        tpu.vector_store %arg17[%swap3A_1995, %swap3A_1996], %swap3A_1999 {strides = array<i32>} : memref<408x128xf32, #tpu.memory_space<vmem>>, vector<1x16xf32>,
        %get3A_2000 = arith.index_cast %add3A_1880 : i32 to index
        %get3A_2001 = arith.constant 112 : index
        %get3A_2002 = tpu.vector_load %arg17[%get3A_2000, %get3A_2001] {strides = array<i32>} : memref<408x128xf32, #tpu.memory_space<vmem>>, vector<1x16xf32>,
        %get3A_2003 = vector.shape_cast %get3A_2002 : vector<1x16xf32> to vector<16xf32>
        %get3A_2004 = arith.constant 12 : i32
        %get3A_2005 = arith.index_cast %get3A_2004 : i32 to index
        %get3A_2006 = arith.constant 112 : index
        %get3A_2007 = tpu.vector_load %arg15[%get3A_2005, %get3A_2006] {strides = array<i32>} : memref<26x128xf32, #tpu.memory_space<vmem>>, vector<1x16xf32>,
        %get3A_2008 = vector.shape_cast %get3A_2007 : vector<1x16xf32> to vector<16xf32>
        %mul3A_2009 = vector.broadcast %squeeze3A_1874 : f32 to vector<16xf32>
        %mul3A_2010 = arith.mulf %mul3A_2009, %get3A_2008 : vector<16xf32>
        %add3A_2011 = arith.addf %get3A_2003, %mul3A_2010 : vector<16xf32>
        %swap3A_2012 = arith.index_cast %add3A_1880 : i32 to index
        %swap3A_2013 = arith.constant 112 : index
        %swap3A_2014 = tpu.vector_load %arg17[%swap3A_2012, %swap3A_2013] {strides = array<i32>} : memref<408x128xf32, #tpu.memory_space<vmem>>, vector<1x16xf32>,
        %swap3A_2015 = vector.shape_cast %swap3A_2014 : vector<1x16xf32> to vector<16xf32>
        %swap3A_2016 = vector.shape_cast %add3A_2011 : vector<16xf32> to vector<1x16xf32>
        tpu.vector_store %arg17[%swap3A_2012, %swap3A_2013], %swap3A_2016 {strides = array<i32>} : memref<408x128xf32, #tpu.memory_space<vmem>>, vector<1x16xf32>,
        %slice3A_2017 = vector.extract_strided_slice %get3A_143 {offsets = [13], sizes = [1], strides = [1]} : vector<16xf32> to vector<1xf32>
        %squeeze3A_2018 = vector.extract %slice3A_2017[0] : f32 from vector<1xf32>
        %mul3A_2019 = arith.constant 102 : i32
        %mul3A_2020 = arith.muli %rem3A_101, %mul3A_2019 : i32
        %add3A_2021 = arith.constant 26 : i32
        %add3A_2022 = arith.addi %mul3A_2020, %add3A_2021 : i32
        %add3A_2023 = arith.constant 13 : i32
        %add3A_2024 = arith.addi %add3A_2022, %add3A_2023 : i32
        %get3A_2025 = arith.index_cast %add3A_2024 : i32 to index
        %get3A_2026 = arith.constant 0 : index
        %get3A_2027 = tpu.vector_load %arg17[%get3A_2025, %get3A_2026] {strides = array<i32>} : memref<408x128xf32, #tpu.memory_space<vmem>>, vector<1x16xf32>,
        %get3A_2028 = vector.shape_cast %get3A_2027 : vector<1x16xf32> to vector<16xf32>
        %get3A_2029 = arith.constant 13 : i32
        %get3A_2030 = arith.index_cast %get3A_2029 : i32 to index
        %get3A_2031 = arith.constant 0 : index
        %get3A_2032 = tpu.vector_load %arg15[%get3A_2030, %get3A_2031] {strides = array<i32>} : memref<26x128xf32, #tpu.memory_space<vmem>>, vector<1x16xf32>,
        %get3A_2033 = vector.shape_cast %get3A_2032 : vector<1x16xf32> to vector<16xf32>
        %mul3A_2034 = vector.broadcast %squeeze3A_2018 : f32 to vector<16xf32>
        %mul3A_2035 = arith.mulf %mul3A_2034, %get3A_2033 : vector<16xf32>
        %add3A_2036 = arith.addf %get3A_2028, %mul3A_2035 : vector<16xf32>
        %swap3A_2037 = arith.index_cast %add3A_2024 : i32 to index
        %swap3A_2038 = arith.constant 0 : index
        %swap3A_2039 = tpu.vector_load %arg17[%swap3A_2037, %swap3A_2038] {strides = array<i32>} : memref<408x128xf32, #tpu.memory_space<vmem>>, vector<1x16xf32>,
        %swap3A_2040 = vector.shape_cast %swap3A_2039 : vector<1x16xf32> to vector<16xf32>
        %swap3A_2041 = vector.shape_cast %add3A_2036 : vector<16xf32> to vector<1x16xf32>
        tpu.vector_store %arg17[%swap3A_2037, %swap3A_2038], %swap3A_2041 {strides = array<i32>} : memref<408x128xf32, #tpu.memory_space<vmem>>, vector<1x16xf32>,
        %get3A_2042 = arith.index_cast %add3A_2024 : i32 to index
        %get3A_2043 = arith.constant 16 : index
        %get3A_2044 = tpu.vector_load %arg17[%get3A_2042, %get3A_2043] {strides = array<i32>} : memref<408x128xf32, #tpu.memory_space<vmem>>, vector<1x16xf32>,
        %get3A_2045 = vector.shape_cast %get3A_2044 : vector<1x16xf32> to vector<16xf32>
        %get3A_2046 = arith.constant 13 : i32
        %get3A_2047 = arith.index_cast %get3A_2046 : i32 to index
        %get3A_2048 = arith.constant 16 : index
        %get3A_2049 = tpu.vector_load %arg15[%get3A_2047, %get3A_2048] {strides = array<i32>} : memref<26x128xf32, #tpu.memory_space<vmem>>, vector<1x16xf32>,
        %get3A_2050 = vector.shape_cast %get3A_2049 : vector<1x16xf32> to vector<16xf32>
        %mul3A_2051 = vector.broadcast %squeeze3A_2018 : f32 to vector<16xf32>
        %mul3A_2052 = arith.mulf %mul3A_2051, %get3A_2050 : vector<16xf32>
        %add3A_2053 = arith.addf %get3A_2045, %mul3A_2052 : vector<16xf32>
        %swap3A_2054 = arith.index_cast %add3A_2024 : i32 to index
        %swap3A_2055 = arith.constant 16 : index
        %swap3A_2056 = tpu.vector_load %arg17[%swap3A_2054, %swap3A_2055] {strides = array<i32>} : memref<408x128xf32, #tpu.memory_space<vmem>>, vector<1x16xf32>,
        %swap3A_2057 = vector.shape_cast %swap3A_2056 : vector<1x16xf32> to vector<16xf32>
        %swap3A_2058 = vector.shape_cast %add3A_2053 : vector<16xf32> to vector<1x16xf32>
        tpu.vector_store %arg17[%swap3A_2054, %swap3A_2055], %swap3A_2058 {strides = array<i32>} : memref<408x128xf32, #tpu.memory_space<vmem>>, vector<1x16xf32>,
        %get3A_2059 = arith.index_cast %add3A_2024 : i32 to index
        %get3A_2060 = arith.constant 32 : index
        %get3A_2061 = tpu.vector_load %arg17[%get3A_2059, %get3A_2060] {strides = array<i32>} : memref<408x128xf32, #tpu.memory_space<vmem>>, vector<1x16xf32>,
        %get3A_2062 = vector.shape_cast %get3A_2061 : vector<1x16xf32> to vector<16xf32>
        %get3A_2063 = arith.constant 13 : i32
        %get3A_2064 = arith.index_cast %get3A_2063 : i32 to index
        %get3A_2065 = arith.constant 32 : index
        %get3A_2066 = tpu.vector_load %arg15[%get3A_2064, %get3A_2065] {strides = array<i32>} : memref<26x128xf32, #tpu.memory_space<vmem>>, vector<1x16xf32>,
        %get3A_2067 = vector.shape_cast %get3A_2066 : vector<1x16xf32> to vector<16xf32>
        %mul3A_2068 = vector.broadcast %squeeze3A_2018 : f32 to vector<16xf32>
        %mul3A_2069 = arith.mulf %mul3A_2068, %get3A_2067 : vector<16xf32>
        %add3A_2070 = arith.addf %get3A_2062, %mul3A_2069 : vector<16xf32>
        %swap3A_2071 = arith.index_cast %add3A_2024 : i32 to index
        %swap3A_2072 = arith.constant 32 : index
        %swap3A_2073 = tpu.vector_load %arg17[%swap3A_2071, %swap3A_2072] {strides = array<i32>} : memref<408x128xf32, #tpu.memory_space<vmem>>, vector<1x16xf32>,
        %swap3A_2074 = vector.shape_cast %swap3A_2073 : vector<1x16xf32> to vector<16xf32>
        %swap3A_2075 = vector.shape_cast %add3A_2070 : vector<16xf32> to vector<1x16xf32>
        tpu.vector_store %arg17[%swap3A_2071, %swap3A_2072], %swap3A_2075 {strides = array<i32>} : memref<408x128xf32, #tpu.memory_space<vmem>>, vector<1x16xf32>,
        %get3A_2076 = arith.index_cast %add3A_2024 : i32 to index
        %get3A_2077 = arith.constant 48 : index
        %get3A_2078 = tpu.vector_load %arg17[%get3A_2076, %get3A_2077] {strides = array<i32>} : memref<408x128xf32, #tpu.memory_space<vmem>>, vector<1x16xf32>,
        %get3A_2079 = vector.shape_cast %get3A_2078 : vector<1x16xf32> to vector<16xf32>
        %get3A_2080 = arith.constant 13 : i32
        %get3A_2081 = arith.index_cast %get3A_2080 : i32 to index
        %get3A_2082 = arith.constant 48 : index
        %get3A_2083 = tpu.vector_load %arg15[%get3A_2081, %get3A_2082] {strides = array<i32>} : memref<26x128xf32, #tpu.memory_space<vmem>>, vector<1x16xf32>,
        %get3A_2084 = vector.shape_cast %get3A_2083 : vector<1x16xf32> to vector<16xf32>
        %mul3A_2085 = vector.broadcast %squeeze3A_2018 : f32 to vector<16xf32>
        %mul3A_2086 = arith.mulf %mul3A_2085, %get3A_2084 : vector<16xf32>
        %add3A_2087 = arith.addf %get3A_2079, %mul3A_2086 : vector<16xf32>
        %swap3A_2088 = arith.index_cast %add3A_2024 : i32 to index
        %swap3A_2089 = arith.constant 48 : index
        %swap3A_2090 = tpu.vector_load %arg17[%swap3A_2088, %swap3A_2089] {strides = array<i32>} : memref<408x128xf32, #tpu.memory_space<vmem>>, vector<1x16xf32>,
        %swap3A_2091 = vector.shape_cast %swap3A_2090 : vector<1x16xf32> to vector<16xf32>
        %swap3A_2092 = vector.shape_cast %add3A_2087 : vector<16xf32> to vector<1x16xf32>
        tpu.vector_store %arg17[%swap3A_2088, %swap3A_2089], %swap3A_2092 {strides = array<i32>} : memref<408x128xf32, #tpu.memory_space<vmem>>, vector<1x16xf32>,
        %get3A_2093 = arith.index_cast %add3A_2024 : i32 to index
        %get3A_2094 = arith.constant 64 : index
        %get3A_2095 = tpu.vector_load %arg17[%get3A_2093, %get3A_2094] {strides = array<i32>} : memref<408x128xf32, #tpu.memory_space<vmem>>, vector<1x16xf32>,
        %get3A_2096 = vector.shape_cast %get3A_2095 : vector<1x16xf32> to vector<16xf32>
        %get3A_2097 = arith.constant 13 : i32
        %get3A_2098 = arith.index_cast %get3A_2097 : i32 to index
        %get3A_2099 = arith.constant 64 : index
        %get3A_2100 = tpu.vector_load %arg15[%get3A_2098, %get3A_2099] {strides = array<i32>} : memref<26x128xf32, #tpu.memory_space<vmem>>, vector<1x16xf32>,
        %get3A_2101 = vector.shape_cast %get3A_2100 : vector<1x16xf32> to vector<16xf32>
        %mul3A_2102 = vector.broadcast %squeeze3A_2018 : f32 to vector<16xf32>
        %mul3A_2103 = arith.mulf %mul3A_2102, %get3A_2101 : vector<16xf32>
        %add3A_2104 = arith.addf %get3A_2096, %mul3A_2103 : vector<16xf32>
        %swap3A_2105 = arith.index_cast %add3A_2024 : i32 to index
        %swap3A_2106 = arith.constant 64 : index
        %swap3A_2107 = tpu.vector_load %arg17[%swap3A_2105, %swap3A_2106] {strides = array<i32>} : memref<408x128xf32, #tpu.memory_space<vmem>>, vector<1x16xf32>,
        %swap3A_2108 = vector.shape_cast %swap3A_2107 : vector<1x16xf32> to vector<16xf32>
        %swap3A_2109 = vector.shape_cast %add3A_2104 : vector<16xf32> to vector<1x16xf32>
        tpu.vector_store %arg17[%swap3A_2105, %swap3A_2106], %swap3A_2109 {strides = array<i32>} : memref<408x128xf32, #tpu.memory_space<vmem>>, vector<1x16xf32>,
        %get3A_2110 = arith.index_cast %add3A_2024 : i32 to index
        %get3A_2111 = arith.constant 80 : index
        %get3A_2112 = tpu.vector_load %arg17[%get3A_2110, %get3A_2111] {strides = array<i32>} : memref<408x128xf32, #tpu.memory_space<vmem>>, vector<1x16xf32>,
        %get3A_2113 = vector.shape_cast %get3A_2112 : vector<1x16xf32> to vector<16xf32>
        %get3A_2114 = arith.constant 13 : i32
        %get3A_2115 = arith.index_cast %get3A_2114 : i32 to index
        %get3A_2116 = arith.constant 80 : index
        %get3A_2117 = tpu.vector_load %arg15[%get3A_2115, %get3A_2116] {strides = array<i32>} : memref<26x128xf32, #tpu.memory_space<vmem>>, vector<1x16xf32>,
        %get3A_2118 = vector.shape_cast %get3A_2117 : vector<1x16xf32> to vector<16xf32>
        %mul3A_2119 = vector.broadcast %squeeze3A_2018 : f32 to vector<16xf32>
        %mul3A_2120 = arith.mulf %mul3A_2119, %get3A_2118 : vector<16xf32>
        %add3A_2121 = arith.addf %get3A_2113, %mul3A_2120 : vector<16xf32>
        %swap3A_2122 = arith.index_cast %add3A_2024 : i32 to index
        %swap3A_2123 = arith.constant 80 : index
        %swap3A_2124 = tpu.vector_load %arg17[%swap3A_2122, %swap3A_2123] {strides = array<i32>} : memref<408x128xf32, #tpu.memory_space<vmem>>, vector<1x16xf32>,
        %swap3A_2125 = vector.shape_cast %swap3A_2124 : vector<1x16xf32> to vector<16xf32>
        %swap3A_2126 = vector.shape_cast %add3A_2121 : vector<16xf32> to vector<1x16xf32>
        tpu.vector_store %arg17[%swap3A_2122, %swap3A_2123], %swap3A_2126 {strides = array<i32>} : memref<408x128xf32, #tpu.memory_space<vmem>>, vector<1x16xf32>,
        %get3A_2127 = arith.index_cast %add3A_2024 : i32 to index
        %get3A_2128 = arith.constant 96 : index
        %get3A_2129 = tpu.vector_load %arg17[%get3A_2127, %get3A_2128] {strides = array<i32>} : memref<408x128xf32, #tpu.memory_space<vmem>>, vector<1x16xf32>,
        %get3A_2130 = vector.shape_cast %get3A_2129 : vector<1x16xf32> to vector<16xf32>
        %get3A_2131 = arith.constant 13 : i32
        %get3A_2132 = arith.index_cast %get3A_2131 : i32 to index
        %get3A_2133 = arith.constant 96 : index
        %get3A_2134 = tpu.vector_load %arg15[%get3A_2132, %get3A_2133] {strides = array<i32>} : memref<26x128xf32, #tpu.memory_space<vmem>>, vector<1x16xf32>,
        %get3A_2135 = vector.shape_cast %get3A_2134 : vector<1x16xf32> to vector<16xf32>
        %mul3A_2136 = vector.broadcast %squeeze3A_2018 : f32 to vector<16xf32>
        %mul3A_2137 = arith.mulf %mul3A_2136, %get3A_2135 : vector<16xf32>
        %add3A_2138 = arith.addf %get3A_2130, %mul3A_2137 : vector<16xf32>
        %swap3A_2139 = arith.index_cast %add3A_2024 : i32 to index
        %swap3A_2140 = arith.constant 96 : index
        %swap3A_2141 = tpu.vector_load %arg17[%swap3A_2139, %swap3A_2140] {strides = array<i32>} : memref<408x128xf32, #tpu.memory_space<vmem>>, vector<1x16xf32>,
        %swap3A_2142 = vector.shape_cast %swap3A_2141 : vector<1x16xf32> to vector<16xf32>
        %swap3A_2143 = vector.shape_cast %add3A_2138 : vector<16xf32> to vector<1x16xf32>
        tpu.vector_store %arg17[%swap3A_2139, %swap3A_2140], %swap3A_2143 {strides = array<i32>} : memref<408x128xf32, #tpu.memory_space<vmem>>, vector<1x16xf32>,
        %get3A_2144 = arith.index_cast %add3A_2024 : i32 to index
        %get3A_2145 = arith.constant 112 : index
        %get3A_2146 = tpu.vector_load %arg17[%get3A_2144, %get3A_2145] {strides = array<i32>} : memref<408x128xf32, #tpu.memory_space<vmem>>, vector<1x16xf32>,
        %get3A_2147 = vector.shape_cast %get3A_2146 : vector<1x16xf32> to vector<16xf32>
        %get3A_2148 = arith.constant 13 : i32
        %get3A_2149 = arith.index_cast %get3A_2148 : i32 to index
        %get3A_2150 = arith.constant 112 : index
        %get3A_2151 = tpu.vector_load %arg15[%get3A_2149, %get3A_2150] {strides = array<i32>} : memref<26x128xf32, #tpu.memory_space<vmem>>, vector<1x16xf32>,
        %get3A_2152 = vector.shape_cast %get3A_2151 : vector<1x16xf32> to vector<16xf32>
        %mul3A_2153 = vector.broadcast %squeeze3A_2018 : f32 to vector<16xf32>
        %mul3A_2154 = arith.mulf %mul3A_2153, %get3A_2152 : vector<16xf32>
        %add3A_2155 = arith.addf %get3A_2147, %mul3A_2154 : vector<16xf32>
        %swap3A_2156 = arith.index_cast %add3A_2024 : i32 to index
        %swap3A_2157 = arith.constant 112 : index
        %swap3A_2158 = tpu.vector_load %arg17[%swap3A_2156, %swap3A_2157] {strides = array<i32>} : memref<408x128xf32, #tpu.memory_space<vmem>>, vector<1x16xf32>,
        %swap3A_2159 = vector.shape_cast %swap3A_2158 : vector<1x16xf32> to vector<16xf32>
        %swap3A_2160 = vector.shape_cast %add3A_2155 : vector<16xf32> to vector<1x16xf32>
        tpu.vector_store %arg17[%swap3A_2156, %swap3A_2157], %swap3A_2160 {strides = array<i32>} : memref<408x128xf32, #tpu.memory_space<vmem>>, vector<1x16xf32>,
        %slice3A_2161 = vector.extract_strided_slice %get3A_143 {offsets = [14], sizes = [1], strides = [1]} : vector<16xf32> to vector<1xf32>
        %squeeze3A_2162 = vector.extract %slice3A_2161[0] : f32 from vector<1xf32>
        %mul3A_2163 = arith.constant 102 : i32
        %mul3A_2164 = arith.muli %rem3A_101, %mul3A_2163 : i32
        %add3A_2165 = arith.constant 26 : i32
        %add3A_2166 = arith.addi %mul3A_2164, %add3A_2165 : i32
        %add3A_2167 = arith.constant 14 : i32
        %add3A_2168 = arith.addi %add3A_2166, %add3A_2167 : i32
        %get3A_2169 = arith.index_cast %add3A_2168 : i32 to index
        %get3A_2170 = arith.constant 0 : index
        %get3A_2171 = tpu.vector_load %arg17[%get3A_2169, %get3A_2170] {strides = array<i32>} : memref<408x128xf32, #tpu.memory_space<vmem>>, vector<1x16xf32>,
        %get3A_2172 = vector.shape_cast %get3A_2171 : vector<1x16xf32> to vector<16xf32>
        %get3A_2173 = arith.constant 14 : i32
        %get3A_2174 = arith.index_cast %get3A_2173 : i32 to index
        %get3A_2175 = arith.constant 0 : index
        %get3A_2176 = tpu.vector_load %arg15[%get3A_2174, %get3A_2175] {strides = array<i32>} : memref<26x128xf32, #tpu.memory_space<vmem>>, vector<1x16xf32>,
        %get3A_2177 = vector.shape_cast %get3A_2176 : vector<1x16xf32> to vector<16xf32>
        %mul3A_2178 = vector.broadcast %squeeze3A_2162 : f32 to vector<16xf32>
        %mul3A_2179 = arith.mulf %mul3A_2178, %get3A_2177 : vector<16xf32>
        %add3A_2180 = arith.addf %get3A_2172, %mul3A_2179 : vector<16xf32>
        %swap3A_2181 = arith.index_cast %add3A_2168 : i32 to index
        %swap3A_2182 = arith.constant 0 : index
        %swap3A_2183 = tpu.vector_load %arg17[%swap3A_2181, %swap3A_2182] {strides = array<i32>} : memref<408x128xf32, #tpu.memory_space<vmem>>, vector<1x16xf32>,
        %swap3A_2184 = vector.shape_cast %swap3A_2183 : vector<1x16xf32> to vector<16xf32>
        %swap3A_2185 = vector.shape_cast %add3A_2180 : vector<16xf32> to vector<1x16xf32>
        tpu.vector_store %arg17[%swap3A_2181, %swap3A_2182], %swap3A_2185 {strides = array<i32>} : memref<408x128xf32, #tpu.memory_space<vmem>>, vector<1x16xf32>,
        %get3A_2186 = arith.index_cast %add3A_2168 : i32 to index
        %get3A_2187 = arith.constant 16 : index
        %get3A_2188 = tpu.vector_load %arg17[%get3A_2186, %get3A_2187] {strides = array<i32>} : memref<408x128xf32, #tpu.memory_space<vmem>>, vector<1x16xf32>,
        %get3A_2189 = vector.shape_cast %get3A_2188 : vector<1x16xf32> to vector<16xf32>
        %get3A_2190 = arith.constant 14 : i32
        %get3A_2191 = arith.index_cast %get3A_2190 : i32 to index
        %get3A_2192 = arith.constant 16 : index
        %get3A_2193 = tpu.vector_load %arg15[%get3A_2191, %get3A_2192] {strides = array<i32>} : memref<26x128xf32, #tpu.memory_space<vmem>>, vector<1x16xf32>,
        %get3A_2194 = vector.shape_cast %get3A_2193 : vector<1x16xf32> to vector<16xf32>
        %mul3A_2195 = vector.broadcast %squeeze3A_2162 : f32 to vector<16xf32>
        %mul3A_2196 = arith.mulf %mul3A_2195, %get3A_2194 : vector<16xf32>
        %add3A_2197 = arith.addf %get3A_2189, %mul3A_2196 : vector<16xf32>
        %swap3A_2198 = arith.index_cast %add3A_2168 : i32 to index
        %swap3A_2199 = arith.constant 16 : index
        %swap3A_2200 = tpu.vector_load %arg17[%swap3A_2198, %swap3A_2199] {strides = array<i32>} : memref<408x128xf32, #tpu.memory_space<vmem>>, vector<1x16xf32>,
        %swap3A_2201 = vector.shape_cast %swap3A_2200 : vector<1x16xf32> to vector<16xf32>
        %swap3A_2202 = vector.shape_cast %add3A_2197 : vector<16xf32> to vector<1x16xf32>
        tpu.vector_store %arg17[%swap3A_2198, %swap3A_2199], %swap3A_2202 {strides = array<i32>} : memref<408x128xf32, #tpu.memory_space<vmem>>, vector<1x16xf32>,
        %get3A_2203 = arith.index_cast %add3A_2168 : i32 to index
        %get3A_2204 = arith.constant 32 : index
        %get3A_2205 = tpu.vector_load %arg17[%get3A_2203, %get3A_2204] {strides = array<i32>} : memref<408x128xf32, #tpu.memory_space<vmem>>, vector<1x16xf32>,
        %get3A_2206 = vector.shape_cast %get3A_2205 : vector<1x16xf32> to vector<16xf32>
        %get3A_2207 = arith.constant 14 : i32
        %get3A_2208 = arith.index_cast %get3A_2207 : i32 to index
        %get3A_2209 = arith.constant 32 : index
        %get3A_2210 = tpu.vector_load %arg15[%get3A_2208, %get3A_2209] {strides = array<i32>} : memref<26x128xf32, #tpu.memory_space<vmem>>, vector<1x16xf32>,
        %get3A_2211 = vector.shape_cast %get3A_2210 : vector<1x16xf32> to vector<16xf32>
        %mul3A_2212 = vector.broadcast %squeeze3A_2162 : f32 to vector<16xf32>
        %mul3A_2213 = arith.mulf %mul3A_2212, %get3A_2211 : vector<16xf32>
        %add3A_2214 = arith.addf %get3A_2206, %mul3A_2213 : vector<16xf32>
        %swap3A_2215 = arith.index_cast %add3A_2168 : i32 to index
        %swap3A_2216 = arith.constant 32 : index
        %swap3A_2217 = tpu.vector_load %arg17[%swap3A_2215, %swap3A_2216] {strides = array<i32>} : memref<408x128xf32, #tpu.memory_space<vmem>>, vector<1x16xf32>,
        %swap3A_2218 = vector.shape_cast %swap3A_2217 : vector<1x16xf32> to vector<16xf32>
        %swap3A_2219 = vector.shape_cast %add3A_2214 : vector<16xf32> to vector<1x16xf32>
        tpu.vector_store %arg17[%swap3A_2215, %swap3A_2216], %swap3A_2219 {strides = array<i32>} : memref<408x128xf32, #tpu.memory_space<vmem>>, vector<1x16xf32>,
        %get3A_2220 = arith.index_cast %add3A_2168 : i32 to index
        %get3A_2221 = arith.constant 48 : index
        %get3A_2222 = tpu.vector_load %arg17[%get3A_2220, %get3A_2221] {strides = array<i32>} : memref<408x128xf32, #tpu.memory_space<vmem>>, vector<1x16xf32>,
        %get3A_2223 = vector.shape_cast %get3A_2222 : vector<1x16xf32> to vector<16xf32>
        %get3A_2224 = arith.constant 14 : i32
        %get3A_2225 = arith.index_cast %get3A_2224 : i32 to index
        %get3A_2226 = arith.constant 48 : index
        %get3A_2227 = tpu.vector_load %arg15[%get3A_2225, %get3A_2226] {strides = array<i32>} : memref<26x128xf32, #tpu.memory_space<vmem>>, vector<1x16xf32>,
        %get3A_2228 = vector.shape_cast %get3A_2227 : vector<1x16xf32> to vector<16xf32>
        %mul3A_2229 = vector.broadcast %squeeze3A_2162 : f32 to vector<16xf32>
        %mul3A_2230 = arith.mulf %mul3A_2229, %get3A_2228 : vector<16xf32>
        %add3A_2231 = arith.addf %get3A_2223, %mul3A_2230 : vector<16xf32>
        %swap3A_2232 = arith.index_cast %add3A_2168 : i32 to index
        %swap3A_2233 = arith.constant 48 : index
        %swap3A_2234 = tpu.vector_load %arg17[%swap3A_2232, %swap3A_2233] {strides = array<i32>} : memref<408x128xf32, #tpu.memory_space<vmem>>, vector<1x16xf32>,
        %swap3A_2235 = vector.shape_cast %swap3A_2234 : vector<1x16xf32> to vector<16xf32>
        %swap3A_2236 = vector.shape_cast %add3A_2231 : vector<16xf32> to vector<1x16xf32>
        tpu.vector_store %arg17[%swap3A_2232, %swap3A_2233], %swap3A_2236 {strides = array<i32>} : memref<408x128xf32, #tpu.memory_space<vmem>>, vector<1x16xf32>,
        %get3A_2237 = arith.index_cast %add3A_2168 : i32 to index
        %get3A_2238 = arith.constant 64 : index
        %get3A_2239 = tpu.vector_load %arg17[%get3A_2237, %get3A_2238] {strides = array<i32>} : memref<408x128xf32, #tpu.memory_space<vmem>>, vector<1x16xf32>,
        %get3A_2240 = vector.shape_cast %get3A_2239 : vector<1x16xf32> to vector<16xf32>
        %get3A_2241 = arith.constant 14 : i32
        %get3A_2242 = arith.index_cast %get3A_2241 : i32 to index
        %get3A_2243 = arith.constant 64 : index
        %get3A_2244 = tpu.vector_load %arg15[%get3A_2242, %get3A_2243] {strides = array<i32>} : memref<26x128xf32, #tpu.memory_space<vmem>>, vector<1x16xf32>,
        %get3A_2245 = vector.shape_cast %get3A_2244 : vector<1x16xf32> to vector<16xf32>
        %mul3A_2246 = vector.broadcast %squeeze3A_2162 : f32 to vector<16xf32>
        %mul3A_2247 = arith.mulf %mul3A_2246, %get3A_2245 : vector<16xf32>
        %add3A_2248 = arith.addf %get3A_2240, %mul3A_2247 : vector<16xf32>
        %swap3A_2249 = arith.index_cast %add3A_2168 : i32 to index
        %swap3A_2250 = arith.constant 64 : index
        %swap3A_2251 = tpu.vector_load %arg17[%swap3A_2249, %swap3A_2250] {strides = array<i32>} : memref<408x128xf32, #tpu.memory_space<vmem>>, vector<1x16xf32>,
        %swap3A_2252 = vector.shape_cast %swap3A_2251 : vector<1x16xf32> to vector<16xf32>
        %swap3A_2253 = vector.shape_cast %add3A_2248 : vector<16xf32> to vector<1x16xf32>
        tpu.vector_store %arg17[%swap3A_2249, %swap3A_2250], %swap3A_2253 {strides = array<i32>} : memref<408x128xf32, #tpu.memory_space<vmem>>, vector<1x16xf32>,
        %get3A_2254 = arith.index_cast %add3A_2168 : i32 to index
        %get3A_2255 = arith.constant 80 : index
        %get3A_2256 = tpu.vector_load %arg17[%get3A_2254, %get3A_2255] {strides = array<i32>} : memref<408x128xf32, #tpu.memory_space<vmem>>, vector<1x16xf32>,
        %get3A_2257 = vector.shape_cast %get3A_2256 : vector<1x16xf32> to vector<16xf32>
        %get3A_2258 = arith.constant 14 : i32
        %get3A_2259 = arith.index_cast %get3A_2258 : i32 to index
        %get3A_2260 = arith.constant 80 : index
        %get3A_2261 = tpu.vector_load %arg15[%get3A_2259, %get3A_2260] {strides = array<i32>} : memref<26x128xf32, #tpu.memory_space<vmem>>, vector<1x16xf32>,
        %get3A_2262 = vector.shape_cast %get3A_2261 : vector<1x16xf32> to vector<16xf32>
        %mul3A_2263 = vector.broadcast %squeeze3A_2162 : f32 to vector<16xf32>
        %mul3A_2264 = arith.mulf %mul3A_2263, %get3A_2262 : vector<16xf32>
        %add3A_2265 = arith.addf %get3A_2257, %mul3A_2264 : vector<16xf32>
        %swap3A_2266 = arith.index_cast %add3A_2168 : i32 to index
        %swap3A_2267 = arith.constant 80 : index
        %swap3A_2268 = tpu.vector_load %arg17[%swap3A_2266, %swap3A_2267] {strides = array<i32>} : memref<408x128xf32, #tpu.memory_space<vmem>>, vector<1x16xf32>,
        %swap3A_2269 = vector.shape_cast %swap3A_2268 : vector<1x16xf32> to vector<16xf32>
        %swap3A_2270 = vector.shape_cast %add3A_2265 : vector<16xf32> to vector<1x16xf32>
        tpu.vector_store %arg17[%swap3A_2266, %swap3A_2267], %swap3A_2270 {strides = array<i32>} : memref<408x128xf32, #tpu.memory_space<vmem>>, vector<1x16xf32>,
        %get3A_2271 = arith.index_cast %add3A_2168 : i32 to index
        %get3A_2272 = arith.constant 96 : index
        %get3A_2273 = tpu.vector_load %arg17[%get3A_2271, %get3A_2272] {strides = array<i32>} : memref<408x128xf32, #tpu.memory_space<vmem>>, vector<1x16xf32>,
        %get3A_2274 = vector.shape_cast %get3A_2273 : vector<1x16xf32> to vector<16xf32>
        %get3A_2275 = arith.constant 14 : i32
        %get3A_2276 = arith.index_cast %get3A_2275 : i32 to index
        %get3A_2277 = arith.constant 96 : index
        %get3A_2278 = tpu.vector_load %arg15[%get3A_2276, %get3A_2277] {strides = array<i32>} : memref<26x128xf32, #tpu.memory_space<vmem>>, vector<1x16xf32>,
        %get3A_2279 = vector.shape_cast %get3A_2278 : vector<1x16xf32> to vector<16xf32>
        %mul3A_2280 = vector.broadcast %squeeze3A_2162 : f32 to vector<16xf32>
        %mul3A_2281 = arith.mulf %mul3A_2280, %get3A_2279 : vector<16xf32>
        %add3A_2282 = arith.addf %get3A_2274, %mul3A_2281 : vector<16xf32>
        %swap3A_2283 = arith.index_cast %add3A_2168 : i32 to index
        %swap3A_2284 = arith.constant 96 : index
        %swap3A_2285 = tpu.vector_load %arg17[%swap3A_2283, %swap3A_2284] {strides = array<i32>} : memref<408x128xf32, #tpu.memory_space<vmem>>, vector<1x16xf32>,
        %swap3A_2286 = vector.shape_cast %swap3A_2285 : vector<1x16xf32> to vector<16xf32>
        %swap3A_2287 = vector.shape_cast %add3A_2282 : vector<16xf32> to vector<1x16xf32>
        tpu.vector_store %arg17[%swap3A_2283, %swap3A_2284], %swap3A_2287 {strides = array<i32>} : memref<408x128xf32, #tpu.memory_space<vmem>>, vector<1x16xf32>,
        %get3A_2288 = arith.index_cast %add3A_2168 : i32 to index
        %get3A_2289 = arith.constant 112 : index
        %get3A_2290 = tpu.vector_load %arg17[%get3A_2288, %get3A_2289] {strides = array<i32>} : memref<408x128xf32, #tpu.memory_space<vmem>>, vector<1x16xf32>,
        %get3A_2291 = vector.shape_cast %get3A_2290 : vector<1x16xf32> to vector<16xf32>
        %get3A_2292 = arith.constant 14 : i32
        %get3A_2293 = arith.index_cast %get3A_2292 : i32 to index
        %get3A_2294 = arith.constant 112 : index
        %get3A_2295 = tpu.vector_load %arg15[%get3A_2293, %get3A_2294] {strides = array<i32>} : memref<26x128xf32, #tpu.memory_space<vmem>>, vector<1x16xf32>,
        %get3A_2296 = vector.shape_cast %get3A_2295 : vector<1x16xf32> to vector<16xf32>
        %mul3A_2297 = vector.broadcast %squeeze3A_2162 : f32 to vector<16xf32>
        %mul3A_2298 = arith.mulf %mul3A_2297, %get3A_2296 : vector<16xf32>
        %add3A_2299 = arith.addf %get3A_2291, %mul3A_2298 : vector<16xf32>
        %swap3A_2300 = arith.index_cast %add3A_2168 : i32 to index
        %swap3A_2301 = arith.constant 112 : index
        %swap3A_2302 = tpu.vector_load %arg17[%swap3A_2300, %swap3A_2301] {strides = array<i32>} : memref<408x128xf32, #tpu.memory_space<vmem>>, vector<1x16xf32>,
        %swap3A_2303 = vector.shape_cast %swap3A_2302 : vector<1x16xf32> to vector<16xf32>
        %swap3A_2304 = vector.shape_cast %add3A_2299 : vector<16xf32> to vector<1x16xf32>
        tpu.vector_store %arg17[%swap3A_2300, %swap3A_2301], %swap3A_2304 {strides = array<i32>} : memref<408x128xf32, #tpu.memory_space<vmem>>, vector<1x16xf32>,
        %slice3A_2305 = vector.extract_strided_slice %get3A_143 {offsets = [15], sizes = [1], strides = [1]} : vector<16xf32> to vector<1xf32>
        %squeeze3A_2306 = vector.extract %slice3A_2305[0] : f32 from vector<1xf32>
        %mul3A_2307 = arith.constant 102 : i32
        %mul3A_2308 = arith.muli %rem3A_101, %mul3A_2307 : i32
        %add3A_2309 = arith.constant 26 : i32
        %add3A_2310 = arith.addi %mul3A_2308, %add3A_2309 : i32
        %add3A_2311 = arith.constant 15 : i32
        %add3A_2312 = arith.addi %add3A_2310, %add3A_2311 : i32
        %get3A_2313 = arith.index_cast %add3A_2312 : i32 to index
        %get3A_2314 = arith.constant 0 : index
        %get3A_2315 = tpu.vector_load %arg17[%get3A_2313, %get3A_2314] {strides = array<i32>} : memref<408x128xf32, #tpu.memory_space<vmem>>, vector<1x16xf32>,
        %get3A_2316 = vector.shape_cast %get3A_2315 : vector<1x16xf32> to vector<16xf32>
        %get3A_2317 = arith.constant 15 : i32
        %get3A_2318 = arith.index_cast %get3A_2317 : i32 to index
        %get3A_2319 = arith.constant 0 : index
        %get3A_2320 = tpu.vector_load %arg15[%get3A_2318, %get3A_2319] {strides = array<i32>} : memref<26x128xf32, #tpu.memory_space<vmem>>, vector<1x16xf32>,
        %get3A_2321 = vector.shape_cast %get3A_2320 : vector<1x16xf32> to vector<16xf32>
        %mul3A_2322 = vector.broadcast %squeeze3A_2306 : f32 to vector<16xf32>
        %mul3A_2323 = arith.mulf %mul3A_2322, %get3A_2321 : vector<16xf32>
        %add3A_2324 = arith.addf %get3A_2316, %mul3A_2323 : vector<16xf32>
        %swap3A_2325 = arith.index_cast %add3A_2312 : i32 to index
        %swap3A_2326 = arith.constant 0 : index
        %swap3A_2327 = tpu.vector_load %arg17[%swap3A_2325, %swap3A_2326] {strides = array<i32>} : memref<408x128xf32, #tpu.memory_space<vmem>>, vector<1x16xf32>,
        %swap3A_2328 = vector.shape_cast %swap3A_2327 : vector<1x16xf32> to vector<16xf32>
        %swap3A_2329 = vector.shape_cast %add3A_2324 : vector<16xf32> to vector<1x16xf32>
        tpu.vector_store %arg17[%swap3A_2325, %swap3A_2326], %swap3A_2329 {strides = array<i32>} : memref<408x128xf32, #tpu.memory_space<vmem>>, vector<1x16xf32>,
        %get3A_2330 = arith.index_cast %add3A_2312 : i32 to index
        %get3A_2331 = arith.constant 16 : index
        %get3A_2332 = tpu.vector_load %arg17[%get3A_2330, %get3A_2331] {strides = array<i32>} : memref<408x128xf32, #tpu.memory_space<vmem>>, vector<1x16xf32>,
        %get3A_2333 = vector.shape_cast %get3A_2332 : vector<1x16xf32> to vector<16xf32>
        %get3A_2334 = arith.constant 15 : i32
        %get3A_2335 = arith.index_cast %get3A_2334 : i32 to index
        %get3A_2336 = arith.constant 16 : index
        %get3A_2337 = tpu.vector_load %arg15[%get3A_2335, %get3A_2336] {strides = array<i32>} : memref<26x128xf32, #tpu.memory_space<vmem>>, vector<1x16xf32>,
        %get3A_2338 = vector.shape_cast %get3A_2337 : vector<1x16xf32> to vector<16xf32>
        %mul3A_2339 = vector.broadcast %squeeze3A_2306 : f32 to vector<16xf32>
        %mul3A_2340 = arith.mulf %mul3A_2339, %get3A_2338 : vector<16xf32>
        %add3A_2341 = arith.addf %get3A_2333, %mul3A_2340 : vector<16xf32>
        %swap3A_2342 = arith.index_cast %add3A_2312 : i32 to index
        %swap3A_2343 = arith.constant 16 : index
        %swap3A_2344 = tpu.vector_load %arg17[%swap3A_2342, %swap3A_2343] {strides = array<i32>} : memref<408x128xf32, #tpu.memory_space<vmem>>, vector<1x16xf32>,
        %swap3A_2345 = vector.shape_cast %swap3A_2344 : vector<1x16xf32> to vector<16xf32>
        %swap3A_2346 = vector.shape_cast %add3A_2341 : vector<16xf32> to vector<1x16xf32>
        tpu.vector_store %arg17[%swap3A_2342, %swap3A_2343], %swap3A_2346 {strides = array<i32>} : memref<408x128xf32, #tpu.memory_space<vmem>>, vector<1x16xf32>,
        %get3A_2347 = arith.index_cast %add3A_2312 : i32 to index
        %get3A_2348 = arith.constant 32 : index
        %get3A_2349 = tpu.vector_load %arg17[%get3A_2347, %get3A_2348] {strides = array<i32>} : memref<408x128xf32, #tpu.memory_space<vmem>>, vector<1x16xf32>,
        %get3A_2350 = vector.shape_cast %get3A_2349 : vector<1x16xf32> to vector<16xf32>
        %get3A_2351 = arith.constant 15 : i32
        %get3A_2352 = arith.index_cast %get3A_2351 : i32 to index
        %get3A_2353 = arith.constant 32 : index
        %get3A_2354 = tpu.vector_load %arg15[%get3A_2352, %get3A_2353] {strides = array<i32>} : memref<26x128xf32, #tpu.memory_space<vmem>>, vector<1x16xf32>,
        %get3A_2355 = vector.shape_cast %get3A_2354 : vector<1x16xf32> to vector<16xf32>
        %mul3A_2356 = vector.broadcast %squeeze3A_2306 : f32 to vector<16xf32>
        %mul3A_2357 = arith.mulf %mul3A_2356, %get3A_2355 : vector<16xf32>
        %add3A_2358 = arith.addf %get3A_2350, %mul3A_2357 : vector<16xf32>
        %swap3A_2359 = arith.index_cast %add3A_2312 : i32 to index
        %swap3A_2360 = arith.constant 32 : index
        %swap3A_2361 = tpu.vector_load %arg17[%swap3A_2359, %swap3A_2360] {strides = array<i32>} : memref<408x128xf32, #tpu.memory_space<vmem>>, vector<1x16xf32>,
        %swap3A_2362 = vector.shape_cast %swap3A_2361 : vector<1x16xf32> to vector<16xf32>
        %swap3A_2363 = vector.shape_cast %add3A_2358 : vector<16xf32> to vector<1x16xf32>
        tpu.vector_store %arg17[%swap3A_2359, %swap3A_2360], %swap3A_2363 {strides = array<i32>} : memref<408x128xf32, #tpu.memory_space<vmem>>, vector<1x16xf32>,
        %get3A_2364 = arith.index_cast %add3A_2312 : i32 to index
        %get3A_2365 = arith.constant 48 : index
        %get3A_2366 = tpu.vector_load %arg17[%get3A_2364, %get3A_2365] {strides = array<i32>} : memref<408x128xf32, #tpu.memory_space<vmem>>, vector<1x16xf32>,
        %get3A_2367 = vector.shape_cast %get3A_2366 : vector<1x16xf32> to vector<16xf32>
        %get3A_2368 = arith.constant 15 : i32
        %get3A_2369 = arith.index_cast %get3A_2368 : i32 to index
        %get3A_2370 = arith.constant 48 : index
        %get3A_2371 = tpu.vector_load %arg15[%get3A_2369, %get3A_2370] {strides = array<i32>} : memref<26x128xf32, #tpu.memory_space<vmem>>, vector<1x16xf32>,
        %get3A_2372 = vector.shape_cast %get3A_2371 : vector<1x16xf32> to vector<16xf32>
        %mul3A_2373 = vector.broadcast %squeeze3A_2306 : f32 to vector<16xf32>
        %mul3A_2374 = arith.mulf %mul3A_2373, %get3A_2372 : vector<16xf32>
        %add3A_2375 = arith.addf %get3A_2367, %mul3A_2374 : vector<16xf32>
        %swap3A_2376 = arith.index_cast %add3A_2312 : i32 to index
        %swap3A_2377 = arith.constant 48 : index
        %swap3A_2378 = tpu.vector_load %arg17[%swap3A_2376, %swap3A_2377] {strides = array<i32>} : memref<408x128xf32, #tpu.memory_space<vmem>>, vector<1x16xf32>,
        %swap3A_2379 = vector.shape_cast %swap3A_2378 : vector<1x16xf32> to vector<16xf32>
        %swap3A_2380 = vector.shape_cast %add3A_2375 : vector<16xf32> to vector<1x16xf32>
        tpu.vector_store %arg17[%swap3A_2376, %swap3A_2377], %swap3A_2380 {strides = array<i32>} : memref<408x128xf32, #tpu.memory_space<vmem>>, vector<1x16xf32>,
        %get3A_2381 = arith.index_cast %add3A_2312 : i32 to index
        %get3A_2382 = arith.constant 64 : index
        %get3A_2383 = tpu.vector_load %arg17[%get3A_2381, %get3A_2382] {strides = array<i32>} : memref<408x128xf32, #tpu.memory_space<vmem>>, vector<1x16xf32>,
        %get3A_2384 = vector.shape_cast %get3A_2383 : vector<1x16xf32> to vector<16xf32>
        %get3A_2385 = arith.constant 15 : i32
        %get3A_2386 = arith.index_cast %get3A_2385 : i32 to index
        %get3A_2387 = arith.constant 64 : index
        %get3A_2388 = tpu.vector_load %arg15[%get3A_2386, %get3A_2387] {strides = array<i32>} : memref<26x128xf32, #tpu.memory_space<vmem>>, vector<1x16xf32>,
        %get3A_2389 = vector.shape_cast %get3A_2388 : vector<1x16xf32> to vector<16xf32>
        %mul3A_2390 = vector.broadcast %squeeze3A_2306 : f32 to vector<16xf32>
        %mul3A_2391 = arith.mulf %mul3A_2390, %get3A_2389 : vector<16xf32>
        %add3A_2392 = arith.addf %get3A_2384, %mul3A_2391 : vector<16xf32>
        %swap3A_2393 = arith.index_cast %add3A_2312 : i32 to index
        %swap3A_2394 = arith.constant 64 : index
        %swap3A_2395 = tpu.vector_load %arg17[%swap3A_2393, %swap3A_2394] {strides = array<i32>} : memref<408x128xf32, #tpu.memory_space<vmem>>, vector<1x16xf32>,
        %swap3A_2396 = vector.shape_cast %swap3A_2395 : vector<1x16xf32> to vector<16xf32>
        %swap3A_2397 = vector.shape_cast %add3A_2392 : vector<16xf32> to vector<1x16xf32>
        tpu.vector_store %arg17[%swap3A_2393, %swap3A_2394], %swap3A_2397 {strides = array<i32>} : memref<408x128xf32, #tpu.memory_space<vmem>>, vector<1x16xf32>,
        %get3A_2398 = arith.index_cast %add3A_2312 : i32 to index
        %get3A_2399 = arith.constant 80 : index
        %get3A_2400 = tpu.vector_load %arg17[%get3A_2398, %get3A_2399] {strides = array<i32>} : memref<408x128xf32, #tpu.memory_space<vmem>>, vector<1x16xf32>,
        %get3A_2401 = vector.shape_cast %get3A_2400 : vector<1x16xf32> to vector<16xf32>
        %get3A_2402 = arith.constant 15 : i32
        %get3A_2403 = arith.index_cast %get3A_2402 : i32 to index
        %get3A_2404 = arith.constant 80 : index
        %get3A_2405 = tpu.vector_load %arg15[%get3A_2403, %get3A_2404] {strides = array<i32>} : memref<26x128xf32, #tpu.memory_space<vmem>>, vector<1x16xf32>,
        %get3A_2406 = vector.shape_cast %get3A_2405 : vector<1x16xf32> to vector<16xf32>
        %mul3A_2407 = vector.broadcast %squeeze3A_2306 : f32 to vector<16xf32>
        %mul3A_2408 = arith.mulf %mul3A_2407, %get3A_2406 : vector<16xf32>
        %add3A_2409 = arith.addf %get3A_2401, %mul3A_2408 : vector<16xf32>
        %swap3A_2410 = arith.index_cast %add3A_2312 : i32 to index
        %swap3A_2411 = arith.constant 80 : index
        %swap3A_2412 = tpu.vector_load %arg17[%swap3A_2410, %swap3A_2411] {strides = array<i32>} : memref<408x128xf32, #tpu.memory_space<vmem>>, vector<1x16xf32>,
        %swap3A_2413 = vector.shape_cast %swap3A_2412 : vector<1x16xf32> to vector<16xf32>
        %swap3A_2414 = vector.shape_cast %add3A_2409 : vector<16xf32> to vector<1x16xf32>
        tpu.vector_store %arg17[%swap3A_2410, %swap3A_2411], %swap3A_2414 {strides = array<i32>} : memref<408x128xf32, #tpu.memory_space<vmem>>, vector<1x16xf32>,
        %get3A_2415 = arith.index_cast %add3A_2312 : i32 to index
        %get3A_2416 = arith.constant 96 : index
        %get3A_2417 = tpu.vector_load %arg17[%get3A_2415, %get3A_2416] {strides = array<i32>} : memref<408x128xf32, #tpu.memory_space<vmem>>, vector<1x16xf32>,
        %get3A_2418 = vector.shape_cast %get3A_2417 : vector<1x16xf32> to vector<16xf32>
        %get3A_2419 = arith.constant 15 : i32
        %get3A_2420 = arith.index_cast %get3A_2419 : i32 to index
        %get3A_2421 = arith.constant 96 : index
        %get3A_2422 = tpu.vector_load %arg15[%get3A_2420, %get3A_2421] {strides = array<i32>} : memref<26x128xf32, #tpu.memory_space<vmem>>, vector<1x16xf32>,
        %get3A_2423 = vector.shape_cast %get3A_2422 : vector<1x16xf32> to vector<16xf32>
        %mul3A_2424 = vector.broadcast %squeeze3A_2306 : f32 to vector<16xf32>
        %mul3A_2425 = arith.mulf %mul3A_2424, %get3A_2423 : vector<16xf32>
        %add3A_2426 = arith.addf %get3A_2418, %mul3A_2425 : vector<16xf32>
        %swap3A_2427 = arith.index_cast %add3A_2312 : i32 to index
        %swap3A_2428 = arith.constant 96 : index
        %swap3A_2429 = tpu.vector_load %arg17[%swap3A_2427, %swap3A_2428] {strides = array<i32>} : memref<408x128xf32, #tpu.memory_space<vmem>>, vector<1x16xf32>,
        %swap3A_2430 = vector.shape_cast %swap3A_2429 : vector<1x16xf32> to vector<16xf32>
        %swap3A_2431 = vector.shape_cast %add3A_2426 : vector<16xf32> to vector<1x16xf32>
        tpu.vector_store %arg17[%swap3A_2427, %swap3A_2428], %swap3A_2431 {strides = array<i32>} : memref<408x128xf32, #tpu.memory_space<vmem>>, vector<1x16xf32>,
        %get3A_2432 = arith.index_cast %add3A_2312 : i32 to index
        %get3A_2433 = arith.constant 112 : index
        %get3A_2434 = tpu.vector_load %arg17[%get3A_2432, %get3A_2433] {strides = array<i32>} : memref<408x128xf32, #tpu.memory_space<vmem>>, vector<1x16xf32>,
        %get3A_2435 = vector.shape_cast %get3A_2434 : vector<1x16xf32> to vector<16xf32>
        %get3A_2436 = arith.constant 15 : i32
        %get3A_2437 = arith.index_cast %get3A_2436 : i32 to index
        %get3A_2438 = arith.constant 112 : index
        %get3A_2439 = tpu.vector_load %arg15[%get3A_2437, %get3A_2438] {strides = array<i32>} : memref<26x128xf32, #tpu.memory_space<vmem>>, vector<1x16xf32>,
        %get3A_2440 = vector.shape_cast %get3A_2439 : vector<1x16xf32> to vector<16xf32>
        %mul3A_2441 = vector.broadcast %squeeze3A_2306 : f32 to vector<16xf32>
        %mul3A_2442 = arith.mulf %mul3A_2441, %get3A_2440 : vector<16xf32>
        %add3A_2443 = arith.addf %get3A_2435, %mul3A_2442 : vector<16xf32>
        %swap3A_2444 = arith.index_cast %add3A_2312 : i32 to index
        %swap3A_2445 = arith.constant 112 : index
        %swap3A_2446 = tpu.vector_load %arg17[%swap3A_2444, %swap3A_2445] {strides = array<i32>} : memref<408x128xf32, #tpu.memory_space<vmem>>, vector<1x16xf32>,
        %swap3A_2447 = vector.shape_cast %swap3A_2446 : vector<1x16xf32> to vector<16xf32>
        %swap3A_2448 = vector.shape_cast %add3A_2443 : vector<16xf32> to vector<1x16xf32>
        tpu.vector_store %arg17[%swap3A_2444, %swap3A_2445], %swap3A_2448 {strides = array<i32>} : memref<408x128xf32, #tpu.memory_space<vmem>>, vector<1x16xf32>,
        %slice3A_2449 = vector.extract_strided_slice %get3A_147 {offsets = [0], sizes = [1], strides = [1]} : vector<16xf32> to vector<1xf32>
        %squeeze3A_2450 = vector.extract %slice3A_2449[0] : f32 from vector<1xf32>
        %mul3A_2451 = arith.constant 102 : i32
        %mul3A_2452 = arith.muli %rem3A_101, %mul3A_2451 : i32
        %add3A_2453 = arith.constant 26 : i32
        %add3A_2454 = arith.addi %mul3A_2452, %add3A_2453 : i32
        %add3A_2455 = arith.constant 16 : i32
        %add3A_2456 = arith.addi %add3A_2454, %add3A_2455 : i32
        %get3A_2457 = arith.index_cast %add3A_2456 : i32 to index
        %get3A_2458 = arith.constant 0 : index
        %get3A_2459 = tpu.vector_load %arg17[%get3A_2457, %get3A_2458] {strides = array<i32>} : memref<408x128xf32, #tpu.memory_space<vmem>>, vector<1x16xf32>,
        %get3A_2460 = vector.shape_cast %get3A_2459 : vector<1x16xf32> to vector<16xf32>
        %get3A_2461 = arith.constant 16 : i32
        %get3A_2462 = arith.index_cast %get3A_2461 : i32 to index
        %get3A_2463 = arith.constant 0 : index
        %get3A_2464 = tpu.vector_load %arg15[%get3A_2462, %get3A_2463] {strides = array<i32>} : memref<26x128xf32, #tpu.memory_space<vmem>>, vector<1x16xf32>,
        %get3A_2465 = vector.shape_cast %get3A_2464 : vector<1x16xf32> to vector<16xf32>
        %mul3A_2466 = vector.broadcast %squeeze3A_2450 : f32 to vector<16xf32>
        %mul3A_2467 = arith.mulf %mul3A_2466, %get3A_2465 : vector<16xf32>
        %add3A_2468 = arith.addf %get3A_2460, %mul3A_2467 : vector<16xf32>
        %swap3A_2469 = arith.index_cast %add3A_2456 : i32 to index
        %swap3A_2470 = arith.constant 0 : index
        %swap3A_2471 = tpu.vector_load %arg17[%swap3A_2469, %swap3A_2470] {strides = array<i32>} : memref<408x128xf32, #tpu.memory_space<vmem>>, vector<1x16xf32>,
        %swap3A_2472 = vector.shape_cast %swap3A_2471 : vector<1x16xf32> to vector<16xf32>
        %swap3A_2473 = vector.shape_cast %add3A_2468 : vector<16xf32> to vector<1x16xf32>
        tpu.vector_store %arg17[%swap3A_2469, %swap3A_2470], %swap3A_2473 {strides = array<i32>} : memref<408x128xf32, #tpu.memory_space<vmem>>, vector<1x16xf32>,
        %get3A_2474 = arith.index_cast %add3A_2456 : i32 to index
        %get3A_2475 = arith.constant 16 : index
        %get3A_2476 = tpu.vector_load %arg17[%get3A_2474, %get3A_2475] {strides = array<i32>} : memref<408x128xf32, #tpu.memory_space<vmem>>, vector<1x16xf32>,
        %get3A_2477 = vector.shape_cast %get3A_2476 : vector<1x16xf32> to vector<16xf32>
        %get3A_2478 = arith.constant 16 : i32
        %get3A_2479 = arith.index_cast %get3A_2478 : i32 to index
        %get3A_2480 = arith.constant 16 : index
        %get3A_2481 = tpu.vector_load %arg15[%get3A_2479, %get3A_2480] {strides = array<i32>} : memref<26x128xf32, #tpu.memory_space<vmem>>, vector<1x16xf32>,
        %get3A_2482 = vector.shape_cast %get3A_2481 : vector<1x16xf32> to vector<16xf32>
        %mul3A_2483 = vector.broadcast %squeeze3A_2450 : f32 to vector<16xf32>
        %mul3A_2484 = arith.mulf %mul3A_2483, %get3A_2482 : vector<16xf32>
        %add3A_2485 = arith.addf %get3A_2477, %mul3A_2484 : vector<16xf32>
        %swap3A_2486 = arith.index_cast %add3A_2456 : i32 to index
        %swap3A_2487 = arith.constant 16 : index
        %swap3A_2488 = tpu.vector_load %arg17[%swap3A_2486, %swap3A_2487] {strides = array<i32>} : memref<408x128xf32, #tpu.memory_space<vmem>>, vector<1x16xf32>,
        %swap3A_2489 = vector.shape_cast %swap3A_2488 : vector<1x16xf32> to vector<16xf32>
        %swap3A_2490 = vector.shape_cast %add3A_2485 : vector<16xf32> to vector<1x16xf32>
        tpu.vector_store %arg17[%swap3A_2486, %swap3A_2487], %swap3A_2490 {strides = array<i32>} : memref<408x128xf32, #tpu.memory_space<vmem>>, vector<1x16xf32>,
        %get3A_2491 = arith.index_cast %add3A_2456 : i32 to index
        %get3A_2492 = arith.constant 32 : index
        %get3A_2493 = tpu.vector_load %arg17[%get3A_2491, %get3A_2492] {strides = array<i32>} : memref<408x128xf32, #tpu.memory_space<vmem>>, vector<1x16xf32>,
        %get3A_2494 = vector.shape_cast %get3A_2493 : vector<1x16xf32> to vector<16xf32>
        %get3A_2495 = arith.constant 16 : i32
        %get3A_2496 = arith.index_cast %get3A_2495 : i32 to index
        %get3A_2497 = arith.constant 32 : index
        %get3A_2498 = tpu.vector_load %arg15[%get3A_2496, %get3A_2497] {strides = array<i32>} : memref<26x128xf32, #tpu.memory_space<vmem>>, vector<1x16xf32>,
        %get3A_2499 = vector.shape_cast %get3A_2498 : vector<1x16xf32> to vector<16xf32>
        %mul3A_2500 = vector.broadcast %squeeze3A_2450 : f32 to vector<16xf32>
        %mul3A_2501 = arith.mulf %mul3A_2500, %get3A_2499 : vector<16xf32>
        %add3A_2502 = arith.addf %get3A_2494, %mul3A_2501 : vector<16xf32>
        %swap3A_2503 = arith.index_cast %add3A_2456 : i32 to index
        %swap3A_2504 = arith.constant 32 : index
        %swap3A_2505 = tpu.vector_load %arg17[%swap3A_2503, %swap3A_2504] {strides = array<i32>} : memref<408x128xf32, #tpu.memory_space<vmem>>, vector<1x16xf32>,
        %swap3A_2506 = vector.shape_cast %swap3A_2505 : vector<1x16xf32> to vector<16xf32>
        %swap3A_2507 = vector.shape_cast %add3A_2502 : vector<16xf32> to vector<1x16xf32>
        tpu.vector_store %arg17[%swap3A_2503, %swap3A_2504], %swap3A_2507 {strides = array<i32>} : memref<408x128xf32, #tpu.memory_space<vmem>>, vector<1x16xf32>,
        %get3A_2508 = arith.index_cast %add3A_2456 : i32 to index
        %get3A_2509 = arith.constant 48 : index
        %get3A_2510 = tpu.vector_load %arg17[%get3A_2508, %get3A_2509] {strides = array<i32>} : memref<408x128xf32, #tpu.memory_space<vmem>>, vector<1x16xf32>,
        %get3A_2511 = vector.shape_cast %get3A_2510 : vector<1x16xf32> to vector<16xf32>
        %get3A_2512 = arith.constant 16 : i32
        %get3A_2513 = arith.index_cast %get3A_2512 : i32 to index
        %get3A_2514 = arith.constant 48 : index
        %get3A_2515 = tpu.vector_load %arg15[%get3A_2513, %get3A_2514] {strides = array<i32>} : memref<26x128xf32, #tpu.memory_space<vmem>>, vector<1x16xf32>,
        %get3A_2516 = vector.shape_cast %get3A_2515 : vector<1x16xf32> to vector<16xf32>
        %mul3A_2517 = vector.broadcast %squeeze3A_2450 : f32 to vector<16xf32>
        %mul3A_2518 = arith.mulf %mul3A_2517, %get3A_2516 : vector<16xf32>
        %add3A_2519 = arith.addf %get3A_2511, %mul3A_2518 : vector<16xf32>
        %swap3A_2520 = arith.index_cast %add3A_2456 : i32 to index
        %swap3A_2521 = arith.constant 48 : index
        %swap3A_2522 = tpu.vector_load %arg17[%swap3A_2520, %swap3A_2521] {strides = array<i32>} : memref<408x128xf32, #tpu.memory_space<vmem>>, vector<1x16xf32>,
        %swap3A_2523 = vector.shape_cast %swap3A_2522 : vector<1x16xf32> to vector<16xf32>
        %swap3A_2524 = vector.shape_cast %add3A_2519 : vector<16xf32> to vector<1x16xf32>
        tpu.vector_store %arg17[%swap3A_2520, %swap3A_2521], %swap3A_2524 {strides = array<i32>} : memref<408x128xf32, #tpu.memory_space<vmem>>, vector<1x16xf32>,
        %get3A_2525 = arith.index_cast %add3A_2456 : i32 to index
        %get3A_2526 = arith.constant 64 : index
        %get3A_2527 = tpu.vector_load %arg17[%get3A_2525, %get3A_2526] {strides = array<i32>} : memref<408x128xf32, #tpu.memory_space<vmem>>, vector<1x16xf32>,
        %get3A_2528 = vector.shape_cast %get3A_2527 : vector<1x16xf32> to vector<16xf32>
        %get3A_2529 = arith.constant 16 : i32
        %get3A_2530 = arith.index_cast %get3A_2529 : i32 to index
        %get3A_2531 = arith.constant 64 : index
        %get3A_2532 = tpu.vector_load %arg15[%get3A_2530, %get3A_2531] {strides = array<i32>} : memref<26x128xf32, #tpu.memory_space<vmem>>, vector<1x16xf32>,
        %get3A_2533 = vector.shape_cast %get3A_2532 : vector<1x16xf32> to vector<16xf32>
        %mul3A_2534 = vector.broadcast %squeeze3A_2450 : f32 to vector<16xf32>
        %mul3A_2535 = arith.mulf %mul3A_2534, %get3A_2533 : vector<16xf32>
        %add3A_2536 = arith.addf %get3A_2528, %mul3A_2535 : vector<16xf32>
        %swap3A_2537 = arith.index_cast %add3A_2456 : i32 to index
        %swap3A_2538 = arith.constant 64 : index
        %swap3A_2539 = tpu.vector_load %arg17[%swap3A_2537, %swap3A_2538] {strides = array<i32>} : memref<408x128xf32, #tpu.memory_space<vmem>>, vector<1x16xf32>,
        %swap3A_2540 = vector.shape_cast %swap3A_2539 : vector<1x16xf32> to vector<16xf32>
        %swap3A_2541 = vector.shape_cast %add3A_2536 : vector<16xf32> to vector<1x16xf32>
        tpu.vector_store %arg17[%swap3A_2537, %swap3A_2538], %swap3A_2541 {strides = array<i32>} : memref<408x128xf32, #tpu.memory_space<vmem>>, vector<1x16xf32>,
        %get3A_2542 = arith.index_cast %add3A_2456 : i32 to index
        %get3A_2543 = arith.constant 80 : index
        %get3A_2544 = tpu.vector_load %arg17[%get3A_2542, %get3A_2543] {strides = array<i32>} : memref<408x128xf32, #tpu.memory_space<vmem>>, vector<1x16xf32>,
        %get3A_2545 = vector.shape_cast %get3A_2544 : vector<1x16xf32> to vector<16xf32>
        %get3A_2546 = arith.constant 16 : i32
        %get3A_2547 = arith.index_cast %get3A_2546 : i32 to index
        %get3A_2548 = arith.constant 80 : index
        %get3A_2549 = tpu.vector_load %arg15[%get3A_2547, %get3A_2548] {strides = array<i32>} : memref<26x128xf32, #tpu.memory_space<vmem>>, vector<1x16xf32>,
        %get3A_2550 = vector.shape_cast %get3A_2549 : vector<1x16xf32> to vector<16xf32>
        %mul3A_2551 = vector.broadcast %squeeze3A_2450 : f32 to vector<16xf32>
        %mul3A_2552 = arith.mulf %mul3A_2551, %get3A_2550 : vector<16xf32>
        %add3A_2553 = arith.addf %get3A_2545, %mul3A_2552 : vector<16xf32>
        %swap3A_2554 = arith.index_cast %add3A_2456 : i32 to index
        %swap3A_2555 = arith.constant 80 : index
        %swap3A_2556 = tpu.vector_load %arg17[%swap3A_2554, %swap3A_2555] {strides = array<i32>} : memref<408x128xf32, #tpu.memory_space<vmem>>, vector<1x16xf32>,
        %swap3A_2557 = vector.shape_cast %swap3A_2556 : vector<1x16xf32> to vector<16xf32>
        %swap3A_2558 = vector.shape_cast %add3A_2553 : vector<16xf32> to vector<1x16xf32>
        tpu.vector_store %arg17[%swap3A_2554, %swap3A_2555], %swap3A_2558 {strides = array<i32>} : memref<408x128xf32, #tpu.memory_space<vmem>>, vector<1x16xf32>,
        %get3A_2559 = arith.index_cast %add3A_2456 : i32 to index
        %get3A_2560 = arith.constant 96 : index
        %get3A_2561 = tpu.vector_load %arg17[%get3A_2559, %get3A_2560] {strides = array<i32>} : memref<408x128xf32, #tpu.memory_space<vmem>>, vector<1x16xf32>,
        %get3A_2562 = vector.shape_cast %get3A_2561 : vector<1x16xf32> to vector<16xf32>
        %get3A_2563 = arith.constant 16 : i32
        %get3A_2564 = arith.index_cast %get3A_2563 : i32 to index
        %get3A_2565 = arith.constant 96 : index
        %get3A_2566 = tpu.vector_load %arg15[%get3A_2564, %get3A_2565] {strides = array<i32>} : memref<26x128xf32, #tpu.memory_space<vmem>>, vector<1x16xf32>,
        %get3A_2567 = vector.shape_cast %get3A_2566 : vector<1x16xf32> to vector<16xf32>
        %mul3A_2568 = vector.broadcast %squeeze3A_2450 : f32 to vector<16xf32>
        %mul3A_2569 = arith.mulf %mul3A_2568, %get3A_2567 : vector<16xf32>
        %add3A_2570 = arith.addf %get3A_2562, %mul3A_2569 : vector<16xf32>
        %swap3A_2571 = arith.index_cast %add3A_2456 : i32 to index
        %swap3A_2572 = arith.constant 96 : index
        %swap3A_2573 = tpu.vector_load %arg17[%swap3A_2571, %swap3A_2572] {strides = array<i32>} : memref<408x128xf32, #tpu.memory_space<vmem>>, vector<1x16xf32>,
        %swap3A_2574 = vector.shape_cast %swap3A_2573 : vector<1x16xf32> to vector<16xf32>
        %swap3A_2575 = vector.shape_cast %add3A_2570 : vector<16xf32> to vector<1x16xf32>
        tpu.vector_store %arg17[%swap3A_2571, %swap3A_2572], %swap3A_2575 {strides = array<i32>} : memref<408x128xf32, #tpu.memory_space<vmem>>, vector<1x16xf32>,
        %get3A_2576 = arith.index_cast %add3A_2456 : i32 to index
        %get3A_2577 = arith.constant 112 : index
        %get3A_2578 = tpu.vector_load %arg17[%get3A_2576, %get3A_2577] {strides = array<i32>} : memref<408x128xf32, #tpu.memory_space<vmem>>, vector<1x16xf32>,
        %get3A_2579 = vector.shape_cast %get3A_2578 : vector<1x16xf32> to vector<16xf32>
        %get3A_2580 = arith.constant 16 : i32
        %get3A_2581 = arith.index_cast %get3A_2580 : i32 to index
        %get3A_2582 = arith.constant 112 : index
        %get3A_2583 = tpu.vector_load %arg15[%get3A_2581, %get3A_2582] {strides = array<i32>} : memref<26x128xf32, #tpu.memory_space<vmem>>, vector<1x16xf32>,
        %get3A_2584 = vector.shape_cast %get3A_2583 : vector<1x16xf32> to vector<16xf32>
        %mul3A_2585 = vector.broadcast %squeeze3A_2450 : f32 to vector<16xf32>
        %mul3A_2586 = arith.mulf %mul3A_2585, %get3A_2584 : vector<16xf32>
        %add3A_2587 = arith.addf %get3A_2579, %mul3A_2586 : vector<16xf32>
        %swap3A_2588 = arith.index_cast %add3A_2456 : i32 to index
        %swap3A_2589 = arith.constant 112 : index
        %swap3A_2590 = tpu.vector_load %arg17[%swap3A_2588, %swap3A_2589] {strides = array<i32>} : memref<408x128xf32, #tpu.memory_space<vmem>>, vector<1x16xf32>,
        %swap3A_2591 = vector.shape_cast %swap3A_2590 : vector<1x16xf32> to vector<16xf32>
        %swap3A_2592 = vector.shape_cast %add3A_2587 : vector<16xf32> to vector<1x16xf32>
        tpu.vector_store %arg17[%swap3A_2588, %swap3A_2589], %swap3A_2592 {strides = array<i32>} : memref<408x128xf32, #tpu.memory_space<vmem>>, vector<1x16xf32>,
        %slice3A_2593 = vector.extract_strided_slice %get3A_147 {offsets = [1], sizes = [1], strides = [1]} : vector<16xf32> to vector<1xf32>
        %squeeze3A_2594 = vector.extract %slice3A_2593[0] : f32 from vector<1xf32>
        %mul3A_2595 = arith.constant 102 : i32
        %mul3A_2596 = arith.muli %rem3A_101, %mul3A_2595 : i32
        %add3A_2597 = arith.constant 26 : i32
        %add3A_2598 = arith.addi %mul3A_2596, %add3A_2597 : i32
        %add3A_2599 = arith.constant 17 : i32
        %add3A_2600 = arith.addi %add3A_2598, %add3A_2599 : i32
        %get3A_2601 = arith.index_cast %add3A_2600 : i32 to index
        %get3A_2602 = arith.constant 0 : index
        %get3A_2603 = tpu.vector_load %arg17[%get3A_2601, %get3A_2602] {strides = array<i32>} : memref<408x128xf32, #tpu.memory_space<vmem>>, vector<1x16xf32>,
        %get3A_2604 = vector.shape_cast %get3A_2603 : vector<1x16xf32> to vector<16xf32>
        %get3A_2605 = arith.constant 17 : i32
        %get3A_2606 = arith.index_cast %get3A_2605 : i32 to index
        %get3A_2607 = arith.constant 0 : index
        %get3A_2608 = tpu.vector_load %arg15[%get3A_2606, %get3A_2607] {strides = array<i32>} : memref<26x128xf32, #tpu.memory_space<vmem>>, vector<1x16xf32>,
        %get3A_2609 = vector.shape_cast %get3A_2608 : vector<1x16xf32> to vector<16xf32>
        %mul3A_2610 = vector.broadcast %squeeze3A_2594 : f32 to vector<16xf32>
        %mul3A_2611 = arith.mulf %mul3A_2610, %get3A_2609 : vector<16xf32>
        %add3A_2612 = arith.addf %get3A_2604, %mul3A_2611 : vector<16xf32>
        %swap3A_2613 = arith.index_cast %add3A_2600 : i32 to index
        %swap3A_2614 = arith.constant 0 : index
        %swap3A_2615 = tpu.vector_load %arg17[%swap3A_2613, %swap3A_2614] {strides = array<i32>} : memref<408x128xf32, #tpu.memory_space<vmem>>, vector<1x16xf32>,
        %swap3A_2616 = vector.shape_cast %swap3A_2615 : vector<1x16xf32> to vector<16xf32>
        %swap3A_2617 = vector.shape_cast %add3A_2612 : vector<16xf32> to vector<1x16xf32>
        tpu.vector_store %arg17[%swap3A_2613, %swap3A_2614], %swap3A_2617 {strides = array<i32>} : memref<408x128xf32, #tpu.memory_space<vmem>>, vector<1x16xf32>,
        %get3A_2618 = arith.index_cast %add3A_2600 : i32 to index
        %get3A_2619 = arith.constant 16 : index
        %get3A_2620 = tpu.vector_load %arg17[%get3A_2618, %get3A_2619] {strides = array<i32>} : memref<408x128xf32, #tpu.memory_space<vmem>>, vector<1x16xf32>,
        %get3A_2621 = vector.shape_cast %get3A_2620 : vector<1x16xf32> to vector<16xf32>
        %get3A_2622 = arith.constant 17 : i32
        %get3A_2623 = arith.index_cast %get3A_2622 : i32 to index
        %get3A_2624 = arith.constant 16 : index
        %get3A_2625 = tpu.vector_load %arg15[%get3A_2623, %get3A_2624] {strides = array<i32>} : memref<26x128xf32, #tpu.memory_space<vmem>>, vector<1x16xf32>,
        %get3A_2626 = vector.shape_cast %get3A_2625 : vector<1x16xf32> to vector<16xf32>
        %mul3A_2627 = vector.broadcast %squeeze3A_2594 : f32 to vector<16xf32>
        %mul3A_2628 = arith.mulf %mul3A_2627, %get3A_2626 : vector<16xf32>
        %add3A_2629 = arith.addf %get3A_2621, %mul3A_2628 : vector<16xf32>
        %swap3A_2630 = arith.index_cast %add3A_2600 : i32 to index
        %swap3A_2631 = arith.constant 16 : index
        %swap3A_2632 = tpu.vector_load %arg17[%swap3A_2630, %swap3A_2631] {strides = array<i32>} : memref<408x128xf32, #tpu.memory_space<vmem>>, vector<1x16xf32>,
        %swap3A_2633 = vector.shape_cast %swap3A_2632 : vector<1x16xf32> to vector<16xf32>
        %swap3A_2634 = vector.shape_cast %add3A_2629 : vector<16xf32> to vector<1x16xf32>
        tpu.vector_store %arg17[%swap3A_2630, %swap3A_2631], %swap3A_2634 {strides = array<i32>} : memref<408x128xf32, #tpu.memory_space<vmem>>, vector<1x16xf32>,
        %get3A_2635 = arith.index_cast %add3A_2600 : i32 to index
        %get3A_2636 = arith.constant 32 : index
        %get3A_2637 = tpu.vector_load %arg17[%get3A_2635, %get3A_2636] {strides = array<i32>} : memref<408x128xf32, #tpu.memory_space<vmem>>, vector<1x16xf32>,
        %get3A_2638 = vector.shape_cast %get3A_2637 : vector<1x16xf32> to vector<16xf32>
        %get3A_2639 = arith.constant 17 : i32
        %get3A_2640 = arith.index_cast %get3A_2639 : i32 to index
        %get3A_2641 = arith.constant 32 : index
        %get3A_2642 = tpu.vector_load %arg15[%get3A_2640, %get3A_2641] {strides = array<i32>} : memref<26x128xf32, #tpu.memory_space<vmem>>, vector<1x16xf32>,
        %get3A_2643 = vector.shape_cast %get3A_2642 : vector<1x16xf32> to vector<16xf32>
        %mul3A_2644 = vector.broadcast %squeeze3A_2594 : f32 to vector<16xf32>
        %mul3A_2645 = arith.mulf %mul3A_2644, %get3A_2643 : vector<16xf32>
        %add3A_2646 = arith.addf %get3A_2638, %mul3A_2645 : vector<16xf32>
        %swap3A_2647 = arith.index_cast %add3A_2600 : i32 to index
        %swap3A_2648 = arith.constant 32 : index
        %swap3A_2649 = tpu.vector_load %arg17[%swap3A_2647, %swap3A_2648] {strides = array<i32>} : memref<408x128xf32, #tpu.memory_space<vmem>>, vector<1x16xf32>,
        %swap3A_2650 = vector.shape_cast %swap3A_2649 : vector<1x16xf32> to vector<16xf32>
        %swap3A_2651 = vector.shape_cast %add3A_2646 : vector<16xf32> to vector<1x16xf32>
        tpu.vector_store %arg17[%swap3A_2647, %swap3A_2648], %swap3A_2651 {strides = array<i32>} : memref<408x128xf32, #tpu.memory_space<vmem>>, vector<1x16xf32>,
        %get3A_2652 = arith.index_cast %add3A_2600 : i32 to index
        %get3A_2653 = arith.constant 48 : index
        %get3A_2654 = tpu.vector_load %arg17[%get3A_2652, %get3A_2653] {strides = array<i32>} : memref<408x128xf32, #tpu.memory_space<vmem>>, vector<1x16xf32>,
        %get3A_2655 = vector.shape_cast %get3A_2654 : vector<1x16xf32> to vector<16xf32>
        %get3A_2656 = arith.constant 17 : i32
        %get3A_2657 = arith.index_cast %get3A_2656 : i32 to index
        %get3A_2658 = arith.constant 48 : index
        %get3A_2659 = tpu.vector_load %arg15[%get3A_2657, %get3A_2658] {strides = array<i32>} : memref<26x128xf32, #tpu.memory_space<vmem>>, vector<1x16xf32>,
        %get3A_2660 = vector.shape_cast %get3A_2659 : vector<1x16xf32> to vector<16xf32>
        %mul3A_2661 = vector.broadcast %squeeze3A_2594 : f32 to vector<16xf32>
        %mul3A_2662 = arith.mulf %mul3A_2661, %get3A_2660 : vector<16xf32>
        %add3A_2663 = arith.addf %get3A_2655, %mul3A_2662 : vector<16xf32>
        %swap3A_2664 = arith.index_cast %add3A_2600 : i32 to index
        %swap3A_2665 = arith.constant 48 : index
        %swap3A_2666 = tpu.vector_load %arg17[%swap3A_2664, %swap3A_2665] {strides = array<i32>} : memref<408x128xf32, #tpu.memory_space<vmem>>, vector<1x16xf32>,
        %swap3A_2667 = vector.shape_cast %swap3A_2666 : vector<1x16xf32> to vector<16xf32>
        %swap3A_2668 = vector.shape_cast %add3A_2663 : vector<16xf32> to vector<1x16xf32>
        tpu.vector_store %arg17[%swap3A_2664, %swap3A_2665], %swap3A_2668 {strides = array<i32>} : memref<408x128xf32, #tpu.memory_space<vmem>>, vector<1x16xf32>,
        %get3A_2669 = arith.index_cast %add3A_2600 : i32 to index
        %get3A_2670 = arith.constant 64 : index
        %get3A_2671 = tpu.vector_load %arg17[%get3A_2669, %get3A_2670] {strides = array<i32>} : memref<408x128xf32, #tpu.memory_space<vmem>>, vector<1x16xf32>,
        %get3A_2672 = vector.shape_cast %get3A_2671 : vector<1x16xf32> to vector<16xf32>
        %get3A_2673 = arith.constant 17 : i32
        %get3A_2674 = arith.index_cast %get3A_2673 : i32 to index
        %get3A_2675 = arith.constant 64 : index
        %get3A_2676 = tpu.vector_load %arg15[%get3A_2674, %get3A_2675] {strides = array<i32>} : memref<26x128xf32, #tpu.memory_space<vmem>>, vector<1x16xf32>,
        %get3A_2677 = vector.shape_cast %get3A_2676 : vector<1x16xf32> to vector<16xf32>
        %mul3A_2678 = vector.broadcast %squeeze3A_2594 : f32 to vector<16xf32>
        %mul3A_2679 = arith.mulf %mul3A_2678, %get3A_2677 : vector<16xf32>
        %add3A_2680 = arith.addf %get3A_2672, %mul3A_2679 : vector<16xf32>
        %swap3A_2681 = arith.index_cast %add3A_2600 : i32 to index
        %swap3A_2682 = arith.constant 64 : index
        %swap3A_2683 = tpu.vector_load %arg17[%swap3A_2681, %swap3A_2682] {strides = array<i32>} : memref<408x128xf32, #tpu.memory_space<vmem>>, vector<1x16xf32>,
        %swap3A_2684 = vector.shape_cast %swap3A_2683 : vector<1x16xf32> to vector<16xf32>
        %swap3A_2685 = vector.shape_cast %add3A_2680 : vector<16xf32> to vector<1x16xf32>
        tpu.vector_store %arg17[%swap3A_2681, %swap3A_2682], %swap3A_2685 {strides = array<i32>} : memref<408x128xf32, #tpu.memory_space<vmem>>, vector<1x16xf32>,
        %get3A_2686 = arith.index_cast %add3A_2600 : i32 to index
        %get3A_2687 = arith.constant 80 : index
        %get3A_2688 = tpu.vector_load %arg17[%get3A_2686, %get3A_2687] {strides = array<i32>} : memref<408x128xf32, #tpu.memory_space<vmem>>, vector<1x16xf32>,
        %get3A_2689 = vector.shape_cast %get3A_2688 : vector<1x16xf32> to vector<16xf32>
        %get3A_2690 = arith.constant 17 : i32
        %get3A_2691 = arith.index_cast %get3A_2690 : i32 to index
        %get3A_2692 = arith.constant 80 : index
        %get3A_2693 = tpu.vector_load %arg15[%get3A_2691, %get3A_2692] {strides = array<i32>} : memref<26x128xf32, #tpu.memory_space<vmem>>, vector<1x16xf32>,
        %get3A_2694 = vector.shape_cast %get3A_2693 : vector<1x16xf32> to vector<16xf32>
        %mul3A_2695 = vector.broadcast %squeeze3A_2594 : f32 to vector<16xf32>
        %mul3A_2696 = arith.mulf %mul3A_2695, %get3A_2694 : vector<16xf32>
        %add3A_2697 = arith.addf %get3A_2689, %mul3A_2696 : vector<16xf32>
        %swap3A_2698 = arith.index_cast %add3A_2600 : i32 to index
        %swap3A_2699 = arith.constant 80 : index
        %swap3A_2700 = tpu.vector_load %arg17[%swap3A_2698, %swap3A_2699] {strides = array<i32>} : memref<408x128xf32, #tpu.memory_space<vmem>>, vector<1x16xf32>,
        %swap3A_2701 = vector.shape_cast %swap3A_2700 : vector<1x16xf32> to vector<16xf32>
        %swap3A_2702 = vector.shape_cast %add3A_2697 : vector<16xf32> to vector<1x16xf32>
        tpu.vector_store %arg17[%swap3A_2698, %swap3A_2699], %swap3A_2702 {strides = array<i32>} : memref<408x128xf32, #tpu.memory_space<vmem>>, vector<1x16xf32>,
        %get3A_2703 = arith.index_cast %add3A_2600 : i32 to index
        %get3A_2704 = arith.constant 96 : index
        %get3A_2705 = tpu.vector_load %arg17[%get3A_2703, %get3A_2704] {strides = array<i32>} : memref<408x128xf32, #tpu.memory_space<vmem>>, vector<1x16xf32>,
        %get3A_2706 = vector.shape_cast %get3A_2705 : vector<1x16xf32> to vector<16xf32>
        %get3A_2707 = arith.constant 17 : i32
        %get3A_2708 = arith.index_cast %get3A_2707 : i32 to index
        %get3A_2709 = arith.constant 96 : index
        %get3A_2710 = tpu.vector_load %arg15[%get3A_2708, %get3A_2709] {strides = array<i32>} : memref<26x128xf32, #tpu.memory_space<vmem>>, vector<1x16xf32>,
        %get3A_2711 = vector.shape_cast %get3A_2710 : vector<1x16xf32> to vector<16xf32>
        %mul3A_2712 = vector.broadcast %squeeze3A_2594 : f32 to vector<16xf32>
        %mul3A_2713 = arith.mulf %mul3A_2712, %get3A_2711 : vector<16xf32>
        %add3A_2714 = arith.addf %get3A_2706, %mul3A_2713 : vector<16xf32>
        %swap3A_2715 = arith.index_cast %add3A_2600 : i32 to index
        %swap3A_2716 = arith.constant 96 : index
        %swap3A_2717 = tpu.vector_load %arg17[%swap3A_2715, %swap3A_2716] {strides = array<i32>} : memref<408x128xf32, #tpu.memory_space<vmem>>, vector<1x16xf32>,
        %swap3A_2718 = vector.shape_cast %swap3A_2717 : vector<1x16xf32> to vector<16xf32>
        %swap3A_2719 = vector.shape_cast %add3A_2714 : vector<16xf32> to vector<1x16xf32>
        tpu.vector_store %arg17[%swap3A_2715, %swap3A_2716], %swap3A_2719 {strides = array<i32>} : memref<408x128xf32, #tpu.memory_space<vmem>>, vector<1x16xf32>,
        %get3A_2720 = arith.index_cast %add3A_2600 : i32 to index
        %get3A_2721 = arith.constant 112 : index
        %get3A_2722 = tpu.vector_load %arg17[%get3A_2720, %get3A_2721] {strides = array<i32>} : memref<408x128xf32, #tpu.memory_space<vmem>>, vector<1x16xf32>,
        %get3A_2723 = vector.shape_cast %get3A_2722 : vector<1x16xf32> to vector<16xf32>
        %get3A_2724 = arith.constant 17 : i32
        %get3A_2725 = arith.index_cast %get3A_2724 : i32 to index
        %get3A_2726 = arith.constant 112 : index
        %get3A_2727 = tpu.vector_load %arg15[%get3A_2725, %get3A_2726] {strides = array<i32>} : memref<26x128xf32, #tpu.memory_space<vmem>>, vector<1x16xf32>,
        %get3A_2728 = vector.shape_cast %get3A_2727 : vector<1x16xf32> to vector<16xf32>
        %mul3A_2729 = vector.broadcast %squeeze3A_2594 : f32 to vector<16xf32>
        %mul3A_2730 = arith.mulf %mul3A_2729, %get3A_2728 : vector<16xf32>
        %add3A_2731 = arith.addf %get3A_2723, %mul3A_2730 : vector<16xf32>
        %swap3A_2732 = arith.index_cast %add3A_2600 : i32 to index
        %swap3A_2733 = arith.constant 112 : index
        %swap3A_2734 = tpu.vector_load %arg17[%swap3A_2732, %swap3A_2733] {strides = array<i32>} : memref<408x128xf32, #tpu.memory_space<vmem>>, vector<1x16xf32>,
        %swap3A_2735 = vector.shape_cast %swap3A_2734 : vector<1x16xf32> to vector<16xf32>
        %swap3A_2736 = vector.shape_cast %add3A_2731 : vector<16xf32> to vector<1x16xf32>
        tpu.vector_store %arg17[%swap3A_2732, %swap3A_2733], %swap3A_2736 {strides = array<i32>} : memref<408x128xf32, #tpu.memory_space<vmem>>, vector<1x16xf32>,
        %slice3A_2737 = vector.extract_strided_slice %get3A_147 {offsets = [2], sizes = [1], strides = [1]} : vector<16xf32> to vector<1xf32>
        %squeeze3A_2738 = vector.extract %slice3A_2737[0] : f32 from vector<1xf32>
        %mul3A_2739 = arith.constant 102 : i32
        %mul3A_2740 = arith.muli %rem3A_101, %mul3A_2739 : i32
        %add3A_2741 = arith.constant 26 : i32
        %add3A_2742 = arith.addi %mul3A_2740, %add3A_2741 : i32
        %add3A_2743 = arith.constant 18 : i32
        %add3A_2744 = arith.addi %add3A_2742, %add3A_2743 : i32
        %get3A_2745 = arith.index_cast %add3A_2744 : i32 to index
        %get3A_2746 = arith.constant 0 : index
        %get3A_2747 = tpu.vector_load %arg17[%get3A_2745, %get3A_2746] {strides = array<i32>} : memref<408x128xf32, #tpu.memory_space<vmem>>, vector<1x16xf32>,
        %get3A_2748 = vector.shape_cast %get3A_2747 : vector<1x16xf32> to vector<16xf32>
        %get3A_2749 = arith.constant 18 : i32
        %get3A_2750 = arith.index_cast %get3A_2749 : i32 to index
        %get3A_2751 = arith.constant 0 : index
        %get3A_2752 = tpu.vector_load %arg15[%get3A_2750, %get3A_2751] {strides = array<i32>} : memref<26x128xf32, #tpu.memory_space<vmem>>, vector<1x16xf32>,
        %get3A_2753 = vector.shape_cast %get3A_2752 : vector<1x16xf32> to vector<16xf32>
        %mul3A_2754 = vector.broadcast %squeeze3A_2738 : f32 to vector<16xf32>
        %mul3A_2755 = arith.mulf %mul3A_2754, %get3A_2753 : vector<16xf32>
        %add3A_2756 = arith.addf %get3A_2748, %mul3A_2755 : vector<16xf32>
        %swap3A_2757 = arith.index_cast %add3A_2744 : i32 to index
        %swap3A_2758 = arith.constant 0 : index
        %swap3A_2759 = tpu.vector_load %arg17[%swap3A_2757, %swap3A_2758] {strides = array<i32>} : memref<408x128xf32, #tpu.memory_space<vmem>>, vector<1x16xf32>,
        %swap3A_2760 = vector.shape_cast %swap3A_2759 : vector<1x16xf32> to vector<16xf32>
        %swap3A_2761 = vector.shape_cast %add3A_2756 : vector<16xf32> to vector<1x16xf32>
        tpu.vector_store %arg17[%swap3A_2757, %swap3A_2758], %swap3A_2761 {strides = array<i32>} : memref<408x128xf32, #tpu.memory_space<vmem>>, vector<1x16xf32>,
        %get3A_2762 = arith.index_cast %add3A_2744 : i32 to index
        %get3A_2763 = arith.constant 16 : index
        %get3A_2764 = tpu.vector_load %arg17[%get3A_2762, %get3A_2763] {strides = array<i32>} : memref<408x128xf32, #tpu.memory_space<vmem>>, vector<1x16xf32>,
        %get3A_2765 = vector.shape_cast %get3A_2764 : vector<1x16xf32> to vector<16xf32>
        %get3A_2766 = arith.constant 18 : i32
        %get3A_2767 = arith.index_cast %get3A_2766 : i32 to index
        %get3A_2768 = arith.constant 16 : index
        %get3A_2769 = tpu.vector_load %arg15[%get3A_2767, %get3A_2768] {strides = array<i32>} : memref<26x128xf32, #tpu.memory_space<vmem>>, vector<1x16xf32>,
        %get3A_2770 = vector.shape_cast %get3A_2769 : vector<1x16xf32> to vector<16xf32>
        %mul3A_2771 = vector.broadcast %squeeze3A_2738 : f32 to vector<16xf32>
        %mul3A_2772 = arith.mulf %mul3A_2771, %get3A_2770 : vector<16xf32>
        %add3A_2773 = arith.addf %get3A_2765, %mul3A_2772 : vector<16xf32>
        %swap3A_2774 = arith.index_cast %add3A_2744 : i32 to index
        %swap3A_2775 = arith.constant 16 : index
        %swap3A_2776 = tpu.vector_load %arg17[%swap3A_2774, %swap3A_2775] {strides = array<i32>} : memref<408x128xf32, #tpu.memory_space<vmem>>, vector<1x16xf32>,
        %swap3A_2777 = vector.shape_cast %swap3A_2776 : vector<1x16xf32> to vector<16xf32>
        %swap3A_2778 = vector.shape_cast %add3A_2773 : vector<16xf32> to vector<1x16xf32>
        tpu.vector_store %arg17[%swap3A_2774, %swap3A_2775], %swap3A_2778 {strides = array<i32>} : memref<408x128xf32, #tpu.memory_space<vmem>>, vector<1x16xf32>,
        %get3A_2779 = arith.index_cast %add3A_2744 : i32 to index
        %get3A_2780 = arith.constant 32 : index
        %get3A_2781 = tpu.vector_load %arg17[%get3A_2779, %get3A_2780] {strides = array<i32>} : memref<408x128xf32, #tpu.memory_space<vmem>>, vector<1x16xf32>,
        %get3A_2782 = vector.shape_cast %get3A_2781 : vector<1x16xf32> to vector<16xf32>
        %get3A_2783 = arith.constant 18 : i32
        %get3A_2784 = arith.index_cast %get3A_2783 : i32 to index
        %get3A_2785 = arith.constant 32 : index
        %get3A_2786 = tpu.vector_load %arg15[%get3A_2784, %get3A_2785] {strides = array<i32>} : memref<26x128xf32, #tpu.memory_space<vmem>>, vector<1x16xf32>,
        %get3A_2787 = vector.shape_cast %get3A_2786 : vector<1x16xf32> to vector<16xf32>
        %mul3A_2788 = vector.broadcast %squeeze3A_2738 : f32 to vector<16xf32>
        %mul3A_2789 = arith.mulf %mul3A_2788, %get3A_2787 : vector<16xf32>
        %add3A_2790 = arith.addf %get3A_2782, %mul3A_2789 : vector<16xf32>
        %swap3A_2791 = arith.index_cast %add3A_2744 : i32 to index
        %swap3A_2792 = arith.constant 32 : index
        %swap3A_2793 = tpu.vector_load %arg17[%swap3A_2791, %swap3A_2792] {strides = array<i32>} : memref<408x128xf32, #tpu.memory_space<vmem>>, vector<1x16xf32>,
        %swap3A_2794 = vector.shape_cast %swap3A_2793 : vector<1x16xf32> to vector<16xf32>
        %swap3A_2795 = vector.shape_cast %add3A_2790 : vector<16xf32> to vector<1x16xf32>
        tpu.vector_store %arg17[%swap3A_2791, %swap3A_2792], %swap3A_2795 {strides = array<i32>} : memref<408x128xf32, #tpu.memory_space<vmem>>, vector<1x16xf32>,
        %get3A_2796 = arith.index_cast %add3A_2744 : i32 to index
        %get3A_2797 = arith.constant 48 : index
        %get3A_2798 = tpu.vector_load %arg17[%get3A_2796, %get3A_2797] {strides = array<i32>} : memref<408x128xf32, #tpu.memory_space<vmem>>, vector<1x16xf32>,
        %get3A_2799 = vector.shape_cast %get3A_2798 : vector<1x16xf32> to vector<16xf32>
        %get3A_2800 = arith.constant 18 : i32
        %get3A_2801 = arith.index_cast %get3A_2800 : i32 to index
        %get3A_2802 = arith.constant 48 : index
        %get3A_2803 = tpu.vector_load %arg15[%get3A_2801, %get3A_2802] {strides = array<i32>} : memref<26x128xf32, #tpu.memory_space<vmem>>, vector<1x16xf32>,
        %get3A_2804 = vector.shape_cast %get3A_2803 : vector<1x16xf32> to vector<16xf32>
        %mul3A_2805 = vector.broadcast %squeeze3A_2738 : f32 to vector<16xf32>
        %mul3A_2806 = arith.mulf %mul3A_2805, %get3A_2804 : vector<16xf32>
        %add3A_2807 = arith.addf %get3A_2799, %mul3A_2806 : vector<16xf32>
        %swap3A_2808 = arith.index_cast %add3A_2744 : i32 to index
        %swap3A_2809 = arith.constant 48 : index
        %swap3A_2810 = tpu.vector_load %arg17[%swap3A_2808, %swap3A_2809] {strides = array<i32>} : memref<408x128xf32, #tpu.memory_space<vmem>>, vector<1x16xf32>,
        %swap3A_2811 = vector.shape_cast %swap3A_2810 : vector<1x16xf32> to vector<16xf32>
        %swap3A_2812 = vector.shape_cast %add3A_2807 : vector<16xf32> to vector<1x16xf32>
        tpu.vector_store %arg17[%swap3A_2808, %swap3A_2809], %swap3A_2812 {strides = array<i32>} : memref<408x128xf32, #tpu.memory_space<vmem>>, vector<1x16xf32>,
        %get3A_2813 = arith.index_cast %add3A_2744 : i32 to index
        %get3A_2814 = arith.constant 64 : index
        %get3A_2815 = tpu.vector_load %arg17[%get3A_2813, %get3A_2814] {strides = array<i32>} : memref<408x128xf32, #tpu.memory_space<vmem>>, vector<1x16xf32>,
        %get3A_2816 = vector.shape_cast %get3A_2815 : vector<1x16xf32> to vector<16xf32>
        %get3A_2817 = arith.constant 18 : i32
        %get3A_2818 = arith.index_cast %get3A_2817 : i32 to index
        %get3A_2819 = arith.constant 64 : index
        %get3A_2820 = tpu.vector_load %arg15[%get3A_2818, %get3A_2819] {strides = array<i32>} : memref<26x128xf32, #tpu.memory_space<vmem>>, vector<1x16xf32>,
        %get3A_2821 = vector.shape_cast %get3A_2820 : vector<1x16xf32> to vector<16xf32>
        %mul3A_2822 = vector.broadcast %squeeze3A_2738 : f32 to vector<16xf32>
        %mul3A_2823 = arith.mulf %mul3A_2822, %get3A_2821 : vector<16xf32>
        %add3A_2824 = arith.addf %get3A_2816, %mul3A_2823 : vector<16xf32>
        %swap3A_2825 = arith.index_cast %add3A_2744 : i32 to index
        %swap3A_2826 = arith.constant 64 : index
        %swap3A_2827 = tpu.vector_load %arg17[%swap3A_2825, %swap3A_2826] {strides = array<i32>} : memref<408x128xf32, #tpu.memory_space<vmem>>, vector<1x16xf32>,
        %swap3A_2828 = vector.shape_cast %swap3A_2827 : vector<1x16xf32> to vector<16xf32>
        %swap3A_2829 = vector.shape_cast %add3A_2824 : vector<16xf32> to vector<1x16xf32>
        tpu.vector_store %arg17[%swap3A_2825, %swap3A_2826], %swap3A_2829 {strides = array<i32>} : memref<408x128xf32, #tpu.memory_space<vmem>>, vector<1x16xf32>,
        %get3A_2830 = arith.index_cast %add3A_2744 : i32 to index
        %get3A_2831 = arith.constant 80 : index
        %get3A_2832 = tpu.vector_load %arg17[%get3A_2830, %get3A_2831] {strides = array<i32>} : memref<408x128xf32, #tpu.memory_space<vmem>>, vector<1x16xf32>,
        %get3A_2833 = vector.shape_cast %get3A_2832 : vector<1x16xf32> to vector<16xf32>
        %get3A_2834 = arith.constant 18 : i32
        %get3A_2835 = arith.index_cast %get3A_2834 : i32 to index
        %get3A_2836 = arith.constant 80 : index
        %get3A_2837 = tpu.vector_load %arg15[%get3A_2835, %get3A_2836] {strides = array<i32>} : memref<26x128xf32, #tpu.memory_space<vmem>>, vector<1x16xf32>,
        %get3A_2838 = vector.shape_cast %get3A_2837 : vector<1x16xf32> to vector<16xf32>
        %mul3A_2839 = vector.broadcast %squeeze3A_2738 : f32 to vector<16xf32>
        %mul3A_2840 = arith.mulf %mul3A_2839, %get3A_2838 : vector<16xf32>
        %add3A_2841 = arith.addf %get3A_2833, %mul3A_2840 : vector<16xf32>
        %swap3A_2842 = arith.index_cast %add3A_2744 : i32 to index
        %swap3A_2843 = arith.constant 80 : index
        %swap3A_2844 = tpu.vector_load %arg17[%swap3A_2842, %swap3A_2843] {strides = array<i32>} : memref<408x128xf32, #tpu.memory_space<vmem>>, vector<1x16xf32>,
        %swap3A_2845 = vector.shape_cast %swap3A_2844 : vector<1x16xf32> to vector<16xf32>
        %swap3A_2846 = vector.shape_cast %add3A_2841 : vector<16xf32> to vector<1x16xf32>
        tpu.vector_store %arg17[%swap3A_2842, %swap3A_2843], %swap3A_2846 {strides = array<i32>} : memref<408x128xf32, #tpu.memory_space<vmem>>, vector<1x16xf32>,
        %get3A_2847 = arith.index_cast %add3A_2744 : i32 to index
        %get3A_2848 = arith.constant 96 : index
        %get3A_2849 = tpu.vector_load %arg17[%get3A_2847, %get3A_2848] {strides = array<i32>} : memref<408x128xf32, #tpu.memory_space<vmem>>, vector<1x16xf32>,
        %get3A_2850 = vector.shape_cast %get3A_2849 : vector<1x16xf32> to vector<16xf32>
        %get3A_2851 = arith.constant 18 : i32
        %get3A_2852 = arith.index_cast %get3A_2851 : i32 to index
        %get3A_2853 = arith.constant 96 : index
        %get3A_2854 = tpu.vector_load %arg15[%get3A_2852, %get3A_2853] {strides = array<i32>} : memref<26x128xf32, #tpu.memory_space<vmem>>, vector<1x16xf32>,
        %get3A_2855 = vector.shape_cast %get3A_2854 : vector<1x16xf32> to vector<16xf32>
        %mul3A_2856 = vector.broadcast %squeeze3A_2738 : f32 to vector<16xf32>
        %mul3A_2857 = arith.mulf %mul3A_2856, %get3A_2855 : vector<16xf32>
        %add3A_2858 = arith.addf %get3A_2850, %mul3A_2857 : vector<16xf32>
        %swap3A_2859 = arith.index_cast %add3A_2744 : i32 to index
        %swap3A_2860 = arith.constant 96 : index
        %swap3A_2861 = tpu.vector_load %arg17[%swap3A_2859, %swap3A_2860] {strides = array<i32>} : memref<408x128xf32, #tpu.memory_space<vmem>>, vector<1x16xf32>,
        %swap3A_2862 = vector.shape_cast %swap3A_2861 : vector<1x16xf32> to vector<16xf32>
        %swap3A_2863 = vector.shape_cast %add3A_2858 : vector<16xf32> to vector<1x16xf32>
        tpu.vector_store %arg17[%swap3A_2859, %swap3A_2860], %swap3A_2863 {strides = array<i32>} : memref<408x128xf32, #tpu.memory_space<vmem>>, vector<1x16xf32>,
        %get3A_2864 = arith.index_cast %add3A_2744 : i32 to index
        %get3A_2865 = arith.constant 112 : index
        %get3A_2866 = tpu.vector_load %arg17[%get3A_2864, %get3A_2865] {strides = array<i32>} : memref<408x128xf32, #tpu.memory_space<vmem>>, vector<1x16xf32>,
        %get3A_2867 = vector.shape_cast %get3A_2866 : vector<1x16xf32> to vector<16xf32>
        %get3A_2868 = arith.constant 18 : i32
        %get3A_2869 = arith.index_cast %get3A_2868 : i32 to index
        %get3A_2870 = arith.constant 112 : index
        %get3A_2871 = tpu.vector_load %arg15[%get3A_2869, %get3A_2870] {strides = array<i32>} : memref<26x128xf32, #tpu.memory_space<vmem>>, vector<1x16xf32>,
        %get3A_2872 = vector.shape_cast %get3A_2871 : vector<1x16xf32> to vector<16xf32>
        %mul3A_2873 = vector.broadcast %squeeze3A_2738 : f32 to vector<16xf32>
        %mul3A_2874 = arith.mulf %mul3A_2873, %get3A_2872 : vector<16xf32>
        %add3A_2875 = arith.addf %get3A_2867, %mul3A_2874 : vector<16xf32>
        %swap3A_2876 = arith.index_cast %add3A_2744 : i32 to index
        %swap3A_2877 = arith.constant 112 : index
        %swap3A_2878 = tpu.vector_load %arg17[%swap3A_2876, %swap3A_2877] {strides = array<i32>} : memref<408x128xf32, #tpu.memory_space<vmem>>, vector<1x16xf32>,
        %swap3A_2879 = vector.shape_cast %swap3A_2878 : vector<1x16xf32> to vector<16xf32>
        %swap3A_2880 = vector.shape_cast %add3A_2875 : vector<16xf32> to vector<1x16xf32>
        tpu.vector_store %arg17[%swap3A_2876, %swap3A_2877], %swap3A_2880 {strides = array<i32>} : memref<408x128xf32, #tpu.memory_space<vmem>>, vector<1x16xf32>,
        %slice3A_2881 = vector.extract_strided_slice %get3A_147 {offsets = [3], sizes = [1], strides = [1]} : vector<16xf32> to vector<1xf32>
        %squeeze3A_2882 = vector.extract %slice3A_2881[0] : f32 from vector<1xf32>
        %mul3A_2883 = arith.constant 102 : i32
        %mul3A_2884 = arith.muli %rem3A_101, %mul3A_2883 : i32
        %add3A_2885 = arith.constant 26 : i32
        %add3A_2886 = arith.addi %mul3A_2884, %add3A_2885 : i32
        %add3A_2887 = arith.constant 19 : i32
        %add3A_2888 = arith.addi %add3A_2886, %add3A_2887 : i32
        %get3A_2889 = arith.index_cast %add3A_2888 : i32 to index
        %get3A_2890 = arith.constant 0 : index
        %get3A_2891 = tpu.vector_load %arg17[%get3A_2889, %get3A_2890] {strides = array<i32>} : memref<408x128xf32, #tpu.memory_space<vmem>>, vector<1x16xf32>,
        %get3A_2892 = vector.shape_cast %get3A_2891 : vector<1x16xf32> to vector<16xf32>
        %get3A_2893 = arith.constant 19 : i32
        %get3A_2894 = arith.index_cast %get3A_2893 : i32 to index
        %get3A_2895 = arith.constant 0 : index
        %get3A_2896 = tpu.vector_load %arg15[%get3A_2894, %get3A_2895] {strides = array<i32>} : memref<26x128xf32, #tpu.memory_space<vmem>>, vector<1x16xf32>,
        %get3A_2897 = vector.shape_cast %get3A_2896 : vector<1x16xf32> to vector<16xf32>
        %mul3A_2898 = vector.broadcast %squeeze3A_2882 : f32 to vector<16xf32>
        %mul3A_2899 = arith.mulf %mul3A_2898, %get3A_2897 : vector<16xf32>
        %add3A_2900 = arith.addf %get3A_2892, %mul3A_2899 : vector<16xf32>
        %swap3A_2901 = arith.index_cast %add3A_2888 : i32 to index
        %swap3A_2902 = arith.constant 0 : index
        %swap3A_2903 = tpu.vector_load %arg17[%swap3A_2901, %swap3A_2902] {strides = array<i32>} : memref<408x128xf32, #tpu.memory_space<vmem>>, vector<1x16xf32>,
        %swap3A_2904 = vector.shape_cast %swap3A_2903 : vector<1x16xf32> to vector<16xf32>
        %swap3A_2905 = vector.shape_cast %add3A_2900 : vector<16xf32> to vector<1x16xf32>
        tpu.vector_store %arg17[%swap3A_2901, %swap3A_2902], %swap3A_2905 {strides = array<i32>} : memref<408x128xf32, #tpu.memory_space<vmem>>, vector<1x16xf32>,
        %get3A_2906 = arith.index_cast %add3A_2888 : i32 to index
        %get3A_2907 = arith.constant 16 : index
        %get3A_2908 = tpu.vector_load %arg17[%get3A_2906, %get3A_2907] {strides = array<i32>} : memref<408x128xf32, #tpu.memory_space<vmem>>, vector<1x16xf32>,
        %get3A_2909 = vector.shape_cast %get3A_2908 : vector<1x16xf32> to vector<16xf32>
        %get3A_2910 = arith.constant 19 : i32
        %get3A_2911 = arith.index_cast %get3A_2910 : i32 to index
        %get3A_2912 = arith.constant 16 : index
        %get3A_2913 = tpu.vector_load %arg15[%get3A_2911, %get3A_2912] {strides = array<i32>} : memref<26x128xf32, #tpu.memory_space<vmem>>, vector<1x16xf32>,
        %get3A_2914 = vector.shape_cast %get3A_2913 : vector<1x16xf32> to vector<16xf32>
        %mul3A_2915 = vector.broadcast %squeeze3A_2882 : f32 to vector<16xf32>
        %mul3A_2916 = arith.mulf %mul3A_2915, %get3A_2914 : vector<16xf32>
        %add3A_2917 = arith.addf %get3A_2909, %mul3A_2916 : vector<16xf32>
        %swap3A_2918 = arith.index_cast %add3A_2888 : i32 to index
        %swap3A_2919 = arith.constant 16 : index
        %swap3A_2920 = tpu.vector_load %arg17[%swap3A_2918, %swap3A_2919] {strides = array<i32>} : memref<408x128xf32, #tpu.memory_space<vmem>>, vector<1x16xf32>,
        %swap3A_2921 = vector.shape_cast %swap3A_2920 : vector<1x16xf32> to vector<16xf32>
        %swap3A_2922 = vector.shape_cast %add3A_2917 : vector<16xf32> to vector<1x16xf32>
        tpu.vector_store %arg17[%swap3A_2918, %swap3A_2919], %swap3A_2922 {strides = array<i32>} : memref<408x128xf32, #tpu.memory_space<vmem>>, vector<1x16xf32>,
        %get3A_2923 = arith.index_cast %add3A_2888 : i32 to index
        %get3A_2924 = arith.constant 32 : index
        %get3A_2925 = tpu.vector_load %arg17[%get3A_2923, %get3A_2924] {strides = array<i32>} : memref<408x128xf32, #tpu.memory_space<vmem>>, vector<1x16xf32>,
        %get3A_2926 = vector.shape_cast %get3A_2925 : vector<1x16xf32> to vector<16xf32>
        %get3A_2927 = arith.constant 19 : i32
        %get3A_2928 = arith.index_cast %get3A_2927 : i32 to index
        %get3A_2929 = arith.constant 32 : index
        %get3A_2930 = tpu.vector_load %arg15[%get3A_2928, %get3A_2929] {strides = array<i32>} : memref<26x128xf32, #tpu.memory_space<vmem>>, vector<1x16xf32>,
        %get3A_2931 = vector.shape_cast %get3A_2930 : vector<1x16xf32> to vector<16xf32>
        %mul3A_2932 = vector.broadcast %squeeze3A_2882 : f32 to vector<16xf32>
        %mul3A_2933 = arith.mulf %mul3A_2932, %get3A_2931 : vector<16xf32>
        %add3A_2934 = arith.addf %get3A_2926, %mul3A_2933 : vector<16xf32>
        %swap3A_2935 = arith.index_cast %add3A_2888 : i32 to index
        %swap3A_2936 = arith.constant 32 : index
        %swap3A_2937 = tpu.vector_load %arg17[%swap3A_2935, %swap3A_2936] {strides = array<i32>} : memref<408x128xf32, #tpu.memory_space<vmem>>, vector<1x16xf32>,
        %swap3A_2938 = vector.shape_cast %swap3A_2937 : vector<1x16xf32> to vector<16xf32>
        %swap3A_2939 = vector.shape_cast %add3A_2934 : vector<16xf32> to vector<1x16xf32>
        tpu.vector_store %arg17[%swap3A_2935, %swap3A_2936], %swap3A_2939 {strides = array<i32>} : memref<408x128xf32, #tpu.memory_space<vmem>>, vector<1x16xf32>,
        %get3A_2940 = arith.index_cast %add3A_2888 : i32 to index
        %get3A_2941 = arith.constant 48 : index
        %get3A_2942 = tpu.vector_load %arg17[%get3A_2940, %get3A_2941] {strides = array<i32>} : memref<408x128xf32, #tpu.memory_space<vmem>>, vector<1x16xf32>,
        %get3A_2943 = vector.shape_cast %get3A_2942 : vector<1x16xf32> to vector<16xf32>
        %get3A_2944 = arith.constant 19 : i32
        %get3A_2945 = arith.index_cast %get3A_2944 : i32 to index
        %get3A_2946 = arith.constant 48 : index
        %get3A_2947 = tpu.vector_load %arg15[%get3A_2945, %get3A_2946] {strides = array<i32>} : memref<26x128xf32, #tpu.memory_space<vmem>>, vector<1x16xf32>,
        %get3A_2948 = vector.shape_cast %get3A_2947 : vector<1x16xf32> to vector<16xf32>
        %mul3A_2949 = vector.broadcast %squeeze3A_2882 : f32 to vector<16xf32>
        %mul3A_2950 = arith.mulf %mul3A_2949, %get3A_2948 : vector<16xf32>
        %add3A_2951 = arith.addf %get3A_2943, %mul3A_2950 : vector<16xf32>
        %swap3A_2952 = arith.index_cast %add3A_2888 : i32 to index
        %swap3A_2953 = arith.constant 48 : index
        %swap3A_2954 = tpu.vector_load %arg17[%swap3A_2952, %swap3A_2953] {strides = array<i32>} : memref<408x128xf32, #tpu.memory_space<vmem>>, vector<1x16xf32>,
        %swap3A_2955 = vector.shape_cast %swap3A_2954 : vector<1x16xf32> to vector<16xf32>
        %swap3A_2956 = vector.shape_cast %add3A_2951 : vector<16xf32> to vector<1x16xf32>
        tpu.vector_store %arg17[%swap3A_2952, %swap3A_2953], %swap3A_2956 {strides = array<i32>} : memref<408x128xf32, #tpu.memory_space<vmem>>, vector<1x16xf32>,
        %get3A_2957 = arith.index_cast %add3A_2888 : i32 to index
        %get3A_2958 = arith.constant 64 : index
        %get3A_2959 = tpu.vector_load %arg17[%get3A_2957, %get3A_2958] {strides = array<i32>} : memref<408x128xf32, #tpu.memory_space<vmem>>, vector<1x16xf32>,
        %get3A_2960 = vector.shape_cast %get3A_2959 : vector<1x16xf32> to vector<16xf32>
        %get3A_2961 = arith.constant 19 : i32
        %get3A_2962 = arith.index_cast %get3A_2961 : i32 to index
        %get3A_2963 = arith.constant 64 : index
        %get3A_2964 = tpu.vector_load %arg15[%get3A_2962, %get3A_2963] {strides = array<i32>} : memref<26x128xf32, #tpu.memory_space<vmem>>, vector<1x16xf32>,
        %get3A_2965 = vector.shape_cast %get3A_2964 : vector<1x16xf32> to vector<16xf32>
        %mul3A_2966 = vector.broadcast %squeeze3A_2882 : f32 to vector<16xf32>
        %mul3A_2967 = arith.mulf %mul3A_2966, %get3A_2965 : vector<16xf32>
        %add3A_2968 = arith.addf %get3A_2960, %mul3A_2967 : vector<16xf32>
        %swap3A_2969 = arith.index_cast %add3A_2888 : i32 to index
        %swap3A_2970 = arith.constant 64 : index
        %swap3A_2971 = tpu.vector_load %arg17[%swap3A_2969, %swap3A_2970] {strides = array<i32>} : memref<408x128xf32, #tpu.memory_space<vmem>>, vector<1x16xf32>,
        %swap3A_2972 = vector.shape_cast %swap3A_2971 : vector<1x16xf32> to vector<16xf32>
        %swap3A_2973 = vector.shape_cast %add3A_2968 : vector<16xf32> to vector<1x16xf32>
        tpu.vector_store %arg17[%swap3A_2969, %swap3A_2970], %swap3A_2973 {strides = array<i32>} : memref<408x128xf32, #tpu.memory_space<vmem>>, vector<1x16xf32>,
        %get3A_2974 = arith.index_cast %add3A_2888 : i32 to index
        %get3A_2975 = arith.constant 80 : index
        %get3A_2976 = tpu.vector_load %arg17[%get3A_2974, %get3A_2975] {strides = array<i32>} : memref<408x128xf32, #tpu.memory_space<vmem>>, vector<1x16xf32>,
        %get3A_2977 = vector.shape_cast %get3A_2976 : vector<1x16xf32> to vector<16xf32>
        %get3A_2978 = arith.constant 19 : i32
        %get3A_2979 = arith.index_cast %get3A_2978 : i32 to index
        %get3A_2980 = arith.constant 80 : index
        %get3A_2981 = tpu.vector_load %arg15[%get3A_2979, %get3A_2980] {strides = array<i32>} : memref<26x128xf32, #tpu.memory_space<vmem>>, vector<1x16xf32>,
        %get3A_2982 = vector.shape_cast %get3A_2981 : vector<1x16xf32> to vector<16xf32>
        %mul3A_2983 = vector.broadcast %squeeze3A_2882 : f32 to vector<16xf32>
        %mul3A_2984 = arith.mulf %mul3A_2983, %get3A_2982 : vector<16xf32>
        %add3A_2985 = arith.addf %get3A_2977, %mul3A_2984 : vector<16xf32>
        %swap3A_2986 = arith.index_cast %add3A_2888 : i32 to index
        %swap3A_2987 = arith.constant 80 : index
        %swap3A_2988 = tpu.vector_load %arg17[%swap3A_2986, %swap3A_2987] {strides = array<i32>} : memref<408x128xf32, #tpu.memory_space<vmem>>, vector<1x16xf32>,
        %swap3A_2989 = vector.shape_cast %swap3A_2988 : vector<1x16xf32> to vector<16xf32>
        %swap3A_2990 = vector.shape_cast %add3A_2985 : vector<16xf32> to vector<1x16xf32>
        tpu.vector_store %arg17[%swap3A_2986, %swap3A_2987], %swap3A_2990 {strides = array<i32>} : memref<408x128xf32, #tpu.memory_space<vmem>>, vector<1x16xf32>,
        %get3A_2991 = arith.index_cast %add3A_2888 : i32 to index
        %get3A_2992 = arith.constant 96 : index
        %get3A_2993 = tpu.vector_load %arg17[%get3A_2991, %get3A_2992] {strides = array<i32>} : memref<408x128xf32, #tpu.memory_space<vmem>>, vector<1x16xf32>,
        %get3A_2994 = vector.shape_cast %get3A_2993 : vector<1x16xf32> to vector<16xf32>
        %get3A_2995 = arith.constant 19 : i32
        %get3A_2996 = arith.index_cast %get3A_2995 : i32 to index
        %get3A_2997 = arith.constant 96 : index
        %get3A_2998 = tpu.vector_load %arg15[%get3A_2996, %get3A_2997] {strides = array<i32>} : memref<26x128xf32, #tpu.memory_space<vmem>>, vector<1x16xf32>,
        %get3A_2999 = vector.shape_cast %get3A_2998 : vector<1x16xf32> to vector<16xf32>
        %mul3A_3000 = vector.broadcast %squeeze3A_2882 : f32 to vector<16xf32>
        %mul3A_3001 = arith.mulf %mul3A_3000, %get3A_2999 : vector<16xf32>
        %add3A_3002 = arith.addf %get3A_2994, %mul3A_3001 : vector<16xf32>
        %swap3A_3003 = arith.index_cast %add3A_2888 : i32 to index
        %swap3A_3004 = arith.constant 96 : index
        %swap3A_3005 = tpu.vector_load %arg17[%swap3A_3003, %swap3A_3004] {strides = array<i32>} : memref<408x128xf32, #tpu.memory_space<vmem>>, vector<1x16xf32>,
        %swap3A_3006 = vector.shape_cast %swap3A_3005 : vector<1x16xf32> to vector<16xf32>
        %swap3A_3007 = vector.shape_cast %add3A_3002 : vector<16xf32> to vector<1x16xf32>
        tpu.vector_store %arg17[%swap3A_3003, %swap3A_3004], %swap3A_3007 {strides = array<i32>} : memref<408x128xf32, #tpu.memory_space<vmem>>, vector<1x16xf32>,
        %get3A_3008 = arith.index_cast %add3A_2888 : i32 to index
        %get3A_3009 = arith.constant 112 : index
        %get3A_3010 = tpu.vector_load %arg17[%get3A_3008, %get3A_3009] {strides = array<i32>} : memref<408x128xf32, #tpu.memory_space<vmem>>, vector<1x16xf32>,
        %get3A_3011 = vector.shape_cast %get3A_3010 : vector<1x16xf32> to vector<16xf32>
        %get3A_3012 = arith.constant 19 : i32
        %get3A_3013 = arith.index_cast %get3A_3012 : i32 to index
        %get3A_3014 = arith.constant 112 : index
        %get3A_3015 = tpu.vector_load %arg15[%get3A_3013, %get3A_3014] {strides = array<i32>} : memref<26x128xf32, #tpu.memory_space<vmem>>, vector<1x16xf32>,
        %get3A_3016 = vector.shape_cast %get3A_3015 : vector<1x16xf32> to vector<16xf32>
        %mul3A_3017 = vector.broadcast %squeeze3A_2882 : f32 to vector<16xf32>
        %mul3A_3018 = arith.mulf %mul3A_3017, %get3A_3016 : vector<16xf32>
        %add3A_3019 = arith.addf %get3A_3011, %mul3A_3018 : vector<16xf32>
        %swap3A_3020 = arith.index_cast %add3A_2888 : i32 to index
        %swap3A_3021 = arith.constant 112 : index
        %swap3A_3022 = tpu.vector_load %arg17[%swap3A_3020, %swap3A_3021] {strides = array<i32>} : memref<408x128xf32, #tpu.memory_space<vmem>>, vector<1x16xf32>,
        %swap3A_3023 = vector.shape_cast %swap3A_3022 : vector<1x16xf32> to vector<16xf32>
        %swap3A_3024 = vector.shape_cast %add3A_3019 : vector<16xf32> to vector<1x16xf32>
        tpu.vector_store %arg17[%swap3A_3020, %swap3A_3021], %swap3A_3024 {strides = array<i32>} : memref<408x128xf32, #tpu.memory_space<vmem>>, vector<1x16xf32>,
        %slice3A_3025 = vector.extract_strided_slice %get3A_147 {offsets = [4], sizes = [1], strides = [1]} : vector<16xf32> to vector<1xf32>
        %squeeze3A_3026 = vector.extract %slice3A_3025[0] : f32 from vector<1xf32>
        %mul3A_3027 = arith.constant 102 : i32
        %mul3A_3028 = arith.muli %rem3A_101, %mul3A_3027 : i32
        %add3A_3029 = arith.constant 26 : i32
        %add3A_3030 = arith.addi %mul3A_3028, %add3A_3029 : i32
        %add3A_3031 = arith.constant 20 : i32
        %add3A_3032 = arith.addi %add3A_3030, %add3A_3031 : i32
        %get3A_3033 = arith.index_cast %add3A_3032 : i32 to index
        %get3A_3034 = arith.constant 0 : index
        %get3A_3035 = tpu.vector_load %arg17[%get3A_3033, %get3A_3034] {strides = array<i32>} : memref<408x128xf32, #tpu.memory_space<vmem>>, vector<1x16xf32>,
        %get3A_3036 = vector.shape_cast %get3A_3035 : vector<1x16xf32> to vector<16xf32>
        %get3A_3037 = arith.constant 20 : i32
        %get3A_3038 = arith.index_cast %get3A_3037 : i32 to index
        %get3A_3039 = arith.constant 0 : index
        %get3A_3040 = tpu.vector_load %arg15[%get3A_3038, %get3A_3039] {strides = array<i32>} : memref<26x128xf32, #tpu.memory_space<vmem>>, vector<1x16xf32>,
        %get3A_3041 = vector.shape_cast %get3A_3040 : vector<1x16xf32> to vector<16xf32>
        %mul3A_3042 = vector.broadcast %squeeze3A_3026 : f32 to vector<16xf32>
        %mul3A_3043 = arith.mulf %mul3A_3042, %get3A_3041 : vector<16xf32>
        %add3A_3044 = arith.addf %get3A_3036, %mul3A_3043 : vector<16xf32>
        %swap3A_3045 = arith.index_cast %add3A_3032 : i32 to index
        %swap3A_3046 = arith.constant 0 : index
        %swap3A_3047 = tpu.vector_load %arg17[%swap3A_3045, %swap3A_3046] {strides = array<i32>} : memref<408x128xf32, #tpu.memory_space<vmem>>, vector<1x16xf32>,
        %swap3A_3048 = vector.shape_cast %swap3A_3047 : vector<1x16xf32> to vector<16xf32>
        %swap3A_3049 = vector.shape_cast %add3A_3044 : vector<16xf32> to vector<1x16xf32>
        tpu.vector_store %arg17[%swap3A_3045, %swap3A_3046], %swap3A_3049 {strides = array<i32>} : memref<408x128xf32, #tpu.memory_space<vmem>>, vector<1x16xf32>,
        %get3A_3050 = arith.index_cast %add3A_3032 : i32 to index
        %get3A_3051 = arith.constant 16 : index
        %get3A_3052 = tpu.vector_load %arg17[%get3A_3050, %get3A_3051] {strides = array<i32>} : memref<408x128xf32, #tpu.memory_space<vmem>>, vector<1x16xf32>,
        %get3A_3053 = vector.shape_cast %get3A_3052 : vector<1x16xf32> to vector<16xf32>
        %get3A_3054 = arith.constant 20 : i32
        %get3A_3055 = arith.index_cast %get3A_3054 : i32 to index
        %get3A_3056 = arith.constant 16 : index
        %get3A_3057 = tpu.vector_load %arg15[%get3A_3055, %get3A_3056] {strides = array<i32>} : memref<26x128xf32, #tpu.memory_space<vmem>>, vector<1x16xf32>,
        %get3A_3058 = vector.shape_cast %get3A_3057 : vector<1x16xf32> to vector<16xf32>
        %mul3A_3059 = vector.broadcast %squeeze3A_3026 : f32 to vector<16xf32>
        %mul3A_3060 = arith.mulf %mul3A_3059, %get3A_3058 : vector<16xf32>
        %add3A_3061 = arith.addf %get3A_3053, %mul3A_3060 : vector<16xf32>
        %swap3A_3062 = arith.index_cast %add3A_3032 : i32 to index
        %swap3A_3063 = arith.constant 16 : index
        %swap3A_3064 = tpu.vector_load %arg17[%swap3A_3062, %swap3A_3063] {strides = array<i32>} : memref<408x128xf32, #tpu.memory_space<vmem>>, vector<1x16xf32>,
        %swap3A_3065 = vector.shape_cast %swap3A_3064 : vector<1x16xf32> to vector<16xf32>
        %swap3A_3066 = vector.shape_cast %add3A_3061 : vector<16xf32> to vector<1x16xf32>
        tpu.vector_store %arg17[%swap3A_3062, %swap3A_3063], %swap3A_3066 {strides = array<i32>} : memref<408x128xf32, #tpu.memory_space<vmem>>, vector<1x16xf32>,
        %get3A_3067 = arith.index_cast %add3A_3032 : i32 to index
        %get3A_3068 = arith.constant 32 : index
        %get3A_3069 = tpu.vector_load %arg17[%get3A_3067, %get3A_3068] {strides = array<i32>} : memref<408x128xf32, #tpu.memory_space<vmem>>, vector<1x16xf32>,
        %get3A_3070 = vector.shape_cast %get3A_3069 : vector<1x16xf32> to vector<16xf32>
        %get3A_3071 = arith.constant 20 : i32
        %get3A_3072 = arith.index_cast %get3A_3071 : i32 to index
        %get3A_3073 = arith.constant 32 : index
        %get3A_3074 = tpu.vector_load %arg15[%get3A_3072, %get3A_3073] {strides = array<i32>} : memref<26x128xf32, #tpu.memory_space<vmem>>, vector<1x16xf32>,
        %get3A_3075 = vector.shape_cast %get3A_3074 : vector<1x16xf32> to vector<16xf32>
        %mul3A_3076 = vector.broadcast %squeeze3A_3026 : f32 to vector<16xf32>
        %mul3A_3077 = arith.mulf %mul3A_3076, %get3A_3075 : vector<16xf32>
        %add3A_3078 = arith.addf %get3A_3070, %mul3A_3077 : vector<16xf32>
        %swap3A_3079 = arith.index_cast %add3A_3032 : i32 to index
        %swap3A_3080 = arith.constant 32 : index
        %swap3A_3081 = tpu.vector_load %arg17[%swap3A_3079, %swap3A_3080] {strides = array<i32>} : memref<408x128xf32, #tpu.memory_space<vmem>>, vector<1x16xf32>,
        %swap3A_3082 = vector.shape_cast %swap3A_3081 : vector<1x16xf32> to vector<16xf32>
        %swap3A_3083 = vector.shape_cast %add3A_3078 : vector<16xf32> to vector<1x16xf32>
        tpu.vector_store %arg17[%swap3A_3079, %swap3A_3080], %swap3A_3083 {strides = array<i32>} : memref<408x128xf32, #tpu.memory_space<vmem>>, vector<1x16xf32>,
        %get3A_3084 = arith.index_cast %add3A_3032 : i32 to index
        %get3A_3085 = arith.constant 48 : index
        %get3A_3086 = tpu.vector_load %arg17[%get3A_3084, %get3A_3085] {strides = array<i32>} : memref<408x128xf32, #tpu.memory_space<vmem>>, vector<1x16xf32>,
        %get3A_3087 = vector.shape_cast %get3A_3086 : vector<1x16xf32> to vector<16xf32>
        %get3A_3088 = arith.constant 20 : i32
        %get3A_3089 = arith.index_cast %get3A_3088 : i32 to index
        %get3A_3090 = arith.constant 48 : index
        %get3A_3091 = tpu.vector_load %arg15[%get3A_3089, %get3A_3090] {strides = array<i32>} : memref<26x128xf32, #tpu.memory_space<vmem>>, vector<1x16xf32>,
        %get3A_3092 = vector.shape_cast %get3A_3091 : vector<1x16xf32> to vector<16xf32>
        %mul3A_3093 = vector.broadcast %squeeze3A_3026 : f32 to vector<16xf32>
        %mul3A_3094 = arith.mulf %mul3A_3093, %get3A_3092 : vector<16xf32>
        %add3A_3095 = arith.addf %get3A_3087, %mul3A_3094 : vector<16xf32>
        %swap3A_3096 = arith.index_cast %add3A_3032 : i32 to index
        %swap3A_3097 = arith.constant 48 : index
        %swap3A_3098 = tpu.vector_load %arg17[%swap3A_3096, %swap3A_3097] {strides = array<i32>} : memref<408x128xf32, #tpu.memory_space<vmem>>, vector<1x16xf32>,
        %swap3A_3099 = vector.shape_cast %swap3A_3098 : vector<1x16xf32> to vector<16xf32>
        %swap3A_3100 = vector.shape_cast %add3A_3095 : vector<16xf32> to vector<1x16xf32>
        tpu.vector_store %arg17[%swap3A_3096, %swap3A_3097], %swap3A_3100 {strides = array<i32>} : memref<408x128xf32, #tpu.memory_space<vmem>>, vector<1x16xf32>,
        %get3A_3101 = arith.index_cast %add3A_3032 : i32 to index
        %get3A_3102 = arith.constant 64 : index
        %get3A_3103 = tpu.vector_load %arg17[%get3A_3101, %get3A_3102] {strides = array<i32>} : memref<408x128xf32, #tpu.memory_space<vmem>>, vector<1x16xf32>,
        %get3A_3104 = vector.shape_cast %get3A_3103 : vector<1x16xf32> to vector<16xf32>
        %get3A_3105 = arith.constant 20 : i32
        %get3A_3106 = arith.index_cast %get3A_3105 : i32 to index
        %get3A_3107 = arith.constant 64 : index
        %get3A_3108 = tpu.vector_load %arg15[%get3A_3106, %get3A_3107] {strides = array<i32>} : memref<26x128xf32, #tpu.memory_space<vmem>>, vector<1x16xf32>,
        %get3A_3109 = vector.shape_cast %get3A_3108 : vector<1x16xf32> to vector<16xf32>
        %mul3A_3110 = vector.broadcast %squeeze3A_3026 : f32 to vector<16xf32>
        %mul3A_3111 = arith.mulf %mul3A_3110, %get3A_3109 : vector<16xf32>
        %add3A_3112 = arith.addf %get3A_3104, %mul3A_3111 : vector<16xf32>
        %swap3A_3113 = arith.index_cast %add3A_3032 : i32 to index
        %swap3A_3114 = arith.constant 64 : index
        %swap3A_3115 = tpu.vector_load %arg17[%swap3A_3113, %swap3A_3114] {strides = array<i32>} : memref<408x128xf32, #tpu.memory_space<vmem>>, vector<1x16xf32>,
        %swap3A_3116 = vector.shape_cast %swap3A_3115 : vector<1x16xf32> to vector<16xf32>
        %swap3A_3117 = vector.shape_cast %add3A_3112 : vector<16xf32> to vector<1x16xf32>
        tpu.vector_store %arg17[%swap3A_3113, %swap3A_3114], %swap3A_3117 {strides = array<i32>} : memref<408x128xf32, #tpu.memory_space<vmem>>, vector<1x16xf32>,
        %get3A_3118 = arith.index_cast %add3A_3032 : i32 to index
        %get3A_3119 = arith.constant 80 : index
        %get3A_3120 = tpu.vector_load %arg17[%get3A_3118, %get3A_3119] {strides = array<i32>} : memref<408x128xf32, #tpu.memory_space<vmem>>, vector<1x16xf32>,
        %get3A_3121 = vector.shape_cast %get3A_3120 : vector<1x16xf32> to vector<16xf32>
        %get3A_3122 = arith.constant 20 : i32
        %get3A_3123 = arith.index_cast %get3A_3122 : i32 to index
        %get3A_3124 = arith.constant 80 : index
        %get3A_3125 = tpu.vector_load %arg15[%get3A_3123, %get3A_3124] {strides = array<i32>} : memref<26x128xf32, #tpu.memory_space<vmem>>, vector<1x16xf32>,
        %get3A_3126 = vector.shape_cast %get3A_3125 : vector<1x16xf32> to vector<16xf32>
        %mul3A_3127 = vector.broadcast %squeeze3A_3026 : f32 to vector<16xf32>
        %mul3A_3128 = arith.mulf %mul3A_3127, %get3A_3126 : vector<16xf32>
        %add3A_3129 = arith.addf %get3A_3121, %mul3A_3128 : vector<16xf32>
        %swap3A_3130 = arith.index_cast %add3A_3032 : i32 to index
        %swap3A_3131 = arith.constant 80 : index
        %swap3A_3132 = tpu.vector_load %arg17[%swap3A_3130, %swap3A_3131] {strides = array<i32>} : memref<408x128xf32, #tpu.memory_space<vmem>>, vector<1x16xf32>,
        %swap3A_3133 = vector.shape_cast %swap3A_3132 : vector<1x16xf32> to vector<16xf32>
        %swap3A_3134 = vector.shape_cast %add3A_3129 : vector<16xf32> to vector<1x16xf32>
        tpu.vector_store %arg17[%swap3A_3130, %swap3A_3131], %swap3A_3134 {strides = array<i32>} : memref<408x128xf32, #tpu.memory_space<vmem>>, vector<1x16xf32>,
        %get3A_3135 = arith.index_cast %add3A_3032 : i32 to index
        %get3A_3136 = arith.constant 96 : index
        %get3A_3137 = tpu.vector_load %arg17[%get3A_3135, %get3A_3136] {strides = array<i32>} : memref<408x128xf32, #tpu.memory_space<vmem>>, vector<1x16xf32>,
        %get3A_3138 = vector.shape_cast %get3A_3137 : vector<1x16xf32> to vector<16xf32>
        %get3A_3139 = arith.constant 20 : i32
        %get3A_3140 = arith.index_cast %get3A_3139 : i32 to index
        %get3A_3141 = arith.constant 96 : index
        %get3A_3142 = tpu.vector_load %arg15[%get3A_3140, %get3A_3141] {strides = array<i32>} : memref<26x128xf32, #tpu.memory_space<vmem>>, vector<1x16xf32>,
        %get3A_3143 = vector.shape_cast %get3A_3142 : vector<1x16xf32> to vector<16xf32>
        %mul3A_3144 = vector.broadcast %squeeze3A_3026 : f32 to vector<16xf32>
        %mul3A_3145 = arith.mulf %mul3A_3144, %get3A_3143 : vector<16xf32>
        %add3A_3146 = arith.addf %get3A_3138, %mul3A_3145 : vector<16xf32>
        %swap3A_3147 = arith.index_cast %add3A_3032 : i32 to index
        %swap3A_3148 = arith.constant 96 : index
        %swap3A_3149 = tpu.vector_load %arg17[%swap3A_3147, %swap3A_3148] {strides = array<i32>} : memref<408x128xf32, #tpu.memory_space<vmem>>, vector<1x16xf32>,
        %swap3A_3150 = vector.shape_cast %swap3A_3149 : vector<1x16xf32> to vector<16xf32>
        %swap3A_3151 = vector.shape_cast %add3A_3146 : vector<16xf32> to vector<1x16xf32>
        tpu.vector_store %arg17[%swap3A_3147, %swap3A_3148], %swap3A_3151 {strides = array<i32>} : memref<408x128xf32, #tpu.memory_space<vmem>>, vector<1x16xf32>,
        %get3A_3152 = arith.index_cast %add3A_3032 : i32 to index
        %get3A_3153 = arith.constant 112 : index
        %get3A_3154 = tpu.vector_load %arg17[%get3A_3152, %get3A_3153] {strides = array<i32>} : memref<408x128xf32, #tpu.memory_space<vmem>>, vector<1x16xf32>,
        %get3A_3155 = vector.shape_cast %get3A_3154 : vector<1x16xf32> to vector<16xf32>
        %get3A_3156 = arith.constant 20 : i32
        %get3A_3157 = arith.index_cast %get3A_3156 : i32 to index
        %get3A_3158 = arith.constant 112 : index
        %get3A_3159 = tpu.vector_load %arg15[%get3A_3157, %get3A_3158] {strides = array<i32>} : memref<26x128xf32, #tpu.memory_space<vmem>>, vector<1x16xf32>,
        %get3A_3160 = vector.shape_cast %get3A_3159 : vector<1x16xf32> to vector<16xf32>
        %mul3A_3161 = vector.broadcast %squeeze3A_3026 : f32 to vector<16xf32>
        %mul3A_3162 = arith.mulf %mul3A_3161, %get3A_3160 : vector<16xf32>
        %add3A_3163 = arith.addf %get3A_3155, %mul3A_3162 : vector<16xf32>
        %swap3A_3164 = arith.index_cast %add3A_3032 : i32 to index
        %swap3A_3165 = arith.constant 112 : index
        %swap3A_3166 = tpu.vector_load %arg17[%swap3A_3164, %swap3A_3165] {strides = array<i32>} : memref<408x128xf32, #tpu.memory_space<vmem>>, vector<1x16xf32>,
        %swap3A_3167 = vector.shape_cast %swap3A_3166 : vector<1x16xf32> to vector<16xf32>
        %swap3A_3168 = vector.shape_cast %add3A_3163 : vector<16xf32> to vector<1x16xf32>
        tpu.vector_store %arg17[%swap3A_3164, %swap3A_3165], %swap3A_3168 {strides = array<i32>} : memref<408x128xf32, #tpu.memory_space<vmem>>, vector<1x16xf32>,
        %slice3A_3169 = vector.extract_strided_slice %get3A_147 {offsets = [5], sizes = [1], strides = [1]} : vector<16xf32> to vector<1xf32>
        %squeeze3A_3170 = vector.extract %slice3A_3169[0] : f32 from vector<1xf32>
        %mul3A_3171 = arith.constant 102 : i32
        %mul3A_3172 = arith.muli %rem3A_101, %mul3A_3171 : i32
        %add3A_3173 = arith.constant 26 : i32
        %add3A_3174 = arith.addi %mul3A_3172, %add3A_3173 : i32
        %add3A_3175 = arith.constant 21 : i32
        %add3A_3176 = arith.addi %add3A_3174, %add3A_3175 : i32
        %get3A_3177 = arith.index_cast %add3A_3176 : i32 to index
        %get3A_3178 = arith.constant 0 : index
        %get3A_3179 = tpu.vector_load %arg17[%get3A_3177, %get3A_3178] {strides = array<i32>} : memref<408x128xf32, #tpu.memory_space<vmem>>, vector<1x16xf32>,
        %get3A_3180 = vector.shape_cast %get3A_3179 : vector<1x16xf32> to vector<16xf32>
        %get3A_3181 = arith.constant 21 : i32
        %get3A_3182 = arith.index_cast %get3A_3181 : i32 to index
        %get3A_3183 = arith.constant 0 : index
        %get3A_3184 = tpu.vector_load %arg15[%get3A_3182, %get3A_3183] {strides = array<i32>} : memref<26x128xf32, #tpu.memory_space<vmem>>, vector<1x16xf32>,
        %get3A_3185 = vector.shape_cast %get3A_3184 : vector<1x16xf32> to vector<16xf32>
        %mul3A_3186 = vector.broadcast %squeeze3A_3170 : f32 to vector<16xf32>
        %mul3A_3187 = arith.mulf %mul3A_3186, %get3A_3185 : vector<16xf32>
        %add3A_3188 = arith.addf %get3A_3180, %mul3A_3187 : vector<16xf32>
        %swap3A_3189 = arith.index_cast %add3A_3176 : i32 to index
        %swap3A_3190 = arith.constant 0 : index
        %swap3A_3191 = tpu.vector_load %arg17[%swap3A_3189, %swap3A_3190] {strides = array<i32>} : memref<408x128xf32, #tpu.memory_space<vmem>>, vector<1x16xf32>,
        %swap3A_3192 = vector.shape_cast %swap3A_3191 : vector<1x16xf32> to vector<16xf32>
        %swap3A_3193 = vector.shape_cast %add3A_3188 : vector<16xf32> to vector<1x16xf32>
        tpu.vector_store %arg17[%swap3A_3189, %swap3A_3190], %swap3A_3193 {strides = array<i32>} : memref<408x128xf32, #tpu.memory_space<vmem>>, vector<1x16xf32>,
        %get3A_3194 = arith.index_cast %add3A_3176 : i32 to index
        %get3A_3195 = arith.constant 16 : index
        %get3A_3196 = tpu.vector_load %arg17[%get3A_3194, %get3A_3195] {strides = array<i32>} : memref<408x128xf32, #tpu.memory_space<vmem>>, vector<1x16xf32>,
        %get3A_3197 = vector.shape_cast %get3A_3196 : vector<1x16xf32> to vector<16xf32>
        %get3A_3198 = arith.constant 21 : i32
        %get3A_3199 = arith.index_cast %get3A_3198 : i32 to index
        %get3A_3200 = arith.constant 16 : index
        %get3A_3201 = tpu.vector_load %arg15[%get3A_3199, %get3A_3200] {strides = array<i32>} : memref<26x128xf32, #tpu.memory_space<vmem>>, vector<1x16xf32>,
        %get3A_3202 = vector.shape_cast %get3A_3201 : vector<1x16xf32> to vector<16xf32>
        %mul3A_3203 = vector.broadcast %squeeze3A_3170 : f32 to vector<16xf32>
        %mul3A_3204 = arith.mulf %mul3A_3203, %get3A_3202 : vector<16xf32>
        %add3A_3205 = arith.addf %get3A_3197, %mul3A_3204 : vector<16xf32>
        %swap3A_3206 = arith.index_cast %add3A_3176 : i32 to index
        %swap3A_3207 = arith.constant 16 : index
        %swap3A_3208 = tpu.vector_load %arg17[%swap3A_3206, %swap3A_3207] {strides = array<i32>} : memref<408x128xf32, #tpu.memory_space<vmem>>, vector<1x16xf32>,
        %swap3A_3209 = vector.shape_cast %swap3A_3208 : vector<1x16xf32> to vector<16xf32>
        %swap3A_3210 = vector.shape_cast %add3A_3205 : vector<16xf32> to vector<1x16xf32>
        tpu.vector_store %arg17[%swap3A_3206, %swap3A_3207], %swap3A_3210 {strides = array<i32>} : memref<408x128xf32, #tpu.memory_space<vmem>>, vector<1x16xf32>,
        %get3A_3211 = arith.index_cast %add3A_3176 : i32 to index
        %get3A_3212 = arith.constant 32 : index
        %get3A_3213 = tpu.vector_load %arg17[%get3A_3211, %get3A_3212] {strides = array<i32>} : memref<408x128xf32, #tpu.memory_space<vmem>>, vector<1x16xf32>,
        %get3A_3214 = vector.shape_cast %get3A_3213 : vector<1x16xf32> to vector<16xf32>
        %get3A_3215 = arith.constant 21 : i32
        %get3A_3216 = arith.index_cast %get3A_3215 : i32 to index
        %get3A_3217 = arith.constant 32 : index
        %get3A_3218 = tpu.vector_load %arg15[%get3A_3216, %get3A_3217] {strides = array<i32>} : memref<26x128xf32, #tpu.memory_space<vmem>>, vector<1x16xf32>,
        %get3A_3219 = vector.shape_cast %get3A_3218 : vector<1x16xf32> to vector<16xf32>
        %mul3A_3220 = vector.broadcast %squeeze3A_3170 : f32 to vector<16xf32>
        %mul3A_3221 = arith.mulf %mul3A_3220, %get3A_3219 : vector<16xf32>
        %add3A_3222 = arith.addf %get3A_3214, %mul3A_3221 : vector<16xf32>
        %swap3A_3223 = arith.index_cast %add3A_3176 : i32 to index
        %swap3A_3224 = arith.constant 32 : index
        %swap3A_3225 = tpu.vector_load %arg17[%swap3A_3223, %swap3A_3224] {strides = array<i32>} : memref<408x128xf32, #tpu.memory_space<vmem>>, vector<1x16xf32>,
        %swap3A_3226 = vector.shape_cast %swap3A_3225 : vector<1x16xf32> to vector<16xf32>
        %swap3A_3227 = vector.shape_cast %add3A_3222 : vector<16xf32> to vector<1x16xf32>
        tpu.vector_store %arg17[%swap3A_3223, %swap3A_3224], %swap3A_3227 {strides = array<i32>} : memref<408x128xf32, #tpu.memory_space<vmem>>, vector<1x16xf32>,
        %get3A_3228 = arith.index_cast %add3A_3176 : i32 to index
        %get3A_3229 = arith.constant 48 : index
        %get3A_3230 = tpu.vector_load %arg17[%get3A_3228, %get3A_3229] {strides = array<i32>} : memref<408x128xf32, #tpu.memory_space<vmem>>, vector<1x16xf32>,
        %get3A_3231 = vector.shape_cast %get3A_3230 : vector<1x16xf32> to vector<16xf32>
        %get3A_3232 = arith.constant 21 : i32
        %get3A_3233 = arith.index_cast %get3A_3232 : i32 to index
        %get3A_3234 = arith.constant 48 : index
        %get3A_3235 = tpu.vector_load %arg15[%get3A_3233, %get3A_3234] {strides = array<i32>} : memref<26x128xf32, #tpu.memory_space<vmem>>, vector<1x16xf32>,
        %get3A_3236 = vector.shape_cast %get3A_3235 : vector<1x16xf32> to vector<16xf32>
        %mul3A_3237 = vector.broadcast %squeeze3A_3170 : f32 to vector<16xf32>
        %mul3A_3238 = arith.mulf %mul3A_3237, %get3A_3236 : vector<16xf32>
        %add3A_3239 = arith.addf %get3A_3231, %mul3A_3238 : vector<16xf32>
        %swap3A_3240 = arith.index_cast %add3A_3176 : i32 to index
        %swap3A_3241 = arith.constant 48 : index
        %swap3A_3242 = tpu.vector_load %arg17[%swap3A_3240, %swap3A_3241] {strides = array<i32>} : memref<408x128xf32, #tpu.memory_space<vmem>>, vector<1x16xf32>,
        %swap3A_3243 = vector.shape_cast %swap3A_3242 : vector<1x16xf32> to vector<16xf32>
        %swap3A_3244 = vector.shape_cast %add3A_3239 : vector<16xf32> to vector<1x16xf32>
        tpu.vector_store %arg17[%swap3A_3240, %swap3A_3241], %swap3A_3244 {strides = array<i32>} : memref<408x128xf32, #tpu.memory_space<vmem>>, vector<1x16xf32>,
        %get3A_3245 = arith.index_cast %add3A_3176 : i32 to index
        %get3A_3246 = arith.constant 64 : index
        %get3A_3247 = tpu.vector_load %arg17[%get3A_3245, %get3A_3246] {strides = array<i32>} : memref<408x128xf32, #tpu.memory_space<vmem>>, vector<1x16xf32>,
        %get3A_3248 = vector.shape_cast %get3A_3247 : vector<1x16xf32> to vector<16xf32>
        %get3A_3249 = arith.constant 21 : i32
        %get3A_3250 = arith.index_cast %get3A_3249 : i32 to index
        %get3A_3251 = arith.constant 64 : index
        %get3A_3252 = tpu.vector_load %arg15[%get3A_3250, %get3A_3251] {strides = array<i32>} : memref<26x128xf32, #tpu.memory_space<vmem>>, vector<1x16xf32>,
        %get3A_3253 = vector.shape_cast %get3A_3252 : vector<1x16xf32> to vector<16xf32>
        %mul3A_3254 = vector.broadcast %squeeze3A_3170 : f32 to vector<16xf32>
        %mul3A_3255 = arith.mulf %mul3A_3254, %get3A_3253 : vector<16xf32>
        %add3A_3256 = arith.addf %get3A_3248, %mul3A_3255 : vector<16xf32>
        %swap3A_3257 = arith.index_cast %add3A_3176 : i32 to index
        %swap3A_3258 = arith.constant 64 : index
        %swap3A_3259 = tpu.vector_load %arg17[%swap3A_3257, %swap3A_3258] {strides = array<i32>} : memref<408x128xf32, #tpu.memory_space<vmem>>, vector<1x16xf32>,
        %swap3A_3260 = vector.shape_cast %swap3A_3259 : vector<1x16xf32> to vector<16xf32>
        %swap3A_3261 = vector.shape_cast %add3A_3256 : vector<16xf32> to vector<1x16xf32>
        tpu.vector_store %arg17[%swap3A_3257, %swap3A_3258], %swap3A_3261 {strides = array<i32>} : memref<408x128xf32, #tpu.memory_space<vmem>>, vector<1x16xf32>,
        %get3A_3262 = arith.index_cast %add3A_3176 : i32 to index
        %get3A_3263 = arith.constant 80 : index
        %get3A_3264 = tpu.vector_load %arg17[%get3A_3262, %get3A_3263] {strides = array<i32>} : memref<408x128xf32, #tpu.memory_space<vmem>>, vector<1x16xf32>,
        %get3A_3265 = vector.shape_cast %get3A_3264 : vector<1x16xf32> to vector<16xf32>
        %get3A_3266 = arith.constant 21 : i32
        %get3A_3267 = arith.index_cast %get3A_3266 : i32 to index
        %get3A_3268 = arith.constant 80 : index
        %get3A_3269 = tpu.vector_load %arg15[%get3A_3267, %get3A_3268] {strides = array<i32>} : memref<26x128xf32, #tpu.memory_space<vmem>>, vector<1x16xf32>,
        %get3A_3270 = vector.shape_cast %get3A_3269 : vector<1x16xf32> to vector<16xf32>
        %mul3A_3271 = vector.broadcast %squeeze3A_3170 : f32 to vector<16xf32>
        %mul3A_3272 = arith.mulf %mul3A_3271, %get3A_3270 : vector<16xf32>
        %add3A_3273 = arith.addf %get3A_3265, %mul3A_3272 : vector<16xf32>
        %swap3A_3274 = arith.index_cast %add3A_3176 : i32 to index
        %swap3A_3275 = arith.constant 80 : index
        %swap3A_3276 = tpu.vector_load %arg17[%swap3A_3274, %swap3A_3275] {strides = array<i32>} : memref<408x128xf32, #tpu.memory_space<vmem>>, vector<1x16xf32>,
        %swap3A_3277 = vector.shape_cast %swap3A_3276 : vector<1x16xf32> to vector<16xf32>
        %swap3A_3278 = vector.shape_cast %add3A_3273 : vector<16xf32> to vector<1x16xf32>
        tpu.vector_store %arg17[%swap3A_3274, %swap3A_3275], %swap3A_3278 {strides = array<i32>} : memref<408x128xf32, #tpu.memory_space<vmem>>, vector<1x16xf32>,
        %get3A_3279 = arith.index_cast %add3A_3176 : i32 to index
        %get3A_3280 = arith.constant 96 : index
        %get3A_3281 = tpu.vector_load %arg17[%get3A_3279, %get3A_3280] {strides = array<i32>} : memref<408x128xf32, #tpu.memory_space<vmem>>, vector<1x16xf32>,
        %get3A_3282 = vector.shape_cast %get3A_3281 : vector<1x16xf32> to vector<16xf32>
        %get3A_3283 = arith.constant 21 : i32
        %get3A_3284 = arith.index_cast %get3A_3283 : i32 to index
        %get3A_3285 = arith.constant 96 : index
        %get3A_3286 = tpu.vector_load %arg15[%get3A_3284, %get3A_3285] {strides = array<i32>} : memref<26x128xf32, #tpu.memory_space<vmem>>, vector<1x16xf32>,
        %get3A_3287 = vector.shape_cast %get3A_3286 : vector<1x16xf32> to vector<16xf32>
        %mul3A_3288 = vector.broadcast %squeeze3A_3170 : f32 to vector<16xf32>
        %mul3A_3289 = arith.mulf %mul3A_3288, %get3A_3287 : vector<16xf32>
        %add3A_3290 = arith.addf %get3A_3282, %mul3A_3289 : vector<16xf32>
        %swap3A_3291 = arith.index_cast %add3A_3176 : i32 to index
        %swap3A_3292 = arith.constant 96 : index
        %swap3A_3293 = tpu.vector_load %arg17[%swap3A_3291, %swap3A_3292] {strides = array<i32>} : memref<408x128xf32, #tpu.memory_space<vmem>>, vector<1x16xf32>,
        %swap3A_3294 = vector.shape_cast %swap3A_3293 : vector<1x16xf32> to vector<16xf32>
        %swap3A_3295 = vector.shape_cast %add3A_3290 : vector<16xf32> to vector<1x16xf32>
        tpu.vector_store %arg17[%swap3A_3291, %swap3A_3292], %swap3A_3295 {strides = array<i32>} : memref<408x128xf32, #tpu.memory_space<vmem>>, vector<1x16xf32>,
        %get3A_3296 = arith.index_cast %add3A_3176 : i32 to index
        %get3A_3297 = arith.constant 112 : index
        %get3A_3298 = tpu.vector_load %arg17[%get3A_3296, %get3A_3297] {strides = array<i32>} : memref<408x128xf32, #tpu.memory_space<vmem>>, vector<1x16xf32>,
        %get3A_3299 = vector.shape_cast %get3A_3298 : vector<1x16xf32> to vector<16xf32>
        %get3A_3300 = arith.constant 21 : i32
        %get3A_3301 = arith.index_cast %get3A_3300 : i32 to index
        %get3A_3302 = arith.constant 112 : index
        %get3A_3303 = tpu.vector_load %arg15[%get3A_3301, %get3A_3302] {strides = array<i32>} : memref<26x128xf32, #tpu.memory_space<vmem>>, vector<1x16xf32>,
        %get3A_3304 = vector.shape_cast %get3A_3303 : vector<1x16xf32> to vector<16xf32>
        %mul3A_3305 = vector.broadcast %squeeze3A_3170 : f32 to vector<16xf32>
        %mul3A_3306 = arith.mulf %mul3A_3305, %get3A_3304 : vector<16xf32>
        %add3A_3307 = arith.addf %get3A_3299, %mul3A_3306 : vector<16xf32>
        %swap3A_3308 = arith.index_cast %add3A_3176 : i32 to index
        %swap3A_3309 = arith.constant 112 : index
        %swap3A_3310 = tpu.vector_load %arg17[%swap3A_3308, %swap3A_3309] {strides = array<i32>} : memref<408x128xf32, #tpu.memory_space<vmem>>, vector<1x16xf32>,
        %swap3A_3311 = vector.shape_cast %swap3A_3310 : vector<1x16xf32> to vector<16xf32>
        %swap3A_3312 = vector.shape_cast %add3A_3307 : vector<16xf32> to vector<1x16xf32>
        tpu.vector_store %arg17[%swap3A_3308, %swap3A_3309], %swap3A_3312 {strides = array<i32>} : memref<408x128xf32, #tpu.memory_space<vmem>>, vector<1x16xf32>,
        %slice3A_3313 = vector.extract_strided_slice %get3A_147 {offsets = [6], sizes = [1], strides = [1]} : vector<16xf32> to vector<1xf32>
        %squeeze3A_3314 = vector.extract %slice3A_3313[0] : f32 from vector<1xf32>
        %mul3A_3315 = arith.constant 102 : i32
        %mul3A_3316 = arith.muli %rem3A_101, %mul3A_3315 : i32
        %add3A_3317 = arith.constant 26 : i32
        %add3A_3318 = arith.addi %mul3A_3316, %add3A_3317 : i32
        %add3A_3319 = arith.constant 22 : i32
        %add3A_3320 = arith.addi %add3A_3318, %add3A_3319 : i32
        %get3A_3321 = arith.index_cast %add3A_3320 : i32 to index
        %get3A_3322 = arith.constant 0 : index
        %get3A_3323 = tpu.vector_load %arg17[%get3A_3321, %get3A_3322] {strides = array<i32>} : memref<408x128xf32, #tpu.memory_space<vmem>>, vector<1x16xf32>,
        %get3A_3324 = vector.shape_cast %get3A_3323 : vector<1x16xf32> to vector<16xf32>
        %get3A_3325 = arith.constant 22 : i32
        %get3A_3326 = arith.index_cast %get3A_3325 : i32 to index
        %get3A_3327 = arith.constant 0 : index
        %get3A_3328 = tpu.vector_load %arg15[%get3A_3326, %get3A_3327] {strides = array<i32>} : memref<26x128xf32, #tpu.memory_space<vmem>>, vector<1x16xf32>,
        %get3A_3329 = vector.shape_cast %get3A_3328 : vector<1x16xf32> to vector<16xf32>
        %mul3A_3330 = vector.broadcast %squeeze3A_3314 : f32 to vector<16xf32>
        %mul3A_3331 = arith.mulf %mul3A_3330, %get3A_3329 : vector<16xf32>
        %add3A_3332 = arith.addf %get3A_3324, %mul3A_3331 : vector<16xf32>
        %swap3A_3333 = arith.index_cast %add3A_3320 : i32 to index
        %swap3A_3334 = arith.constant 0 : index
        %swap3A_3335 = tpu.vector_load %arg17[%swap3A_3333, %swap3A_3334] {strides = array<i32>} : memref<408x128xf32, #tpu.memory_space<vmem>>, vector<1x16xf32>,
        %swap3A_3336 = vector.shape_cast %swap3A_3335 : vector<1x16xf32> to vector<16xf32>
        %swap3A_3337 = vector.shape_cast %add3A_3332 : vector<16xf32> to vector<1x16xf32>
        tpu.vector_store %arg17[%swap3A_3333, %swap3A_3334], %swap3A_3337 {strides = array<i32>} : memref<408x128xf32, #tpu.memory_space<vmem>>, vector<1x16xf32>,
        %get3A_3338 = arith.index_cast %add3A_3320 : i32 to index
        %get3A_3339 = arith.constant 16 : index
        %get3A_3340 = tpu.vector_load %arg17[%get3A_3338, %get3A_3339] {strides = array<i32>} : memref<408x128xf32, #tpu.memory_space<vmem>>, vector<1x16xf32>,
        %get3A_3341 = vector.shape_cast %get3A_3340 : vector<1x16xf32> to vector<16xf32>
        %get3A_3342 = arith.constant 22 : i32
        %get3A_3343 = arith.index_cast %get3A_3342 : i32 to index
        %get3A_3344 = arith.constant 16 : index
        %get3A_3345 = tpu.vector_load %arg15[%get3A_3343, %get3A_3344] {strides = array<i32>} : memref<26x128xf32, #tpu.memory_space<vmem>>, vector<1x16xf32>,
        %get3A_3346 = vector.shape_cast %get3A_3345 : vector<1x16xf32> to vector<16xf32>
        %mul3A_3347 = vector.broadcast %squeeze3A_3314 : f32 to vector<16xf32>
        %mul3A_3348 = arith.mulf %mul3A_3347, %get3A_3346 : vector<16xf32>
        %add3A_3349 = arith.addf %get3A_3341, %mul3A_3348 : vector<16xf32>
        %swap3A_3350 = arith.index_cast %add3A_3320 : i32 to index
        %swap3A_3351 = arith.constant 16 : index
        %swap3A_3352 = tpu.vector_load %arg17[%swap3A_3350, %swap3A_3351] {strides = array<i32>} : memref<408x128xf32, #tpu.memory_space<vmem>>, vector<1x16xf32>,
        %swap3A_3353 = vector.shape_cast %swap3A_3352 : vector<1x16xf32> to vector<16xf32>
        %swap3A_3354 = vector.shape_cast %add3A_3349 : vector<16xf32> to vector<1x16xf32>
        tpu.vector_store %arg17[%swap3A_3350, %swap3A_3351], %swap3A_3354 {strides = array<i32>} : memref<408x128xf32, #tpu.memory_space<vmem>>, vector<1x16xf32>,
        %get3A_3355 = arith.index_cast %add3A_3320 : i32 to index
        %get3A_3356 = arith.constant 32 : index
        %get3A_3357 = tpu.vector_load %arg17[%get3A_3355, %get3A_3356] {strides = array<i32>} : memref<408x128xf32, #tpu.memory_space<vmem>>, vector<1x16xf32>,
        %get3A_3358 = vector.shape_cast %get3A_3357 : vector<1x16xf32> to vector<16xf32>
        %get3A_3359 = arith.constant 22 : i32
        %get3A_3360 = arith.index_cast %get3A_3359 : i32 to index
        %get3A_3361 = arith.constant 32 : index
        %get3A_3362 = tpu.vector_load %arg15[%get3A_3360, %get3A_3361] {strides = array<i32>} : memref<26x128xf32, #tpu.memory_space<vmem>>, vector<1x16xf32>,
        %get3A_3363 = vector.shape_cast %get3A_3362 : vector<1x16xf32> to vector<16xf32>
        %mul3A_3364 = vector.broadcast %squeeze3A_3314 : f32 to vector<16xf32>
        %mul3A_3365 = arith.mulf %mul3A_3364, %get3A_3363 : vector<16xf32>
        %add3A_3366 = arith.addf %get3A_3358, %mul3A_3365 : vector<16xf32>
        %swap3A_3367 = arith.index_cast %add3A_3320 : i32 to index
        %swap3A_3368 = arith.constant 32 : index
        %swap3A_3369 = tpu.vector_load %arg17[%swap3A_3367, %swap3A_3368] {strides = array<i32>} : memref<408x128xf32, #tpu.memory_space<vmem>>, vector<1x16xf32>,
        %swap3A_3370 = vector.shape_cast %swap3A_3369 : vector<1x16xf32> to vector<16xf32>
        %swap3A_3371 = vector.shape_cast %add3A_3366 : vector<16xf32> to vector<1x16xf32>
        tpu.vector_store %arg17[%swap3A_3367, %swap3A_3368], %swap3A_3371 {strides = array<i32>} : memref<408x128xf32, #tpu.memory_space<vmem>>, vector<1x16xf32>,
        %get3A_3372 = arith.index_cast %add3A_3320 : i32 to index
        %get3A_3373 = arith.constant 48 : index
        %get3A_3374 = tpu.vector_load %arg17[%get3A_3372, %get3A_3373] {strides = array<i32>} : memref<408x128xf32, #tpu.memory_space<vmem>>, vector<1x16xf32>,
        %get3A_3375 = vector.shape_cast %get3A_3374 : vector<1x16xf32> to vector<16xf32>
        %get3A_3376 = arith.constant 22 : i32
        %get3A_3377 = arith.index_cast %get3A_3376 : i32 to index
        %get3A_3378 = arith.constant 48 : index
        %get3A_3379 = tpu.vector_load %arg15[%get3A_3377, %get3A_3378] {strides = array<i32>} : memref<26x128xf32, #tpu.memory_space<vmem>>, vector<1x16xf32>,
        %get3A_3380 = vector.shape_cast %get3A_3379 : vector<1x16xf32> to vector<16xf32>
        %mul3A_3381 = vector.broadcast %squeeze3A_3314 : f32 to vector<16xf32>
        %mul3A_3382 = arith.mulf %mul3A_3381, %get3A_3380 : vector<16xf32>
        %add3A_3383 = arith.addf %get3A_3375, %mul3A_3382 : vector<16xf32>
        %swap3A_3384 = arith.index_cast %add3A_3320 : i32 to index
        %swap3A_3385 = arith.constant 48 : index
        %swap3A_3386 = tpu.vector_load %arg17[%swap3A_3384, %swap3A_3385] {strides = array<i32>} : memref<408x128xf32, #tpu.memory_space<vmem>>, vector<1x16xf32>,
        %swap3A_3387 = vector.shape_cast %swap3A_3386 : vector<1x16xf32> to vector<16xf32>
        %swap3A_3388 = vector.shape_cast %add3A_3383 : vector<16xf32> to vector<1x16xf32>
        tpu.vector_store %arg17[%swap3A_3384, %swap3A_3385], %swap3A_3388 {strides = array<i32>} : memref<408x128xf32, #tpu.memory_space<vmem>>, vector<1x16xf32>,
        %get3A_3389 = arith.index_cast %add3A_3320 : i32 to index
        %get3A_3390 = arith.constant 64 : index
        %get3A_3391 = tpu.vector_load %arg17[%get3A_3389, %get3A_3390] {strides = array<i32>} : memref<408x128xf32, #tpu.memory_space<vmem>>, vector<1x16xf32>,
        %get3A_3392 = vector.shape_cast %get3A_3391 : vector<1x16xf32> to vector<16xf32>
        %get3A_3393 = arith.constant 22 : i32
        %get3A_3394 = arith.index_cast %get3A_3393 : i32 to index
        %get3A_3395 = arith.constant 64 : index
        %get3A_3396 = tpu.vector_load %arg15[%get3A_3394, %get3A_3395] {strides = array<i32>} : memref<26x128xf32, #tpu.memory_space<vmem>>, vector<1x16xf32>,
        %get3A_3397 = vector.shape_cast %get3A_3396 : vector<1x16xf32> to vector<16xf32>
        %mul3A_3398 = vector.broadcast %squeeze3A_3314 : f32 to vector<16xf32>
        %mul3A_3399 = arith.mulf %mul3A_3398, %get3A_3397 : vector<16xf32>
        %add3A_3400 = arith.addf %get3A_3392, %mul3A_3399 : vector<16xf32>
        %swap3A_3401 = arith.index_cast %add3A_3320 : i32 to index
        %swap3A_3402 = arith.constant 64 : index
        %swap3A_3403 = tpu.vector_load %arg17[%swap3A_3401, %swap3A_3402] {strides = array<i32>} : memref<408x128xf32, #tpu.memory_space<vmem>>, vector<1x16xf32>,
        %swap3A_3404 = vector.shape_cast %swap3A_3403 : vector<1x16xf32> to vector<16xf32>
        %swap3A_3405 = vector.shape_cast %add3A_3400 : vector<16xf32> to vector<1x16xf32>
        tpu.vector_store %arg17[%swap3A_3401, %swap3A_3402], %swap3A_3405 {strides = array<i32>} : memref<408x128xf32, #tpu.memory_space<vmem>>, vector<1x16xf32>,
        %get3A_3406 = arith.index_cast %add3A_3320 : i32 to index
        %get3A_3407 = arith.constant 80 : index
        %get3A_3408 = tpu.vector_load %arg17[%get3A_3406, %get3A_3407] {strides = array<i32>} : memref<408x128xf32, #tpu.memory_space<vmem>>, vector<1x16xf32>,
        %get3A_3409 = vector.shape_cast %get3A_3408 : vector<1x16xf32> to vector<16xf32>
        %get3A_3410 = arith.constant 22 : i32
        %get3A_3411 = arith.index_cast %get3A_3410 : i32 to index
        %get3A_3412 = arith.constant 80 : index
        %get3A_3413 = tpu.vector_load %arg15[%get3A_3411, %get3A_3412] {strides = array<i32>} : memref<26x128xf32, #tpu.memory_space<vmem>>, vector<1x16xf32>,
        %get3A_3414 = vector.shape_cast %get3A_3413 : vector<1x16xf32> to vector<16xf32>
        %mul3A_3415 = vector.broadcast %squeeze3A_3314 : f32 to vector<16xf32>
        %mul3A_3416 = arith.mulf %mul3A_3415, %get3A_3414 : vector<16xf32>
        %add3A_3417 = arith.addf %get3A_3409, %mul3A_3416 : vector<16xf32>
        %swap3A_3418 = arith.index_cast %add3A_3320 : i32 to index
        %swap3A_3419 = arith.constant 80 : index
        %swap3A_3420 = tpu.vector_load %arg17[%swap3A_3418, %swap3A_3419] {strides = array<i32>} : memref<408x128xf32, #tpu.memory_space<vmem>>, vector<1x16xf32>,
        %swap3A_3421 = vector.shape_cast %swap3A_3420 : vector<1x16xf32> to vector<16xf32>
        %swap3A_3422 = vector.shape_cast %add3A_3417 : vector<16xf32> to vector<1x16xf32>
        tpu.vector_store %arg17[%swap3A_3418, %swap3A_3419], %swap3A_3422 {strides = array<i32>} : memref<408x128xf32, #tpu.memory_space<vmem>>, vector<1x16xf32>,
        %get3A_3423 = arith.index_cast %add3A_3320 : i32 to index
        %get3A_3424 = arith.constant 96 : index
        %get3A_3425 = tpu.vector_load %arg17[%get3A_3423, %get3A_3424] {strides = array<i32>} : memref<408x128xf32, #tpu.memory_space<vmem>>, vector<1x16xf32>,
        %get3A_3426 = vector.shape_cast %get3A_3425 : vector<1x16xf32> to vector<16xf32>
        %get3A_3427 = arith.constant 22 : i32
        %get3A_3428 = arith.index_cast %get3A_3427 : i32 to index
        %get3A_3429 = arith.constant 96 : index
        %get3A_3430 = tpu.vector_load %arg15[%get3A_3428, %get3A_3429] {strides = array<i32>} : memref<26x128xf32, #tpu.memory_space<vmem>>, vector<1x16xf32>,
        %get3A_3431 = vector.shape_cast %get3A_3430 : vector<1x16xf32> to vector<16xf32>
        %mul3A_3432 = vector.broadcast %squeeze3A_3314 : f32 to vector<16xf32>
        %mul3A_3433 = arith.mulf %mul3A_3432, %get3A_3431 : vector<16xf32>
        %add3A_3434 = arith.addf %get3A_3426, %mul3A_3433 : vector<16xf32>
        %swap3A_3435 = arith.index_cast %add3A_3320 : i32 to index
        %swap3A_3436 = arith.constant 96 : index
        %swap3A_3437 = tpu.vector_load %arg17[%swap3A_3435, %swap3A_3436] {strides = array<i32>} : memref<408x128xf32, #tpu.memory_space<vmem>>, vector<1x16xf32>,
        %swap3A_3438 = vector.shape_cast %swap3A_3437 : vector<1x16xf32> to vector<16xf32>
        %swap3A_3439 = vector.shape_cast %add3A_3434 : vector<16xf32> to vector<1x16xf32>
        tpu.vector_store %arg17[%swap3A_3435, %swap3A_3436], %swap3A_3439 {strides = array<i32>} : memref<408x128xf32, #tpu.memory_space<vmem>>, vector<1x16xf32>,
        %get3A_3440 = arith.index_cast %add3A_3320 : i32 to index
        %get3A_3441 = arith.constant 112 : index
        %get3A_3442 = tpu.vector_load %arg17[%get3A_3440, %get3A_3441] {strides = array<i32>} : memref<408x128xf32, #tpu.memory_space<vmem>>, vector<1x16xf32>,
        %get3A_3443 = vector.shape_cast %get3A_3442 : vector<1x16xf32> to vector<16xf32>
        %get3A_3444 = arith.constant 22 : i32
        %get3A_3445 = arith.index_cast %get3A_3444 : i32 to index
        %get3A_3446 = arith.constant 112 : index
        %get3A_3447 = tpu.vector_load %arg15[%get3A_3445, %get3A_3446] {strides = array<i32>} : memref<26x128xf32, #tpu.memory_space<vmem>>, vector<1x16xf32>,
        %get3A_3448 = vector.shape_cast %get3A_3447 : vector<1x16xf32> to vector<16xf32>
        %mul3A_3449 = vector.broadcast %squeeze3A_3314 : f32 to vector<16xf32>
        %mul3A_3450 = arith.mulf %mul3A_3449, %get3A_3448 : vector<16xf32>
        %add3A_3451 = arith.addf %get3A_3443, %mul3A_3450 : vector<16xf32>
        %swap3A_3452 = arith.index_cast %add3A_3320 : i32 to index
        %swap3A_3453 = arith.constant 112 : index
        %swap3A_3454 = tpu.vector_load %arg17[%swap3A_3452, %swap3A_3453] {strides = array<i32>} : memref<408x128xf32, #tpu.memory_space<vmem>>, vector<1x16xf32>,
        %swap3A_3455 = vector.shape_cast %swap3A_3454 : vector<1x16xf32> to vector<16xf32>
        %swap3A_3456 = vector.shape_cast %add3A_3451 : vector<16xf32> to vector<1x16xf32>
        tpu.vector_store %arg17[%swap3A_3452, %swap3A_3453], %swap3A_3456 {strides = array<i32>} : memref<408x128xf32, #tpu.memory_space<vmem>>, vector<1x16xf32>,
        %slice3A_3457 = vector.extract_strided_slice %get3A_147 {offsets = [7], sizes = [1], strides = [1]} : vector<16xf32> to vector<1xf32>
        %squeeze3A_3458 = vector.extract %slice3A_3457[0] : f32 from vector<1xf32>
        %mul3A_3459 = arith.constant 102 : i32
        %mul3A_3460 = arith.muli %rem3A_101, %mul3A_3459 : i32
        %add3A_3461 = arith.constant 26 : i32
        %add3A_3462 = arith.addi %mul3A_3460, %add3A_3461 : i32
        %add3A_3463 = arith.constant 23 : i32
        %add3A_3464 = arith.addi %add3A_3462, %add3A_3463 : i32
        %get3A_3465 = arith.index_cast %add3A_3464 : i32 to index
        %get3A_3466 = arith.constant 0 : index
        %get3A_3467 = tpu.vector_load %arg17[%get3A_3465, %get3A_3466] {strides = array<i32>} : memref<408x128xf32, #tpu.memory_space<vmem>>, vector<1x16xf32>,
        %get3A_3468 = vector.shape_cast %get3A_3467 : vector<1x16xf32> to vector<16xf32>
        %get3A_3469 = arith.constant 23 : i32
        %get3A_3470 = arith.index_cast %get3A_3469 : i32 to index
        %get3A_3471 = arith.constant 0 : index
        %get3A_3472 = tpu.vector_load %arg15[%get3A_3470, %get3A_3471] {strides = array<i32>} : memref<26x128xf32, #tpu.memory_space<vmem>>, vector<1x16xf32>,
        %get3A_3473 = vector.shape_cast %get3A_3472 : vector<1x16xf32> to vector<16xf32>
        %mul3A_3474 = vector.broadcast %squeeze3A_3458 : f32 to vector<16xf32>
        %mul3A_3475 = arith.mulf %mul3A_3474, %get3A_3473 : vector<16xf32>
        %add3A_3476 = arith.addf %get3A_3468, %mul3A_3475 : vector<16xf32>
        %swap3A_3477 = arith.index_cast %add3A_3464 : i32 to index
        %swap3A_3478 = arith.constant 0 : index
        %swap3A_3479 = tpu.vector_load %arg17[%swap3A_3477, %swap3A_3478] {strides = array<i32>} : memref<408x128xf32, #tpu.memory_space<vmem>>, vector<1x16xf32>,
        %swap3A_3480 = vector.shape_cast %swap3A_3479 : vector<1x16xf32> to vector<16xf32>
        %swap3A_3481 = vector.shape_cast %add3A_3476 : vector<16xf32> to vector<1x16xf32>
        tpu.vector_store %arg17[%swap3A_3477, %swap3A_3478], %swap3A_3481 {strides = array<i32>} : memref<408x128xf32, #tpu.memory_space<vmem>>, vector<1x16xf32>,
        %get3A_3482 = arith.index_cast %add3A_3464 : i32 to index
        %get3A_3483 = arith.constant 16 : index
        %get3A_3484 = tpu.vector_load %arg17[%get3A_3482, %get3A_3483] {strides = array<i32>} : memref<408x128xf32, #tpu.memory_space<vmem>>, vector<1x16xf32>,
        %get3A_3485 = vector.shape_cast %get3A_3484 : vector<1x16xf32> to vector<16xf32>
        %get3A_3486 = arith.constant 23 : i32
        %get3A_3487 = arith.index_cast %get3A_3486 : i32 to index
        %get3A_3488 = arith.constant 16 : index
        %get3A_3489 = tpu.vector_load %arg15[%get3A_3487, %get3A_3488] {strides = array<i32>} : memref<26x128xf32, #tpu.memory_space<vmem>>, vector<1x16xf32>,
        %get3A_3490 = vector.shape_cast %get3A_3489 : vector<1x16xf32> to vector<16xf32>
        %mul3A_3491 = vector.broadcast %squeeze3A_3458 : f32 to vector<16xf32>
        %mul3A_3492 = arith.mulf %mul3A_3491, %get3A_3490 : vector<16xf32>
        %add3A_3493 = arith.addf %get3A_3485, %mul3A_3492 : vector<16xf32>
        %swap3A_3494 = arith.index_cast %add3A_3464 : i32 to index
        %swap3A_3495 = arith.constant 16 : index
        %swap3A_3496 = tpu.vector_load %arg17[%swap3A_3494, %swap3A_3495] {strides = array<i32>} : memref<408x128xf32, #tpu.memory_space<vmem>>, vector<1x16xf32>,
        %swap3A_3497 = vector.shape_cast %swap3A_3496 : vector<1x16xf32> to vector<16xf32>
        %swap3A_3498 = vector.shape_cast %add3A_3493 : vector<16xf32> to vector<1x16xf32>
        tpu.vector_store %arg17[%swap3A_3494, %swap3A_3495], %swap3A_3498 {strides = array<i32>} : memref<408x128xf32, #tpu.memory_space<vmem>>, vector<1x16xf32>,
        %get3A_3499 = arith.index_cast %add3A_3464 : i32 to index
        %get3A_3500 = arith.constant 32 : index
        %get3A_3501 = tpu.vector_load %arg17[%get3A_3499, %get3A_3500] {strides = array<i32>} : memref<408x128xf32, #tpu.memory_space<vmem>>, vector<1x16xf32>,
        %get3A_3502 = vector.shape_cast %get3A_3501 : vector<1x16xf32> to vector<16xf32>
        %get3A_3503 = arith.constant 23 : i32
        %get3A_3504 = arith.index_cast %get3A_3503 : i32 to index
        %get3A_3505 = arith.constant 32 : index
        %get3A_3506 = tpu.vector_load %arg15[%get3A_3504, %get3A_3505] {strides = array<i32>} : memref<26x128xf32, #tpu.memory_space<vmem>>, vector<1x16xf32>,
        %get3A_3507 = vector.shape_cast %get3A_3506 : vector<1x16xf32> to vector<16xf32>
        %mul3A_3508 = vector.broadcast %squeeze3A_3458 : f32 to vector<16xf32>
        %mul3A_3509 = arith.mulf %mul3A_3508, %get3A_3507 : vector<16xf32>
        %add3A_3510 = arith.addf %get3A_3502, %mul3A_3509 : vector<16xf32>
        %swap3A_3511 = arith.index_cast %add3A_3464 : i32 to index
        %swap3A_3512 = arith.constant 32 : index
        %swap3A_3513 = tpu.vector_load %arg17[%swap3A_3511, %swap3A_3512] {strides = array<i32>} : memref<408x128xf32, #tpu.memory_space<vmem>>, vector<1x16xf32>,
        %swap3A_3514 = vector.shape_cast %swap3A_3513 : vector<1x16xf32> to vector<16xf32>
        %swap3A_3515 = vector.shape_cast %add3A_3510 : vector<16xf32> to vector<1x16xf32>
        tpu.vector_store %arg17[%swap3A_3511, %swap3A_3512], %swap3A_3515 {strides = array<i32>} : memref<408x128xf32, #tpu.memory_space<vmem>>, vector<1x16xf32>,
        %get3A_3516 = arith.index_cast %add3A_3464 : i32 to index
        %get3A_3517 = arith.constant 48 : index
        %get3A_3518 = tpu.vector_load %arg17[%get3A_3516, %get3A_3517] {strides = array<i32>} : memref<408x128xf32, #tpu.memory_space<vmem>>, vector<1x16xf32>,
        %get3A_3519 = vector.shape_cast %get3A_3518 : vector<1x16xf32> to vector<16xf32>
        %get3A_3520 = arith.constant 23 : i32
        %get3A_3521 = arith.index_cast %get3A_3520 : i32 to index
        %get3A_3522 = arith.constant 48 : index
        %get3A_3523 = tpu.vector_load %arg15[%get3A_3521, %get3A_3522] {strides = array<i32>} : memref<26x128xf32, #tpu.memory_space<vmem>>, vector<1x16xf32>,
        %get3A_3524 = vector.shape_cast %get3A_3523 : vector<1x16xf32> to vector<16xf32>
        %mul3A_3525 = vector.broadcast %squeeze3A_3458 : f32 to vector<16xf32>
        %mul3A_3526 = arith.mulf %mul3A_3525, %get3A_3524 : vector<16xf32>
        %add3A_3527 = arith.addf %get3A_3519, %mul3A_3526 : vector<16xf32>
        %swap3A_3528 = arith.index_cast %add3A_3464 : i32 to index
        %swap3A_3529 = arith.constant 48 : index
        %swap3A_3530 = tpu.vector_load %arg17[%swap3A_3528, %swap3A_3529] {strides = array<i32>} : memref<408x128xf32, #tpu.memory_space<vmem>>, vector<1x16xf32>,
        %swap3A_3531 = vector.shape_cast %swap3A_3530 : vector<1x16xf32> to vector<16xf32>
        %swap3A_3532 = vector.shape_cast %add3A_3527 : vector<16xf32> to vector<1x16xf32>
        tpu.vector_store %arg17[%swap3A_3528, %swap3A_3529], %swap3A_3532 {strides = array<i32>} : memref<408x128xf32, #tpu.memory_space<vmem>>, vector<1x16xf32>,
        %get3A_3533 = arith.index_cast %add3A_3464 : i32 to index
        %get3A_3534 = arith.constant 64 : index
        %get3A_3535 = tpu.vector_load %arg17[%get3A_3533, %get3A_3534] {strides = array<i32>} : memref<408x128xf32, #tpu.memory_space<vmem>>, vector<1x16xf32>,
        %get3A_3536 = vector.shape_cast %get3A_3535 : vector<1x16xf32> to vector<16xf32>
        %get3A_3537 = arith.constant 23 : i32
        %get3A_3538 = arith.index_cast %get3A_3537 : i32 to index
        %get3A_3539 = arith.constant 64 : index
        %get3A_3540 = tpu.vector_load %arg15[%get3A_3538, %get3A_3539] {strides = array<i32>} : memref<26x128xf32, #tpu.memory_space<vmem>>, vector<1x16xf32>,
        %get3A_3541 = vector.shape_cast %get3A_3540 : vector<1x16xf32> to vector<16xf32>
        %mul3A_3542 = vector.broadcast %squeeze3A_3458 : f32 to vector<16xf32>
        %mul3A_3543 = arith.mulf %mul3A_3542, %get3A_3541 : vector<16xf32>
        %add3A_3544 = arith.addf %get3A_3536, %mul3A_3543 : vector<16xf32>
        %swap3A_3545 = arith.index_cast %add3A_3464 : i32 to index
        %swap3A_3546 = arith.constant 64 : index
        %swap3A_3547 = tpu.vector_load %arg17[%swap3A_3545, %swap3A_3546] {strides = array<i32>} : memref<408x128xf32, #tpu.memory_space<vmem>>, vector<1x16xf32>,
        %swap3A_3548 = vector.shape_cast %swap3A_3547 : vector<1x16xf32> to vector<16xf32>
        %swap3A_3549 = vector.shape_cast %add3A_3544 : vector<16xf32> to vector<1x16xf32>
        tpu.vector_store %arg17[%swap3A_3545, %swap3A_3546], %swap3A_3549 {strides = array<i32>} : memref<408x128xf32, #tpu.memory_space<vmem>>, vector<1x16xf32>,
        %get3A_3550 = arith.index_cast %add3A_3464 : i32 to index
        %get3A_3551 = arith.constant 80 : index
        %get3A_3552 = tpu.vector_load %arg17[%get3A_3550, %get3A_3551] {strides = array<i32>} : memref<408x128xf32, #tpu.memory_space<vmem>>, vector<1x16xf32>,
        %get3A_3553 = vector.shape_cast %get3A_3552 : vector<1x16xf32> to vector<16xf32>
        %get3A_3554 = arith.constant 23 : i32
        %get3A_3555 = arith.index_cast %get3A_3554 : i32 to index
        %get3A_3556 = arith.constant 80 : index
        %get3A_3557 = tpu.vector_load %arg15[%get3A_3555, %get3A_3556] {strides = array<i32>} : memref<26x128xf32, #tpu.memory_space<vmem>>, vector<1x16xf32>,
        %get3A_3558 = vector.shape_cast %get3A_3557 : vector<1x16xf32> to vector<16xf32>
        %mul3A_3559 = vector.broadcast %squeeze3A_3458 : f32 to vector<16xf32>
        %mul3A_3560 = arith.mulf %mul3A_3559, %get3A_3558 : vector<16xf32>
        %add3A_3561 = arith.addf %get3A_3553, %mul3A_3560 : vector<16xf32>
        %swap3A_3562 = arith.index_cast %add3A_3464 : i32 to index
        %swap3A_3563 = arith.constant 80 : index
        %swap3A_3564 = tpu.vector_load %arg17[%swap3A_3562, %swap3A_3563] {strides = array<i32>} : memref<408x128xf32, #tpu.memory_space<vmem>>, vector<1x16xf32>,
        %swap3A_3565 = vector.shape_cast %swap3A_3564 : vector<1x16xf32> to vector<16xf32>
        %swap3A_3566 = vector.shape_cast %add3A_3561 : vector<16xf32> to vector<1x16xf32>
        tpu.vector_store %arg17[%swap3A_3562, %swap3A_3563], %swap3A_3566 {strides = array<i32>} : memref<408x128xf32, #tpu.memory_space<vmem>>, vector<1x16xf32>,
        %get3A_3567 = arith.index_cast %add3A_3464 : i32 to index
        %get3A_3568 = arith.constant 96 : index
        %get3A_3569 = tpu.vector_load %arg17[%get3A_3567, %get3A_3568] {strides = array<i32>} : memref<408x128xf32, #tpu.memory_space<vmem>>, vector<1x16xf32>,
        %get3A_3570 = vector.shape_cast %get3A_3569 : vector<1x16xf32> to vector<16xf32>
        %get3A_3571 = arith.constant 23 : i32
        %get3A_3572 = arith.index_cast %get3A_3571 : i32 to index
        %get3A_3573 = arith.constant 96 : index
        %get3A_3574 = tpu.vector_load %arg15[%get3A_3572, %get3A_3573] {strides = array<i32>} : memref<26x128xf32, #tpu.memory_space<vmem>>, vector<1x16xf32>,
        %get3A_3575 = vector.shape_cast %get3A_3574 : vector<1x16xf32> to vector<16xf32>
        %mul3A_3576 = vector.broadcast %squeeze3A_3458 : f32 to vector<16xf32>
        %mul3A_3577 = arith.mulf %mul3A_3576, %get3A_3575 : vector<16xf32>
        %add3A_3578 = arith.addf %get3A_3570, %mul3A_3577 : vector<16xf32>
        %swap3A_3579 = arith.index_cast %add3A_3464 : i32 to index
        %swap3A_3580 = arith.constant 96 : index
        %swap3A_3581 = tpu.vector_load %arg17[%swap3A_3579, %swap3A_3580] {strides = array<i32>} : memref<408x128xf32, #tpu.memory_space<vmem>>, vector<1x16xf32>,
        %swap3A_3582 = vector.shape_cast %swap3A_3581 : vector<1x16xf32> to vector<16xf32>
        %swap3A_3583 = vector.shape_cast %add3A_3578 : vector<16xf32> to vector<1x16xf32>
        tpu.vector_store %arg17[%swap3A_3579, %swap3A_3580], %swap3A_3583 {strides = array<i32>} : memref<408x128xf32, #tpu.memory_space<vmem>>, vector<1x16xf32>,
        %get3A_3584 = arith.index_cast %add3A_3464 : i32 to index
        %get3A_3585 = arith.constant 112 : index
        %get3A_3586 = tpu.vector_load %arg17[%get3A_3584, %get3A_3585] {strides = array<i32>} : memref<408x128xf32, #tpu.memory_space<vmem>>, vector<1x16xf32>,
        %get3A_3587 = vector.shape_cast %get3A_3586 : vector<1x16xf32> to vector<16xf32>
        %get3A_3588 = arith.constant 23 : i32
        %get3A_3589 = arith.index_cast %get3A_3588 : i32 to index
        %get3A_3590 = arith.constant 112 : index
        %get3A_3591 = tpu.vector_load %arg15[%get3A_3589, %get3A_3590] {strides = array<i32>} : memref<26x128xf32, #tpu.memory_space<vmem>>, vector<1x16xf32>,
        %get3A_3592 = vector.shape_cast %get3A_3591 : vector<1x16xf32> to vector<16xf32>
        %mul3A_3593 = vector.broadcast %squeeze3A_3458 : f32 to vector<16xf32>
        %mul3A_3594 = arith.mulf %mul3A_3593, %get3A_3592 : vector<16xf32>
        %add3A_3595 = arith.addf %get3A_3587, %mul3A_3594 : vector<16xf32>
        %swap3A_3596 = arith.index_cast %add3A_3464 : i32 to index
        %swap3A_3597 = arith.constant 112 : index
        %swap3A_3598 = tpu.vector_load %arg17[%swap3A_3596, %swap3A_3597] {strides = array<i32>} : memref<408x128xf32, #tpu.memory_space<vmem>>, vector<1x16xf32>,
        %swap3A_3599 = vector.shape_cast %swap3A_3598 : vector<1x16xf32> to vector<16xf32>
        %swap3A_3600 = vector.shape_cast %add3A_3595 : vector<16xf32> to vector<1x16xf32>
        tpu.vector_store %arg17[%swap3A_3596, %swap3A_3597], %swap3A_3600 {strides = array<i32>} : memref<408x128xf32, #tpu.memory_space<vmem>>, vector<1x16xf32>,
        %slice3A_3601 = vector.extract_strided_slice %get3A_147 {offsets = [8], sizes = [1], strides = [1]} : vector<16xf32> to vector<1xf32>
        %squeeze3A_3602 = vector.extract %slice3A_3601[0] : f32 from vector<1xf32>
        %mul3A_3603 = arith.constant 102 : i32
        %mul3A_3604 = arith.muli %rem3A_101, %mul3A_3603 : i32
        %add3A_3605 = arith.constant 26 : i32
        %add3A_3606 = arith.addi %mul3A_3604, %add3A_3605 : i32
        %add3A_3607 = arith.constant 24 : i32
        %add3A_3608 = arith.addi %add3A_3606, %add3A_3607 : i32
        %get3A_3609 = arith.index_cast %add3A_3608 : i32 to index
        %get3A_3610 = arith.constant 0 : index
        %get3A_3611 = tpu.vector_load %arg17[%get3A_3609, %get3A_3610] {strides = array<i32>} : memref<408x128xf32, #tpu.memory_space<vmem>>, vector<1x16xf32>,
        %get3A_3612 = vector.shape_cast %get3A_3611 : vector<1x16xf32> to vector<16xf32>
        %get3A_3613 = arith.constant 24 : i32
        %get3A_3614 = arith.index_cast %get3A_3613 : i32 to index
        %get3A_3615 = arith.constant 0 : index
        %get3A_3616 = tpu.vector_load %arg15[%get3A_3614, %get3A_3615] {strides = array<i32>} : memref<26x128xf32, #tpu.memory_space<vmem>>, vector<1x16xf32>,
        %get3A_3617 = vector.shape_cast %get3A_3616 : vector<1x16xf32> to vector<16xf32>
        %mul3A_3618 = vector.broadcast %squeeze3A_3602 : f32 to vector<16xf32>
        %mul3A_3619 = arith.mulf %mul3A_3618, %get3A_3617 : vector<16xf32>
        %add3A_3620 = arith.addf %get3A_3612, %mul3A_3619 : vector<16xf32>
        %swap3A_3621 = arith.index_cast %add3A_3608 : i32 to index
        %swap3A_3622 = arith.constant 0 : index
        %swap3A_3623 = tpu.vector_load %arg17[%swap3A_3621, %swap3A_3622] {strides = array<i32>} : memref<408x128xf32, #tpu.memory_space<vmem>>, vector<1x16xf32>,
        %swap3A_3624 = vector.shape_cast %swap3A_3623 : vector<1x16xf32> to vector<16xf32>
        %swap3A_3625 = vector.shape_cast %add3A_3620 : vector<16xf32> to vector<1x16xf32>
        tpu.vector_store %arg17[%swap3A_3621, %swap3A_3622], %swap3A_3625 {strides = array<i32>} : memref<408x128xf32, #tpu.memory_space<vmem>>, vector<1x16xf32>,
        %get3A_3626 = arith.index_cast %add3A_3608 : i32 to index
        %get3A_3627 = arith.constant 16 : index
        %get3A_3628 = tpu.vector_load %arg17[%get3A_3626, %get3A_3627] {strides = array<i32>} : memref<408x128xf32, #tpu.memory_space<vmem>>, vector<1x16xf32>,
        %get3A_3629 = vector.shape_cast %get3A_3628 : vector<1x16xf32> to vector<16xf32>
        %get3A_3630 = arith.constant 24 : i32
        %get3A_3631 = arith.index_cast %get3A_3630 : i32 to index
        %get3A_3632 = arith.constant 16 : index
        %get3A_3633 = tpu.vector_load %arg15[%get3A_3631, %get3A_3632] {strides = array<i32>} : memref<26x128xf32, #tpu.memory_space<vmem>>, vector<1x16xf32>,
        %get3A_3634 = vector.shape_cast %get3A_3633 : vector<1x16xf32> to vector<16xf32>
        %mul3A_3635 = vector.broadcast %squeeze3A_3602 : f32 to vector<16xf32>
        %mul3A_3636 = arith.mulf %mul3A_3635, %get3A_3634 : vector<16xf32>
        %add3A_3637 = arith.addf %get3A_3629, %mul3A_3636 : vector<16xf32>
        %swap3A_3638 = arith.index_cast %add3A_3608 : i32 to index
        %swap3A_3639 = arith.constant 16 : index
        %swap3A_3640 = tpu.vector_load %arg17[%swap3A_3638, %swap3A_3639] {strides = array<i32>} : memref<408x128xf32, #tpu.memory_space<vmem>>, vector<1x16xf32>,
        %swap3A_3641 = vector.shape_cast %swap3A_3640 : vector<1x16xf32> to vector<16xf32>
        %swap3A_3642 = vector.shape_cast %add3A_3637 : vector<16xf32> to vector<1x16xf32>
        tpu.vector_store %arg17[%swap3A_3638, %swap3A_3639], %swap3A_3642 {strides = array<i32>} : memref<408x128xf32, #tpu.memory_space<vmem>>, vector<1x16xf32>,
        %get3A_3643 = arith.index_cast %add3A_3608 : i32 to index
        %get3A_3644 = arith.constant 32 : index
        %get3A_3645 = tpu.vector_load %arg17[%get3A_3643, %get3A_3644] {strides = array<i32>} : memref<408x128xf32, #tpu.memory_space<vmem>>, vector<1x16xf32>,
        %get3A_3646 = vector.shape_cast %get3A_3645 : vector<1x16xf32> to vector<16xf32>
        %get3A_3647 = arith.constant 24 : i32
        %get3A_3648 = arith.index_cast %get3A_3647 : i32 to index
        %get3A_3649 = arith.constant 32 : index
        %get3A_3650 = tpu.vector_load %arg15[%get3A_3648, %get3A_3649] {strides = array<i32>} : memref<26x128xf32, #tpu.memory_space<vmem>>, vector<1x16xf32>,
        %get3A_3651 = vector.shape_cast %get3A_3650 : vector<1x16xf32> to vector<16xf32>
        %mul3A_3652 = vector.broadcast %squeeze3A_3602 : f32 to vector<16xf32>
        %mul3A_3653 = arith.mulf %mul3A_3652, %get3A_3651 : vector<16xf32>
        %add3A_3654 = arith.addf %get3A_3646, %mul3A_3653 : vector<16xf32>
        %swap3A_3655 = arith.index_cast %add3A_3608 : i32 to index
        %swap3A_3656 = arith.constant 32 : index
        %swap3A_3657 = tpu.vector_load %arg17[%swap3A_3655, %swap3A_3656] {strides = array<i32>} : memref<408x128xf32, #tpu.memory_space<vmem>>, vector<1x16xf32>,
        %swap3A_3658 = vector.shape_cast %swap3A_3657 : vector<1x16xf32> to vector<16xf32>
        %swap3A_3659 = vector.shape_cast %add3A_3654 : vector<16xf32> to vector<1x16xf32>
        tpu.vector_store %arg17[%swap3A_3655, %swap3A_3656], %swap3A_3659 {strides = array<i32>} : memref<408x128xf32, #tpu.memory_space<vmem>>, vector<1x16xf32>,
        %get3A_3660 = arith.index_cast %add3A_3608 : i32 to index
        %get3A_3661 = arith.constant 48 : index
        %get3A_3662 = tpu.vector_load %arg17[%get3A_3660, %get3A_3661] {strides = array<i32>} : memref<408x128xf32, #tpu.memory_space<vmem>>, vector<1x16xf32>,
        %get3A_3663 = vector.shape_cast %get3A_3662 : vector<1x16xf32> to vector<16xf32>
        %get3A_3664 = arith.constant 24 : i32
        %get3A_3665 = arith.index_cast %get3A_3664 : i32 to index
        %get3A_3666 = arith.constant 48 : index
        %get3A_3667 = tpu.vector_load %arg15[%get3A_3665, %get3A_3666] {strides = array<i32>} : memref<26x128xf32, #tpu.memory_space<vmem>>, vector<1x16xf32>,
        %get3A_3668 = vector.shape_cast %get3A_3667 : vector<1x16xf32> to vector<16xf32>
        %mul3A_3669 = vector.broadcast %squeeze3A_3602 : f32 to vector<16xf32>
        %mul3A_3670 = arith.mulf %mul3A_3669, %get3A_3668 : vector<16xf32>
        %add3A_3671 = arith.addf %get3A_3663, %mul3A_3670 : vector<16xf32>
        %swap3A_3672 = arith.index_cast %add3A_3608 : i32 to index
        %swap3A_3673 = arith.constant 48 : index
        %swap3A_3674 = tpu.vector_load %arg17[%swap3A_3672, %swap3A_3673] {strides = array<i32>} : memref<408x128xf32, #tpu.memory_space<vmem>>, vector<1x16xf32>,
        %swap3A_3675 = vector.shape_cast %swap3A_3674 : vector<1x16xf32> to vector<16xf32>
        %swap3A_3676 = vector.shape_cast %add3A_3671 : vector<16xf32> to vector<1x16xf32>
        tpu.vector_store %arg17[%swap3A_3672, %swap3A_3673], %swap3A_3676 {strides = array<i32>} : memref<408x128xf32, #tpu.memory_space<vmem>>, vector<1x16xf32>,
        %get3A_3677 = arith.index_cast %add3A_3608 : i32 to index
        %get3A_3678 = arith.constant 64 : index
        %get3A_3679 = tpu.vector_load %arg17[%get3A_3677, %get3A_3678] {strides = array<i32>} : memref<408x128xf32, #tpu.memory_space<vmem>>, vector<1x16xf32>,
        %get3A_3680 = vector.shape_cast %get3A_3679 : vector<1x16xf32> to vector<16xf32>
        %get3A_3681 = arith.constant 24 : i32
        %get3A_3682 = arith.index_cast %get3A_3681 : i32 to index
        %get3A_3683 = arith.constant 64 : index
        %get3A_3684 = tpu.vector_load %arg15[%get3A_3682, %get3A_3683] {strides = array<i32>} : memref<26x128xf32, #tpu.memory_space<vmem>>, vector<1x16xf32>,
        %get3A_3685 = vector.shape_cast %get3A_3684 : vector<1x16xf32> to vector<16xf32>
        %mul3A_3686 = vector.broadcast %squeeze3A_3602 : f32 to vector<16xf32>
        %mul3A_3687 = arith.mulf %mul3A_3686, %get3A_3685 : vector<16xf32>
        %add3A_3688 = arith.addf %get3A_3680, %mul3A_3687 : vector<16xf32>
        %swap3A_3689 = arith.index_cast %add3A_3608 : i32 to index
        %swap3A_3690 = arith.constant 64 : index
        %swap3A_3691 = tpu.vector_load %arg17[%swap3A_3689, %swap3A_3690] {strides = array<i32>} : memref<408x128xf32, #tpu.memory_space<vmem>>, vector<1x16xf32>,
        %swap3A_3692 = vector.shape_cast %swap3A_3691 : vector<1x16xf32> to vector<16xf32>
        %swap3A_3693 = vector.shape_cast %add3A_3688 : vector<16xf32> to vector<1x16xf32>
        tpu.vector_store %arg17[%swap3A_3689, %swap3A_3690], %swap3A_3693 {strides = array<i32>} : memref<408x128xf32, #tpu.memory_space<vmem>>, vector<1x16xf32>,
        %get3A_3694 = arith.index_cast %add3A_3608 : i32 to index
        %get3A_3695 = arith.constant 80 : index
        %get3A_3696 = tpu.vector_load %arg17[%get3A_3694, %get3A_3695] {strides = array<i32>} : memref<408x128xf32, #tpu.memory_space<vmem>>, vector<1x16xf32>,
        %get3A_3697 = vector.shape_cast %get3A_3696 : vector<1x16xf32> to vector<16xf32>
        %get3A_3698 = arith.constant 24 : i32
        %get3A_3699 = arith.index_cast %get3A_3698 : i32 to index
        %get3A_3700 = arith.constant 80 : index
        %get3A_3701 = tpu.vector_load %arg15[%get3A_3699, %get3A_3700] {strides = array<i32>} : memref<26x128xf32, #tpu.memory_space<vmem>>, vector<1x16xf32>,
        %get3A_3702 = vector.shape_cast %get3A_3701 : vector<1x16xf32> to vector<16xf32>
        %mul3A_3703 = vector.broadcast %squeeze3A_3602 : f32 to vector<16xf32>
        %mul3A_3704 = arith.mulf %mul3A_3703, %get3A_3702 : vector<16xf32>
        %add3A_3705 = arith.addf %get3A_3697, %mul3A_3704 : vector<16xf32>
        %swap3A_3706 = arith.index_cast %add3A_3608 : i32 to index
        %swap3A_3707 = arith.constant 80 : index
        %swap3A_3708 = tpu.vector_load %arg17[%swap3A_3706, %swap3A_3707] {strides = array<i32>} : memref<408x128xf32, #tpu.memory_space<vmem>>, vector<1x16xf32>,
        %swap3A_3709 = vector.shape_cast %swap3A_3708 : vector<1x16xf32> to vector<16xf32>
        %swap3A_3710 = vector.shape_cast %add3A_3705 : vector<16xf32> to vector<1x16xf32>
        tpu.vector_store %arg17[%swap3A_3706, %swap3A_3707], %swap3A_3710 {strides = array<i32>} : memref<408x128xf32, #tpu.memory_space<vmem>>, vector<1x16xf32>,
        %get3A_3711 = arith.index_cast %add3A_3608 : i32 to index
        %get3A_3712 = arith.constant 96 : index
        %get3A_3713 = tpu.vector_load %arg17[%get3A_3711, %get3A_3712] {strides = array<i32>} : memref<408x128xf32, #tpu.memory_space<vmem>>, vector<1x16xf32>,
        %get3A_3714 = vector.shape_cast %get3A_3713 : vector<1x16xf32> to vector<16xf32>
        %get3A_3715 = arith.constant 24 : i32
        %get3A_3716 = arith.index_cast %get3A_3715 : i32 to index
        %get3A_3717 = arith.constant 96 : index
        %get3A_3718 = tpu.vector_load %arg15[%get3A_3716, %get3A_3717] {strides = array<i32>} : memref<26x128xf32, #tpu.memory_space<vmem>>, vector<1x16xf32>,
        %get3A_3719 = vector.shape_cast %get3A_3718 : vector<1x16xf32> to vector<16xf32>
        %mul3A_3720 = vector.broadcast %squeeze3A_3602 : f32 to vector<16xf32>
        %mul3A_3721 = arith.mulf %mul3A_3720, %get3A_3719 : vector<16xf32>
        %add3A_3722 = arith.addf %get3A_3714, %mul3A_3721 : vector<16xf32>
        %swap3A_3723 = arith.index_cast %add3A_3608 : i32 to index
        %swap3A_3724 = arith.constant 96 : index
        %swap3A_3725 = tpu.vector_load %arg17[%swap3A_3723, %swap3A_3724] {strides = array<i32>} : memref<408x128xf32, #tpu.memory_space<vmem>>, vector<1x16xf32>,
        %swap3A_3726 = vector.shape_cast %swap3A_3725 : vector<1x16xf32> to vector<16xf32>
        %swap3A_3727 = vector.shape_cast %add3A_3722 : vector<16xf32> to vector<1x16xf32>
        tpu.vector_store %arg17[%swap3A_3723, %swap3A_3724], %swap3A_3727 {strides = array<i32>} : memref<408x128xf32, #tpu.memory_space<vmem>>, vector<1x16xf32>,
        %get3A_3728 = arith.index_cast %add3A_3608 : i32 to index
        %get3A_3729 = arith.constant 112 : index
        %get3A_3730 = tpu.vector_load %arg17[%get3A_3728, %get3A_3729] {strides = array<i32>} : memref<408x128xf32, #tpu.memory_space<vmem>>, vector<1x16xf32>,
        %get3A_3731 = vector.shape_cast %get3A_3730 : vector<1x16xf32> to vector<16xf32>
        %get3A_3732 = arith.constant 24 : i32
        %get3A_3733 = arith.index_cast %get3A_3732 : i32 to index
        %get3A_3734 = arith.constant 112 : index
        %get3A_3735 = tpu.vector_load %arg15[%get3A_3733, %get3A_3734] {strides = array<i32>} : memref<26x128xf32, #tpu.memory_space<vmem>>, vector<1x16xf32>,
        %get3A_3736 = vector.shape_cast %get3A_3735 : vector<1x16xf32> to vector<16xf32>
        %mul3A_3737 = vector.broadcast %squeeze3A_3602 : f32 to vector<16xf32>
        %mul3A_3738 = arith.mulf %mul3A_3737, %get3A_3736 : vector<16xf32>
        %add3A_3739 = arith.addf %get3A_3731, %mul3A_3738 : vector<16xf32>
        %swap3A_3740 = arith.index_cast %add3A_3608 : i32 to index
        %swap3A_3741 = arith.constant 112 : index
        %swap3A_3742 = tpu.vector_load %arg17[%swap3A_3740, %swap3A_3741] {strides = array<i32>} : memref<408x128xf32, #tpu.memory_space<vmem>>, vector<1x16xf32>,
        %swap3A_3743 = vector.shape_cast %swap3A_3742 : vector<1x16xf32> to vector<16xf32>
        %swap3A_3744 = vector.shape_cast %add3A_3739 : vector<16xf32> to vector<1x16xf32>
        tpu.vector_store %arg17[%swap3A_3740, %swap3A_3741], %swap3A_3744 {strides = array<i32>} : memref<408x128xf32, #tpu.memory_space<vmem>>, vector<1x16xf32>,
        %slice3A_3745 = vector.extract_strided_slice %get3A_147 {offsets = [9], sizes = [1], strides = [1]} : vector<16xf32> to vector<1xf32>
        %squeeze3A_3746 = vector.extract %slice3A_3745[0] : f32 from vector<1xf32>
        %mul3A_3747 = arith.constant 102 : i32
        %mul3A_3748 = arith.muli %rem3A_101, %mul3A_3747 : i32
        %add3A_3749 = arith.constant 26 : i32
        %add3A_3750 = arith.addi %mul3A_3748, %add3A_3749 : i32
        %add3A_3751 = arith.constant 25 : i32
        %add3A_3752 = arith.addi %add3A_3750, %add3A_3751 : i32
        %get3A_3753 = arith.index_cast %add3A_3752 : i32 to index
        %get3A_3754 = arith.constant 0 : index
        %get3A_3755 = tpu.vector_load %arg17[%get3A_3753, %get3A_3754] {strides = array<i32>} : memref<408x128xf32, #tpu.memory_space<vmem>>, vector<1x16xf32>,
        %get3A_3756 = vector.shape_cast %get3A_3755 : vector<1x16xf32> to vector<16xf32>
        %get3A_3757 = arith.constant 25 : i32
        %get3A_3758 = arith.index_cast %get3A_3757 : i32 to index
        %get3A_3759 = arith.constant 0 : index
        %get3A_3760 = tpu.vector_load %arg15[%get3A_3758, %get3A_3759] {strides = array<i32>} : memref<26x128xf32, #tpu.memory_space<vmem>>, vector<1x16xf32>,
        %get3A_3761 = vector.shape_cast %get3A_3760 : vector<1x16xf32> to vector<16xf32>
        %mul3A_3762 = vector.broadcast %squeeze3A_3746 : f32 to vector<16xf32>
        %mul3A_3763 = arith.mulf %mul3A_3762, %get3A_3761 : vector<16xf32>
        %add3A_3764 = arith.addf %get3A_3756, %mul3A_3763 : vector<16xf32>
        %swap3A_3765 = arith.index_cast %add3A_3752 : i32 to index
        %swap3A_3766 = arith.constant 0 : index
        %swap3A_3767 = tpu.vector_load %arg17[%swap3A_3765, %swap3A_3766] {strides = array<i32>} : memref<408x128xf32, #tpu.memory_space<vmem>>, vector<1x16xf32>,
        %swap3A_3768 = vector.shape_cast %swap3A_3767 : vector<1x16xf32> to vector<16xf32>
        %swap3A_3769 = vector.shape_cast %add3A_3764 : vector<16xf32> to vector<1x16xf32>
        tpu.vector_store %arg17[%swap3A_3765, %swap3A_3766], %swap3A_3769 {strides = array<i32>} : memref<408x128xf32, #tpu.memory_space<vmem>>, vector<1x16xf32>,
        %get3A_3770 = arith.index_cast %add3A_3752 : i32 to index
        %get3A_3771 = arith.constant 16 : index
        %get3A_3772 = tpu.vector_load %arg17[%get3A_3770, %get3A_3771] {strides = array<i32>} : memref<408x128xf32, #tpu.memory_space<vmem>>, vector<1x16xf32>,
        %get3A_3773 = vector.shape_cast %get3A_3772 : vector<1x16xf32> to vector<16xf32>
        %get3A_3774 = arith.constant 25 : i32
        %get3A_3775 = arith.index_cast %get3A_3774 : i32 to index
        %get3A_3776 = arith.constant 16 : index
        %get3A_3777 = tpu.vector_load %arg15[%get3A_3775, %get3A_3776] {strides = array<i32>} : memref<26x128xf32, #tpu.memory_space<vmem>>, vector<1x16xf32>,
        %get3A_3778 = vector.shape_cast %get3A_3777 : vector<1x16xf32> to vector<16xf32>
        %mul3A_3779 = vector.broadcast %squeeze3A_3746 : f32 to vector<16xf32>
        %mul3A_3780 = arith.mulf %mul3A_3779, %get3A_3778 : vector<16xf32>
        %add3A_3781 = arith.addf %get3A_3773, %mul3A_3780 : vector<16xf32>
        %swap3A_3782 = arith.index_cast %add3A_3752 : i32 to index
        %swap3A_3783 = arith.constant 16 : index
        %swap3A_3784 = tpu.vector_load %arg17[%swap3A_3782, %swap3A_3783] {strides = array<i32>} : memref<408x128xf32, #tpu.memory_space<vmem>>, vector<1x16xf32>,
        %swap3A_3785 = vector.shape_cast %swap3A_3784 : vector<1x16xf32> to vector<16xf32>
        %swap3A_3786 = vector.shape_cast %add3A_3781 : vector<16xf32> to vector<1x16xf32>
        tpu.vector_store %arg17[%swap3A_3782, %swap3A_3783], %swap3A_3786 {strides = array<i32>} : memref<408x128xf32, #tpu.memory_space<vmem>>, vector<1x16xf32>,
        %get3A_3787 = arith.index_cast %add3A_3752 : i32 to index
        %get3A_3788 = arith.constant 32 : index
        %get3A_3789 = tpu.vector_load %arg17[%get3A_3787, %get3A_3788] {strides = array<i32>} : memref<408x128xf32, #tpu.memory_space<vmem>>, vector<1x16xf32>,
        %get3A_3790 = vector.shape_cast %get3A_3789 : vector<1x16xf32> to vector<16xf32>
        %get3A_3791 = arith.constant 25 : i32
        %get3A_3792 = arith.index_cast %get3A_3791 : i32 to index
        %get3A_3793 = arith.constant 32 : index
        %get3A_3794 = tpu.vector_load %arg15[%get3A_3792, %get3A_3793] {strides = array<i32>} : memref<26x128xf32, #tpu.memory_space<vmem>>, vector<1x16xf32>,
        %get3A_3795 = vector.shape_cast %get3A_3794 : vector<1x16xf32> to vector<16xf32>
        %mul3A_3796 = vector.broadcast %squeeze3A_3746 : f32 to vector<16xf32>
        %mul3A_3797 = arith.mulf %mul3A_3796, %get3A_3795 : vector<16xf32>
        %add3A_3798 = arith.addf %get3A_3790, %mul3A_3797 : vector<16xf32>
        %swap3A_3799 = arith.index_cast %add3A_3752 : i32 to index
        %swap3A_3800 = arith.constant 32 : index
        %swap3A_3801 = tpu.vector_load %arg17[%swap3A_3799, %swap3A_3800] {strides = array<i32>} : memref<408x128xf32, #tpu.memory_space<vmem>>, vector<1x16xf32>,
        %swap3A_3802 = vector.shape_cast %swap3A_3801 : vector<1x16xf32> to vector<16xf32>
        %swap3A_3803 = vector.shape_cast %add3A_3798 : vector<16xf32> to vector<1x16xf32>
        tpu.vector_store %arg17[%swap3A_3799, %swap3A_3800], %swap3A_3803 {strides = array<i32>} : memref<408x128xf32, #tpu.memory_space<vmem>>, vector<1x16xf32>,
        %get3A_3804 = arith.index_cast %add3A_3752 : i32 to index
        %get3A_3805 = arith.constant 48 : index
        %get3A_3806 = tpu.vector_load %arg17[%get3A_3804, %get3A_3805] {strides = array<i32>} : memref<408x128xf32, #tpu.memory_space<vmem>>, vector<1x16xf32>,
        %get3A_3807 = vector.shape_cast %get3A_3806 : vector<1x16xf32> to vector<16xf32>
        %get3A_3808 = arith.constant 25 : i32
        %get3A_3809 = arith.index_cast %get3A_3808 : i32 to index
        %get3A_3810 = arith.constant 48 : index
        %get3A_3811 = tpu.vector_load %arg15[%get3A_3809, %get3A_3810] {strides = array<i32>} : memref<26x128xf32, #tpu.memory_space<vmem>>, vector<1x16xf32>,
        %get3A_3812 = vector.shape_cast %get3A_3811 : vector<1x16xf32> to vector<16xf32>
        %mul3A_3813 = vector.broadcast %squeeze3A_3746 : f32 to vector<16xf32>
        %mul3A_3814 = arith.mulf %mul3A_3813, %get3A_3812 : vector<16xf32>
        %add3A_3815 = arith.addf %get3A_3807, %mul3A_3814 : vector<16xf32>
        %swap3A_3816 = arith.index_cast %add3A_3752 : i32 to index
        %swap3A_3817 = arith.constant 48 : index
        %swap3A_3818 = tpu.vector_load %arg17[%swap3A_3816, %swap3A_3817] {strides = array<i32>} : memref<408x128xf32, #tpu.memory_space<vmem>>, vector<1x16xf32>,
        %swap3A_3819 = vector.shape_cast %swap3A_3818 : vector<1x16xf32> to vector<16xf32>
        %swap3A_3820 = vector.shape_cast %add3A_3815 : vector<16xf32> to vector<1x16xf32>
        tpu.vector_store %arg17[%swap3A_3816, %swap3A_3817], %swap3A_3820 {strides = array<i32>} : memref<408x128xf32, #tpu.memory_space<vmem>>, vector<1x16xf32>,
        %get3A_3821 = arith.index_cast %add3A_3752 : i32 to index
        %get3A_3822 = arith.constant 64 : index
        %get3A_3823 = tpu.vector_load %arg17[%get3A_3821, %get3A_3822] {strides = array<i32>} : memref<408x128xf32, #tpu.memory_space<vmem>>, vector<1x16xf32>,
        %get3A_3824 = vector.shape_cast %get3A_3823 : vector<1x16xf32> to vector<16xf32>
        %get3A_3825 = arith.constant 25 : i32
        %get3A_3826 = arith.index_cast %get3A_3825 : i32 to index
        %get3A_3827 = arith.constant 64 : index
        %get3A_3828 = tpu.vector_load %arg15[%get3A_3826, %get3A_3827] {strides = array<i32>} : memref<26x128xf32, #tpu.memory_space<vmem>>, vector<1x16xf32>,
        %get3A_3829 = vector.shape_cast %get3A_3828 : vector<1x16xf32> to vector<16xf32>
        %mul3A_3830 = vector.broadcast %squeeze3A_3746 : f32 to vector<16xf32>
        %mul3A_3831 = arith.mulf %mul3A_3830, %get3A_3829 : vector<16xf32>
        %add3A_3832 = arith.addf %get3A_3824, %mul3A_3831 : vector<16xf32>
        %swap3A_3833 = arith.index_cast %add3A_3752 : i32 to index
        %swap3A_3834 = arith.constant 64 : index
        %swap3A_3835 = tpu.vector_load %arg17[%swap3A_3833, %swap3A_3834] {strides = array<i32>} : memref<408x128xf32, #tpu.memory_space<vmem>>, vector<1x16xf32>,
        %swap3A_3836 = vector.shape_cast %swap3A_3835 : vector<1x16xf32> to vector<16xf32>
        %swap3A_3837 = vector.shape_cast %add3A_3832 : vector<16xf32> to vector<1x16xf32>
        tpu.vector_store %arg17[%swap3A_3833, %swap3A_3834], %swap3A_3837 {strides = array<i32>} : memref<408x128xf32, #tpu.memory_space<vmem>>, vector<1x16xf32>,
        %get3A_3838 = arith.index_cast %add3A_3752 : i32 to index
        %get3A_3839 = arith.constant 80 : index
        %get3A_3840 = tpu.vector_load %arg17[%get3A_3838, %get3A_3839] {strides = array<i32>} : memref<408x128xf32, #tpu.memory_space<vmem>>, vector<1x16xf32>,
        %get3A_3841 = vector.shape_cast %get3A_3840 : vector<1x16xf32> to vector<16xf32>
        %get3A_3842 = arith.constant 25 : i32
        %get3A_3843 = arith.index_cast %get3A_3842 : i32 to index
        %get3A_3844 = arith.constant 80 : index
        %get3A_3845 = tpu.vector_load %arg15[%get3A_3843, %get3A_3844] {strides = array<i32>} : memref<26x128xf32, #tpu.memory_space<vmem>>, vector<1x16xf32>,
        %get3A_3846 = vector.shape_cast %get3A_3845 : vector<1x16xf32> to vector<16xf32>
        %mul3A_3847 = vector.broadcast %squeeze3A_3746 : f32 to vector<16xf32>
        %mul3A_3848 = arith.mulf %mul3A_3847, %get3A_3846 : vector<16xf32>
        %add3A_3849 = arith.addf %get3A_3841, %mul3A_3848 : vector<16xf32>
        %swap3A_3850 = arith.index_cast %add3A_3752 : i32 to index
        %swap3A_3851 = arith.constant 80 : index
        %swap3A_3852 = tpu.vector_load %arg17[%swap3A_3850, %swap3A_3851] {strides = array<i32>} : memref<408x128xf32, #tpu.memory_space<vmem>>, vector<1x16xf32>,
        %swap3A_3853 = vector.shape_cast %swap3A_3852 : vector<1x16xf32> to vector<16xf32>
        %swap3A_3854 = vector.shape_cast %add3A_3849 : vector<16xf32> to vector<1x16xf32>
        tpu.vector_store %arg17[%swap3A_3850, %swap3A_3851], %swap3A_3854 {strides = array<i32>} : memref<408x128xf32, #tpu.memory_space<vmem>>, vector<1x16xf32>,
        %get3A_3855 = arith.index_cast %add3A_3752 : i32 to index
        %get3A_3856 = arith.constant 96 : index
        %get3A_3857 = tpu.vector_load %arg17[%get3A_3855, %get3A_3856] {strides = array<i32>} : memref<408x128xf32, #tpu.memory_space<vmem>>, vector<1x16xf32>,
        %get3A_3858 = vector.shape_cast %get3A_3857 : vector<1x16xf32> to vector<16xf32>
        %get3A_3859 = arith.constant 25 : i32
        %get3A_3860 = arith.index_cast %get3A_3859 : i32 to index
        %get3A_3861 = arith.constant 96 : index
        %get3A_3862 = tpu.vector_load %arg15[%get3A_3860, %get3A_3861] {strides = array<i32>} : memref<26x128xf32, #tpu.memory_space<vmem>>, vector<1x16xf32>,
        %get3A_3863 = vector.shape_cast %get3A_3862 : vector<1x16xf32> to vector<16xf32>
        %mul3A_3864 = vector.broadcast %squeeze3A_3746 : f32 to vector<16xf32>
        %mul3A_3865 = arith.mulf %mul3A_3864, %get3A_3863 : vector<16xf32>
        %add3A_3866 = arith.addf %get3A_3858, %mul3A_3865 : vector<16xf32>
        %swap3A_3867 = arith.index_cast %add3A_3752 : i32 to index
        %swap3A_3868 = arith.constant 96 : index
        %swap3A_3869 = tpu.vector_load %arg17[%swap3A_3867, %swap3A_3868] {strides = array<i32>} : memref<408x128xf32, #tpu.memory_space<vmem>>, vector<1x16xf32>,
        %swap3A_3870 = vector.shape_cast %swap3A_3869 : vector<1x16xf32> to vector<16xf32>
        %swap3A_3871 = vector.shape_cast %add3A_3866 : vector<16xf32> to vector<1x16xf32>
        tpu.vector_store %arg17[%swap3A_3867, %swap3A_3868], %swap3A_3871 {strides = array<i32>} : memref<408x128xf32, #tpu.memory_space<vmem>>, vector<1x16xf32>,
        %get3A_3872 = arith.index_cast %add3A_3752 : i32 to index
        %get3A_3873 = arith.constant 112 : index
        %get3A_3874 = tpu.vector_load %arg17[%get3A_3872, %get3A_3873] {strides = array<i32>} : memref<408x128xf32, #tpu.memory_space<vmem>>, vector<1x16xf32>,
        %get3A_3875 = vector.shape_cast %get3A_3874 : vector<1x16xf32> to vector<16xf32>
        %get3A_3876 = arith.constant 25 : i32
        %get3A_3877 = arith.index_cast %get3A_3876 : i32 to index
        %get3A_3878 = arith.constant 112 : index
        %get3A_3879 = tpu.vector_load %arg15[%get3A_3877, %get3A_3878] {strides = array<i32>} : memref<26x128xf32, #tpu.memory_space<vmem>>, vector<1x16xf32>,
        %get3A_3880 = vector.shape_cast %get3A_3879 : vector<1x16xf32> to vector<16xf32>
        %mul3A_3881 = vector.broadcast %squeeze3A_3746 : f32 to vector<16xf32>
        %mul3A_3882 = arith.mulf %mul3A_3881, %get3A_3880 : vector<16xf32>
        %add3A_3883 = arith.addf %get3A_3875, %mul3A_3882 : vector<16xf32>
        %swap3A_3884 = arith.index_cast %add3A_3752 : i32 to index
        %swap3A_3885 = arith.constant 112 : index
        %swap3A_3886 = tpu.vector_load %arg17[%swap3A_3884, %swap3A_3885] {strides = array<i32>} : memref<408x128xf32, #tpu.memory_space<vmem>>, vector<1x16xf32>,
        %swap3A_3887 = vector.shape_cast %swap3A_3886 : vector<1x16xf32> to vector<16xf32>
        %swap3A_3888 = vector.shape_cast %add3A_3883 : vector<16xf32> to vector<1x16xf32>
        tpu.vector_store %arg17[%swap3A_3884, %swap3A_3885], %swap3A_3888 {strides = array<i32>} : memref<408x128xf32, #tpu.memory_space<vmem>>, vector<1x16xf32>,
      } else {
      }
      %ge3A_95 = arith.constant 2 : i32
      %ge3A_96 = arith.cmpi sge, %scan3A_85, %ge3A_95 : i32
      %convert_element_type3A_97 = arith.extui %ge3A_96 : i1 to i32
      %cond3A_98 = arith.constant 0 : i32
      %cond3A_99 = arith.cmpi ne, %convert_element_type3A_97, %cond3A_98 : i32
      scf.if %cond3A_99 {
        %sub3A = arith.constant 2 : i32
        %sub3A_100 = arith.subi %scan3A_85, %sub3A : i32
        %rem3A = arith.constant 4 : i32
        %rem3A_101 = arith.remsi %sub3A_100, %rem3A : i32
        %mul3A_102 = arith.constant 102 : i32
        %mul3A_103 = arith.muli %rem3A_101, %mul3A_102 : i32
        %dma_wait3A_104 = arith.constant 0 : i32
        %dma_wait3A_105 = tpu.memref_slice %arg17[%mul3A_103, %dma_wait3A_104] : memref<408x128xf32, #tpu.memory_space<vmem>> -> memref<26x128xf32, #tpu.memory_space<vmem>>
        %dma_wait3A_106 = arith.constant 0 : i32
        %dma_wait3A_107 = tpu.memref_slice %arg12[%sub3A_100, %dma_wait3A_106] : memref<128x26xi32, #tpu.memory_space<vmem>> -> memref<1x26xi32, #tpu.memory_space<vmem>>
        %dma_wait3A_108 = tpu.memref_squeeze %dma_wait3A_107 : memref<1x26xi32, #tpu.memory_space<vmem>> -> memref<26xi32, #tpu.memory_space<vmem>>
        %dma_wait3A_109 = arith.constant 0 : i32
        %dma_wait3A_110 = arith.constant 0 : i32
        %dma_wait3A_111 = tpu.memref_slice %arg2[%dma_wait3A_109, %dma_wait3A_110] : memref<1000000x128xf32, #tpu.memory_space<hbm>> -> memref<1000000x128xf32, #tpu.memory_space<hbm>>
        %dma_wait3A_112 = tpu.memref_slice %arg19[%rem3A_101] : memref<4x!tpu.dma_semaphore, #tpu.memory_space<semaphore_mem>> -> memref<1x!tpu.dma_semaphore, #tpu.memory_space<semaphore_mem>>
        %dma_wait3A_113 = tpu.memref_squeeze %dma_wait3A_112 : memref<1x!tpu.dma_semaphore, #tpu.memory_space<semaphore_mem>> -> memref<!tpu.dma_semaphore, #tpu.memory_space<semaphore_mem>>
        tpu.wait_indirect_dma semaphore(%dma_wait3A_113 : memref<!tpu.dma_semaphore, #tpu.memory_space<semaphore_mem>>) src(%dma_wait3A_111 : memref<1000000x128xf32, #tpu.memory_space<hbm>>) dst(%dma_wait3A_105 : memref<26x128xf32, #tpu.memory_space<vmem>>)
        %mul3A_114 = arith.constant 102 : i32
        %mul3A_115 = arith.muli %rem3A_101, %mul3A_114 : i32
        %add3A_116 = arith.constant 26 : i32
        %add3A_117 = arith.addi %mul3A_115, %add3A_116 : i32
        %add3A_118 = arith.constant 26 : i32
        %add3A_119 = arith.addi %add3A_117, %add3A_118 : i32
        %dma_wait3A_120 = arith.constant 0 : i32
        %dma_wait3A_121 = tpu.memref_slice %arg17[%add3A_119, %dma_wait3A_120] : memref<408x128xf32, #tpu.memory_space<vmem>> -> memref<50x128xf32, #tpu.memory_space<vmem>>
        %dma_wait3A_122 = arith.constant 0 : i32
        %dma_wait3A_123 = tpu.memref_slice %arg13[%sub3A_100, %dma_wait3A_122] : memref<128x50xi32, #tpu.memory_space<vmem>> -> memref<1x50xi32, #tpu.memory_space<vmem>>
        %dma_wait3A_124 = tpu.memref_squeeze %dma_wait3A_123 : memref<1x50xi32, #tpu.memory_space<vmem>> -> memref<50xi32, #tpu.memory_space<vmem>>
        %dma_wait3A_125 = arith.constant 0 : i32
        %dma_wait3A_126 = arith.constant 0 : i32
        %dma_wait3A_127 = tpu.memref_slice %arg3[%dma_wait3A_125, %dma_wait3A_126] : memref<100000x128xf32, #tpu.memory_space<hbm>> -> memref<100000x128xf32, #tpu.memory_space<hbm>>
        %dma_wait3A_128 = tpu.memref_slice %arg20[%rem3A_101] : memref<4x!tpu.dma_semaphore, #tpu.memory_space<semaphore_mem>> -> memref<1x!tpu.dma_semaphore, #tpu.memory_space<semaphore_mem>>
        %dma_wait3A_129 = tpu.memref_squeeze %dma_wait3A_128 : memref<1x!tpu.dma_semaphore, #tpu.memory_space<semaphore_mem>> -> memref<!tpu.dma_semaphore, #tpu.memory_space<semaphore_mem>>
        tpu.wait_indirect_dma semaphore(%dma_wait3A_129 : memref<!tpu.dma_semaphore, #tpu.memory_space<semaphore_mem>>) src(%dma_wait3A_127 : memref<100000x128xf32, #tpu.memory_space<hbm>>) dst(%dma_wait3A_121 : memref<50x128xf32, #tpu.memory_space<vmem>>)
        %mul3A_130 = arith.constant 102 : i32
        %mul3A_131 = arith.muli %rem3A_101, %mul3A_130 : i32
        %add3A_132 = arith.addi %mul3A_2, %sub3A_100 : i32
        %dma_start3A = arith.constant 0 : i32
        %dma_start3A_133 = tpu.memref_slice %arg17[%mul3A_131, %dma_start3A] : memref<408x128xf32, #tpu.memory_space<vmem>> -> memref<102x128xf32, #tpu.memory_space<vmem>>
        %dma_start3A_134 = arith.constant 0 : i32
        %dma_start3A_135 = arith.constant 0 : i32
        %dma_start3A_136 = tpu.memref_slice %arg10[%add3A_132, %dma_start3A_134, %dma_start3A_135] : memref<4096x102x128xf32, #tpu.memory_space<hbm>> -> memref<1x102x128xf32, #tpu.memory_space<hbm>>
        %dma_start3A_137 = tpu.memref_squeeze %dma_start3A_136 : memref<1x102x128xf32, #tpu.memory_space<hbm>> -> memref<102x128xf32, #tpu.memory_space<hbm>>
        %dma_start3A_138 = tpu.memref_slice %arg21[%rem3A_101] : memref<4x!tpu.dma_semaphore, #tpu.memory_space<semaphore_mem>> -> memref<1x!tpu.dma_semaphore, #tpu.memory_space<semaphore_mem>>
        %dma_start3A_139 = tpu.memref_squeeze %dma_start3A_138 : memref<1x!tpu.dma_semaphore, #tpu.memory_space<semaphore_mem>> -> memref<!tpu.dma_semaphore, #tpu.memory_space<semaphore_mem>>
        %dma_start3A_140 = arith.constant 0 : i32
        %dma_start3A_141 = arith.constant 0 : i32
        %dma_start3A_142 = tpu.memref_slice %arg10[%add3A_132, %dma_start3A_140, %dma_start3A_141] : memref<4096x102x128xf32, #tpu.memory_space<hbm>> -> memref<1x102x128xf32, #tpu.memory_space<hbm>>
        %dma_start3A_143 = tpu.memref_squeeze %dma_start3A_142 : memref<1x102x128xf32, #tpu.memory_space<hbm>> -> memref<102x128xf32, #tpu.memory_space<hbm>>
        %dma_start3A_144 = arith.constant 0 : i32
        %dma_start3A_145 = tpu.memref_slice %arg17[%mul3A_131, %dma_start3A_144] : memref<408x128xf32, #tpu.memory_space<vmem>> -> memref<102x128xf32, #tpu.memory_space<vmem>>
        tpu.enqueue_dma source(%dma_start3A_145 : memref<102x128xf32, #tpu.memory_space<vmem>>) target(%dma_start3A_143 : memref<102x128xf32, #tpu.memory_space<hbm>>) target_semaphore(%dma_start3A_139 : memref<!tpu.dma_semaphore, #tpu.memory_space<semaphore_mem>>)
      } else {
      }
    }
    %scan3A_9 = arith.constant 130 : i32
    %add3A_10 = arith.constant 124 : i32
    %add3A_11 = arith.addi %mul3A_2, %add3A_10 : i32
    %dma_wait3A = arith.constant 0 : i32
    %dma_wait3A_12 = arith.constant 0 : i32
    %dma_wait3A_13 = arith.constant 0 : i32
    %dma_wait3A_14 = tpu.memref_slice %arg17[%dma_wait3A_12, %dma_wait3A_13] : memref<408x128xf32, #tpu.memory_space<vmem>> -> memref<102x128xf32, #tpu.memory_space<vmem>>
    %dma_wait3A_15 = arith.constant 0 : i32
    %dma_wait3A_16 = arith.constant 0 : i32
    %dma_wait3A_17 = tpu.memref_slice %arg10[%add3A_11, %dma_wait3A_15, %dma_wait3A_16] : memref<4096x102x128xf32, #tpu.memory_space<hbm>> -> memref<1x102x128xf32, #tpu.memory_space<hbm>>
    %dma_wait3A_18 = tpu.memref_squeeze %dma_wait3A_17 : memref<1x102x128xf32, #tpu.memory_space<hbm>> -> memref<102x128xf32, #tpu.memory_space<hbm>>
    %dma_wait3A_19 = tpu.memref_slice %arg21[%dma_wait3A] : memref<4x!tpu.dma_semaphore, #tpu.memory_space<semaphore_mem>> -> memref<1x!tpu.dma_semaphore, #tpu.memory_space<semaphore_mem>>
    %dma_wait3A_20 = tpu.memref_squeeze %dma_wait3A_19 : memref<1x!tpu.dma_semaphore, #tpu.memory_space<semaphore_mem>> -> memref<!tpu.dma_semaphore, #tpu.memory_space<semaphore_mem>>
    %dma_wait3A_21 = arith.constant 0 : i32
    %dma_wait3A_22 = arith.constant 0 : i32
    %dma_wait3A_23 = tpu.memref_slice %arg10[%add3A_11, %dma_wait3A_21, %dma_wait3A_22] : memref<4096x102x128xf32, #tpu.memory_space<hbm>> -> memref<1x102x128xf32, #tpu.memory_space<hbm>>
    %dma_wait3A_24 = tpu.memref_squeeze %dma_wait3A_23 : memref<1x102x128xf32, #tpu.memory_space<hbm>> -> memref<102x128xf32, #tpu.memory_space<hbm>>
    %dma_wait3A_25 = arith.constant 0 : i32
    %dma_wait3A_26 = arith.constant 0 : i32
    %dma_wait3A_27 = tpu.memref_slice %arg17[%dma_wait3A_25, %dma_wait3A_26] : memref<408x128xf32, #tpu.memory_space<vmem>> -> memref<102x128xf32, #tpu.memory_space<vmem>>
    tpu.wait_dma2 semaphore(%dma_wait3A_20 : memref<!tpu.dma_semaphore, #tpu.memory_space<semaphore_mem>>) src(%dma_wait3A_27 : memref<102x128xf32, #tpu.memory_space<vmem>>) dst(%dma_wait3A_24 : memref<102x128xf32, #tpu.memory_space<hbm>>)
    %add3A_28 = arith.constant 125 : i32
    %add3A_29 = arith.addi %mul3A_2, %add3A_28 : i32
    %dma_wait3A_30 = arith.constant 1 : i32
    %dma_wait3A_31 = arith.constant 102 : i32
    %dma_wait3A_32 = arith.constant 0 : i32
    %dma_wait3A_33 = tpu.memref_slice %arg17[%dma_wait3A_31, %dma_wait3A_32] : memref<408x128xf32, #tpu.memory_space<vmem>> -> memref<102x128xf32, #tpu.memory_space<vmem>>
    %dma_wait3A_34 = arith.constant 0 : i32
    %dma_wait3A_35 = arith.constant 0 : i32
    %dma_wait3A_36 = tpu.memref_slice %arg10[%add3A_29, %dma_wait3A_34, %dma_wait3A_35] : memref<4096x102x128xf32, #tpu.memory_space<hbm>> -> memref<1x102x128xf32, #tpu.memory_space<hbm>>
    %dma_wait3A_37 = tpu.memref_squeeze %dma_wait3A_36 : memref<1x102x128xf32, #tpu.memory_space<hbm>> -> memref<102x128xf32, #tpu.memory_space<hbm>>
    %dma_wait3A_38 = tpu.memref_slice %arg21[%dma_wait3A_30] : memref<4x!tpu.dma_semaphore, #tpu.memory_space<semaphore_mem>> -> memref<1x!tpu.dma_semaphore, #tpu.memory_space<semaphore_mem>>
    %dma_wait3A_39 = tpu.memref_squeeze %dma_wait3A_38 : memref<1x!tpu.dma_semaphore, #tpu.memory_space<semaphore_mem>> -> memref<!tpu.dma_semaphore, #tpu.memory_space<semaphore_mem>>
    %dma_wait3A_40 = arith.constant 0 : i32
    %dma_wait3A_41 = arith.constant 0 : i32
    %dma_wait3A_42 = tpu.memref_slice %arg10[%add3A_29, %dma_wait3A_40, %dma_wait3A_41] : memref<4096x102x128xf32, #tpu.memory_space<hbm>> -> memref<1x102x128xf32, #tpu.memory_space<hbm>>
    %dma_wait3A_43 = tpu.memref_squeeze %dma_wait3A_42 : memref<1x102x128xf32, #tpu.memory_space<hbm>> -> memref<102x128xf32, #tpu.memory_space<hbm>>
    %dma_wait3A_44 = arith.constant 102 : i32
    %dma_wait3A_45 = arith.constant 0 : i32
    %dma_wait3A_46 = tpu.memref_slice %arg17[%dma_wait3A_44, %dma_wait3A_45] : memref<408x128xf32, #tpu.memory_space<vmem>> -> memref<102x128xf32, #tpu.memory_space<vmem>>
    tpu.wait_dma2 semaphore(%dma_wait3A_39 : memref<!tpu.dma_semaphore, #tpu.memory_space<semaphore_mem>>) src(%dma_wait3A_46 : memref<102x128xf32, #tpu.memory_space<vmem>>) dst(%dma_wait3A_43 : memref<102x128xf32, #tpu.memory_space<hbm>>)
    %add3A_47 = arith.constant 126 : i32
    %add3A_48 = arith.addi %mul3A_2, %add3A_47 : i32
    %dma_wait3A_49 = arith.constant 2 : i32
    %dma_wait3A_50 = arith.constant 204 : i32
    %dma_wait3A_51 = arith.constant 0 : i32
    %dma_wait3A_52 = tpu.memref_slice %arg17[%dma_wait3A_50, %dma_wait3A_51] : memref<408x128xf32, #tpu.memory_space<vmem>> -> memref<102x128xf32, #tpu.memory_space<vmem>>
    %dma_wait3A_53 = arith.constant 0 : i32
    %dma_wait3A_54 = arith.constant 0 : i32
    %dma_wait3A_55 = tpu.memref_slice %arg10[%add3A_48, %dma_wait3A_53, %dma_wait3A_54] : memref<4096x102x128xf32, #tpu.memory_space<hbm>> -> memref<1x102x128xf32, #tpu.memory_space<hbm>>
    %dma_wait3A_56 = tpu.memref_squeeze %dma_wait3A_55 : memref<1x102x128xf32, #tpu.memory_space<hbm>> -> memref<102x128xf32, #tpu.memory_space<hbm>>
    %dma_wait3A_57 = tpu.memref_slice %arg21[%dma_wait3A_49] : memref<4x!tpu.dma_semaphore, #tpu.memory_space<semaphore_mem>> -> memref<1x!tpu.dma_semaphore, #tpu.memory_space<semaphore_mem>>
    %dma_wait3A_58 = tpu.memref_squeeze %dma_wait3A_57 : memref<1x!tpu.dma_semaphore, #tpu.memory_space<semaphore_mem>> -> memref<!tpu.dma_semaphore, #tpu.memory_space<semaphore_mem>>
    %dma_wait3A_59 = arith.constant 0 : i32
    %dma_wait3A_60 = arith.constant 0 : i32
    %dma_wait3A_61 = tpu.memref_slice %arg10[%add3A_48, %dma_wait3A_59, %dma_wait3A_60] : memref<4096x102x128xf32, #tpu.memory_space<hbm>> -> memref<1x102x128xf32, #tpu.memory_space<hbm>>
    %dma_wait3A_62 = tpu.memref_squeeze %dma_wait3A_61 : memref<1x102x128xf32, #tpu.memory_space<hbm>> -> memref<102x128xf32, #tpu.memory_space<hbm>>
    %dma_wait3A_63 = arith.constant 204 : i32
    %dma_wait3A_64 = arith.constant 0 : i32
    %dma_wait3A_65 = tpu.memref_slice %arg17[%dma_wait3A_63, %dma_wait3A_64] : memref<408x128xf32, #tpu.memory_space<vmem>> -> memref<102x128xf32, #tpu.memory_space<vmem>>
    tpu.wait_dma2 semaphore(%dma_wait3A_58 : memref<!tpu.dma_semaphore, #tpu.memory_space<semaphore_mem>>) src(%dma_wait3A_65 : memref<102x128xf32, #tpu.memory_space<vmem>>) dst(%dma_wait3A_62 : memref<102x128xf32, #tpu.memory_space<hbm>>)
    %add3A_66 = arith.constant 127 : i32
    %add3A_67 = arith.addi %mul3A_2, %add3A_66 : i32
    %dma_wait3A_68 = arith.constant 3 : i32
    %dma_wait3A_69 = arith.constant 306 : i32
    %dma_wait3A_70 = arith.constant 0 : i32
    %dma_wait3A_71 = tpu.memref_slice %arg17[%dma_wait3A_69, %dma_wait3A_70] : memref<408x128xf32, #tpu.memory_space<vmem>> -> memref<102x128xf32, #tpu.memory_space<vmem>>
    %dma_wait3A_72 = arith.constant 0 : i32
    %dma_wait3A_73 = arith.constant 0 : i32
    %dma_wait3A_74 = tpu.memref_slice %arg10[%add3A_67, %dma_wait3A_72, %dma_wait3A_73] : memref<4096x102x128xf32, #tpu.memory_space<hbm>> -> memref<1x102x128xf32, #tpu.memory_space<hbm>>
    %dma_wait3A_75 = tpu.memref_squeeze %dma_wait3A_74 : memref<1x102x128xf32, #tpu.memory_space<hbm>> -> memref<102x128xf32, #tpu.memory_space<hbm>>
    %dma_wait3A_76 = tpu.memref_slice %arg21[%dma_wait3A_68] : memref<4x!tpu.dma_semaphore, #tpu.memory_space<semaphore_mem>> -> memref<1x!tpu.dma_semaphore, #tpu.memory_space<semaphore_mem>>
    %dma_wait3A_77 = tpu.memref_squeeze %dma_wait3A_76 : memref<1x!tpu.dma_semaphore, #tpu.memory_space<semaphore_mem>> -> memref<!tpu.dma_semaphore, #tpu.memory_space<semaphore_mem>>
    %dma_wait3A_78 = arith.constant 0 : i32
    %dma_wait3A_79 = arith.constant 0 : i32
    %dma_wait3A_80 = tpu.memref_slice %arg10[%add3A_67, %dma_wait3A_78, %dma_wait3A_79] : memref<4096x102x128xf32, #tpu.memory_space<hbm>> -> memref<1x102x128xf32, #tpu.memory_space<hbm>>
    %dma_wait3A_81 = tpu.memref_squeeze %dma_wait3A_80 : memref<1x102x128xf32, #tpu.memory_space<hbm>> -> memref<102x128xf32, #tpu.memory_space<hbm>>
    %dma_wait3A_82 = arith.constant 306 : i32
    %dma_wait3A_83 = arith.constant 0 : i32
    %dma_wait3A_84 = tpu.memref_slice %arg17[%dma_wait3A_82, %dma_wait3A_83] : memref<408x128xf32, #tpu.memory_space<vmem>> -> memref<102x128xf32, #tpu.memory_space<vmem>>
    tpu.wait_dma2 semaphore(%dma_wait3A_77 : memref<!tpu.dma_semaphore, #tpu.memory_space<semaphore_mem>>) src(%dma_wait3A_84 : memref<102x128xf32, #tpu.memory_space<vmem>>) dst(%dma_wait3A_81 : memref<102x128xf32, #tpu.memory_space<hbm>>)
    return
  }
}

</mosaic_0001>

<sc_bundles>
// kernel: kernel.3.cloned.1.call-start
scs
__scs_entry_jumppad:
0x0: {  	(pc) =	sbr.rel $0x88, $3  }
0x1: {  	(tag) =	ssettag $0x0;
	lr =	simm.s32 $0x1  }
0x2: {  	[smem:$0x3F91] =	sst lr;
	_ =	strace $0xD0000000  }
0x3: {  	_ = 	snop  }
0x4: {  	_ = 	snop  }
0x5: {  	_ = 	snop  }
0x6: {  	_ = 	snop  }
0x7: {  	_ = 	snop  }
__scs_overlays_trampoline_lowered:
0x8: {  	[smem:$0x3FA0] =	sst s0  }
0x9: {  	[smem:$0x3FA1] =	sst s1  }
0xa: {  	[smem:$0x3FA2] =	sst s2  }
0xb: {  	[smem:$0x3FA3] =	sst s3  }
0xc: {  	[smem:$0x3FA4] =	sst s4  }
0xd: {  	[smem:$0x3FA5] =	sst s5  }
0xe: {  	[smem:$0x3FA6] =	sst s6  }
0xf: {  	[smem:$0x3FA7] =	sst s7  }
0x10: {  	[smem:$0x3FA8] =	sst s8  }
0x11: {  	[smem:$0x3FA9] =	sst s9;
	s0 =	simm.s32 @!p0 $0x0  }
0x12: {  	s1 =	sld [smem:$0x3F8F];
	s0 =	simm.s32 @p0 $0x1  }
0x13: {  	[smem:$0x3FAA] =	sst s0;
	s0 =	simm.s32 @!p1 $0x0  }
0x14: {  	s2 =	sld [smem:$0x3F8E];
	s0 =	simm.s32 @p1 $0x1  }
0x15: {  	[smem:$0x3FAB] =	sst s0;
	s0 =	simm.s32 @!p2 $0x0  }
0x16: {  	s3 =	sld [smem:$0x3FDB];
	s0 =	simm.s32 @p2 $0x1  }
0x17: {  	s4 =	simm.s32 $0x1BF5;
	[smem:$0x3FAD] =	sst s0  }
0x18: {  	s0 =	sld [smem:$0x3F90];
	_ =	swait.ge [sflag:s4], $0x0  }
0x19: {  	s7 =	sld [smem:$0x3F91]  }
0x1a: {  	s8 =	sadd.s32 $0xFFFFE003, lr  }
0x1b: {  	s9 =	sadd.s32 $0xFFFFFEF7, lr;
	s5 =	simm.s32 $0xFFFFFFFF;
	p2 =	slt.u32 s8, $0xFFFFF086  }
0x1c: {  	p1 =	slt.u32 s9, $0xF7A;
	s5 =	simm.s32 @!p2 $0x0  }
0x1d: {  	s5 =	simm.s32 @p1 $0x1;
	p0 =	seq.s32 s7, s2  }
0x1e: {  	s7 =	smul.u32 @!p0 $0xF7A, s2;
	p2 =	seq.s32 @!p0 s5, $0x0  }
0x1f: {  	s9 =	smul.u32 $0xF7A, s1;
	s8 =	simm.s32 @!p0 $0x1BF5;
	p2 =	por !p2, p0  }
0x20: {  	[sflag:s8] =	ssyncset.s32 @!p0 $0xFFFFF086;
	s6 =	sadd.s32 @!p0 s3, s7;
	s7 =	simm.s32 @!p0 $0x108  }
0x21: {  	s3 =	sadd.s32 s3, s9;
	s6 =	sadd.s32 @!p0 $0x88, s6;
	s7 =	simm.s32 @p2 $0x1082  }
0x22: {  	[simem:s7], [sflag:s8] =	dma.local @!p0 [hbm:s6], $0xF7A  }
0x23: {  	s9 =	sor.u32 $0xD0000000, s2;
	s6 =	simm.s32 $0x108;
	_ =	swait.ge @!p0 [sflag:s8], $0x0  }
0x24: {  	s3 =	sadd.s32 $0x88, s3;
	s6 =	simm.s32 @!p1 $0x1082;
	[sflag:s4] =	ssyncset.s32 $0xFFFFF086  }
0x25: {  	[simem:s6], [sflag:s4] =	dma.local [hbm:s3], $0xF7A  }
0x26: {  	[smem:$0x3F91] =	sst s1;
	(tag) =	ssettag s2;
	_ =	strace s9  }
0x27: {  	s1 =	sld [smem:$0x3FA1]  }
0x28: {  	s2 =	sld [smem:$0x3FA2]  }
0x29: {  	s4 =	sld [smem:$0x3FA4]  }
0x2a: {  	p0 =	seq.s32 s5, $0x0;
	s5 =	sld [smem:$0x3FA5]  }
0x2b: {  	s6 =	sld [smem:$0x3FA6]  }
0x2c: {  	s7 =	sld [smem:$0x3FA7]  }
0x2d: {  	s3 =	simm.s32 $0x108;
	s8 =	sld [smem:$0x3FA8]  }
0x2e: {  	s3 =	simm.s32 @!p0 $0x1082;
	s9 =	sld [smem:$0x3FA9]  }
0x2f: {  	lr =	sadd.s32 s0, s3;
	s0 =	sld [smem:$0x3FA0]  }
0x30: {  	s3 =	sld [smem:$0x3FA3]  }
0x31: {  	[smem:$0x3FAC] =	sst s10  }
0x32: {  	s10 =	sld [smem:$0x3FAA];
	_ =	sdelay $0x3  }
0x33: {  	p0 =	seq.s32 s10, $0x1;
	s10 =	sld [smem:$0x3FAC];
	_ =	sdelay $0x3  }
0x34: {  	[smem:$0x3FAC] =	sst s10  }
0x35: {  	s10 =	sld [smem:$0x3FAB];
	_ =	sdelay $0x3  }
0x36: {  	p1 =	seq.s32 s10, $0x1;
	s10 =	sld [smem:$0x3FAC];
	_ =	sdelay $0x3  }
0x37: {  	[smem:$0x3FAC] =	sst s10  }
0x38: {  	s10 =	sld [smem:$0x3FAD]  }
0x39: {  	_ = 	snop;
	(pc) =	sbr.ind lr, $3  }
0x3a: {  	_ = 	snop  }
0x3b: {  	_ = 	snop  }
0x3c: {  	p2 =	seq.s32 s10, $0x1;
	s10 =	sld [smem:$0x3FAC]  }
0x3d: {  	_ =	shalt  }
0x3e: {  	_ =	shalt  }
0x3f: {  	_ =	shalt  }
0x40: {  	_ =	shalt  }
0x41: {  	_ =	shalt  }
0x42: {  	_ =	shalt  }
0x43: {  	_ =	shalt  }
0x44: {  	_ =	shalt  }
0x45: {  	_ =	shalt  }
0x46: {  	_ =	shalt  }
0x47: {  	_ =	shalt  }
0x48: {  	_ =	shalt  }
0x49: {  	_ =	shalt  }
0x4a: {  	_ =	shalt  }
0x4b: {  	_ =	shalt  }
0x4c: {  	_ =	shalt  }
0x4d: {  	_ =	shalt  }
0x4e: {  	_ =	shalt  }
0x4f: {  	_ =	shalt  }
0x50: {  	_ =	shalt  }
0x51: {  	_ =	shalt  }
0x52: {  	_ =	shalt  }
0x53: {  	_ =	shalt  }
0x54: {  	_ =	shalt  }
0x55: {  	_ =	shalt  }
0x56: {  	_ =	shalt  }
0x57: {  	_ =	shalt  }
0x58: {  	_ =	shalt  }
0x59: {  	_ =	shalt  }
0x5a: {  	_ =	shalt  }
0x5b: {  	_ =	shalt  }
0x5c: {  	_ =	shalt  }
0x5d: {  	_ =	shalt  }
0x5e: {  	_ =	shalt  }
0x5f: {  	_ =	shalt  }
0x60: {  	_ =	shalt  }
0x61: {  	_ =	shalt  }
0x62: {  	_ =	shalt  }
0x63: {  	_ =	shalt  }
0x64: {  	_ =	shalt  }
0x65: {  	_ =	shalt  }
0x66: {  	_ =	shalt  }
0x67: {  	_ =	shalt  }
0x68: {  	_ =	shalt  }
0x69: {  	_ =	shalt  }
0x6a: {  	_ =	shalt  }
0x6b: {  	_ =	shalt  }
0x6c: {  	_ =	shalt  }
0x6d: {  	_ =	shalt  }
0x6e: {  	_ =	shalt  }
0x6f: {  	_ =	shalt  }
0x70: {  	_ =	shalt  }
0x71: {  	_ =	shalt  }
0x72: {  	_ =	shalt  }
0x73: {  	_ =	shalt  }
0x74: {  	_ =	shalt  }
0x75: {  	_ =	shalt  }
0x76: {  	_ =	shalt  }
0x77: {  	_ =	shalt  }
0x78: {  	_ =	shalt  }
0x79: {  	_ =	shalt  }
0x7a: {  	_ =	shalt  }
0x7b: {  	_ =	shalt  }
0x7c: {  	_ =	shalt  }
0x7d: {  	_ =	shalt  }
0x7e: {  	_ =	shalt  }
0x7f: {  	_ =	shalt  }
0x80: {  	_ =	shalt  }
0x81: {  	_ =	shalt  }
0x82: {  	_ =	shalt  }
0x83: {  	_ =	shalt  }
0x84: {  	_ =	shalt  }
0x85: {  	_ =	shalt  }
0x86: {  	_ =	shalt  }
0x87: {  	_ =	shalt  }
.Lfunc_end0:
.L_simem_size_0:
called_computation_lowered:
.L_overlay_start_0:
0x88: {  	s2 =	sld [smem:$0x3FD9]  }
0x89: {  	s3 =	sld [smem:$0x3FFE];
	_ =	sdelay $0x1  }
0x8a: {  	s1 =	srdreg.scid  }
0x8b: {  	s0 =	sand.u32 $0x1, s1  }
0x8c: {  	s17 =	sshll.u32 s0, $0xA;
	s2 =	sadd.s32 s3, s2  }
0x8d: {  	s2 =	sadd.s32 s2, s17  }
0x8e: {  	[smem:$0x3FB8] =	sst s2  }
0x8f: {  	_ = 	snop  }
0x90: {  	s2 =	sld [smem:$0x3FC1]  }
0x91: {  	s18 =	sld [smem:$0x3FBF]  }
0x92: {  	s4 =	sld [smem:$0x3FBD]  }
0x93: {  	s5 =	sld [smem:$0x3FD0];
	(tm) =	ssettm $0x1  }
0x94: {  	s6 =	sld [smem:$0x3FFB];
	_ =	sdelay $0x3  }
0x95: {  	_ =	strace s6  }
0x96: {  	s6 =	sld [smem:$0x3FFC];
	_ =	sdelay $0x3  }
0x97: {  	_ =	strace s6  }
0x98: {  	s6 =	sld [smem:$0x3FFD];
	_ =	sdelay $0x3  }
0x99: {  	_ =	strace s6  }
0x9a: {  	_ =	strace $0x8FFFFFFF  }
0x9b: {  	s19 =	sld [smem:$0x3FDB];
	_ =	sdelay $0x1  }
0x9c: {  	s7 =	simm.s32 $_scs_section_size  }
0x9d: {  	s8 =	simm.s32 $_size__tile_overlayer_lowered;
	s9 =	simm.s32 $_tile_overlayer_lowered  }
0x9e: {  	s22 =	simm.s32 $0x1BFF;
	s21 =	sshll.u32 s9, $0x1;
	s6 =	sadd.s32 s7, s19  }
0x9f: {  	s10 =	simm.s32 $0x0;
	s20 =	sshll.u32 s8, $0x1;
	s8 =	sadd.s32 s21, s6  }
0xa0: {  	[timem:s10], [sflag:s22] =	dma.local [hbm:s8], s20  }
0xa1: {  	_ =	swait.ge [sflag:s22], s20  }
0xa2: {  	s7 =	ssub.s32 $0x0, s20;
	[sflag:s22] =	ssyncset.done $0x0  }
0xa3: {  	[sflag:s22] =	ssyncadd.s32 s7;
	_ =	sdelay $0x1  }
0xa4: {  	s23 =	simm.s32 $0x1B8B  }
0xa5: {  	_ =	swait.ge [sflag:s23], $0x1  }
0xa6: {  	[sflag:s23] =	ssyncset.done $0x0  }
0xa7: {  	s25 =	simm.s32 $0x1B8E;
	s24 =	sld [smem:$0x3FFE];
	[sflag:s23] =	ssyncadd.s32 $0xFFFFFFFF  }
0xa8: {  	s26 =	simm.s32 $execute0_lowered;
	[smem:$0x3FD2] =	sst s25  }
0xa9: {  	s8 =	sshll.u32 s26, $0x1;
	_ =	strace $0x80000046;
	[dreg:$0x1] =	wrdreg $0xFFFFFFFF  }
0xaa: {  	s28 =	simm.s32 $_size_execute0_lowered;
	s6 =	sadd.s32 s6, s8;
	[dreg:$0x0] =	wrdreg $0x0  }
0xab: {  	s8 =	sshll.u32 s28, $0x1;
	[dreg:$0x2] =	wrdreg s6  }
0xac: {  	[dreg:$0x3] =	wrdreg s8  }
0xad: {  	[dreg:$0x4] =	wrdreg $0xC0  }
0xae: {  	_ =	task [dreg:s10], $0x5FFFF  }
0xaf: {  	[dreg:$0x1] =	wrdreg $0xFFFFFFFF  }
0xb0: {  	[dreg:$0x0] =	wrdreg $0x60  }
0xb1: {  	[dreg:$0x2] =	wrdreg s2  }
0xb2: {  	[dreg:$0x3] =	wrdreg s4  }
0xb3: {  	[dreg:$0x4] =	wrdreg s24  }
0xb4: {  	[dreg:$0x5] =	wrdreg s18  }
0xb5: {  	[dreg:$0x6] =	wrdreg s5  }
0xb6: {  	[dreg:$0x7] =	wrdreg $0x110000  }
0xb7: {  	[dreg:$0x8] =	wrdreg $0x9  }
0xb8: {  	_ =	task.clear_ibuf [dreg:s10], $0x9FFFF;
	_ =	strace $0x90000046  }
0xb9: {  	s29 =	simm.s32 $0x9;
	_ =	strace $0x80000048  }
0xba: {  	_ =	swait.ge [sflag:s29], $0x1  }
0xbb: {  	[sflag:s29] =	ssyncadd.s32 $0xFFFFFFFF  }
0xbc: {  	_ =	strace $0x90000048  }
0xbd: {  	_ =	sfence  }
0xbe: {  	s30 =	sld [smem:$0x0];
	_ =	sdelay $0x2  }
0xbf: {  	s31 =	sshll.u32 s1, $0xD;
	s1 =	sshrl.u32 s1, $0x2  }
0xc0: {  	s3 =	sand.u32 $0x4000, s31;
	s1 =	sadd.s32 s1, s30  }
0xc1: {  	s0 =	sor.u32 s3, s0;
	s1 =	sshll.u32 s1, $0x11  }
0xc2: {  	s0 =	sor.u32 s1, s0  }
0xc3: {  	s0 =	sadd.s32 $0x8F2B, s0  }
0xc4: {  	[sflag:s0] =	ssyncadd.remote.s32 $0x1  }
0xc5: {  	_ =	sfence.sel $0xFFFF  }
0xc6: {  	[dreg:$0x0] =	wrdreg $0xFFFFFFFF;
	(pc) =	sbr.abs _section_cstart, $3  }
0xc7: {  	[dreg:$0x1] =	wrdreg $0xFFFFFFFF  }
0xc8: {  	_ =	task.clear_ibuf [dreg:s10], $0x2FFFF;
	_ =	strace $0x9FFFFFFF  }
0xc9: {  	(tm) =	ssettm $0x7FFFFFFF  }
tec
execute0_lowered:
.L_overlay_start_1:
0x0: {  	(tag) =	ssettag $0x1  }
0x1: {  	s0 =	rddreg [dreg:$0x0]  }
0x2: {  	s2 =	rddreg [dreg:$0x1]  }
0x3: {  	s7 =	rddreg [dreg:$0x2]  }
0x4: {  	s10 =	rddreg [dreg:$0x4]  }
0x5: {  	s4 =	rddreg [dreg:$0x5]  }
0x6: {  	s5 =	simm.s32 $0x0;
	s6 =	srdreg.scid;
	s11 =	stileid.u32  }
0x7: {  	s18 =	simm.s32 $0x10000;
	s19 =	simm.s32 $0xD;
	s20 =	simm.s32 $0xE  }
0x8: {  	s21 =	simm.s32 $0xF;
	s22 =	simm.s32 $0x10;
	s23 =	simm.s32 $0x1A  }
0x9: {  	s24 =	simm.s32 $0x32;
	s25 =	simm.s32 $0x0;
	[smem:$0x7FF] =	sst s5  }
0xa: {  	s8 =	sand.u32 $0x1, s6;
	s28 =	sshll.u32 s11, $0xC;
	s29 =	smul.u32 $0x68000, s11  }
0xb: {  	s6 =	sadd.s32 $0x31800, s7;
	p0 =	sne.s32 s11, $0x0;
	_ =	strace $0x80000047  }
0xc: {  	s9 =	sshll.u32 s8, $0xB;
	s13 =	ssub.s32 $0x2, s8;
	s30 =	smul.u32 $0x34000, s8  }
.Ltmp0:
0xd: {  	s12 =	sor.u32 s9, s28;
	s15 =	sshrl.u32 s13, $0x1;
	(pc) =	sbr.rel .LBB2_1-.Ltmp0, $4  }
0xe: {  	s16 =	sadd.s32 s29, s7;
	s14 =	sadd.s32 s12, s7;
	s13 =	ssub.s32 s13, s15  }
0xf: {  	s10 =	sadd.s32 s10, s12;
	s31 =	sadd.s32 s30, s16;
	s7 =	sadd.s32 $0x1800, s14  }
0x10: {  	s8 =	sadd.s32 $0x11800, s14;
	s9 =	sadd.s32 $0x21800, s14;
	s11 =	smax.u32 s13, $0x1  }
0x11: {  	s12 =	sadd.s32 $0x32500, s31;
	s13 =	sshrl.u32 @!p0 s4, $0x3;
	s14 =	simm.s32 $0x11  }
.LBB2_5:
0x12: {  	_ =	swait.ge [sflag:s19], $0x3300  }
0x13: {  	[sflag:s19] =	ssyncset.done $0x0  }
0x14: {  	[sflag:s19] =	ssyncadd.s32 $0xFFFFCD00  }
0x15: {  	_ =	swait.ge [sflag:s20], $0x3300  }
0x16: {  	[sflag:s20] =	ssyncset.done $0x0  }
0x17: {  	s25 =	sadd.s32 $0x1, s25;
	[sflag:s20] =	ssyncadd.s32 $0xFFFFCD00  }
0x18: {  	p1 =	sne.s32 s25, s11;
	_ =	swait.ge [sflag:s21], $0x3300  }
.Ltmp1:
0x19: {  	[sflag:s21] =	ssyncset.done $0x0;
	(pc) =	sbr.rel @!p1 .LBB2_6-.Ltmp1, $4  }
0x1a: {  	[sflag:s21] =	ssyncadd.s32 $0xFFFFCD00  }
0x1b: {  	_ =	swait.ge [sflag:s22], $0x3300  }
0x1c: {  	[sflag:s22] =	ssyncset.done $0x0  }
0x1d: {  	[sflag:s22] =	ssyncadd.s32 $0xFFFFCD00  }
.LBB2_1:
0x1e: {  	s26 =	simm.s32 @!p0 $0x1C11  }
0x1f: {  	[spmem:s13], [sflag:s26] =	dma.local @!p0 [hbm:s6], $0x19C0  }
0x20: {  	s26 =	simm.s32 @!p0 $0x11  }
0x21: {  	_ =	swait.ge @!p0 [sflag:s26], $0x19C0  }
0x22: {  	[sflag:s26] =	ssyncset.done @!p0 $0x0  }
0x23: {  	[sflag:s26] =	ssyncadd.s32 @!p0 $0xFFFFE640  }
0x24: {  	[bflag:$0x0] =	sbarrier.arrive $0xFFFF  }
0x25: {  	[tilespmem:s5], [sflag:$0x11] =	stream.linear.gather [hbm4b:s7+s5], $0x4000, $0x38;
	[tilespmem:$0x1E8E0] =	vst v63  }
0x26: {  	_ =	swait.ge [sflag:s14], $0x4000  }
0x27: {  	[sflag:s14] =	ssyncset.done $0x0  }
0x28: {  	s1 =	simm.s32 $0x4000;
	[sflag:s14] =	ssyncadd.s32 $0xFFFFC000  }
0x29: {  	[tilespmem:s1], [sflag:$0x11] =	stream.linear.gather [hbm4b:s8+s5], $0x4000, $0x38;
	[tilespmem:$0x1E8E0] =	vst v63  }
0x2a: {  	_ =	swait.ge [sflag:s14], $0x4000  }
0x2b: {  	[sflag:s14] =	ssyncset.done $0x0  }
0x2c: {  	s26 =	simm.s32 $0x8000;
	[sflag:s14] =	ssyncadd.s32 $0xFFFFC000  }
0x2d: {  	[tilespmem:s26], [sflag:$0x11] =	stream.linear.gather [hbm4b:s9+s5], $0x4000, $0x38;
	[tilespmem:$0x1E8E0] =	vst v63  }
0x2e: {  	_ =	swait.ge [sflag:s14], $0x4000  }
0x2f: {  	[sflag:s14] =	ssyncset.done $0x0  }
0x30: {  	s30 =	simm.s32 $0xC000;
	[sflag:s14] =	ssyncadd.s32 $0xFFFFC000  }
0x31: {  	[tilespmem:s30], [sflag:$0x11] =	stream.linear.gather [hbm4b:s10+s5], $0x4000, $0x38;
	[tilespmem:$0x1E8E0] =	vst v63  }
0x32: {  	_ =	swait.ge [sflag:s14], $0x4000  }
0x33: {  	[sflag:s14] =	ssyncset.done $0x0  }
0x34: {  	[sflag:s14] =	ssyncadd.s32 $0xFFFFC000  }
.Ltmp2:
0x35: {  	s31 =	rddreg [dreg:$0x3];
	(pc) =	sbr.rel .LBB2_2-.Ltmp2, $4  }
0x36: {  	[tilespmem:s18], [sflag:$0x11] =	stream.linear.gather [hbm4b:s31+s5], $0xD00, $0x38;
	[tilespmem:$0x1E8E0] =	vst v63  }
0x37: {  	_ =	swait.ge [sflag:s14], $0xD00  }
0x38: {  	s28 =	simm.s32 $0x0;
	[sflag:s14] =	ssyncset.done $0x0  }
0x39: {  	s29 =	smov.u32 s12;
	s26 =	simm.s32 $0xFFFFFFFE;
	[sflag:s14] =	ssyncadd.s32 $0xFFFFF300  }
.LBB2_4:
0x3a: {  	p1 =	slt.u32 s30, $0x2  }
0x3b: {  	s1 =	sand.u32 @!p1 $0x3, s26  }
0x3c: {  	s3 =	sadd.s32 @!p1 $0x5, s1  }
0x3d: {  	_ =	swait.ge @!p1 [sflag:s3], $0xD00  }
0x3e: {  	[sflag:s3] =	ssyncset.done @!p1 $0x0  }
0x3f: {  	[sflag:s3] =	ssyncadd.s32 @!p1 $0xFFFFF300;
	s3 =	sadd.s32 @!p1 $0x9, s1  }
0x40: {  	s15 =	smul.u32 @!p1 $0xCC00, s1;
	_ =	swait.ge @!p1 [sflag:s3], $0x1900  }
0x41: {  	[sflag:s3] =	ssyncset.done @!p1 $0x0  }
0x42: {  	s28 =	sadd.s32 $0x200, s28;
	[sflag:s3] =	ssyncadd.s32 @!p1 $0xFFFFE700;
	s3 =	sshrl.u32 @!p1 s15, $0x2  }
0x43: {  	s1 =	sadd.s32 @!p1 $0xD, s1;
	s15 =	simm.s32 @!p1 $0x0;
	s3 =	sadd.s32 @!p1 $0x11CE0, s3  }
0x44: {  	[hbm4b:s29+s15] =	stream.linear.scatter @!p1 [tilespmem:s3], [sflag:s1], $0x3300, $0x38;
	[tilespmem:$0x1E8E0] =	vst v63  }
0x45: {  	p1 =	sne.s32 s28, $0x10400  }
.Ltmp3:
0x46: {  	_ = 	snop;
	(pc) =	sbr.rel @!p1 .LBB2_5-.Ltmp3, $2  }
0x47: {  	_ =	sdelay $0x2  }
0x48: {  	s26 =	sadd.s32 $0x1, s26;
	s29 =	sadd.s32 $0x680, s29  }
.LBB2_2:
0x49: {  	s30 =	sadd.s32 $0x2, s26  }
0x4a: {  	p1 =	sgt.u32 s30, $0x7F  }
0x4b: {  	p2 =	slt.u32 @!p1 s30, $0x4  }
0x4c: {  	s31 =	sand.u32 @!p1 $0x3, s30;
	p2 =	por p2, p1  }
0x4d: {  	s3 =	smul.u32 @!p1 $0xCC00, s31;
	s1 =	sadd.s32 @!p2 $0xD, s31  }
0x4e: {  	s15 =	simm.s32 @!p1 $0x66;
	_ =	swait.ge @!p2 [sflag:s1], $0x3300  }
0x4f: {  	s31 =	sadd.s32 @!p1 $0x1, s31;
	s3 =	sshrl.u32 @!p1 s3, $0x2;
	[sflag:s1] =	ssyncset.done @!p2 $0x0  }
0x50: {  	[sflag:s1] =	ssyncadd.s32 @!p2 $0xFFFFCD00;
	s1 =	sadd.s32 @!p1 $0x11CE0, s3;
	s3 =	sshra.s32 @!p1 s28, $0x2  }
0x51: {  	[tilespmem:s1], [sflag:s31] =	stream.indirect.gather @!p1 [spmem:s4], $0x80, s3, s15, $0xb8;
	[tilespmem:$0x1E8E0] =	vst v63  }
0x52: {  	p1 =	seq.s32 s30, $0x0  }
0x53: {  	p2 =	seq.s32 @!p1 s30, $0x81  }
0x54: {  	p1 =	por p1, p2  }
.Ltmp4:
0x55: {  	_ = 	snop;
	(pc) =	sbr.rel @p1 .LBB2_4-.Ltmp4, $1  }
0x56: {  	_ =	sdelay $0x3  }
0x57: {  	s1 =	sadd.s32 $0x1, s26  }
0x58: {  	s1 =	sand.u32 $0x3, s1  }
0x59: {  	s3 =	sadd.s32 $0x1, s1  }
0x5a: {  	s15 =	smul.u32 $0xCC00, s1;
	_ =	swait.ge [sflag:s3], $0x3300  }
0x5b: {  	[sflag:s3] =	ssyncset.done $0x0  }
0x5c: {  	s31 =	sshrl.u32 s15, $0x2;
	[sflag:s3] =	ssyncadd.s32 $0xFFFFCD00;
	s3 =	sshra.s32 s28, $0x2  }
0x5d: {  	s17 =	sadd.s32 $0x5, s1;
	s15 =	sadd.s32 $0x11CE0, s31;
	s16 =	sadd.s32 $0x3F80, s3  }
0x5e: {  	[tilespmem:s15], [sflag:s17] =	stream.indirect.gather.add.f32 [hbm:s0], $0x80, s16, s23, $0xb8;
	[tilespmem:$0x1E8E0] =	vst v63  }
0x5f: {  	s1 =	sadd.s32 $0x9, s1;
	s16 =	sadd.s32 $0x136E0, s31;
	s17 =	sadd.s32 $0x7F80, s3  }
0x60: {  	[tilespmem:s16], [sflag:s1] =	stream.indirect.gather.add.f32 [hbm:s2], $0x80, s17, s24, $0xb8;
	[tilespmem:$0x1E8E0] =	vst v63  }
0x61: {  	v1 =	vld [tilespmem:s3+$0xBF80];
	_ =	sdelay $0x1  }
0x62: {  	v0 =	vld [tilespmem:$0x10000];
	_ =	sdelay $0x1  }
0x63: {  	v2 =	vld [tilespmem:s31+$0x129E0]  }
0x64: {  	v3 =	vbroadcast v1, $0x0;
	_ =	sdelay $0x1  }
0x65: {  	v0 =	vmul.f32 v0, v3;
	_ =	sdelay $0x1  }
0x66: {  	v2 =	vadd.f32 v0, v2;
	_ =	sdelay $0x1  }
0x67: {  	v0 =	vld [tilespmem:s3+$0xBF90];
	[tilespmem:s31+$0x129E0] =	vst v2  }
0x68: {  	v2 =	vld [tilespmem:$0x10010];
	_ =	sdelay $0x1  }
0x69: {  	v4 =	vld [tilespmem:s31+$0x129F0];
	_ =	sdelay $0x2  }
0x6a: {  	v2 =	vmul.f32 v2, v3;
	_ =	sdelay $0x1  }
0x6b: {  	v2 =	vadd.f32 v2, v4;
	_ =	sdelay $0x1  }
0x6c: {  	[tilespmem:s31+$0x129F0] =	vst v2  }
0x6d: {  	v2 =	vld [tilespmem:$0x10020];
	_ =	sdelay $0x1  }
0x6e: {  	v10 =	vld [tilespmem:s31+$0x12A00];
	_ =	sdelay $0x2  }
0x6f: {  	v2 =	vmul.f32 v2, v3;
	_ =	sdelay $0x1  }
0x70: {  	v2 =	vadd.f32 v2, v10;
	_ =	sdelay $0x1  }
0x71: {  	[tilespmem:s31+$0x12A00] =	vst v2  }
0x72: {  	v2 =	vld [tilespmem:$0x10030];
	_ =	sdelay $0x1  }
0x73: {  	v11 =	vld [tilespmem:s31+$0x12A10];
	_ =	sdelay $0x2  }
0x74: {  	v2 =	vmul.f32 v2, v3;
	_ =	sdelay $0x1  }
0x75: {  	v2 =	vadd.f32 v2, v11;
	_ =	sdelay $0x1  }
0x76: {  	[tilespmem:s31+$0x12A10] =	vst v2  }
0x77: {  	v2 =	vld [tilespmem:$0x10040];
	_ =	sdelay $0x1  }
0x78: {  	v12 =	vld [tilespmem:s31+$0x12A20];
	_ =	sdelay $0x2  }
0x79: {  	v2 =	vmul.f32 v2, v3;
	_ =	sdelay $0x1  }
0x7a: {  	v2 =	vadd.f32 v2, v12;
	_ =	sdelay $0x1  }
0x7b: {  	[tilespmem:s31+$0x12A20] =	vst v2  }
0x7c: {  	v2 =	vld [tilespmem:$0x10050];
	_ =	sdelay $0x1  }
0x7d: {  	v13 =	vld [tilespmem:s31+$0x12A30];
	_ =	sdelay $0x2  }
0x7e: {  	v2 =	vmul.f32 v2, v3;
	_ =	sdelay $0x1  }
0x7f: {  	v2 =	vadd.f32 v2, v13;
	_ =	sdelay $0x1  }
0x80: {  	[tilespmem:s31+$0x12A30] =	vst v2  }
0x81: {  	v2 =	vld [tilespmem:$0x10060];
	_ =	sdelay $0x1  }
0x82: {  	v14 =	vld [tilespmem:s31+$0x12A40];
	_ =	sdelay $0x2  }
0x83: {  	v2 =	vmul.f32 v2, v3;
	_ =	sdelay $0x1  }
0x84: {  	v2 =	vadd.f32 v2, v14;
	_ =	sdelay $0x1  }
0x85: {  	[tilespmem:s31+$0x12A40] =	vst v2  }
0x86: {  	v2 =	vld [tilespmem:$0x10070];
	_ =	sdelay $0x1  }
0x87: {  	v15 =	vld [tilespmem:s31+$0x12A50];
	_ =	sdelay $0x2  }
0x88: {  	v2 =	vmul.f32 v2, v3;
	_ =	sdelay $0x1  }
0x89: {  	v2 =	vadd.f32 v2, v15;
	_ =	sdelay $0x1  }
0x8a: {  	[tilespmem:s31+$0x12A50] =	vst v2  }
0x8b: {  	v2 =	vld [tilespmem:$0x10080];
	_ =	sdelay $0x1  }
0x8c: {  	v16 =	vld [tilespmem:s31+$0x12A60]  }
0x8d: {  	v17 =	vbroadcast v1, $0x1;
	_ =	sdelay $0x1  }
0x8e: {  	v2 =	vmul.f32 v2, v17;
	_ =	sdelay $0x1  }
0x8f: {  	v2 =	vadd.f32 v2, v16;
	_ =	sdelay $0x1  }
0x90: {  	[tilespmem:s31+$0x12A60] =	vst v2  }
0x91: {  	v2 =	vld [tilespmem:$0x10090];
	_ =	sdelay $0x1  }
0x92: {  	v18 =	vld [tilespmem:s31+$0x12A70];
	_ =	sdelay $0x2  }
0x93: {  	v2 =	vmul.f32 v2, v17;
	_ =	sdelay $0x1  }
0x94: {  	v2 =	vadd.f32 v2, v18;
	_ =	sdelay $0x1  }
0x95: {  	[tilespmem:s31+$0x12A70] =	vst v2  }
0x96: {  	v2 =	vld [tilespmem:$0x100A0];
	_ =	sdelay $0x1  }
0x97: {  	v19 =	vld [tilespmem:s31+$0x12A80];
	_ =	sdelay $0x2  }
0x98: {  	v2 =	vmul.f32 v2, v17;
	_ =	sdelay $0x1  }
0x99: {  	v2 =	vadd.f32 v2, v19;
	_ =	sdelay $0x1  }
0x9a: {  	[tilespmem:s31+$0x12A80] =	vst v2  }
0x9b: {  	v2 =	vld [tilespmem:$0x100B0];
	_ =	sdelay $0x1  }
0x9c: {  	v20 =	vld [tilespmem:s31+$0x12A90];
	_ =	sdelay $0x2  }
0x9d: {  	v2 =	vmul.f32 v2, v17;
	_ =	sdelay $0x1  }
0x9e: {  	v2 =	vadd.f32 v2, v20;
	_ =	sdelay $0x1  }
0x9f: {  	[tilespmem:s31+$0x12A90] =	vst v2  }
0xa0: {  	v2 =	vld [tilespmem:$0x100C0];
	_ =	sdelay $0x1  }
0xa1: {  	v21 =	vld [tilespmem:s31+$0x12AA0];
	_ =	sdelay $0x2  }
0xa2: {  	v2 =	vmul.f32 v2, v17;
	_ =	sdelay $0x1  }
0xa3: {  	v2 =	vadd.f32 v2, v21;
	_ =	sdelay $0x1  }
0xa4: {  	[tilespmem:s31+$0x12AA0] =	vst v2  }
0xa5: {  	v2 =	vld [tilespmem:$0x100D0];
	_ =	sdelay $0x1  }
0xa6: {  	v22 =	vld [tilespmem:s31+$0x12AB0];
	_ =	sdelay $0x2  }
0xa7: {  	v2 =	vmul.f32 v2, v17;
	_ =	sdelay $0x1  }
0xa8: {  	v2 =	vadd.f32 v2, v22;
	_ =	sdelay $0x1  }
0xa9: {  	[tilespmem:s31+$0x12AB0] =	vst v2  }
0xaa: {  	v2 =	vld [tilespmem:$0x100E0];
	_ =	sdelay $0x1  }
0xab: {  	v23 =	vld [tilespmem:s31+$0x12AC0];
	_ =	sdelay $0x2  }
0xac: {  	v2 =	vmul.f32 v2, v17;
	_ =	sdelay $0x1  }
0xad: {  	v2 =	vadd.f32 v2, v23;
	_ =	sdelay $0x1  }
0xae: {  	[tilespmem:s31+$0x12AC0] =	vst v2  }
0xaf: {  	v2 =	vld [tilespmem:$0x100F0];
	_ =	sdelay $0x1  }
0xb0: {  	v24 =	vld [tilespmem:s31+$0x12AD0];
	_ =	sdelay $0x2  }
0xb1: {  	v2 =	vmul.f32 v2, v17;
	_ =	sdelay $0x1  }
0xb2: {  	v2 =	vadd.f32 v2, v24;
	_ =	sdelay $0x1  }
0xb3: {  	[tilespmem:s31+$0x12AD0] =	vst v2  }
0xb4: {  	v2 =	vld [tilespmem:$0x10100];
	_ =	sdelay $0x1  }
0xb5: {  	v25 =	vld [tilespmem:s31+$0x12AE0]  }
0xb6: {  	v26 =	vbroadcast v1, $0x2;
	_ =	sdelay $0x1  }
0xb7: {  	v2 =	vmul.f32 v2, v26;
	_ =	sdelay $0x1  }
0xb8: {  	v2 =	vadd.f32 v2, v25;
	_ =	sdelay $0x1  }
0xb9: {  	[tilespmem:s31+$0x12AE0] =	vst v2  }
0xba: {  	v2 =	vld [tilespmem:$0x10110];
	_ =	sdelay $0x1  }
0xbb: {  	v27 =	vld [tilespmem:s31+$0x12AF0];
	_ =	sdelay $0x2  }
0xbc: {  	v2 =	vmul.f32 v2, v26;
	_ =	sdelay $0x1  }
0xbd: {  	v2 =	vadd.f32 v2, v27;
	_ =	sdelay $0x1  }
0xbe: {  	[tilespmem:s31+$0x12AF0] =	vst v2  }
0xbf: {  	v2 =	vld [tilespmem:$0x10120];
	_ =	sdelay $0x1  }
0xc0: {  	v28 =	vld [tilespmem:s31+$0x12B00];
	_ =	sdelay $0x2  }
0xc1: {  	v2 =	vmul.f32 v2, v26;
	_ =	sdelay $0x1  }
0xc2: {  	v2 =	vadd.f32 v2, v28;
	_ =	sdelay $0x1  }
0xc3: {  	[tilespmem:s31+$0x12B00] =	vst v2  }
0xc4: {  	v2 =	vld [tilespmem:$0x10130];
	_ =	sdelay $0x1  }
0xc5: {  	v29 =	vld [tilespmem:s31+$0x12B10];
	_ =	sdelay $0x2  }
0xc6: {  	v2 =	vmul.f32 v2, v26;
	_ =	sdelay $0x1  }
0xc7: {  	v2 =	vadd.f32 v2, v29;
	_ =	sdelay $0x1  }
0xc8: {  	[tilespmem:s31+$0x12B10] =	vst v2  }
0xc9: {  	v2 =	vld [tilespmem:$0x10140];
	_ =	sdelay $0x1  }
0xca: {  	v30 =	vld [tilespmem:s31+$0x12B20];
	_ =	sdelay $0x2  }
0xcb: {  	v2 =	vmul.f32 v2, v26;
	_ =	sdelay $0x1  }
0xcc: {  	v2 =	vadd.f32 v2, v30;
	_ =	sdelay $0x1  }
0xcd: {  	[tilespmem:s31+$0x12B20] =	vst v2  }
0xce: {  	v2 =	vld [tilespmem:$0x10150];
	_ =	sdelay $0x1  }
0xcf: {  	v31 =	vld [tilespmem:s31+$0x12B30];
	_ =	sdelay $0x2  }
0xd0: {  	v2 =	vmul.f32 v2, v26;
	_ =	sdelay $0x1  }
0xd1: {  	v2 =	vadd.f32 v2, v31;
	_ =	sdelay $0x1  }
0xd2: {  	[tilespmem:s31+$0x12B30] =	vst v2  }
0xd3: {  	v2 =	vld [tilespmem:$0x10160];
	_ =	sdelay $0x1  }
0xd4: {  	v32 =	vld [tilespmem:s31+$0x12B40];
	_ =	sdelay $0x2  }
0xd5: {  	v2 =	vmul.f32 v2, v26;
	_ =	sdelay $0x1  }
0xd6: {  	v2 =	vadd.f32 v2, v32;
	_ =	sdelay $0x1  }
0xd7: {  	[tilespmem:s31+$0x12B40] =	vst v2  }
0xd8: {  	v2 =	vld [tilespmem:$0x10170];
	_ =	sdelay $0x1  }
0xd9: {  	v33 =	vld [tilespmem:s31+$0x12B50];
	_ =	sdelay $0x2  }
0xda: {  	v2 =	vmul.f32 v2, v26;
	_ =	sdelay $0x1  }
0xdb: {  	v2 =	vadd.f32 v2, v33;
	_ =	sdelay $0x1  }
0xdc: {  	[tilespmem:s31+$0x12B50] =	vst v2  }
0xdd: {  	v2 =	vld [tilespmem:$0x10180];
	_ =	sdelay $0x1  }
0xde: {  	v34 =	vld [tilespmem:s31+$0x12B60]  }
0xdf: {  	v35 =	vbroadcast v1, $0x3;
	_ =	sdelay $0x1  }
0xe0: {  	v2 =	vmul.f32 v2, v35;
	_ =	sdelay $0x1  }
0xe1: {  	v2 =	vadd.f32 v2, v34;
	_ =	sdelay $0x1  }
0xe2: {  	[tilespmem:s31+$0x12B60] =	vst v2  }
0xe3: {  	v2 =	vld [tilespmem:$0x10190];
	_ =	sdelay $0x1  }
0xe4: {  	v36 =	vld [tilespmem:s31+$0x12B70];
	_ =	sdelay $0x2  }
0xe5: {  	v2 =	vmul.f32 v2, v35;
	_ =	sdelay $0x1  }
0xe6: {  	v2 =	vadd.f32 v2, v36;
	_ =	sdelay $0x1  }
0xe7: {  	[tilespmem:s31+$0x12B70] =	vst v2  }
0xe8: {  	v2 =	vld [tilespmem:$0x101A0];
	_ =	sdelay $0x1  }
0xe9: {  	v37 =	vld [tilespmem:s31+$0x12B80];
	_ =	sdelay $0x2  }
0xea: {  	v2 =	vmul.f32 v2, v35;
	_ =	sdelay $0x1  }
0xeb: {  	v2 =	vadd.f32 v2, v37;
	_ =	sdelay $0x1  }
0xec: {  	[tilespmem:s31+$0x12B80] =	vst v2  }
0xed: {  	v2 =	vld [tilespmem:$0x101B0];
	_ =	sdelay $0x1  }
0xee: {  	v38 =	vld [tilespmem:s31+$0x12B90];
	_ =	sdelay $0x2  }
0xef: {  	v2 =	vmul.f32 v2, v35;
	_ =	sdelay $0x1  }
0xf0: {  	v2 =	vadd.f32 v2, v38;
	_ =	sdelay $0x1  }
0xf1: {  	[tilespmem:s31+$0x12B90] =	vst v2  }
0xf2: {  	v2 =	vld [tilespmem:$0x101C0];
	_ =	sdelay $0x1  }
0xf3: {  	v39 =	vld [tilespmem:s31+$0x12BA0];
	_ =	sdelay $0x2  }
0xf4: {  	v2 =	vmul.f32 v2, v35;
	_ =	sdelay $0x1  }
0xf5: {  	v2 =	vadd.f32 v2, v39;
	_ =	sdelay $0x1  }
0xf6: {  	[tilespmem:s31+$0x12BA0] =	vst v2  }
0xf7: {  	v2 =	vld [tilespmem:$0x101D0];
	_ =	sdelay $0x1  }
0xf8: {  	v40 =	vld [tilespmem:s31+$0x12BB0];
	_ =	sdelay $0x2  }
0xf9: {  	v2 =	vmul.f32 v2, v35;
	_ =	sdelay $0x1  }
0xfa: {  	v2 =	vadd.f32 v2, v40;
	_ =	sdelay $0x1  }
0xfb: {  	[tilespmem:s31+$0x12BB0] =	vst v2  }
0xfc: {  	v2 =	vld [tilespmem:$0x101E0];
	_ =	sdelay $0x1  }
0xfd: {  	v41 =	vld [tilespmem:s31+$0x12BC0];
	_ =	sdelay $0x2  }
0xfe: {  	v2 =	vmul.f32 v2, v35;
	_ =	sdelay $0x1  }
0xff: {  	v2 =	vadd.f32 v2, v41;
	_ =	sdelay $0x1  }
0x100: {  	[tilespmem:s31+$0x12BC0] =	vst v2  }
0x101: {  	v2 =	vld [tilespmem:$0x101F0];
	_ =	sdelay $0x1  }
0x102: {  	v42 =	vld [tilespmem:s31+$0x12BD0];
	_ =	sdelay $0x2  }
0x103: {  	v2 =	vmul.f32 v2, v35;
	_ =	sdelay $0x1  }
0x104: {  	v2 =	vadd.f32 v2, v42;
	_ =	sdelay $0x1  }
0x105: {  	[tilespmem:s31+$0x12BD0] =	vst v2  }
0x106: {  	v2 =	vld [tilespmem:$0x10200];
	_ =	sdelay $0x1  }
0x107: {  	v43 =	vld [tilespmem:s31+$0x12BE0]  }
0x108: {  	v44 =	vbroadcast v1, $0x4;
	_ =	sdelay $0x1  }
0x109: {  	v2 =	vmul.f32 v2, v44;
	_ =	sdelay $0x1  }
0x10a: {  	v2 =	vadd.f32 v2, v43;
	_ =	sdelay $0x1  }
0x10b: {  	[tilespmem:s31+$0x12BE0] =	vst v2  }
0x10c: {  	v2 =	vld [tilespmem:$0x10210];
	_ =	sdelay $0x1  }
0x10d: {  	v45 =	vld [tilespmem:s31+$0x12BF0];
	_ =	sdelay $0x2  }
0x10e: {  	v2 =	vmul.f32 v2, v44;
	_ =	sdelay $0x1  }
0x10f: {  	v2 =	vadd.f32 v2, v45;
	_ =	sdelay $0x1  }
0x110: {  	[tilespmem:s31+$0x12BF0] =	vst v2  }
0x111: {  	v2 =	vld [tilespmem:$0x10220];
	_ =	sdelay $0x1  }
0x112: {  	v46 =	vld [tilespmem:s31+$0x12C00];
	_ =	sdelay $0x2  }
0x113: {  	v2 =	vmul.f32 v2, v44;
	_ =	sdelay $0x1  }
0x114: {  	v2 =	vadd.f32 v2, v46;
	_ =	sdelay $0x1  }
0x115: {  	[tilespmem:s31+$0x12C00] =	vst v2  }
0x116: {  	v2 =	vld [tilespmem:$0x10230];
	_ =	sdelay $0x1  }
0x117: {  	v47 =	vld [tilespmem:s31+$0x12C10];
	_ =	sdelay $0x2  }
0x118: {  	v2 =	vmul.f32 v2, v44;
	_ =	sdelay $0x1  }
0x119: {  	v2 =	vadd.f32 v2, v47;
	_ =	sdelay $0x1  }
0x11a: {  	[tilespmem:s31+$0x12C10] =	vst v2  }
0x11b: {  	v2 =	vld [tilespmem:$0x10240];
	_ =	sdelay $0x1  }
0x11c: {  	v48 =	vld [tilespmem:s31+$0x12C20];
	_ =	sdelay $0x2  }
0x11d: {  	v2 =	vmul.f32 v2, v44;
	_ =	sdelay $0x1  }
0x11e: {  	v2 =	vadd.f32 v2, v48;
	_ =	sdelay $0x1  }
0x11f: {  	[tilespmem:s31+$0x12C20] =	vst v2  }
0x120: {  	v2 =	vld [tilespmem:$0x10250];
	_ =	sdelay $0x1  }
0x121: {  	v49 =	vld [tilespmem:s31+$0x12C30];
	_ =	sdelay $0x2  }
0x122: {  	v2 =	vmul.f32 v2, v44;
	_ =	sdelay $0x1  }
0x123: {  	v2 =	vadd.f32 v2, v49;
	_ =	sdelay $0x1  }
0x124: {  	[tilespmem:s31+$0x12C30] =	vst v2  }
0x125: {  	v2 =	vld [tilespmem:$0x10260];
	_ =	sdelay $0x1  }
0x126: {  	v50 =	vld [tilespmem:s31+$0x12C40];
	_ =	sdelay $0x2  }
0x127: {  	v2 =	vmul.f32 v2, v44;
	_ =	sdelay $0x1  }
0x128: {  	v2 =	vadd.f32 v2, v50;
	_ =	sdelay $0x1  }
0x129: {  	[tilespmem:s31+$0x12C40] =	vst v2  }
0x12a: {  	v2 =	vld [tilespmem:$0x10270];
	_ =	sdelay $0x1  }
0x12b: {  	v51 =	vld [tilespmem:s31+$0x12C50];
	_ =	sdelay $0x2  }
0x12c: {  	v2 =	vmul.f32 v2, v44;
	_ =	sdelay $0x1  }
0x12d: {  	v2 =	vadd.f32 v2, v51;
	_ =	sdelay $0x1  }
0x12e: {  	[tilespmem:s31+$0x12C50] =	vst v2  }
0x12f: {  	v2 =	vld [tilespmem:$0x10280];
	_ =	sdelay $0x1  }
0x130: {  	v52 =	vld [tilespmem:s31+$0x12C60]  }
0x131: {  	v53 =	vbroadcast v1, $0x5;
	_ =	sdelay $0x1  }
0x132: {  	v2 =	vmul.f32 v2, v53;
	_ =	sdelay $0x1  }
0x133: {  	v2 =	vadd.f32 v2, v52;
	_ =	sdelay $0x1  }
0x134: {  	v54 =	vld [tilespmem:s31+$0x12C70];
	[tilespmem:s31+$0x12C60] =	vst v2  }
0x135: {  	v55 =	vld [tilespmem:$0x10290];
	_ =	sdelay $0x4  }
0x136: {  	v3 =	vmul.f32 v55, v53;
	_ =	sdelay $0x1  }
0x137: {  	v2 =	vadd.f32 v3, v54;
	_ =	sdelay $0x1  }
0x138: {  	[tilespmem:s31+$0x12C70] =	vst v2  }
0x139: {  	v2 =	vld [tilespmem:$0x102A0];
	_ =	sdelay $0x1  }
0x13a: {  	v56 =	vld [tilespmem:s31+$0x12C80];
	_ =	sdelay $0x2  }
0x13b: {  	v2 =	vmul.f32 v2, v53;
	_ =	sdelay $0x1  }
0x13c: {  	v2 =	vadd.f32 v2, v56;
	_ =	sdelay $0x1  }
0x13d: {  	[tilespmem:s31+$0x12C80] =	vst v2  }
0x13e: {  	v2 =	vld [tilespmem:$0x102B0];
	_ =	sdelay $0x1  }
0x13f: {  	v57 =	vld [tilespmem:s31+$0x12C90];
	_ =	sdelay $0x2  }
0x140: {  	v2 =	vmul.f32 v2, v53;
	_ =	sdelay $0x1  }
0x141: {  	v2 =	vadd.f32 v2, v57;
	_ =	sdelay $0x1  }
0x142: {  	[tilespmem:s31+$0x12C90] =	vst v2  }
0x143: {  	v2 =	vld [tilespmem:$0x102C0];
	_ =	sdelay $0x1  }
0x144: {  	v58 =	vld [tilespmem:s31+$0x12CA0];
	_ =	sdelay $0x2  }
0x145: {  	v2 =	vmul.f32 v2, v53;
	_ =	sdelay $0x1  }
0x146: {  	v2 =	vadd.f32 v2, v58;
	_ =	sdelay $0x1  }
0x147: {  	[tilespmem:s31+$0x12CA0] =	vst v2  }
0x148: {  	v2 =	vld [tilespmem:$0x102D0];
	_ =	sdelay $0x1  }
0x149: {  	v59 =	vld [tilespmem:s31+$0x12CB0];
	_ =	sdelay $0x2  }
0x14a: {  	v2 =	vmul.f32 v2, v53;
	_ =	sdelay $0x1  }
0x14b: {  	v2 =	vadd.f32 v2, v59;
	_ =	sdelay $0x1  }
0x14c: {  	[tilespmem:s31+$0x12CB0] =	vst v2  }
0x14d: {  	v2 =	vld [tilespmem:$0x102E0];
	_ =	sdelay $0x1  }
0x14e: {  	v60 =	vld [tilespmem:s31+$0x12CC0];
	_ =	sdelay $0x2  }
0x14f: {  	v2 =	vmul.f32 v2, v53;
	_ =	sdelay $0x1  }
0x150: {  	v2 =	vadd.f32 v2, v60;
	_ =	sdelay $0x1  }
0x151: {  	[tilespmem:s31+$0x12CC0] =	vst v2  }
0x152: {  	v2 =	vld [tilespmem:$0x102F0];
	_ =	sdelay $0x1  }
0x153: {  	v61 =	vld [tilespmem:s31+$0x12CD0];
	_ =	sdelay $0x2  }
0x154: {  	v2 =	vmul.f32 v2, v53;
	_ =	sdelay $0x1  }
0x155: {  	v2 =	vadd.f32 v2, v61;
	_ =	sdelay $0x1  }
0x156: {  	[tilespmem:s31+$0x12CD0] =	vst v2  }
0x157: {  	v2 =	vld [tilespmem:$0x10300];
	_ =	sdelay $0x1  }
0x158: {  	v62 =	vld [tilespmem:s31+$0x12CE0]  }
0x159: {  	v63 =	vbroadcast v1, $0x6;
	_ =	sdelay $0x1  }
0x15a: {  	v2 =	vmul.f32 v2, v63;
	_ =	sdelay $0x1  }
0x15b: {  	v2 =	vadd.f32 v2, v62;
	_ =	sdelay $0x1  }
0x15c: {  	[tilespmem:s31+$0x12CE0] =	vst v2  }
0x15d: {  	v2 =	vld [tilespmem:$0x10310];
	_ =	sdelay $0x1  }
0x15e: {  	v6 =	vld [tilespmem:s31+$0x12CF0];
	_ =	sdelay $0x2  }
0x15f: {  	v2 =	vmul.f32 v2, v63;
	_ =	sdelay $0x1  }
0x160: {  	v2 =	vadd.f32 v2, v6;
	_ =	sdelay $0x1  }
0x161: {  	[tilespmem:s31+$0x12CF0] =	vst v2  }
0x162: {  	v2 =	vld [tilespmem:$0x10320];
	_ =	sdelay $0x1  }
0x163: {  	v7 =	vld [tilespmem:s31+$0x12D00];
	_ =	sdelay $0x2  }
0x164: {  	v2 =	vmul.f32 v2, v63;
	_ =	sdelay $0x1  }
0x165: {  	v2 =	vadd.f32 v2, v7;
	_ =	sdelay $0x1  }
0x166: {  	[tilespmem:s31+$0x12D00] =	vst v2  }
0x167: {  	v2 =	vld [tilespmem:$0x10330];
	_ =	sdelay $0x1  }
0x168: {  	v8 =	vld [tilespmem:s31+$0x12D10];
	_ =	sdelay $0x2  }
0x169: {  	v2 =	vmul.f32 v2, v63;
	_ =	sdelay $0x1  }
0x16a: {  	v2 =	vadd.f32 v2, v8;
	_ =	sdelay $0x1  }
0x16b: {  	[tilespmem:s31+$0x12D10] =	vst v2  }
0x16c: {  	v2 =	vld [tilespmem:$0x10340];
	_ =	sdelay $0x1  }
0x16d: {  	v9 =	vld [tilespmem:s31+$0x12D20];
	_ =	sdelay $0x2  }
0x16e: {  	v2 =	vmul.f32 v2, v63;
	_ =	sdelay $0x1  }
0x16f: {  	v2 =	vadd.f32 v2, v9;
	_ =	sdelay $0x1  }
0x170: {  	[tilespmem:s31+$0x12D20] =	vst v2  }
0x171: {  	v2 =	vld [tilespmem:$0x10350];
	_ =	sdelay $0x1  }
0x172: {  	v10 =	vld [tilespmem:s31+$0x12D30];
	_ =	sdelay $0x2  }
0x173: {  	v2 =	vmul.f32 v2, v63;
	_ =	sdelay $0x1  }
0x174: {  	v2 =	vadd.f32 v2, v10;
	_ =	sdelay $0x1  }
0x175: {  	[tilespmem:s31+$0x12D30] =	vst v2  }
0x176: {  	v2 =	vld [tilespmem:$0x10360];
	_ =	sdelay $0x1  }
0x177: {  	v11 =	vld [tilespmem:s31+$0x12D40];
	_ =	sdelay $0x2  }
0x178: {  	v2 =	vmul.f32 v2, v63;
	_ =	sdelay $0x1  }
0x179: {  	v2 =	vadd.f32 v2, v11;
	_ =	sdelay $0x1  }
0x17a: {  	[tilespmem:s31+$0x12D40] =	vst v2  }
0x17b: {  	v2 =	vld [tilespmem:$0x10370];
	_ =	sdelay $0x1  }
0x17c: {  	v12 =	vld [tilespmem:s31+$0x12D50];
	_ =	sdelay $0x2  }
0x17d: {  	v2 =	vmul.f32 v2, v63;
	_ =	sdelay $0x1  }
0x17e: {  	v2 =	vadd.f32 v2, v12;
	_ =	sdelay $0x1  }
0x17f: {  	[tilespmem:s31+$0x12D50] =	vst v2  }
0x180: {  	v2 =	vld [tilespmem:$0x10380];
	_ =	sdelay $0x1  }
0x181: {  	v13 =	vld [tilespmem:s31+$0x12D60]  }
0x182: {  	v14 =	vbroadcast v1, $0x7;
	_ =	sdelay $0x1  }
0x183: {  	v2 =	vmul.f32 v2, v14;
	_ =	sdelay $0x1  }
0x184: {  	v2 =	vadd.f32 v2, v13;
	_ =	sdelay $0x1  }
0x185: {  	[tilespmem:s31+$0x12D60] =	vst v2  }
0x186: {  	v2 =	vld [tilespmem:$0x10390];
	_ =	sdelay $0x1  }
0x187: {  	v15 =	vld [tilespmem:s31+$0x12D70];
	_ =	sdelay $0x2  }
0x188: {  	v2 =	vmul.f32 v2, v14;
	_ =	sdelay $0x1  }
0x189: {  	v2 =	vadd.f32 v2, v15;
	_ =	sdelay $0x1  }
0x18a: {  	[tilespmem:s31+$0x12D70] =	vst v2  }
0x18b: {  	v2 =	vld [tilespmem:$0x103A0];
	_ =	sdelay $0x1  }
0x18c: {  	v16 =	vld [tilespmem:s31+$0x12D80];
	_ =	sdelay $0x2  }
0x18d: {  	v2 =	vmul.f32 v2, v14;
	_ =	sdelay $0x1  }
0x18e: {  	v2 =	vadd.f32 v2, v16;
	_ =	sdelay $0x1  }
0x18f: {  	[tilespmem:s31+$0x12D80] =	vst v2  }
0x190: {  	v2 =	vld [tilespmem:$0x103B0];
	_ =	sdelay $0x1  }
0x191: {  	v17 =	vld [tilespmem:s31+$0x12D90];
	_ =	sdelay $0x2  }
0x192: {  	v2 =	vmul.f32 v2, v14;
	_ =	sdelay $0x1  }
0x193: {  	v2 =	vadd.f32 v2, v17;
	_ =	sdelay $0x1  }
0x194: {  	[tilespmem:s31+$0x12D90] =	vst v2  }
0x195: {  	v2 =	vld [tilespmem:$0x103C0];
	_ =	sdelay $0x1  }
0x196: {  	v18 =	vld [tilespmem:s31+$0x12DA0];
	_ =	sdelay $0x2  }
0x197: {  	v2 =	vmul.f32 v2, v14;
	_ =	sdelay $0x1  }
0x198: {  	v2 =	vadd.f32 v2, v18;
	_ =	sdelay $0x1  }
0x199: {  	[tilespmem:s31+$0x12DA0] =	vst v2  }
0x19a: {  	v2 =	vld [tilespmem:$0x103D0];
	_ =	sdelay $0x1  }
0x19b: {  	v19 =	vld [tilespmem:s31+$0x12DB0];
	_ =	sdelay $0x2  }
0x19c: {  	v2 =	vmul.f32 v2, v14;
	_ =	sdelay $0x1  }
0x19d: {  	v2 =	vadd.f32 v2, v19;
	_ =	sdelay $0x1  }
0x19e: {  	[tilespmem:s31+$0x12DB0] =	vst v2  }
0x19f: {  	v2 =	vld [tilespmem:$0x103E0];
	_ =	sdelay $0x1  }
0x1a0: {  	v20 =	vld [tilespmem:s31+$0x12DC0];
	_ =	sdelay $0x2  }
0x1a1: {  	v2 =	vmul.f32 v2, v14;
	_ =	sdelay $0x1  }
0x1a2: {  	v2 =	vadd.f32 v2, v20;
	_ =	sdelay $0x1  }
0x1a3: {  	[tilespmem:s31+$0x12DC0] =	vst v2  }
0x1a4: {  	v2 =	vld [tilespmem:$0x103F0];
	_ =	sdelay $0x1  }
0x1a5: {  	v21 =	vld [tilespmem:s31+$0x12DD0];
	_ =	sdelay $0x2  }
0x1a6: {  	v2 =	vmul.f32 v2, v14;
	_ =	sdelay $0x1  }
0x1a7: {  	v2 =	vadd.f32 v2, v21;
	_ =	sdelay $0x1  }
0x1a8: {  	[tilespmem:s31+$0x12DD0] =	vst v2  }
0x1a9: {  	v2 =	vld [tilespmem:$0x10400];
	_ =	sdelay $0x1  }
0x1aa: {  	v22 =	vld [tilespmem:s31+$0x12DE0]  }
0x1ab: {  	v23 =	vbroadcast v1, $0x8;
	_ =	sdelay $0x1  }
0x1ac: {  	v2 =	vmul.f32 v2, v23;
	_ =	sdelay $0x1  }
0x1ad: {  	v2 =	vadd.f32 v2, v22;
	_ =	sdelay $0x1  }
0x1ae: {  	[tilespmem:s31+$0x12DE0] =	vst v2  }
0x1af: {  	v2 =	vld [tilespmem:$0x10410];
	_ =	sdelay $0x1  }
0x1b0: {  	v24 =	vld [tilespmem:s31+$0x12DF0];
	_ =	sdelay $0x2  }
0x1b1: {  	v2 =	vmul.f32 v2, v23;
	_ =	sdelay $0x1  }
0x1b2: {  	v2 =	vadd.f32 v2, v24;
	_ =	sdelay $0x1  }
0x1b3: {  	[tilespmem:s31+$0x12DF0] =	vst v2  }
0x1b4: {  	v2 =	vld [tilespmem:$0x10420];
	_ =	sdelay $0x1  }
0x1b5: {  	v25 =	vld [tilespmem:s31+$0x12E00];
	_ =	sdelay $0x2  }
0x1b6: {  	v2 =	vmul.f32 v2, v23;
	_ =	sdelay $0x1  }
0x1b7: {  	v2 =	vadd.f32 v2, v25;
	_ =	sdelay $0x1  }
0x1b8: {  	[tilespmem:s31+$0x12E00] =	vst v2  }
0x1b9: {  	v2 =	vld [tilespmem:$0x10430];
	_ =	sdelay $0x1  }
0x1ba: {  	v26 =	vld [tilespmem:s31+$0x12E10];
	_ =	sdelay $0x2  }
0x1bb: {  	v2 =	vmul.f32 v2, v23;
	_ =	sdelay $0x1  }
0x1bc: {  	v2 =	vadd.f32 v2, v26;
	_ =	sdelay $0x1  }
0x1bd: {  	[tilespmem:s31+$0x12E10] =	vst v2  }
0x1be: {  	v2 =	vld [tilespmem:$0x10440];
	_ =	sdelay $0x1  }
0x1bf: {  	v27 =	vld [tilespmem:s31+$0x12E20];
	_ =	sdelay $0x2  }
0x1c0: {  	v2 =	vmul.f32 v2, v23;
	_ =	sdelay $0x1  }
0x1c1: {  	v2 =	vadd.f32 v2, v27;
	_ =	sdelay $0x1  }
0x1c2: {  	[tilespmem:s31+$0x12E20] =	vst v2  }
0x1c3: {  	v2 =	vld [tilespmem:$0x10450];
	_ =	sdelay $0x1  }
0x1c4: {  	v28 =	vld [tilespmem:s31+$0x12E30];
	_ =	sdelay $0x2  }
0x1c5: {  	v2 =	vmul.f32 v2, v23;
	_ =	sdelay $0x1  }
0x1c6: {  	v2 =	vadd.f32 v2, v28;
	_ =	sdelay $0x1  }
0x1c7: {  	[tilespmem:s31+$0x12E30] =	vst v2  }
0x1c8: {  	v2 =	vld [tilespmem:$0x10460];
	_ =	sdelay $0x1  }
0x1c9: {  	v29 =	vld [tilespmem:s31+$0x12E40];
	_ =	sdelay $0x2  }
0x1ca: {  	v2 =	vmul.f32 v2, v23;
	_ =	sdelay $0x1  }
0x1cb: {  	v2 =	vadd.f32 v2, v29;
	_ =	sdelay $0x1  }
0x1cc: {  	[tilespmem:s31+$0x12E40] =	vst v2  }
0x1cd: {  	v2 =	vld [tilespmem:$0x10470];
	_ =	sdelay $0x1  }
0x1ce: {  	v30 =	vld [tilespmem:s31+$0x12E50];
	_ =	sdelay $0x2  }
0x1cf: {  	v2 =	vmul.f32 v2, v23;
	_ =	sdelay $0x1  }
0x1d0: {  	v2 =	vadd.f32 v2, v30;
	_ =	sdelay $0x1  }
0x1d1: {  	[tilespmem:s31+$0x12E50] =	vst v2  }
0x1d2: {  	v2 =	vld [tilespmem:$0x10480];
	_ =	sdelay $0x1  }
0x1d3: {  	v31 =	vld [tilespmem:s31+$0x12E60]  }
0x1d4: {  	v32 =	vbroadcast v1, $0x9;
	_ =	sdelay $0x1  }
0x1d5: {  	v2 =	vmul.f32 v2, v32;
	_ =	sdelay $0x1  }
0x1d6: {  	v2 =	vadd.f32 v2, v31;
	_ =	sdelay $0x1  }
0x1d7: {  	[tilespmem:s31+$0x12E60] =	vst v2  }
0x1d8: {  	v2 =	vld [tilespmem:$0x10490];
	_ =	sdelay $0x1  }
0x1d9: {  	v33 =	vld [tilespmem:s31+$0x12E70];
	_ =	sdelay $0x2  }
0x1da: {  	v2 =	vmul.f32 v2, v32;
	_ =	sdelay $0x1  }
0x1db: {  	v2 =	vadd.f32 v2, v33;
	_ =	sdelay $0x1  }
0x1dc: {  	[tilespmem:s31+$0x12E70] =	vst v2  }
0x1dd: {  	v2 =	vld [tilespmem:$0x104A0];
	_ =	sdelay $0x1  }
0x1de: {  	v34 =	vld [tilespmem:s31+$0x12E80];
	_ =	sdelay $0x2  }
0x1df: {  	v2 =	vmul.f32 v2, v32;
	_ =	sdelay $0x1  }
0x1e0: {  	v2 =	vadd.f32 v2, v34;
	_ =	sdelay $0x1  }
0x1e1: {  	[tilespmem:s31+$0x12E80] =	vst v2  }
0x1e2: {  	v2 =	vld [tilespmem:$0x104B0];
	_ =	sdelay $0x1  }
0x1e3: {  	v35 =	vld [tilespmem:s31+$0x12E90];
	_ =	sdelay $0x2  }
0x1e4: {  	v2 =	vmul.f32 v2, v32;
	_ =	sdelay $0x1  }
0x1e5: {  	v2 =	vadd.f32 v2, v35;
	_ =	sdelay $0x1  }
0x1e6: {  	[tilespmem:s31+$0x12E90] =	vst v2  }
0x1e7: {  	v2 =	vld [tilespmem:$0x104C0];
	_ =	sdelay $0x1  }
0x1e8: {  	v36 =	vld [tilespmem:s31+$0x12EA0];
	_ =	sdelay $0x2  }
0x1e9: {  	v2 =	vmul.f32 v2, v32;
	_ =	sdelay $0x1  }
0x1ea: {  	v2 =	vadd.f32 v2, v36;
	_ =	sdelay $0x1  }
0x1eb: {  	[tilespmem:s31+$0x12EA0] =	vst v2  }
0x1ec: {  	v2 =	vld [tilespmem:$0x104D0];
	_ =	sdelay $0x1  }
0x1ed: {  	v37 =	vld [tilespmem:s31+$0x12EB0];
	_ =	sdelay $0x2  }
0x1ee: {  	v2 =	vmul.f32 v2, v32;
	_ =	sdelay $0x1  }
0x1ef: {  	v2 =	vadd.f32 v2, v37;
	_ =	sdelay $0x1  }
0x1f0: {  	[tilespmem:s31+$0x12EB0] =	vst v2  }
0x1f1: {  	v2 =	vld [tilespmem:$0x104E0];
	_ =	sdelay $0x1  }
0x1f2: {  	v38 =	vld [tilespmem:s31+$0x12EC0];
	_ =	sdelay $0x2  }
0x1f3: {  	v2 =	vmul.f32 v2, v32;
	_ =	sdelay $0x1  }
0x1f4: {  	v2 =	vadd.f32 v2, v38;
	_ =	sdelay $0x1  }
0x1f5: {  	[tilespmem:s31+$0x12EC0] =	vst v2  }
0x1f6: {  	v2 =	vld [tilespmem:$0x104F0];
	_ =	sdelay $0x1  }
0x1f7: {  	v39 =	vld [tilespmem:s31+$0x12ED0];
	_ =	sdelay $0x2  }
0x1f8: {  	v2 =	vmul.f32 v2, v32;
	_ =	sdelay $0x1  }
0x1f9: {  	v2 =	vadd.f32 v2, v39;
	_ =	sdelay $0x1  }
0x1fa: {  	[tilespmem:s31+$0x12ED0] =	vst v2  }
0x1fb: {  	v2 =	vld [tilespmem:$0x10500];
	_ =	sdelay $0x1  }
0x1fc: {  	v40 =	vld [tilespmem:s31+$0x12EE0]  }
0x1fd: {  	v41 =	vbroadcast v1, $0xA;
	_ =	sdelay $0x1  }
0x1fe: {  	v2 =	vmul.f32 v2, v41;
	_ =	sdelay $0x1  }
0x1ff: {  	v2 =	vadd.f32 v2, v40;
	_ =	sdelay $0x1  }
0x200: {  	[tilespmem:s31+$0x12EE0] =	vst v2  }
0x201: {  	v2 =	vld [tilespmem:$0x10510];
	_ =	sdelay $0x1  }
0x202: {  	v42 =	vld [tilespmem:s31+$0x12EF0];
	_ =	sdelay $0x2  }
0x203: {  	v2 =	vmul.f32 v2, v41;
	_ =	sdelay $0x1  }
0x204: {  	v2 =	vadd.f32 v2, v42;
	_ =	sdelay $0x1  }
0x205: {  	[tilespmem:s31+$0x12EF0] =	vst v2  }
0x206: {  	v2 =	vld [tilespmem:$0x10520];
	_ =	sdelay $0x1  }
0x207: {  	v43 =	vld [tilespmem:s31+$0x12F00];
	_ =	sdelay $0x2  }
0x208: {  	v2 =	vmul.f32 v2, v41;
	_ =	sdelay $0x1  }
0x209: {  	v2 =	vadd.f32 v2, v43;
	_ =	sdelay $0x1  }
0x20a: {  	[tilespmem:s31+$0x12F00] =	vst v2  }
0x20b: {  	v2 =	vld [tilespmem:$0x10530];
	_ =	sdelay $0x1  }
0x20c: {  	v44 =	vld [tilespmem:s31+$0x12F10];
	_ =	sdelay $0x2  }
0x20d: {  	v2 =	vmul.f32 v2, v41;
	_ =	sdelay $0x1  }
0x20e: {  	v2 =	vadd.f32 v2, v44;
	_ =	sdelay $0x1  }
0x20f: {  	[tilespmem:s31+$0x12F10] =	vst v2  }
0x210: {  	v2 =	vld [tilespmem:$0x10540];
	_ =	sdelay $0x1  }
0x211: {  	v45 =	vld [tilespmem:s31+$0x12F20];
	_ =	sdelay $0x2  }
0x212: {  	v2 =	vmul.f32 v2, v41;
	_ =	sdelay $0x1  }
0x213: {  	v2 =	vadd.f32 v2, v45;
	_ =	sdelay $0x1  }
0x214: {  	[tilespmem:s31+$0x12F20] =	vst v2  }
0x215: {  	v2 =	vld [tilespmem:$0x10550];
	_ =	sdelay $0x1  }
0x216: {  	v46 =	vld [tilespmem:s31+$0x12F30];
	_ =	sdelay $0x2  }
0x217: {  	v2 =	vmul.f32 v2, v41;
	_ =	sdelay $0x1  }
0x218: {  	v2 =	vadd.f32 v2, v46;
	_ =	sdelay $0x1  }
0x219: {  	[tilespmem:s31+$0x12F30] =	vst v2  }
0x21a: {  	v2 =	vld [tilespmem:$0x10560];
	_ =	sdelay $0x1  }
0x21b: {  	v47 =	vld [tilespmem:s31+$0x12F40];
	_ =	sdelay $0x2  }
0x21c: {  	v2 =	vmul.f32 v2, v41;
	_ =	sdelay $0x1  }
0x21d: {  	v2 =	vadd.f32 v2, v47;
	_ =	sdelay $0x1  }
0x21e: {  	[tilespmem:s31+$0x12F40] =	vst v2  }
0x21f: {  	v2 =	vld [tilespmem:$0x10570];
	_ =	sdelay $0x1  }
0x220: {  	v48 =	vld [tilespmem:s31+$0x12F50];
	_ =	sdelay $0x2  }
0x221: {  	v2 =	vmul.f32 v2, v41;
	_ =	sdelay $0x1  }
0x222: {  	v2 =	vadd.f32 v2, v48;
	_ =	sdelay $0x1  }
0x223: {  	[tilespmem:s31+$0x12F50] =	vst v2  }
0x224: {  	v2 =	vld [tilespmem:$0x10580];
	_ =	sdelay $0x1  }
0x225: {  	v49 =	vld [tilespmem:s31+$0x12F60]  }
0x226: {  	v50 =	vbroadcast v1, $0xB;
	_ =	sdelay $0x1  }
0x227: {  	v2 =	vmul.f32 v2, v50;
	_ =	sdelay $0x1  }
0x228: {  	v2 =	vadd.f32 v2, v49;
	_ =	sdelay $0x1  }
0x229: {  	[tilespmem:s31+$0x12F60] =	vst v2  }
0x22a: {  	v2 =	vld [tilespmem:$0x10590];
	_ =	sdelay $0x1  }
0x22b: {  	v51 =	vld [tilespmem:s31+$0x12F70];
	_ =	sdelay $0x2  }
0x22c: {  	v2 =	vmul.f32 v2, v50;
	_ =	sdelay $0x1  }
0x22d: {  	v2 =	vadd.f32 v2, v51;
	_ =	sdelay $0x1  }
0x22e: {  	[tilespmem:s31+$0x12F70] =	vst v2  }
0x22f: {  	v2 =	vld [tilespmem:$0x105A0];
	_ =	sdelay $0x1  }
0x230: {  	v52 =	vld [tilespmem:s31+$0x12F80];
	_ =	sdelay $0x2  }
0x231: {  	v2 =	vmul.f32 v2, v50;
	_ =	sdelay $0x1  }
0x232: {  	v2 =	vadd.f32 v2, v52;
	_ =	sdelay $0x1  }
0x233: {  	[tilespmem:s31+$0x12F80] =	vst v2  }
0x234: {  	v2 =	vld [tilespmem:$0x105B0];
	_ =	sdelay $0x1  }
0x235: {  	v53 =	vld [tilespmem:s31+$0x12F90];
	_ =	sdelay $0x2  }
0x236: {  	v2 =	vmul.f32 v2, v50;
	_ =	sdelay $0x1  }
0x237: {  	v2 =	vadd.f32 v2, v53;
	_ =	sdelay $0x1  }
0x238: {  	[tilespmem:s31+$0x12F90] =	vst v2  }
0x239: {  	v2 =	vld [tilespmem:$0x105C0];
	_ =	sdelay $0x1  }
0x23a: {  	v54 =	vld [tilespmem:s31+$0x12FA0];
	_ =	sdelay $0x2  }
0x23b: {  	v2 =	vmul.f32 v2, v50;
	_ =	sdelay $0x1  }
0x23c: {  	v2 =	vadd.f32 v2, v54;
	_ =	sdelay $0x1  }
0x23d: {  	[tilespmem:s31+$0x12FA0] =	vst v2  }
0x23e: {  	v2 =	vld [tilespmem:$0x105D0];
	_ =	sdelay $0x1  }
0x23f: {  	v55 =	vld [tilespmem:s31+$0x12FB0];
	_ =	sdelay $0x2  }
0x240: {  	v2 =	vmul.f32 v2, v50;
	_ =	sdelay $0x1  }
0x241: {  	v2 =	vadd.f32 v2, v55;
	_ =	sdelay $0x1  }
0x242: {  	[tilespmem:s31+$0x12FB0] =	vst v2  }
0x243: {  	v2 =	vld [tilespmem:$0x105E0];
	_ =	sdelay $0x1  }
0x244: {  	v56 =	vld [tilespmem:s31+$0x12FC0];
	_ =	sdelay $0x2  }
0x245: {  	v2 =	vmul.f32 v2, v50;
	_ =	sdelay $0x1  }
0x246: {  	v2 =	vadd.f32 v2, v56;
	_ =	sdelay $0x1  }
0x247: {  	[tilespmem:s31+$0x12FC0] =	vst v2  }
0x248: {  	v2 =	vld [tilespmem:$0x105F0];
	_ =	sdelay $0x1  }
0x249: {  	v57 =	vld [tilespmem:s31+$0x12FD0];
	_ =	sdelay $0x2  }
0x24a: {  	v2 =	vmul.f32 v2, v50;
	_ =	sdelay $0x1  }
0x24b: {  	v2 =	vadd.f32 v2, v57;
	_ =	sdelay $0x1  }
0x24c: {  	[tilespmem:s31+$0x12FD0] =	vst v2  }
0x24d: {  	v2 =	vld [tilespmem:$0x10600];
	_ =	sdelay $0x1  }
0x24e: {  	v58 =	vld [tilespmem:s31+$0x12FE0]  }
0x24f: {  	v59 =	vbroadcast v1, $0xC;
	_ =	sdelay $0x1  }
0x250: {  	v2 =	vmul.f32 v2, v59;
	_ =	sdelay $0x1  }
0x251: {  	v2 =	vadd.f32 v2, v58;
	_ =	sdelay $0x1  }
0x252: {  	[tilespmem:s31+$0x12FE0] =	vst v2  }
0x253: {  	v2 =	vld [tilespmem:$0x10610];
	_ =	sdelay $0x1  }
0x254: {  	v60 =	vld [tilespmem:s31+$0x12FF0];
	_ =	sdelay $0x2  }
0x255: {  	v2 =	vmul.f32 v2, v59;
	_ =	sdelay $0x1  }
0x256: {  	v2 =	vadd.f32 v2, v60;
	_ =	sdelay $0x1  }
0x257: {  	[tilespmem:s31+$0x12FF0] =	vst v2  }
0x258: {  	v2 =	vld [tilespmem:$0x10620];
	_ =	sdelay $0x1  }
0x259: {  	v61 =	vld [tilespmem:s31+$0x13000];
	_ =	sdelay $0x2  }
0x25a: {  	v2 =	vmul.f32 v2, v59;
	_ =	sdelay $0x1  }
0x25b: {  	v2 =	vadd.f32 v2, v61;
	_ =	sdelay $0x1  }
0x25c: {  	[tilespmem:s31+$0x13000] =	vst v2  }
0x25d: {  	v2 =	vld [tilespmem:$0x10630];
	_ =	sdelay $0x1  }
0x25e: {  	v62 =	vld [tilespmem:s31+$0x13010];
	_ =	sdelay $0x2  }
0x25f: {  	v2 =	vmul.f32 v2, v59;
	_ =	sdelay $0x1  }
0x260: {  	v2 =	vadd.f32 v2, v62;
	_ =	sdelay $0x1  }
0x261: {  	[tilespmem:s31+$0x13010] =	vst v2  }
0x262: {  	v2 =	vld [tilespmem:$0x10640];
	_ =	sdelay $0x1  }
0x263: {  	v63 =	vld [tilespmem:s31+$0x13020];
	_ =	sdelay $0x2  }
0x264: {  	v2 =	vmul.f32 v2, v59;
	_ =	sdelay $0x1  }
0x265: {  	v2 =	vadd.f32 v2, v63;
	_ =	sdelay $0x1  }
0x266: {  	[tilespmem:s31+$0x13020] =	vst v2  }
0x267: {  	v2 =	vld [tilespmem:$0x10650];
	_ =	sdelay $0x1  }
0x268: {  	v6 =	vld [tilespmem:s31+$0x13030];
	_ =	sdelay $0x2  }
0x269: {  	v2 =	vmul.f32 v2, v59;
	_ =	sdelay $0x1  }
0x26a: {  	v2 =	vadd.f32 v2, v6;
	_ =	sdelay $0x1  }
0x26b: {  	[tilespmem:s31+$0x13030] =	vst v2  }
0x26c: {  	v2 =	vld [tilespmem:$0x10660];
	_ =	sdelay $0x1  }
0x26d: {  	v7 =	vld [tilespmem:s31+$0x13040];
	_ =	sdelay $0x2  }
0x26e: {  	v2 =	vmul.f32 v2, v59;
	_ =	sdelay $0x1  }
0x26f: {  	v2 =	vadd.f32 v2, v7;
	_ =	sdelay $0x1  }
0x270: {  	[tilespmem:s31+$0x13040] =	vst v2  }
0x271: {  	v2 =	vld [tilespmem:$0x10670];
	_ =	sdelay $0x1  }
0x272: {  	v8 =	vld [tilespmem:s31+$0x13050];
	_ =	sdelay $0x2  }
0x273: {  	v2 =	vmul.f32 v2, v59;
	_ =	sdelay $0x1  }
0x274: {  	v2 =	vadd.f32 v2, v8;
	_ =	sdelay $0x1  }
0x275: {  	[tilespmem:s31+$0x13050] =	vst v2  }
0x276: {  	v2 =	vld [tilespmem:$0x10680];
	_ =	sdelay $0x1  }
0x277: {  	v9 =	vld [tilespmem:s31+$0x13060]  }
0x278: {  	v10 =	vbroadcast v1, $0xD;
	_ =	sdelay $0x1  }
0x279: {  	v2 =	vmul.f32 v2, v10;
	_ =	sdelay $0x1  }
0x27a: {  	v2 =	vadd.f32 v2, v9;
	_ =	sdelay $0x1  }
0x27b: {  	[tilespmem:s31+$0x13060] =	vst v2  }
0x27c: {  	v2 =	vld [tilespmem:$0x10690];
	_ =	sdelay $0x1  }
0x27d: {  	v11 =	vld [tilespmem:s31+$0x13070];
	_ =	sdelay $0x2  }
0x27e: {  	v2 =	vmul.f32 v2, v10;
	_ =	sdelay $0x1  }
0x27f: {  	v2 =	vadd.f32 v2, v11;
	_ =	sdelay $0x1  }
0x280: {  	[tilespmem:s31+$0x13070] =	vst v2  }
0x281: {  	v2 =	vld [tilespmem:$0x106A0];
	_ =	sdelay $0x1  }
0x282: {  	v12 =	vld [tilespmem:s31+$0x13080];
	_ =	sdelay $0x2  }
0x283: {  	v2 =	vmul.f32 v2, v10;
	_ =	sdelay $0x1  }
0x284: {  	v2 =	vadd.f32 v2, v12;
	_ =	sdelay $0x1  }
0x285: {  	[tilespmem:s31+$0x13080] =	vst v2  }
0x286: {  	v2 =	vld [tilespmem:$0x106B0];
	_ =	sdelay $0x1  }
0x287: {  	v13 =	vld [tilespmem:s31+$0x13090];
	_ =	sdelay $0x2  }
0x288: {  	v2 =	vmul.f32 v2, v10;
	_ =	sdelay $0x1  }
0x289: {  	v2 =	vadd.f32 v2, v13;
	_ =	sdelay $0x1  }
0x28a: {  	[tilespmem:s31+$0x13090] =	vst v2  }
0x28b: {  	v2 =	vld [tilespmem:$0x106C0];
	_ =	sdelay $0x1  }
0x28c: {  	v14 =	vld [tilespmem:s31+$0x130A0];
	_ =	sdelay $0x2  }
0x28d: {  	v2 =	vmul.f32 v2, v10;
	_ =	sdelay $0x1  }
0x28e: {  	v2 =	vadd.f32 v2, v14;
	_ =	sdelay $0x1  }
0x28f: {  	[tilespmem:s31+$0x130A0] =	vst v2  }
0x290: {  	v2 =	vld [tilespmem:$0x106D0];
	_ =	sdelay $0x1  }
0x291: {  	v15 =	vld [tilespmem:s31+$0x130B0];
	_ =	sdelay $0x2  }
0x292: {  	v2 =	vmul.f32 v2, v10;
	_ =	sdelay $0x1  }
0x293: {  	v2 =	vadd.f32 v2, v15;
	_ =	sdelay $0x1  }
0x294: {  	[tilespmem:s31+$0x130B0] =	vst v2  }
0x295: {  	v2 =	vld [tilespmem:$0x106E0];
	_ =	sdelay $0x1  }
0x296: {  	v16 =	vld [tilespmem:s31+$0x130C0];
	_ =	sdelay $0x2  }
0x297: {  	v2 =	vmul.f32 v2, v10;
	_ =	sdelay $0x1  }
0x298: {  	v2 =	vadd.f32 v2, v16;
	_ =	sdelay $0x1  }
0x299: {  	[tilespmem:s31+$0x130C0] =	vst v2  }
0x29a: {  	v2 =	vld [tilespmem:$0x106F0];
	_ =	sdelay $0x1  }
0x29b: {  	v17 =	vld [tilespmem:s31+$0x130D0];
	_ =	sdelay $0x2  }
0x29c: {  	v2 =	vmul.f32 v2, v10;
	_ =	sdelay $0x1  }
0x29d: {  	v2 =	vadd.f32 v2, v17;
	_ =	sdelay $0x1  }
0x29e: {  	[tilespmem:s31+$0x130D0] =	vst v2  }
0x29f: {  	v2 =	vld [tilespmem:$0x10700];
	_ =	sdelay $0x1  }
0x2a0: {  	v18 =	vld [tilespmem:s31+$0x130E0]  }
0x2a1: {  	v19 =	vbroadcast v1, $0xE;
	_ =	sdelay $0x1  }
0x2a2: {  	v2 =	vmul.f32 v2, v19;
	_ =	sdelay $0x1  }
0x2a3: {  	v2 =	vadd.f32 v2, v18;
	_ =	sdelay $0x1  }
0x2a4: {  	[tilespmem:s31+$0x130E0] =	vst v2  }
0x2a5: {  	v2 =	vld [tilespmem:$0x10710];
	_ =	sdelay $0x1  }
0x2a6: {  	v20 =	vld [tilespmem:s31+$0x130F0];
	_ =	sdelay $0x2  }
0x2a7: {  	v2 =	vmul.f32 v2, v19;
	_ =	sdelay $0x1  }
0x2a8: {  	v2 =	vadd.f32 v2, v20;
	_ =	sdelay $0x1  }
0x2a9: {  	[tilespmem:s31+$0x130F0] =	vst v2  }
0x2aa: {  	v2 =	vld [tilespmem:$0x10720];
	_ =	sdelay $0x1  }
0x2ab: {  	v21 =	vld [tilespmem:s31+$0x13100];
	_ =	sdelay $0x2  }
0x2ac: {  	v2 =	vmul.f32 v2, v19;
	_ =	sdelay $0x1  }
0x2ad: {  	v2 =	vadd.f32 v2, v21;
	_ =	sdelay $0x1  }
0x2ae: {  	[tilespmem:s31+$0x13100] =	vst v2  }
0x2af: {  	v2 =	vld [tilespmem:$0x10730];
	_ =	sdelay $0x1  }
0x2b0: {  	v22 =	vld [tilespmem:s31+$0x13110];
	_ =	sdelay $0x2  }
0x2b1: {  	v2 =	vmul.f32 v2, v19;
	_ =	sdelay $0x1  }
0x2b2: {  	v2 =	vadd.f32 v2, v22;
	_ =	sdelay $0x1  }
0x2b3: {  	[tilespmem:s31+$0x13110] =	vst v2  }
0x2b4: {  	v2 =	vld [tilespmem:$0x10740];
	_ =	sdelay $0x1  }
0x2b5: {  	v23 =	vld [tilespmem:s31+$0x13120];
	_ =	sdelay $0x2  }
0x2b6: {  	v2 =	vmul.f32 v2, v19;
	_ =	sdelay $0x1  }
0x2b7: {  	v2 =	vadd.f32 v2, v23;
	_ =	sdelay $0x1  }
0x2b8: {  	[tilespmem:s31+$0x13120] =	vst v2  }
0x2b9: {  	v2 =	vld [tilespmem:$0x10750];
	_ =	sdelay $0x1  }
0x2ba: {  	v24 =	vld [tilespmem:s31+$0x13130];
	_ =	sdelay $0x2  }
0x2bb: {  	v2 =	vmul.f32 v2, v19;
	_ =	sdelay $0x1  }
0x2bc: {  	v2 =	vadd.f32 v2, v24;
	_ =	sdelay $0x1  }
0x2bd: {  	[tilespmem:s31+$0x13130] =	vst v2  }
0x2be: {  	v2 =	vld [tilespmem:$0x10760];
	_ =	sdelay $0x1  }
0x2bf: {  	v25 =	vld [tilespmem:s31+$0x13140];
	_ =	sdelay $0x2  }
0x2c0: {  	v2 =	vmul.f32 v2, v19;
	_ =	sdelay $0x1  }
0x2c1: {  	v2 =	vadd.f32 v2, v25;
	_ =	sdelay $0x1  }
0x2c2: {  	[tilespmem:s31+$0x13140] =	vst v2  }
0x2c3: {  	v2 =	vld [tilespmem:$0x10770];
	_ =	sdelay $0x1  }
0x2c4: {  	v26 =	vld [tilespmem:s31+$0x13150];
	_ =	sdelay $0x2  }
0x2c5: {  	v2 =	vmul.f32 v2, v19;
	_ =	sdelay $0x1  }
0x2c6: {  	v2 =	vadd.f32 v2, v26;
	_ =	sdelay $0x1  }
0x2c7: {  	[tilespmem:s31+$0x13150] =	vst v2  }
0x2c8: {  	v2 =	vld [tilespmem:$0x10780];
	_ =	sdelay $0x1  }
0x2c9: {  	v27 =	vld [tilespmem:s31+$0x13160]  }
0x2ca: {  	v1 =	vbroadcast v1, $0xF;
	_ =	sdelay $0x1  }
0x2cb: {  	v2 =	vmul.f32 v2, v1;
	_ =	sdelay $0x1  }
0x2cc: {  	v2 =	vadd.f32 v2, v27;
	_ =	sdelay $0x1  }
0x2cd: {  	[tilespmem:s31+$0x13160] =	vst v2  }
0x2ce: {  	v2 =	vld [tilespmem:$0x10790];
	_ =	sdelay $0x1  }
0x2cf: {  	v28 =	vld [tilespmem:s31+$0x13170];
	_ =	sdelay $0x2  }
0x2d0: {  	v2 =	vmul.f32 v2, v1;
	_ =	sdelay $0x1  }
0x2d1: {  	v2 =	vadd.f32 v2, v28;
	_ =	sdelay $0x1  }
0x2d2: {  	[tilespmem:s31+$0x13170] =	vst v2  }
0x2d3: {  	v2 =	vld [tilespmem:$0x107A0];
	_ =	sdelay $0x1  }
0x2d4: {  	v29 =	vld [tilespmem:s31+$0x13180];
	_ =	sdelay $0x2  }
0x2d5: {  	v2 =	vmul.f32 v2, v1;
	_ =	sdelay $0x1  }
0x2d6: {  	v2 =	vadd.f32 v2, v29;
	_ =	sdelay $0x1  }
0x2d7: {  	[tilespmem:s31+$0x13180] =	vst v2  }
0x2d8: {  	v2 =	vld [tilespmem:$0x107B0];
	_ =	sdelay $0x1  }
0x2d9: {  	v30 =	vld [tilespmem:s31+$0x13190];
	_ =	sdelay $0x2  }
0x2da: {  	v2 =	vmul.f32 v2, v1;
	_ =	sdelay $0x1  }
0x2db: {  	v2 =	vadd.f32 v2, v30;
	_ =	sdelay $0x1  }
0x2dc: {  	[tilespmem:s31+$0x13190] =	vst v2  }
0x2dd: {  	v2 =	vld [tilespmem:$0x107C0];
	_ =	sdelay $0x1  }
0x2de: {  	v31 =	vld [tilespmem:s31+$0x131A0];
	_ =	sdelay $0x2  }
0x2df: {  	v2 =	vmul.f32 v2, v1;
	_ =	sdelay $0x1  }
0x2e0: {  	v2 =	vadd.f32 v2, v31;
	_ =	sdelay $0x1  }
0x2e1: {  	[tilespmem:s31+$0x131A0] =	vst v2  }
0x2e2: {  	v2 =	vld [tilespmem:$0x107D0];
	_ =	sdelay $0x1  }
0x2e3: {  	v32 =	vld [tilespmem:s31+$0x131B0];
	_ =	sdelay $0x2  }
0x2e4: {  	v2 =	vmul.f32 v2, v1;
	_ =	sdelay $0x1  }
0x2e5: {  	v2 =	vadd.f32 v2, v32;
	_ =	sdelay $0x1  }
0x2e6: {  	[tilespmem:s31+$0x131B0] =	vst v2  }
0x2e7: {  	v2 =	vld [tilespmem:$0x107E0];
	_ =	sdelay $0x1  }
0x2e8: {  	v33 =	vld [tilespmem:s31+$0x131C0];
	_ =	sdelay $0x2  }
0x2e9: {  	v2 =	vmul.f32 v2, v1;
	_ =	sdelay $0x1  }
0x2ea: {  	v2 =	vadd.f32 v2, v33;
	_ =	sdelay $0x1  }
0x2eb: {  	[tilespmem:s31+$0x131C0] =	vst v2  }
0x2ec: {  	v2 =	vld [tilespmem:$0x107F0];
	_ =	sdelay $0x1  }
0x2ed: {  	v34 =	vld [tilespmem:s31+$0x131D0];
	_ =	sdelay $0x2  }
0x2ee: {  	v1 =	vmul.f32 v2, v1;
	_ =	sdelay $0x1  }
0x2ef: {  	v1 =	vadd.f32 v1, v34;
	_ =	sdelay $0x1  }
0x2f0: {  	[tilespmem:s31+$0x131D0] =	vst v1  }
0x2f1: {  	v1 =	vld [tilespmem:$0x10800];
	_ =	sdelay $0x1  }
0x2f2: {  	v35 =	vld [tilespmem:s31+$0x131E0]  }
0x2f3: {  	v36 =	vbroadcast v0, $0x0;
	_ =	sdelay $0x1  }
0x2f4: {  	v1 =	vmul.f32 v1, v36;
	_ =	sdelay $0x1  }
0x2f5: {  	v1 =	vadd.f32 v1, v35;
	_ =	sdelay $0x1  }
0x2f6: {  	[tilespmem:s31+$0x131E0] =	vst v1  }
0x2f7: {  	v1 =	vld [tilespmem:$0x10810];
	_ =	sdelay $0x1  }
0x2f8: {  	v37 =	vld [tilespmem:s31+$0x131F0];
	_ =	sdelay $0x2  }
0x2f9: {  	v1 =	vmul.f32 v1, v36;
	_ =	sdelay $0x1  }
0x2fa: {  	v1 =	vadd.f32 v1, v37;
	_ =	sdelay $0x1  }
0x2fb: {  	[tilespmem:s31+$0x131F0] =	vst v1  }
0x2fc: {  	v1 =	vld [tilespmem:$0x10820];
	_ =	sdelay $0x1  }
0x2fd: {  	v38 =	vld [tilespmem:s31+$0x13200];
	_ =	sdelay $0x2  }
0x2fe: {  	v1 =	vmul.f32 v1, v36;
	_ =	sdelay $0x1  }
0x2ff: {  	v1 =	vadd.f32 v1, v38;
	_ =	sdelay $0x1  }
0x300: {  	[tilespmem:s31+$0x13200] =	vst v1  }
0x301: {  	v1 =	vld [tilespmem:$0x10830];
	_ =	sdelay $0x1  }
0x302: {  	v39 =	vld [tilespmem:s31+$0x13210];
	_ =	sdelay $0x2  }
0x303: {  	v1 =	vmul.f32 v1, v36;
	_ =	sdelay $0x1  }
0x304: {  	v1 =	vadd.f32 v1, v39;
	_ =	sdelay $0x1  }
0x305: {  	[tilespmem:s31+$0x13210] =	vst v1  }
0x306: {  	v1 =	vld [tilespmem:$0x10840];
	_ =	sdelay $0x1  }
0x307: {  	v40 =	vld [tilespmem:s31+$0x13220];
	_ =	sdelay $0x2  }
0x308: {  	v1 =	vmul.f32 v1, v36;
	_ =	sdelay $0x1  }
0x309: {  	v1 =	vadd.f32 v1, v40;
	_ =	sdelay $0x1  }
0x30a: {  	[tilespmem:s31+$0x13220] =	vst v1  }
0x30b: {  	v1 =	vld [tilespmem:$0x10850];
	_ =	sdelay $0x1  }
0x30c: {  	v41 =	vld [tilespmem:s31+$0x13230];
	_ =	sdelay $0x2  }
0x30d: {  	v1 =	vmul.f32 v1, v36;
	_ =	sdelay $0x1  }
0x30e: {  	v1 =	vadd.f32 v1, v41;
	_ =	sdelay $0x1  }
0x30f: {  	[tilespmem:s31+$0x13230] =	vst v1  }
0x310: {  	v1 =	vld [tilespmem:$0x10860];
	_ =	sdelay $0x1  }
0x311: {  	v42 =	vld [tilespmem:s31+$0x13240];
	_ =	sdelay $0x2  }
0x312: {  	v1 =	vmul.f32 v1, v36;
	_ =	sdelay $0x1  }
0x313: {  	v1 =	vadd.f32 v1, v42;
	_ =	sdelay $0x1  }
0x314: {  	[tilespmem:s31+$0x13240] =	vst v1  }
0x315: {  	v1 =	vld [tilespmem:$0x10870];
	_ =	sdelay $0x1  }
0x316: {  	v43 =	vld [tilespmem:s31+$0x13250];
	_ =	sdelay $0x2  }
0x317: {  	v1 =	vmul.f32 v1, v36;
	_ =	sdelay $0x1  }
0x318: {  	v1 =	vadd.f32 v1, v43;
	_ =	sdelay $0x1  }
0x319: {  	[tilespmem:s31+$0x13250] =	vst v1  }
0x31a: {  	v1 =	vld [tilespmem:$0x10880];
	_ =	sdelay $0x1  }
0x31b: {  	v44 =	vld [tilespmem:s31+$0x13260]  }
0x31c: {  	v45 =	vbroadcast v0, $0x1;
	_ =	sdelay $0x1  }
0x31d: {  	v1 =	vmul.f32 v1, v45;
	_ =	sdelay $0x1  }
0x31e: {  	v1 =	vadd.f32 v1, v44;
	_ =	sdelay $0x1  }
0x31f: {  	[tilespmem:s31+$0x13260] =	vst v1  }
0x320: {  	v1 =	vld [tilespmem:$0x10890];
	_ =	sdelay $0x1  }
0x321: {  	v46 =	vld [tilespmem:s31+$0x13270];
	_ =	sdelay $0x2  }
0x322: {  	v1 =	vmul.f32 v1, v45;
	_ =	sdelay $0x1  }
0x323: {  	v1 =	vadd.f32 v1, v46;
	_ =	sdelay $0x1  }
0x324: {  	[tilespmem:s31+$0x13270] =	vst v1  }
0x325: {  	v1 =	vld [tilespmem:$0x108A0];
	_ =	sdelay $0x1  }
0x326: {  	v47 =	vld [tilespmem:s31+$0x13280];
	_ =	sdelay $0x2  }
0x327: {  	v1 =	vmul.f32 v1, v45;
	_ =	sdelay $0x1  }
0x328: {  	v1 =	vadd.f32 v1, v47;
	_ =	sdelay $0x1  }
0x329: {  	[tilespmem:s31+$0x13280] =	vst v1  }
0x32a: {  	v1 =	vld [tilespmem:$0x108B0];
	_ =	sdelay $0x1  }
0x32b: {  	v48 =	vld [tilespmem:s31+$0x13290];
	_ =	sdelay $0x2  }
0x32c: {  	v1 =	vmul.f32 v1, v45;
	_ =	sdelay $0x1  }
0x32d: {  	v1 =	vadd.f32 v1, v48;
	_ =	sdelay $0x1  }
0x32e: {  	[tilespmem:s31+$0x13290] =	vst v1  }
0x32f: {  	v1 =	vld [tilespmem:$0x108C0];
	_ =	sdelay $0x1  }
0x330: {  	v49 =	vld [tilespmem:s31+$0x132A0];
	_ =	sdelay $0x2  }
0x331: {  	v1 =	vmul.f32 v1, v45;
	_ =	sdelay $0x1  }
0x332: {  	v1 =	vadd.f32 v1, v49;
	_ =	sdelay $0x1  }
0x333: {  	[tilespmem:s31+$0x132A0] =	vst v1  }
0x334: {  	v1 =	vld [tilespmem:$0x108D0];
	_ =	sdelay $0x1  }
0x335: {  	v50 =	vld [tilespmem:s31+$0x132B0];
	_ =	sdelay $0x2  }
0x336: {  	v1 =	vmul.f32 v1, v45;
	_ =	sdelay $0x1  }
0x337: {  	v1 =	vadd.f32 v1, v50;
	_ =	sdelay $0x1  }
0x338: {  	[tilespmem:s31+$0x132B0] =	vst v1  }
0x339: {  	v1 =	vld [tilespmem:$0x108E0];
	_ =	sdelay $0x1  }
0x33a: {  	v51 =	vld [tilespmem:s31+$0x132C0];
	_ =	sdelay $0x2  }
0x33b: {  	v1 =	vmul.f32 v1, v45;
	_ =	sdelay $0x1  }
0x33c: {  	v1 =	vadd.f32 v1, v51;
	_ =	sdelay $0x1  }
0x33d: {  	[tilespmem:s31+$0x132C0] =	vst v1  }
0x33e: {  	v1 =	vld [tilespmem:$0x108F0];
	_ =	sdelay $0x1  }
0x33f: {  	v52 =	vld [tilespmem:s31+$0x132D0];
	_ =	sdelay $0x2  }
0x340: {  	v1 =	vmul.f32 v1, v45;
	_ =	sdelay $0x1  }
0x341: {  	v1 =	vadd.f32 v1, v52;
	_ =	sdelay $0x1  }
0x342: {  	[tilespmem:s31+$0x132D0] =	vst v1  }
0x343: {  	v1 =	vld [tilespmem:$0x10900];
	_ =	sdelay $0x1  }
0x344: {  	v53 =	vld [tilespmem:s31+$0x132E0]  }
0x345: {  	v54 =	vbroadcast v0, $0x2;
	_ =	sdelay $0x1  }
0x346: {  	v1 =	vmul.f32 v1, v54;
	_ =	sdelay $0x1  }
0x347: {  	v1 =	vadd.f32 v1, v53;
	_ =	sdelay $0x1  }
0x348: {  	[tilespmem:s31+$0x132E0] =	vst v1  }
0x349: {  	v1 =	vld [tilespmem:$0x10910];
	_ =	sdelay $0x1  }
0x34a: {  	v55 =	vld [tilespmem:s31+$0x132F0];
	_ =	sdelay $0x2  }
0x34b: {  	v1 =	vmul.f32 v1, v54;
	_ =	sdelay $0x1  }
0x34c: {  	v1 =	vadd.f32 v1, v55;
	_ =	sdelay $0x1  }
0x34d: {  	[tilespmem:s31+$0x132F0] =	vst v1  }
0x34e: {  	v1 =	vld [tilespmem:$0x10920];
	_ =	sdelay $0x1  }
0x34f: {  	v56 =	vld [tilespmem:s31+$0x13300];
	_ =	sdelay $0x2  }
0x350: {  	v1 =	vmul.f32 v1, v54;
	_ =	sdelay $0x1  }
0x351: {  	v1 =	vadd.f32 v1, v56;
	_ =	sdelay $0x1  }
0x352: {  	[tilespmem:s31+$0x13300] =	vst v1  }
0x353: {  	v1 =	vld [tilespmem:$0x10930];
	_ =	sdelay $0x1  }
0x354: {  	v57 =	vld [tilespmem:s31+$0x13310];
	_ =	sdelay $0x2  }
0x355: {  	v1 =	vmul.f32 v1, v54;
	_ =	sdelay $0x1  }
0x356: {  	v1 =	vadd.f32 v1, v57;
	_ =	sdelay $0x1  }
0x357: {  	[tilespmem:s31+$0x13310] =	vst v1  }
0x358: {  	v1 =	vld [tilespmem:$0x10940];
	_ =	sdelay $0x1  }
0x359: {  	v58 =	vld [tilespmem:s31+$0x13320];
	_ =	sdelay $0x2  }
0x35a: {  	v1 =	vmul.f32 v1, v54;
	_ =	sdelay $0x1  }
0x35b: {  	v1 =	vadd.f32 v1, v58;
	_ =	sdelay $0x1  }
0x35c: {  	[tilespmem:s31+$0x13320] =	vst v1  }
0x35d: {  	v1 =	vld [tilespmem:$0x10950];
	_ =	sdelay $0x1  }
0x35e: {  	v59 =	vld [tilespmem:s31+$0x13330];
	_ =	sdelay $0x2  }
0x35f: {  	v1 =	vmul.f32 v1, v54;
	_ =	sdelay $0x1  }
0x360: {  	v1 =	vadd.f32 v1, v59;
	_ =	sdelay $0x1  }
0x361: {  	[tilespmem:s31+$0x13330] =	vst v1  }
0x362: {  	v1 =	vld [tilespmem:$0x10960];
	_ =	sdelay $0x1  }
0x363: {  	v60 =	vld [tilespmem:s31+$0x13340];
	_ =	sdelay $0x2  }
0x364: {  	v1 =	vmul.f32 v1, v54;
	_ =	sdelay $0x1  }
0x365: {  	v1 =	vadd.f32 v1, v60;
	_ =	sdelay $0x1  }
0x366: {  	[tilespmem:s31+$0x13340] =	vst v1  }
0x367: {  	v1 =	vld [tilespmem:$0x10970];
	_ =	sdelay $0x1  }
0x368: {  	v61 =	vld [tilespmem:s31+$0x13350];
	_ =	sdelay $0x2  }
0x369: {  	v1 =	vmul.f32 v1, v54;
	_ =	sdelay $0x1  }
0x36a: {  	v1 =	vadd.f32 v1, v61;
	_ =	sdelay $0x1  }
0x36b: {  	[tilespmem:s31+$0x13350] =	vst v1  }
0x36c: {  	v1 =	vld [tilespmem:$0x10980];
	_ =	sdelay $0x1  }
0x36d: {  	v62 =	vld [tilespmem:s31+$0x13360]  }
0x36e: {  	v63 =	vbroadcast v0, $0x3;
	_ =	sdelay $0x1  }
0x36f: {  	v1 =	vmul.f32 v1, v63;
	_ =	sdelay $0x1  }
0x370: {  	v1 =	vadd.f32 v1, v62;
	_ =	sdelay $0x1  }
0x371: {  	[tilespmem:s31+$0x13360] =	vst v1  }
0x372: {  	v1 =	vld [tilespmem:$0x10990];
	_ =	sdelay $0x1  }
0x373: {  	v4 =	vld [tilespmem:s31+$0x13370];
	_ =	sdelay $0x2  }
0x374: {  	v1 =	vmul.f32 v1, v63;
	_ =	sdelay $0x1  }
0x375: {  	v1 =	vadd.f32 v1, v4;
	_ =	sdelay $0x1  }
0x376: {  	[tilespmem:s31+$0x13370] =	vst v1  }
0x377: {  	v1 =	vld [tilespmem:$0x109A0];
	_ =	sdelay $0x1  }
0x378: {  	v5 =	vld [tilespmem:s31+$0x13380];
	_ =	sdelay $0x2  }
0x379: {  	v1 =	vmul.f32 v1, v63;
	_ =	sdelay $0x1  }
0x37a: {  	v1 =	vadd.f32 v1, v5;
	_ =	sdelay $0x1  }
0x37b: {  	[tilespmem:s31+$0x13380] =	vst v1  }
0x37c: {  	v1 =	vld [tilespmem:$0x109B0];
	_ =	sdelay $0x1  }
0x37d: {  	v6 =	vld [tilespmem:s31+$0x13390];
	_ =	sdelay $0x2  }
0x37e: {  	v1 =	vmul.f32 v1, v63;
	_ =	sdelay $0x1  }
0x37f: {  	v1 =	vadd.f32 v1, v6;
	_ =	sdelay $0x1  }
0x380: {  	[tilespmem:s31+$0x13390] =	vst v1  }
0x381: {  	v1 =	vld [tilespmem:$0x109C0];
	_ =	sdelay $0x1  }
0x382: {  	v7 =	vld [tilespmem:s31+$0x133A0];
	_ =	sdelay $0x2  }
0x383: {  	v1 =	vmul.f32 v1, v63;
	_ =	sdelay $0x1  }
0x384: {  	v1 =	vadd.f32 v1, v7;
	_ =	sdelay $0x1  }
0x385: {  	[tilespmem:s31+$0x133A0] =	vst v1  }
0x386: {  	v1 =	vld [tilespmem:$0x109D0];
	_ =	sdelay $0x1  }
0x387: {  	v8 =	vld [tilespmem:s31+$0x133B0];
	_ =	sdelay $0x2  }
0x388: {  	v1 =	vmul.f32 v1, v63;
	_ =	sdelay $0x1  }
0x389: {  	v1 =	vadd.f32 v1, v8;
	_ =	sdelay $0x1  }
0x38a: {  	[tilespmem:s31+$0x133B0] =	vst v1  }
0x38b: {  	v1 =	vld [tilespmem:$0x109E0];
	_ =	sdelay $0x1  }
0x38c: {  	v9 =	vld [tilespmem:s31+$0x133C0];
	_ =	sdelay $0x2  }
0x38d: {  	v1 =	vmul.f32 v1, v63;
	_ =	sdelay $0x1  }
0x38e: {  	v1 =	vadd.f32 v1, v9;
	_ =	sdelay $0x1  }
0x38f: {  	[tilespmem:s31+$0x133C0] =	vst v1  }
0x390: {  	v1 =	vld [tilespmem:$0x109F0];
	_ =	sdelay $0x1  }
0x391: {  	v10 =	vld [tilespmem:s31+$0x133D0];
	_ =	sdelay $0x2  }
0x392: {  	v1 =	vmul.f32 v1, v63;
	_ =	sdelay $0x1  }
0x393: {  	v1 =	vadd.f32 v1, v10;
	_ =	sdelay $0x1  }
0x394: {  	[tilespmem:s31+$0x133D0] =	vst v1  }
0x395: {  	v1 =	vld [tilespmem:$0x10A00];
	_ =	sdelay $0x1  }
0x396: {  	v11 =	vld [tilespmem:s31+$0x133E0]  }
0x397: {  	v12 =	vbroadcast v0, $0x4;
	_ =	sdelay $0x1  }
0x398: {  	v1 =	vmul.f32 v1, v12;
	_ =	sdelay $0x1  }
0x399: {  	v1 =	vadd.f32 v1, v11;
	_ =	sdelay $0x1  }
0x39a: {  	[tilespmem:s31+$0x133E0] =	vst v1  }
0x39b: {  	v1 =	vld [tilespmem:$0x10A10];
	_ =	sdelay $0x1  }
0x39c: {  	v13 =	vld [tilespmem:s31+$0x133F0];
	_ =	sdelay $0x2  }
0x39d: {  	v1 =	vmul.f32 v1, v12;
	_ =	sdelay $0x1  }
0x39e: {  	v1 =	vadd.f32 v1, v13;
	_ =	sdelay $0x1  }
0x39f: {  	[tilespmem:s31+$0x133F0] =	vst v1  }
0x3a0: {  	v1 =	vld [tilespmem:$0x10A20];
	_ =	sdelay $0x1  }
0x3a1: {  	v14 =	vld [tilespmem:s31+$0x13400];
	_ =	sdelay $0x2  }
0x3a2: {  	v1 =	vmul.f32 v1, v12;
	_ =	sdelay $0x1  }
0x3a3: {  	v1 =	vadd.f32 v1, v14;
	_ =	sdelay $0x1  }
0x3a4: {  	[tilespmem:s31+$0x13400] =	vst v1  }
0x3a5: {  	v1 =	vld [tilespmem:$0x10A30];
	_ =	sdelay $0x1  }
0x3a6: {  	v15 =	vld [tilespmem:s31+$0x13410];
	_ =	sdelay $0x2  }
0x3a7: {  	v1 =	vmul.f32 v1, v12;
	_ =	sdelay $0x1  }
0x3a8: {  	v1 =	vadd.f32 v1, v15;
	_ =	sdelay $0x1  }
0x3a9: {  	[tilespmem:s31+$0x13410] =	vst v1  }
0x3aa: {  	v1 =	vld [tilespmem:$0x10A40];
	_ =	sdelay $0x1  }
0x3ab: {  	v16 =	vld [tilespmem:s31+$0x13420];
	_ =	sdelay $0x2  }
0x3ac: {  	v1 =	vmul.f32 v1, v12;
	_ =	sdelay $0x1  }
0x3ad: {  	v1 =	vadd.f32 v1, v16;
	_ =	sdelay $0x1  }
0x3ae: {  	[tilespmem:s31+$0x13420] =	vst v1  }
0x3af: {  	v1 =	vld [tilespmem:$0x10A50];
	_ =	sdelay $0x1  }
0x3b0: {  	v17 =	vld [tilespmem:s31+$0x13430];
	_ =	sdelay $0x2  }
0x3b1: {  	v1 =	vmul.f32 v1, v12;
	_ =	sdelay $0x1  }
0x3b2: {  	v1 =	vadd.f32 v1, v17;
	_ =	sdelay $0x1  }
0x3b3: {  	[tilespmem:s31+$0x13430] =	vst v1  }
0x3b4: {  	v1 =	vld [tilespmem:$0x10A60];
	_ =	sdelay $0x1  }
0x3b5: {  	v18 =	vld [tilespmem:s31+$0x13440];
	_ =	sdelay $0x2  }
0x3b6: {  	v1 =	vmul.f32 v1, v12;
	_ =	sdelay $0x1  }
0x3b7: {  	v1 =	vadd.f32 v1, v18;
	_ =	sdelay $0x1  }
0x3b8: {  	[tilespmem:s31+$0x13440] =	vst v1  }
0x3b9: {  	v1 =	vld [tilespmem:$0x10A70];
	_ =	sdelay $0x1  }
0x3ba: {  	v19 =	vld [tilespmem:s31+$0x13450];
	_ =	sdelay $0x2  }
0x3bb: {  	v1 =	vmul.f32 v1, v12;
	_ =	sdelay $0x1  }
0x3bc: {  	v1 =	vadd.f32 v1, v19;
	_ =	sdelay $0x1  }
0x3bd: {  	[tilespmem:s31+$0x13450] =	vst v1  }
0x3be: {  	v1 =	vld [tilespmem:$0x10A80];
	_ =	sdelay $0x1  }
0x3bf: {  	v20 =	vld [tilespmem:s31+$0x13460]  }
0x3c0: {  	v21 =	vbroadcast v0, $0x5;
	_ =	sdelay $0x1  }
0x3c1: {  	v1 =	vmul.f32 v1, v21;
	_ =	sdelay $0x1  }
0x3c2: {  	v1 =	vadd.f32 v1, v20;
	_ =	sdelay $0x1  }
0x3c3: {  	[tilespmem:s31+$0x13460] =	vst v1  }
0x3c4: {  	v1 =	vld [tilespmem:$0x10A90];
	_ =	sdelay $0x1  }
0x3c5: {  	v22 =	vld [tilespmem:s31+$0x13470];
	_ =	sdelay $0x2  }
0x3c6: {  	v1 =	vmul.f32 v1, v21;
	_ =	sdelay $0x1  }
0x3c7: {  	v1 =	vadd.f32 v1, v22;
	_ =	sdelay $0x1  }
0x3c8: {  	[tilespmem:s31+$0x13470] =	vst v1  }
0x3c9: {  	v1 =	vld [tilespmem:$0x10AA0];
	_ =	sdelay $0x1  }
0x3ca: {  	v23 =	vld [tilespmem:s31+$0x13480];
	_ =	sdelay $0x2  }
0x3cb: {  	v1 =	vmul.f32 v1, v21;
	_ =	sdelay $0x1  }
0x3cc: {  	v1 =	vadd.f32 v1, v23;
	_ =	sdelay $0x1  }
0x3cd: {  	[tilespmem:s31+$0x13480] =	vst v1  }
0x3ce: {  	v1 =	vld [tilespmem:$0x10AB0];
	_ =	sdelay $0x1  }
0x3cf: {  	v24 =	vld [tilespmem:s31+$0x13490];
	_ =	sdelay $0x2  }
0x3d0: {  	v1 =	vmul.f32 v1, v21;
	_ =	sdelay $0x1  }
0x3d1: {  	v1 =	vadd.f32 v1, v24;
	_ =	sdelay $0x1  }
0x3d2: {  	[tilespmem:s31+$0x13490] =	vst v1  }
0x3d3: {  	v1 =	vld [tilespmem:$0x10AC0];
	_ =	sdelay $0x1  }
0x3d4: {  	v25 =	vld [tilespmem:s31+$0x134A0];
	_ =	sdelay $0x2  }
0x3d5: {  	v1 =	vmul.f32 v1, v21;
	_ =	sdelay $0x1  }
0x3d6: {  	v1 =	vadd.f32 v1, v25;
	_ =	sdelay $0x1  }
0x3d7: {  	[tilespmem:s31+$0x134A0] =	vst v1  }
0x3d8: {  	v1 =	vld [tilespmem:$0x10AD0];
	_ =	sdelay $0x1  }
0x3d9: {  	v26 =	vld [tilespmem:s31+$0x134B0];
	_ =	sdelay $0x2  }
0x3da: {  	v1 =	vmul.f32 v1, v21;
	_ =	sdelay $0x1  }
0x3db: {  	v1 =	vadd.f32 v1, v26;
	_ =	sdelay $0x1  }
0x3dc: {  	[tilespmem:s31+$0x134B0] =	vst v1  }
0x3dd: {  	v1 =	vld [tilespmem:$0x10AE0];
	_ =	sdelay $0x1  }
0x3de: {  	v27 =	vld [tilespmem:s31+$0x134C0];
	_ =	sdelay $0x2  }
0x3df: {  	v1 =	vmul.f32 v1, v21;
	_ =	sdelay $0x1  }
0x3e0: {  	v1 =	vadd.f32 v1, v27;
	_ =	sdelay $0x1  }
0x3e1: {  	[tilespmem:s31+$0x134C0] =	vst v1  }
0x3e2: {  	v1 =	vld [tilespmem:$0x10AF0];
	_ =	sdelay $0x1  }
0x3e3: {  	v28 =	vld [tilespmem:s31+$0x134D0];
	_ =	sdelay $0x2  }
0x3e4: {  	v1 =	vmul.f32 v1, v21;
	_ =	sdelay $0x1  }
0x3e5: {  	v1 =	vadd.f32 v1, v28;
	_ =	sdelay $0x1  }
0x3e6: {  	[tilespmem:s31+$0x134D0] =	vst v1  }
0x3e7: {  	v1 =	vld [tilespmem:$0x10B00];
	_ =	sdelay $0x1  }
0x3e8: {  	v29 =	vld [tilespmem:s31+$0x134E0]  }
0x3e9: {  	v30 =	vbroadcast v0, $0x6;
	_ =	sdelay $0x1  }
0x3ea: {  	v1 =	vmul.f32 v1, v30;
	_ =	sdelay $0x1  }
0x3eb: {  	v1 =	vadd.f32 v1, v29;
	_ =	sdelay $0x1  }
0x3ec: {  	[tilespmem:s31+$0x134E0] =	vst v1  }
0x3ed: {  	v1 =	vld [tilespmem:$0x10B10];
	_ =	sdelay $0x1  }
0x3ee: {  	v31 =	vld [tilespmem:s31+$0x134F0];
	_ =	sdelay $0x2  }
0x3ef: {  	v1 =	vmul.f32 v1, v30;
	_ =	sdelay $0x1  }
0x3f0: {  	v1 =	vadd.f32 v1, v31;
	_ =	sdelay $0x1  }
0x3f1: {  	[tilespmem:s31+$0x134F0] =	vst v1  }
0x3f2: {  	v1 =	vld [tilespmem:$0x10B20];
	_ =	sdelay $0x1  }
0x3f3: {  	v32 =	vld [tilespmem:s31+$0x13500];
	_ =	sdelay $0x2  }
0x3f4: {  	v1 =	vmul.f32 v1, v30;
	_ =	sdelay $0x1  }
0x3f5: {  	v1 =	vadd.f32 v1, v32;
	_ =	sdelay $0x1  }
0x3f6: {  	[tilespmem:s31+$0x13500] =	vst v1  }
0x3f7: {  	v1 =	vld [tilespmem:$0x10B30];
	_ =	sdelay $0x1  }
0x3f8: {  	v33 =	vld [tilespmem:s31+$0x13510];
	_ =	sdelay $0x2  }
0x3f9: {  	v1 =	vmul.f32 v1, v30;
	_ =	sdelay $0x1  }
0x3fa: {  	v1 =	vadd.f32 v1, v33;
	_ =	sdelay $0x1  }
0x3fb: {  	[tilespmem:s31+$0x13510] =	vst v1  }
0x3fc: {  	v1 =	vld [tilespmem:$0x10B40];
	_ =	sdelay $0x1  }
0x3fd: {  	v34 =	vld [tilespmem:s31+$0x13520];
	_ =	sdelay $0x2  }
0x3fe: {  	v1 =	vmul.f32 v1, v30;
	_ =	sdelay $0x1  }
0x3ff: {  	v1 =	vadd.f32 v1, v34;
	_ =	sdelay $0x1  }
0x400: {  	[tilespmem:s31+$0x13520] =	vst v1  }
0x401: {  	v1 =	vld [tilespmem:$0x10B50];
	_ =	sdelay $0x1  }
0x402: {  	v35 =	vld [tilespmem:s31+$0x13530];
	_ =	sdelay $0x2  }
0x403: {  	v1 =	vmul.f32 v1, v30;
	_ =	sdelay $0x1  }
0x404: {  	v1 =	vadd.f32 v1, v35;
	_ =	sdelay $0x1  }
0x405: {  	[tilespmem:s31+$0x13530] =	vst v1  }
0x406: {  	v1 =	vld [tilespmem:$0x10B60];
	_ =	sdelay $0x1  }
0x407: {  	v36 =	vld [tilespmem:s31+$0x13540];
	_ =	sdelay $0x2  }
0x408: {  	v1 =	vmul.f32 v1, v30;
	_ =	sdelay $0x1  }
0x409: {  	v1 =	vadd.f32 v1, v36;
	_ =	sdelay $0x1  }
0x40a: {  	[tilespmem:s31+$0x13540] =	vst v1  }
0x40b: {  	v1 =	vld [tilespmem:$0x10B70];
	_ =	sdelay $0x1  }
0x40c: {  	v37 =	vld [tilespmem:s31+$0x13550];
	_ =	sdelay $0x2  }
0x40d: {  	v1 =	vmul.f32 v1, v30;
	_ =	sdelay $0x1  }
0x40e: {  	v1 =	vadd.f32 v1, v37;
	_ =	sdelay $0x1  }
0x40f: {  	[tilespmem:s31+$0x13550] =	vst v1  }
0x410: {  	v1 =	vld [tilespmem:$0x10B80];
	_ =	sdelay $0x1  }
0x411: {  	v38 =	vld [tilespmem:s31+$0x13560]  }
0x412: {  	v39 =	vbroadcast v0, $0x7;
	_ =	sdelay $0x1  }
0x413: {  	v1 =	vmul.f32 v1, v39;
	_ =	sdelay $0x1  }
0x414: {  	v1 =	vadd.f32 v1, v38;
	_ =	sdelay $0x1  }
0x415: {  	[tilespmem:s31+$0x13560] =	vst v1  }
0x416: {  	v1 =	vld [tilespmem:$0x10B90];
	_ =	sdelay $0x1  }
0x417: {  	v40 =	vld [tilespmem:s31+$0x13570];
	_ =	sdelay $0x2  }
0x418: {  	v1 =	vmul.f32 v1, v39;
	_ =	sdelay $0x1  }
0x419: {  	v1 =	vadd.f32 v1, v40;
	_ =	sdelay $0x1  }
0x41a: {  	[tilespmem:s31+$0x13570] =	vst v1  }
0x41b: {  	v1 =	vld [tilespmem:$0x10BA0];
	_ =	sdelay $0x1  }
0x41c: {  	v41 =	vld [tilespmem:s31+$0x13580];
	_ =	sdelay $0x2  }
0x41d: {  	v1 =	vmul.f32 v1, v39;
	_ =	sdelay $0x1  }
0x41e: {  	v1 =	vadd.f32 v1, v41;
	_ =	sdelay $0x1  }
0x41f: {  	[tilespmem:s31+$0x13580] =	vst v1  }
0x420: {  	v1 =	vld [tilespmem:$0x10BB0];
	_ =	sdelay $0x1  }
0x421: {  	v42 =	vld [tilespmem:s31+$0x13590];
	_ =	sdelay $0x2  }
0x422: {  	v1 =	vmul.f32 v1, v39;
	_ =	sdelay $0x1  }
0x423: {  	v1 =	vadd.f32 v1, v42;
	_ =	sdelay $0x1  }
0x424: {  	[tilespmem:s31+$0x13590] =	vst v1  }
0x425: {  	v1 =	vld [tilespmem:$0x10BC0];
	_ =	sdelay $0x1  }
0x426: {  	v43 =	vld [tilespmem:s31+$0x135A0];
	_ =	sdelay $0x2  }
0x427: {  	v1 =	vmul.f32 v1, v39;
	_ =	sdelay $0x1  }
0x428: {  	v1 =	vadd.f32 v1, v43;
	_ =	sdelay $0x1  }
0x429: {  	[tilespmem:s31+$0x135A0] =	vst v1  }
0x42a: {  	v1 =	vld [tilespmem:$0x10BD0];
	_ =	sdelay $0x1  }
0x42b: {  	v44 =	vld [tilespmem:s31+$0x135B0];
	_ =	sdelay $0x2  }
0x42c: {  	v1 =	vmul.f32 v1, v39;
	_ =	sdelay $0x1  }
0x42d: {  	v1 =	vadd.f32 v1, v44;
	_ =	sdelay $0x1  }
0x42e: {  	[tilespmem:s31+$0x135B0] =	vst v1  }
0x42f: {  	v1 =	vld [tilespmem:$0x10BE0];
	_ =	sdelay $0x1  }
0x430: {  	v45 =	vld [tilespmem:s31+$0x135C0];
	_ =	sdelay $0x2  }
0x431: {  	v1 =	vmul.f32 v1, v39;
	_ =	sdelay $0x1  }
0x432: {  	v1 =	vadd.f32 v1, v45;
	_ =	sdelay $0x1  }
0x433: {  	[tilespmem:s31+$0x135C0] =	vst v1  }
0x434: {  	v1 =	vld [tilespmem:$0x10BF0];
	_ =	sdelay $0x1  }
0x435: {  	v46 =	vld [tilespmem:s31+$0x135D0];
	_ =	sdelay $0x2  }
0x436: {  	v1 =	vmul.f32 v1, v39;
	_ =	sdelay $0x1  }
0x437: {  	v1 =	vadd.f32 v1, v46;
	_ =	sdelay $0x1  }
0x438: {  	[tilespmem:s31+$0x135D0] =	vst v1  }
0x439: {  	v1 =	vld [tilespmem:$0x10C00];
	_ =	sdelay $0x1  }
0x43a: {  	v47 =	vld [tilespmem:s31+$0x135E0]  }
0x43b: {  	v48 =	vbroadcast v0, $0x8;
	_ =	sdelay $0x1  }
0x43c: {  	v1 =	vmul.f32 v1, v48;
	_ =	sdelay $0x1  }
0x43d: {  	v1 =	vadd.f32 v1, v47;
	_ =	sdelay $0x1  }
0x43e: {  	[tilespmem:s31+$0x135E0] =	vst v1  }
0x43f: {  	v1 =	vld [tilespmem:$0x10C10];
	_ =	sdelay $0x1  }
0x440: {  	v49 =	vld [tilespmem:s31+$0x135F0];
	_ =	sdelay $0x2  }
0x441: {  	v1 =	vmul.f32 v1, v48;
	_ =	sdelay $0x1  }
0x442: {  	v1 =	vadd.f32 v1, v49;
	_ =	sdelay $0x1  }
0x443: {  	[tilespmem:s31+$0x135F0] =	vst v1  }
0x444: {  	v1 =	vld [tilespmem:$0x10C20];
	_ =	sdelay $0x1  }
0x445: {  	v50 =	vld [tilespmem:s31+$0x13600];
	_ =	sdelay $0x2  }
0x446: {  	v1 =	vmul.f32 v1, v48;
	_ =	sdelay $0x1  }
0x447: {  	v1 =	vadd.f32 v1, v50;
	_ =	sdelay $0x1  }
0x448: {  	[tilespmem:s31+$0x13600] =	vst v1  }
0x449: {  	v1 =	vld [tilespmem:$0x10C30];
	_ =	sdelay $0x1  }
0x44a: {  	v51 =	vld [tilespmem:s31+$0x13610];
	_ =	sdelay $0x2  }
0x44b: {  	v1 =	vmul.f32 v1, v48;
	_ =	sdelay $0x1  }
0x44c: {  	v1 =	vadd.f32 v1, v51;
	_ =	sdelay $0x1  }
0x44d: {  	[tilespmem:s31+$0x13610] =	vst v1  }
0x44e: {  	v1 =	vld [tilespmem:$0x10C40];
	_ =	sdelay $0x1  }
0x44f: {  	v52 =	vld [tilespmem:s31+$0x13620];
	_ =	sdelay $0x2  }
0x450: {  	v1 =	vmul.f32 v1, v48;
	_ =	sdelay $0x1  }
0x451: {  	v1 =	vadd.f32 v1, v52;
	_ =	sdelay $0x1  }
0x452: {  	[tilespmem:s31+$0x13620] =	vst v1  }
0x453: {  	v1 =	vld [tilespmem:$0x10C50];
	_ =	sdelay $0x1  }
0x454: {  	v53 =	vld [tilespmem:s31+$0x13630];
	_ =	sdelay $0x2  }
0x455: {  	v1 =	vmul.f32 v1, v48;
	_ =	sdelay $0x1  }
0x456: {  	v1 =	vadd.f32 v1, v53;
	_ =	sdelay $0x1  }
0x457: {  	[tilespmem:s31+$0x13630] =	vst v1  }
0x458: {  	v1 =	vld [tilespmem:$0x10C60];
	_ =	sdelay $0x1  }
0x459: {  	v54 =	vld [tilespmem:s31+$0x13640];
	_ =	sdelay $0x2  }
0x45a: {  	v1 =	vmul.f32 v1, v48;
	_ =	sdelay $0x1  }
0x45b: {  	v1 =	vadd.f32 v1, v54;
	_ =	sdelay $0x1  }
0x45c: {  	[tilespmem:s31+$0x13640] =	vst v1  }
0x45d: {  	v1 =	vld [tilespmem:$0x10C70];
	_ =	sdelay $0x1  }
0x45e: {  	v55 =	vld [tilespmem:s31+$0x13650];
	_ =	sdelay $0x2  }
0x45f: {  	v1 =	vmul.f32 v1, v48;
	_ =	sdelay $0x1  }
0x460: {  	v1 =	vadd.f32 v1, v55;
	_ =	sdelay $0x1  }
0x461: {  	[tilespmem:s31+$0x13650] =	vst v1  }
0x462: {  	v1 =	vld [tilespmem:$0x10C80];
	_ =	sdelay $0x1  }
0x463: {  	v56 =	vld [tilespmem:s31+$0x13660]  }
0x464: {  	v0 =	vbroadcast v0, $0x9;
	_ =	sdelay $0x1  }
0x465: {  	v1 =	vmul.f32 v1, v0;
	_ =	sdelay $0x1  }
0x466: {  	v1 =	vadd.f32 v1, v56;
	_ =	sdelay $0x1  }
0x467: {  	[tilespmem:s31+$0x13660] =	vst v1  }
0x468: {  	v1 =	vld [tilespmem:$0x10C90];
	_ =	sdelay $0x1  }
0x469: {  	v57 =	vld [tilespmem:s31+$0x13670];
	_ =	sdelay $0x2  }
0x46a: {  	v1 =	vmul.f32 v1, v0;
	_ =	sdelay $0x1  }
0x46b: {  	v1 =	vadd.f32 v1, v57;
	_ =	sdelay $0x1  }
0x46c: {  	[tilespmem:s31+$0x13670] =	vst v1  }
0x46d: {  	v1 =	vld [tilespmem:$0x10CA0];
	_ =	sdelay $0x1  }
0x46e: {  	v58 =	vld [tilespmem:s31+$0x13680];
	_ =	sdelay $0x2  }
0x46f: {  	v1 =	vmul.f32 v1, v0;
	_ =	sdelay $0x1  }
0x470: {  	v1 =	vadd.f32 v1, v58;
	_ =	sdelay $0x1  }
0x471: {  	[tilespmem:s31+$0x13680] =	vst v1  }
0x472: {  	v1 =	vld [tilespmem:$0x10CB0];
	_ =	sdelay $0x1  }
0x473: {  	v59 =	vld [tilespmem:s31+$0x13690];
	_ =	sdelay $0x2  }
0x474: {  	v1 =	vmul.f32 v1, v0;
	_ =	sdelay $0x1  }
0x475: {  	v1 =	vadd.f32 v1, v59;
	_ =	sdelay $0x1  }
0x476: {  	[tilespmem:s31+$0x13690] =	vst v1  }
0x477: {  	v1 =	vld [tilespmem:$0x10CC0];
	_ =	sdelay $0x1  }
0x478: {  	v60 =	vld [tilespmem:s31+$0x136A0];
	_ =	sdelay $0x2  }
0x479: {  	v1 =	vmul.f32 v1, v0;
	_ =	sdelay $0x1  }
0x47a: {  	v1 =	vadd.f32 v1, v60;
	_ =	sdelay $0x1  }
0x47b: {  	[tilespmem:s31+$0x136A0] =	vst v1  }
0x47c: {  	v1 =	vld [tilespmem:$0x10CD0];
	_ =	sdelay $0x1  }
0x47d: {  	v61 =	vld [tilespmem:s31+$0x136B0];
	_ =	sdelay $0x2  }
0x47e: {  	v1 =	vmul.f32 v1, v0;
	_ =	sdelay $0x1  }
0x47f: {  	v1 =	vadd.f32 v1, v61;
	_ =	sdelay $0x1  }
0x480: {  	[tilespmem:s31+$0x136B0] =	vst v1  }
0x481: {  	v1 =	vld [tilespmem:$0x10CE0];
	_ =	sdelay $0x1  }
0x482: {  	v62 =	vld [tilespmem:s31+$0x136C0];
	_ =	sdelay $0x2  }
0x483: {  	v1 =	vmul.f32 v1, v0;
	_ =	sdelay $0x1  }
0x484: {  	v1 =	vadd.f32 v1, v62;
	_ =	sdelay $0x1  }
0x485: {  	[tilespmem:s31+$0x136C0] =	vst v1  }
0x486: {  	v1 =	vld [tilespmem:$0x10CF0];
	_ =	sdelay $0x1  }
0x487: {  	v63 =	vld [tilespmem:s31+$0x136D0];
	_ =	sdelay $0x2  }
.Ltmp5:
0x488: {  	v0 =	vmul.f32 v1, v0;
	(pc) =	sbr.rel .LBB2_4-.Ltmp5, $3  }
0x489: {  	_ = 	snop  }
0x48a: {  	v0 =	vadd.f32 v0, v63;
	_ =	sdelay $0x1  }
0x48b: {  	[tilespmem:s31+$0x136D0] =	vst v0  }
.LBB2_6:
0x48c: {  	_ =	sfence.sel $0x180000  }
0x48d: {  	[bflag:$0x0] =	sbarrier.arrive $0xFFFF  }
0x48e: {  	_ =	strace $0x90000047  }
0x48f: {  	[bflag:$0x2] =	sbarrier.arrive $0xFFFF  }
0x490: {  	s0 =	rddreg [dreg:$0x6]  }
0x491: {  	s0 =	sadd.s32 @!p0 $0x100000, s0  }
0x492: {  	[sflag:s0] =	ssyncadd.tile.s32 @!p0 $0x1;
	_ =	shalt  }
.Lfunc_end2:
_tile_overlayer_lowered:
.L_overlay_start_2:
0x493: {  	(tag) =	ssettag $0x2  }
0x494: {  	s0 =	rddreg [dreg:$0x0];
	s2 =	stileid.u32  }
0x495: {  	s1 =	rddreg [dreg:$0x1];
	p0 =	sne.s32 s2, $0x0  }
0x496: {  	s3 =	rddreg [dreg:$0x2];
	[bflag:$0x3] =	sbarrier.arrive $0xFFFF;
	s2 =	simm.s32 @!p0 $0x1C11  }
0x497: {  	[timem:s3], [sflag:s2] =	dma.local @!p0 [hbm:s0], s1  }
0x498: {  	s0 =	simm.s32 @!p0 $0x11  }
0x499: {  	_ =	swait.ge @!p0 [sflag:s0], s1  }
0x49a: {  	s1 =	ssub.s32 @!p0 $0x0, s1;
	[sflag:s0] =	ssyncset.done @!p0 $0x0  }
0x49b: {  	[sflag:s0] =	ssyncadd.s32 @!p0 s1  }
0x49c: {  	[bflag:$0x3] =	sbarrier.arrive $0xFFFF  }
0x49d: {  	_ =	shalt  }

</sc_bundles>
